<compile_context>
chip_gen: v7x
topology: tpu7x:2x2x1
jax: 0.10.2.dev20260603
libtpu: 0.0.44.dev20260713+nightly
codegen_flags: <defaults>
</compile_context>

<pallas_src>
import functools

import jax
import jax.numpy as jnp
from jax import lax
from jax.experimental import pallas as pl
from jax.experimental.pallas import tpu as pltpu
from jax.experimental.pallas import tpu_sc as plsc

N_EDGES = 100000
KMAX = 8
N_SPH = 8
N_RAGGED = 400000
EMB = 32
EMB_INT = 16
UNITS_OUT = 32

NW = 32
WE = 250
WSLOTS = WE * KMAX
NWIN = N_EDGES // WE
WMAX = (NWIN + NW - 1) // NW
SEG = 1024
WT_PAD = 2000
NB_PAD = 416


def _sc_build_m2(idr_hbm, idk_hbm, m_hbm, wb_hbm, m2_hbm,
                 wt_v, idr_v, idk_v, mstage_v, m2buf_v, wb_v,
                 sem_i, sem_w):
    wid = lax.axis_index("s") * 2 + lax.axis_index("c")
    lanes = lax.iota(jnp.int32, 16)
    zeros16 = jnp.zeros((16,), jnp.int32)

    pltpu.sync_copy(wb_hbm, wb_v)

    def pickb(j):
        jv = jnp.full((16,), 0, jnp.int32) + j
        return jnp.max(plsc.load_gather(wb_v, [jv]))

    def window_body(w, carry):
        gw = w * NW + wid
        we0 = gw * WE
        we1 = we0 + WE
        live = gw < NWIN
        rs = pickb(jnp.minimum(gw, NWIN - 1))
        re = pickb(jnp.minimum(gw + 1, NWIN))
        rs8 = (rs // 8) * 8
        nseg = jnp.where(live,
                         jnp.maximum((re - rs8 + (SEG - 1)) // SEG, 1), 0)

        def seg_body(si, carry2):
            rb_u = rs8 + si * SEG
            rb = jnp.minimum(rb_u, N_RAGGED - SEG)
            cp_r = pltpu.async_copy(idr_hbm.at[pl.ds(rb, SEG)], idr_v, sem_i)
            cp_k = pltpu.async_copy(idk_hbm.at[pl.ds(rb, SEG)], idk_v, sem_i)
            cp_m = pltpu.async_copy(m_hbm.at[pl.ds(rb, SEG)], mstage_v, sem_i)

            def ztbody(i, c3):
                wt_v[pl.ds(i * 16, 16)] = zeros16
                return c3
            lax.fori_loop(0, WT_PAD // 16, ztbody, 0)
            cp_r.wait()
            cp_k.wait()
            cp_m.wait()

            def step(j, c3):
                ids = idr_v[pl.ds(j * 16, 16)]
                ks = idk_v[pl.ds(j * 16, 16)]
                rloc = j * 16 + lanes
                valid = ((ids >= we0) & (ids < we1)
                         & (rb + rloc >= rb_u))
                key = (ids - we0) * 8 + ks
                keyc = jnp.where(valid, key, WSLOTS)
                haslater = lanes < 0
                for sh in range(1, 16):
                    idx = (lanes + sh) % 16
                    rk = keyc.at[idx].get(mode="promise_in_bounds")
                    haslater = haslater | ((lanes < 16 - sh) & (rk == keyc))
                ok = valid & (~haslater)
                plsc.store_scatter(wt_v, [keyc], rloc + 1, mask=ok)
                return c3
            lax.fori_loop(0, SEG // 16, step, 0)

            @pl.when((w > 0) & (si == 0))
            def _wait_prev():
                pltpu.make_async_copy(
                    m2buf_v.at[pl.ds(0, WE)],
                    m2_hbm.at[pl.ds((gw - NW) * WE, WE)], sem_w).wait()

            first = si == 0

            def slotvec(sv, c3):
                slot = sv * 16 + lanes
                slot_ok = slot < WSLOTS
                w16 = wt_v[pl.ds(sv * 16, 16)]
                mw = w16 > 0
                rowloc = jnp.maximum(w16 - 1, 0)
                wmask = slot_ok & (mw | first)
                rowv = slot >> 3
                colbase = (slot & 7) * EMB
                for e in range(EMB):
                    col = jnp.full((16,), 0, jnp.int32) + e
                    vals = plsc.load_gather(mstage_v, [rowloc, col], mask=mw)
                    vals = jnp.where(mw, vals, 0.0)
                    plsc.store_scatter(m2buf_v, [rowv, colbase + e], vals,
                                       mask=wmask)
                return c3
            lax.fori_loop(0, WT_PAD // 16, slotvec, 0)
            return carry2
        lax.fori_loop(0, nseg, seg_body, 0)

        @pl.when(live)
        def _issue_write():
            pltpu.async_copy(m2buf_v.at[pl.ds(0, WE)],
                             m2_hbm.at[pl.ds(we0, WE)], sem_w)
        return carry
    lax.fori_loop(0, WMAX, window_body, 0)

    last_gw = wid + NW * ((NWIN - 1 - wid) // NW)
    pltpu.make_async_copy(m2buf_v.at[pl.ds(0, WE)],
                          m2_hbm.at[pl.ds(last_gw * WE, WE)], sem_w).wait()


def _build_m2(id_reduce, id_ragged_idx, m):
    wb = jnp.searchsorted(
        id_reduce, jnp.arange(NWIN + 1, dtype=jnp.int32) * WE,
        side="left").astype(jnp.int32)
    wb = jnp.concatenate(
        [wb, jnp.zeros((NB_PAD - NWIN - 1,), jnp.int32)])

    mesh = plsc.VectorSubcoreMesh(core_axis_name="c", subcore_axis_name="s")
    sc_call = functools.partial(
        pl.kernel, mesh=mesh,
        compiler_params=pltpu.CompilerParams(
            needs_layout_passes=False, use_tc_tiling_on_sc=False),
        out_type=jax.ShapeDtypeStruct((N_EDGES, KMAX * EMB), jnp.float32),
        scratch_types=[
            pltpu.VMEM((WT_PAD,), jnp.int32),
            pltpu.VMEM((SEG,), jnp.int32),
            pltpu.VMEM((SEG,), jnp.int32),
            pltpu.VMEM((SEG, EMB), jnp.float32),
            pltpu.VMEM((WE + 6, KMAX * EMB), jnp.float32),
            pltpu.VMEM((NB_PAD,), jnp.int32),
            pltpu.SemaphoreType.DMA,
            pltpu.SemaphoreType.DMA,
        ])(_sc_build_m2)
    return sc_call(id_reduce, id_ragged_idx, m, wb)


BE = 1000


def _tc_body(sph_ref, rbf_ref, m2_ref, w2t_ref, out_ref):
    sphT = sph_ref[...].T
    rbfT = rbf_ref[...].T
    m2T = m2_ref[...].T
    g = []
    for s in range(N_SPH):
        acc = sphT[s * 8:s * 8 + 1, :] * m2T[0:EMB, :]
        for k in range(1, KMAX):
            acc = acc + sphT[s * 8 + k:s * 8 + k + 1, :] * \
                m2T[k * EMB:(k + 1) * EMB, :]
        g.append(acc)
    d = []
    for i in range(EMB_INT):
        acc = rbfT[i * 8:i * 8 + 1, :] * g[0]
        for s in range(1, N_SPH):
            acc = acc + rbfT[i * 8 + s:i * 8 + s + 1, :] * g[s]
        d.append(acc)
    dT = jnp.concatenate(d, axis=0)
    outT = jnp.dot(w2t_ref[...], dT,
                   preferred_element_type=jnp.float32)
    out_ref[...] = outT.T


def kernel(rbf_W1, sph, m, id_reduce, id_ragged_idx, weight):
    m2r = _build_m2(id_reduce, id_ragged_idx, m)
    sph2 = sph.reshape(N_EDGES, N_SPH * KMAX)
    rbf2 = rbf_W1.reshape(N_EDGES, EMB_INT * N_SPH)
    w2t = jnp.transpose(weight, (1, 0, 2)).reshape(
        EMB_INT * EMB, UNITS_OUT).T

    grid = N_EDGES // BE
    out = pl.pallas_call(
        _tc_body,
        grid=(grid,),
        in_specs=[
            pl.BlockSpec((BE, N_SPH * KMAX), lambda i: (i, 0)),
            pl.BlockSpec((BE, EMB_INT * N_SPH), lambda i: (i, 0)),
            pl.BlockSpec((BE, KMAX * EMB), lambda i: (i, 0)),
            pl.BlockSpec((UNITS_OUT, EMB_INT * EMB), lambda i: (0, 0)),
        ],
        out_specs=pl.BlockSpec((BE, UNITS_OUT), lambda i: (i, 0)),
        out_shape=jax.ShapeDtypeStruct((N_EDGES, UNITS_OUT), jnp.float32),
    )(sph2, rbf2, m2r, w2t)
    return out

# --- scband reference (transcript-rebuilt; emitter-appended) ---
"""Pipeline reference for scband-efficient-interaction-bilinear-86234353369150 (READ-ONLY COPY).

The authoritative reference and input builder live on the scoring server;
editing this copy changes nothing except your own understanding.
"""

import jax, jax.numpy as jnp
import numpy as np

N_EDGES = 100000
KMAX = 8
N_SPH = 8
N_RAGGED = 400000
EMB = 32
EMB_INT = 16
UNITS_OUT = 32


def _he_orthogonal(shape, seed=0):
    # Faithful replication of he_orthogonal_init: orthogonal + standardize + (1/fan_in)**0.5
    rng = np.random.default_rng(seed)
    rows = shape[0]
    cols = int(np.prod(shape[1:]))
    flat = rng.standard_normal((rows, cols))
    if rows < cols:
        flat = flat.T
    q, r = np.linalg.qr(flat)
    q = q * np.sign(np.diagonal(r))
    if rows < cols:
        q = q.T
    w = q.reshape(shape)
    mean = w.mean(axis=(0, 1), keepdims=True)
    var = w.var(axis=(0, 1), ddof=1, keepdims=True)
    w = (w - mean) / np.sqrt(var + 1e-6)
    fan_in = shape[0] * shape[1]
    w = w * (1.0 / fan_in) ** 0.5
    return jnp.asarray(w, dtype=jnp.float32)


def setup_inputs(seed: int = 0) -> dict:
    key = jax.random.key(seed)
    k1, k2, k3, k4, k5 = jax.random.split(key, 5)
    rbf_W1 = jax.random.normal(k1, (N_EDGES, EMB_INT, N_SPH), dtype=jnp.float32)
    sph = jax.random.normal(k2, (N_EDGES, N_SPH, KMAX), dtype=jnp.float32)
    m = jax.random.normal(k3, (N_RAGGED, EMB), dtype=jnp.float32)
    id_reduce = jnp.sort(jax.random.randint(k4, (N_RAGGED,), 0, N_EDGES, dtype=jnp.int32))
    id_ragged_idx = jax.random.randint(k5, (N_RAGGED,), 0, KMAX, dtype=jnp.int32)
    weight = _he_orthogonal((EMB, EMB_INT, UNITS_OUT), seed=0)
    return {"rbf_W1": rbf_W1, "sph": sph, "m": m, "id_reduce": id_reduce, "id_ragged_idx": id_ragged_idx, "weight": weight}


def reference(rbf_W1, sph, m, id_reduce, id_ragged_idx, weight):
    nEdges = rbf_W1.shape[0]
    Kmax = sph.shape[-1]
    # ragged scatter-overwrite: m2[id_reduce, id_ragged_idx] = m
    m2 = jnp.zeros((nEdges, Kmax, m.shape[1]), dtype=m.dtype)
    m2 = m2.at[id_reduce, id_ragged_idx].set(m)
    sum_k = jnp.matmul(sph, m2)                  # (nEdges, S, emb)
    rbf_W1_sum_k = jnp.matmul(rbf_W1, sum_k)     # (nEdges, emb_int, emb)
    m_ca = jnp.matmul(jnp.transpose(rbf_W1_sum_k, (2, 0, 1)), weight)  # (emb, nEdges, units_out)
    m_ca = jnp.sum(m_ca, axis=0)                 # (nEdges, units_out)
    return m_ca

if __name__ == "__main__":
    import jax
    _d = setup_inputs()
    print(jax.jit(kernel)(*tuple(_d.values())))

</pallas_src>

<mosaic_0001>
#map = affine_map<(d0, d1) -> (0)>
#map1 = affine_map<(d0, d1) -> (0, 0)>
module attributes {stable_mosaic.version = 14 : i64} {
  func.func @_sc_build_m2(%arg0: i32, %arg1: i32, %arg2: memref<400000xi32, #tpu.memory_space<hbm>>, %arg3: memref<400000xi32, #tpu.memory_space<hbm>>, %arg4: memref<400000x32xf32, #tpu.memory_space<hbm>>, %arg5: memref<416xi32, #tpu.memory_space<hbm>>, %arg6: memref<100000x256xf32, #tpu.memory_space<hbm>>, %arg7: memref<2000xi32, #tpu.memory_space<vmem>>, %arg8: memref<1024xi32, #tpu.memory_space<vmem>>, %arg9: memref<1024xi32, #tpu.memory_space<vmem>>, %arg10: memref<1024x32xf32, #tpu.memory_space<vmem>>, %arg11: memref<256x256xf32, #tpu.memory_space<vmem>>, %arg12: memref<416xi32, #tpu.memory_space<vmem>>, %arg13: memref<!tpu.dma_semaphore, #tpu.memory_space<semaphore_mem>>, %arg14: memref<!tpu.dma_semaphore, #tpu.memory_space<semaphore_mem>>) attributes {dimension_semantics = [#tpu.dimension_semantics<core_parallel>, #tpu.dimension_semantics<subcore_parallel>], iteration_bounds = array<i64: 2, 16>, scalar_prefetch = 0 : i64, scratch_operands = 8 : i64, tpu.core_type = #tpu.core_type<sc_vector_subcore>, window_params = [{transform_indices = #map}, {transform_indices = #map}, {transform_indices = #map1}, {transform_indices = #map}, {transform_indices = #map1}]} {
    %mul3A = arith.constant 2 : i32
    %mul3A_0 = arith.muli %arg1, %mul3A : i32
    %add3A = arith.addi %mul3A_0, %arg0 : i32
    %iota3A = tpu.iota {dimensions = array<i32: 0>} : vector<16xi32>
    %broadcast_in_dim3A = arith.constant 0 : i32
    %broadcast_in_dim3A_1 = vector.broadcast %broadcast_in_dim3A : i32 to vector<16xi32>
    "tpu.region"() ({
      %run_scoped3A = tpu.sem_alloc : memref<!tpu.dma_semaphore, #tpu.memory_space<semaphore_mem>>
      tpu.enqueue_dma source(%arg5 : memref<416xi32, #tpu.memory_space<hbm>>) target(%arg12 : memref<416xi32, #tpu.memory_space<vmem>>) target_semaphore(%run_scoped3A : memref<!tpu.dma_semaphore, #tpu.memory_space<semaphore_mem>>)
      tpu.wait_dma2 semaphore(%run_scoped3A : memref<!tpu.dma_semaphore, #tpu.memory_space<semaphore_mem>>) src(%arg5 : memref<416xi32, #tpu.memory_space<hbm>>) dst(%arg12 : memref<416xi32, #tpu.memory_space<vmem>>)
      tpu.yield
    }) : () -> ()
    %scan3A = arith.constant 0 : i32
    %scan3A_2 = arith.constant 0 : i32
    %scan3A_3 = arith.constant 13 : i32
    %scan3A_4 = arith.addi %scan3A_2, %scan3A_3 : i32
    %scan3A_5 = arith.constant 1 : i32
    scf.for %scan3A_39 = %scan3A_2 to %scan3A_4 step %scan3A_5  : i32 {
      %mul3A_40 = arith.constant 32 : i32
      %mul3A_41 = arith.muli %scan3A_39, %mul3A_40 : i32
      %add3A_42 = arith.addi %mul3A_41, %add3A : i32
      %mul3A_43 = arith.constant 250 : i32
      %mul3A_44 = arith.muli %add3A_42, %mul3A_43 : i32
      %add3A_45 = arith.constant 250 : i32
      %add3A_46 = arith.addi %mul3A_44, %add3A_45 : i32
      %lt3A = arith.constant 400 : i32
      %lt3A_47 = arith.cmpi slt, %add3A_42, %lt3A : i32
      %min3A = arith.constant 399 : i32
      %min3A_48 = arith.minsi %add3A_42, %min3A : i32
      %broadcast_in_dim3A_49 = arith.constant 0 : i32
      %broadcast_in_dim3A_50 = vector.broadcast %broadcast_in_dim3A_49 : i32 to vector<16xi32>
      %add3A_51 = vector.broadcast %min3A_48 : i32 to vector<16xi32>
      %add3A_52 = arith.addi %broadcast_in_dim3A_50, %add3A_51 : vector<16xi32>
      %gather3A = tpu.vector_load_idx %arg12[%add3A_52] : memref<416xi32, #tpu.memory_space<vmem>>[vector<16xi32>], vector<16xi32>,
      %reduce_max3A = arith.constant true
      %reduce_max3A_53 = vector.broadcast %reduce_max3A : i1 to vector<16xi1>
      %reduce_max3A_54 = arith.constant -2147483648 : i32
      %reduce_max3A_55 = vector.broadcast %reduce_max3A_54 : i32 to vector<16xi32>
      %reduce_max3A_56 = arith.xori %gather3A, %reduce_max3A_55 : vector<16xi32>
      %reduce_max3A_57 = tpu.scan <max>, %reduce_max3A_56 masked %reduce_max3A_53 : vector<16xi32>, vector<16xi1> -> vector<16xi32>
      %reduce_max3A_58 = arith.xori %reduce_max3A_57, %reduce_max3A_55 : vector<16xi32>
      %reduce_max3A_59 = vector.extract %reduce_max3A_58[15] : i32 from vector<16xi32>
      %add3A_60 = arith.constant 1 : i32
      %add3A_61 = arith.addi %add3A_42, %add3A_60 : i32
      %min3A_62 = arith.constant 400 : i32
      %min3A_63 = arith.minsi %add3A_61, %min3A_62 : i32
      %broadcast_in_dim3A_64 = arith.constant 0 : i32
      %broadcast_in_dim3A_65 = vector.broadcast %broadcast_in_dim3A_64 : i32 to vector<16xi32>
      %add3A_66 = vector.broadcast %min3A_63 : i32 to vector<16xi32>
      %add3A_67 = arith.addi %broadcast_in_dim3A_65, %add3A_66 : vector<16xi32>
      %gather3A_68 = tpu.vector_load_idx %arg12[%add3A_67] : memref<416xi32, #tpu.memory_space<vmem>>[vector<16xi32>], vector<16xi32>,
      %reduce_max3A_69 = arith.constant true
      %reduce_max3A_70 = vector.broadcast %reduce_max3A_69 : i1 to vector<16xi1>
      %reduce_max3A_71 = arith.constant -2147483648 : i32
      %reduce_max3A_72 = vector.broadcast %reduce_max3A_71 : i32 to vector<16xi32>
      %reduce_max3A_73 = arith.xori %gather3A_68, %reduce_max3A_72 : vector<16xi32>
      %reduce_max3A_74 = tpu.scan <max>, %reduce_max3A_73 masked %reduce_max3A_70 : vector<16xi32>, vector<16xi1> -> vector<16xi32>
      %reduce_max3A_75 = arith.xori %reduce_max3A_74, %reduce_max3A_72 : vector<16xi32>
      %reduce_max3A_76 = vector.extract %reduce_max3A_75[15] : i32 from vector<16xi32>
      %jit3A_77 = arith.constant 8 : i32
      %div3A_78 = arith.divsi %reduce_max3A_59, %jit3A_77 : i32
      %sign3A_79 = arith.constant 0 : i32
      %sign3A_80 = arith.cmpi sgt, %reduce_max3A_59, %sign3A_79 : i32
      %sign3A_81 = arith.extui %sign3A_80 : i1 to i32
      %sign3A_82 = arith.constant 0 : i32
      %sign3A_83 = arith.cmpi slt, %reduce_max3A_59, %sign3A_82 : i32
      %sign3A_84 = arith.extui %sign3A_83 : i1 to i32
      %sign3A_85 = arith.subi %sign3A_81, %sign3A_84 : i32
      %sign3A_86 = arith.constant 0 : i32
      %sign3A_87 = arith.cmpi sgt, %jit3A_77, %sign3A_86 : i32
      %sign3A_88 = arith.extui %sign3A_87 : i1 to i32
      %sign3A_89 = arith.constant 0 : i32
      %sign3A_90 = arith.cmpi slt, %jit3A_77, %sign3A_89 : i32
      %sign3A_91 = arith.extui %sign3A_90 : i1 to i32
      %sign3A_92 = arith.subi %sign3A_88, %sign3A_91 : i32
      %ne3A_93 = arith.cmpi ne, %sign3A_85, %sign3A_92 : i32
      %rem3A_94 = arith.remsi %reduce_max3A_59, %jit3A_77 : i32
      %ne3A_95 = arith.constant 0 : i32
      %ne3A_96 = arith.cmpi ne, %rem3A_94, %ne3A_95 : i32
      %and3A_97 = arith.andi %ne3A_93, %ne3A_96 : i1
      %sub3A_98 = arith.constant 1 : i32
      %sub3A_99 = arith.subi %div3A_78, %sub3A_98 : i32
      %select_n3A_100 = arith.select %and3A_97, %sub3A_99, %div3A_78 : i32
      %mul3A_101 = arith.constant 8 : i32
      %mul3A_102 = arith.muli %select_n3A_100, %mul3A_101 : i32
      %sub3A_103 = arith.subi %reduce_max3A_76, %mul3A_102 : i32
      %add3A_104 = arith.constant 1023 : i32
      %add3A_105 = arith.addi %sub3A_103, %add3A_104 : i32
      %jit3A_106 = arith.constant 1024 : i32
      %div3A_107 = arith.divsi %add3A_105, %jit3A_106 : i32
      %sign3A_108 = arith.constant 0 : i32
      %sign3A_109 = arith.cmpi sgt, %add3A_105, %sign3A_108 : i32
      %sign3A_110 = arith.extui %sign3A_109 : i1 to i32
      %sign3A_111 = arith.constant 0 : i32
      %sign3A_112 = arith.cmpi slt, %add3A_105, %sign3A_111 : i32
      %sign3A_113 = arith.extui %sign3A_112 : i1 to i32
      %sign3A_114 = arith.subi %sign3A_110, %sign3A_113 : i32
      %sign3A_115 = arith.constant 0 : i32
      %sign3A_116 = arith.cmpi sgt, %jit3A_106, %sign3A_115 : i32
      %sign3A_117 = arith.extui %sign3A_116 : i1 to i32
      %sign3A_118 = arith.constant 0 : i32
      %sign3A_119 = arith.cmpi slt, %jit3A_106, %sign3A_118 : i32
      %sign3A_120 = arith.extui %sign3A_119 : i1 to i32
      %sign3A_121 = arith.subi %sign3A_117, %sign3A_120 : i32
      %ne3A_122 = arith.cmpi ne, %sign3A_114, %sign3A_121 : i32
      %rem3A_123 = arith.remsi %add3A_105, %jit3A_106 : i32
      %ne3A_124 = arith.constant 0 : i32
      %ne3A_125 = arith.cmpi ne, %rem3A_123, %ne3A_124 : i32
      %and3A_126 = arith.andi %ne3A_122, %ne3A_125 : i1
      %sub3A_127 = arith.constant 1 : i32
      %sub3A_128 = arith.subi %div3A_107, %sub3A_127 : i32
      %select_n3A_129 = arith.select %and3A_126, %sub3A_128, %div3A_107 : i32
      %max3A = arith.constant 1 : i32
      %max3A_130 = arith.maxsi %select_n3A_129, %max3A : i32
      %jit3A_131 = arith.constant 0 : i32
      %select_n3A_132 = arith.select %lt3A_47, %max3A_130, %jit3A_131 : i32
      %while3A = arith.constant 0 : i32
      %while3A_133 = arith.constant 0 : i32
      %while3A_134 = arith.subi %select_n3A_132, %while3A_133 : i32
      %while3A_135 = arith.addi %while3A_133, %while3A_134 : i32
      %while3A_136 = arith.constant 1 : i32
      %while3A_137 = arith.divsi %while3A_134, %while3A_136 : i32
      %while3A_138 = arith.muli %while3A_137, %while3A_136 : i32
      %while3A_139 = arith.addi %while3A_133, %while3A_138 : i32
      %while3A_140 = arith.constant 1 : i32
      scf.for %while3A_143 = %while3A_133 to %while3A_139 step %while3A_140  : i32 {
        %mul3A_144 = arith.constant 1024 : i32
        %mul3A_145 = arith.muli %while3A_143, %mul3A_144 : i32
        %add3A_146 = arith.addi %mul3A_102, %mul3A_145 : i32
        %min3A_147 = arith.constant 398976 : i32
        %min3A_148 = arith.minsi %add3A_146, %min3A_147 : i32
        %dma_start3A = tpu.memref_slice %arg2[%min3A_148] : memref<400000xi32, #tpu.memory_space<hbm>> -> memref<1024xi32, #tpu.memory_space<hbm>>
        %dma_start3A_149 = tpu.memref_slice %arg2[%min3A_148] : memref<400000xi32, #tpu.memory_space<hbm>> -> memref<1024xi32, #tpu.memory_space<hbm>>
        tpu.enqueue_dma source(%dma_start3A_149 : memref<1024xi32, #tpu.memory_space<hbm>>) target(%arg8 : memref<1024xi32, #tpu.memory_space<vmem>>) target_semaphore(%arg13 : memref<!tpu.dma_semaphore, #tpu.memory_space<semaphore_mem>>)
        %dma_start3A_150 = tpu.memref_slice %arg3[%min3A_148] : memref<400000xi32, #tpu.memory_space<hbm>> -> memref<1024xi32, #tpu.memory_space<hbm>>
        %dma_start3A_151 = tpu.memref_slice %arg3[%min3A_148] : memref<400000xi32, #tpu.memory_space<hbm>> -> memref<1024xi32, #tpu.memory_space<hbm>>
        tpu.enqueue_dma source(%dma_start3A_151 : memref<1024xi32, #tpu.memory_space<hbm>>) target(%arg9 : memref<1024xi32, #tpu.memory_space<vmem>>) target_semaphore(%arg13 : memref<!tpu.dma_semaphore, #tpu.memory_space<semaphore_mem>>)
        %dma_start3A_152 = arith.constant 0 : i32
        %dma_start3A_153 = tpu.memref_slice %arg4[%min3A_148, %dma_start3A_152] : memref<400000x32xf32, #tpu.memory_space<hbm>> -> memref<1024x32xf32, #tpu.memory_space<hbm>>
        %dma_start3A_154 = arith.constant 0 : i32
        %dma_start3A_155 = tpu.memref_slice %arg4[%min3A_148, %dma_start3A_154] : memref<400000x32xf32, #tpu.memory_space<hbm>> -> memref<1024x32xf32, #tpu.memory_space<hbm>>
        tpu.enqueue_dma source(%dma_start3A_155 : memref<1024x32xf32, #tpu.memory_space<hbm>>) target(%arg10 : memref<1024x32xf32, #tpu.memory_space<vmem>>) target_semaphore(%arg13 : memref<!tpu.dma_semaphore, #tpu.memory_space<semaphore_mem>>)
        %scan3A_156 = arith.constant 0 : i32
        %scan3A_157 = arith.constant 0 : i32
        %scan3A_158 = arith.constant 125 : i32
        %scan3A_159 = arith.addi %scan3A_157, %scan3A_158 : i32
        %scan3A_160 = arith.constant 1 : i32
        scf.for %scan3A_190 = %scan3A_157 to %scan3A_159 step %scan3A_160  : i32 {
          %mul3A_191 = arith.constant 16 : i32
          %mul3A_192 = arith.muli %scan3A_190, %mul3A_191 : i32
          %swap3A = arith.index_cast %mul3A_192 : i32 to index
          %swap3A_193 = tpu.vector_load %arg7[%swap3A] {strides = array<i32>} : memref<2000xi32, #tpu.memory_space<vmem>>, vector<16xi32>,
          tpu.vector_store %arg7[%swap3A], %broadcast_in_dim3A_1 {strides = array<i32>} : memref<2000xi32, #tpu.memory_space<vmem>>, vector<16xi32>,
        }
        %scan3A_161 = arith.constant 125 : i32
        %dma_wait3A_162 = tpu.memref_slice %arg2[%min3A_148] : memref<400000xi32, #tpu.memory_space<hbm>> -> memref<1024xi32, #tpu.memory_space<hbm>>
        %dma_wait3A_163 = tpu.memref_slice %arg2[%min3A_148] : memref<400000xi32, #tpu.memory_space<hbm>> -> memref<1024xi32, #tpu.memory_space<hbm>>
        tpu.wait_dma2 semaphore(%arg13 : memref<!tpu.dma_semaphore, #tpu.memory_space<semaphore_mem>>) src(%dma_wait3A_163 : memref<1024xi32, #tpu.memory_space<hbm>>) dst(%arg8 : memref<1024xi32, #tpu.memory_space<vmem>>)
        %dma_wait3A_164 = tpu.memref_slice %arg3[%min3A_148] : memref<400000xi32, #tpu.memory_space<hbm>> -> memref<1024xi32, #tpu.memory_space<hbm>>
        %dma_wait3A_165 = tpu.memref_slice %arg3[%min3A_148] : memref<400000xi32, #tpu.memory_space<hbm>> -> memref<1024xi32, #tpu.memory_space<hbm>>
        tpu.wait_dma2 semaphore(%arg13 : memref<!tpu.dma_semaphore, #tpu.memory_space<semaphore_mem>>) src(%dma_wait3A_165 : memref<1024xi32, #tpu.memory_space<hbm>>) dst(%arg9 : memref<1024xi32, #tpu.memory_space<vmem>>)
        %dma_wait3A_166 = arith.constant 0 : i32
        %dma_wait3A_167 = tpu.memref_slice %arg4[%min3A_148, %dma_wait3A_166] : memref<400000x32xf32, #tpu.memory_space<hbm>> -> memref<1024x32xf32, #tpu.memory_space<hbm>>
        %dma_wait3A_168 = arith.constant 0 : i32
        %dma_wait3A_169 = tpu.memref_slice %arg4[%min3A_148, %dma_wait3A_168] : memref<400000x32xf32, #tpu.memory_space<hbm>> -> memref<1024x32xf32, #tpu.memory_space<hbm>>
        tpu.wait_dma2 semaphore(%arg13 : memref<!tpu.dma_semaphore, #tpu.memory_space<semaphore_mem>>) src(%dma_wait3A_169 : memref<1024x32xf32, #tpu.memory_space<hbm>>) dst(%arg10 : memref<1024x32xf32, #tpu.memory_space<vmem>>)
        %scan3A_170 = arith.constant 0 : i32
        %scan3A_171 = arith.constant 0 : i32
        %scan3A_172 = arith.constant 64 : i32
        %scan3A_173 = arith.addi %scan3A_171, %scan3A_172 : i32
        %scan3A_174 = arith.constant 1 : i32
        scf.for %scan3A_190 = %scan3A_171 to %scan3A_173 step %scan3A_174  : i32 {
          %mul3A_191 = arith.constant 16 : i32
          %mul3A_192 = arith.muli %scan3A_190, %mul3A_191 : i32
          %get3A = arith.index_cast %mul3A_192 : i32 to index
          %get3A_193 = tpu.vector_load %arg8[%get3A] {strides = array<i32>} : memref<1024xi32, #tpu.memory_space<vmem>>, vector<16xi32>,
          %mul3A_194 = arith.constant 16 : i32
          %mul3A_195 = arith.muli %scan3A_190, %mul3A_194 : i32
          %get3A_196 = arith.index_cast %mul3A_195 : i32 to index
          %get3A_197 = tpu.vector_load %arg9[%get3A_196] {strides = array<i32>} : memref<1024xi32, #tpu.memory_space<vmem>>, vector<16xi32>,
          %mul3A_198 = arith.constant 16 : i32
          %mul3A_199 = arith.muli %scan3A_190, %mul3A_198 : i32
          %add3A_200 = vector.broadcast %mul3A_199 : i32 to vector<16xi32>
          %add3A_201 = arith.addi %add3A_200, %iota3A : vector<16xi32>
          %ge3A = vector.broadcast %mul3A_44 : i32 to vector<16xi32>
          %ge3A_202 = arith.cmpi sge, %get3A_193, %ge3A : vector<16xi32>
          %lt3A_203 = vector.broadcast %add3A_46 : i32 to vector<16xi32>
          %lt3A_204 = arith.cmpi slt, %get3A_193, %lt3A_203 : vector<16xi32>
          %and3A_205 = arith.andi %ge3A_202, %lt3A_204 : vector<16xi1>
          %add3A_206 = vector.broadcast %min3A_148 : i32 to vector<16xi32>
          %add3A_207 = arith.addi %add3A_206, %add3A_201 : vector<16xi32>
          %ge3A_208 = vector.broadcast %add3A_146 : i32 to vector<16xi32>
          %ge3A_209 = arith.cmpi sge, %add3A_207, %ge3A_208 : vector<16xi32>
          %and3A_210 = arith.andi %and3A_205, %ge3A_209 : vector<16xi1>
          %sub3A_211 = vector.broadcast %mul3A_44 : i32 to vector<16xi32>
          %sub3A_212 = arith.subi %get3A_193, %sub3A_211 : vector<16xi32>
          %mul3A_213 = arith.constant 8 : i32
          %mul3A_214 = vector.broadcast %mul3A_213 : i32 to vector<16xi32>
          %mul3A_215 = arith.muli %sub3A_212, %mul3A_214 : vector<16xi32>
          %add3A_216 = arith.addi %mul3A_215, %get3A_197 : vector<16xi32>
          %jit3A_217 = arith.constant 2000 : i32
          %broadcast_in_dim3A_218 = vector.broadcast %jit3A_217 : i32 to vector<16xi32>
          %select_n3A_219 = arith.select %and3A_210, %add3A_216, %broadcast_in_dim3A_218 : vector<16xi1>, vector<16xi32>
          %lt3A_220 = arith.constant 0 : i32
          %lt3A_221 = vector.broadcast %lt3A_220 : i32 to vector<16xi32>
          %lt3A_222 = arith.cmpi slt, %iota3A, %lt3A_221 : vector<16xi32>
          %add3A_223 = arith.constant 1 : i32
          %add3A_224 = vector.broadcast %add3A_223 : i32 to vector<16xi32>
          %add3A_225 = arith.addi %iota3A, %add3A_224 : vector<16xi32>
          %jit3A_226 = arith.constant 16 : i32
          %eq3A_227 = arith.constant 0 : i32
          %eq3A_228 = arith.cmpi eq, %jit3A_226, %eq3A_227 : i32
          %jit3A_229 = arith.constant 1 : i32
          %select_n3A_230 = arith.select %eq3A_228, %jit3A_229, %jit3A_226 : i32
          %rem3A_231 = vector.broadcast %select_n3A_230 : i32 to vector<16xi32>
          %rem3A_232 = arith.remsi %add3A_225, %rem3A_231 : vector<16xi32>
          %ne3A_233 = arith.constant 0 : i32
          %ne3A_234 = vector.broadcast %ne3A_233 : i32 to vector<16xi32>
          %ne3A_235 = arith.cmpi ne, %rem3A_232, %ne3A_234 : vector<16xi32>
          %lt3A_236 = arith.constant 0 : i32
          %lt3A_237 = vector.broadcast %lt3A_236 : i32 to vector<16xi32>
          %lt3A_238 = arith.cmpi slt, %rem3A_232, %lt3A_237 : vector<16xi32>
          %lt3A_239 = arith.constant 0 : i32
          %lt3A_240 = arith.cmpi slt, %select_n3A_230, %lt3A_239 : i32
          %ne3A_241 = vector.broadcast %lt3A_240 : i1 to vector<16xi1>
          %ne3A_242 = vector.broadcast %ne3A_241 : vector<16xi1> to vector<16xi1>
          %ne3A_243 = arith.xori %lt3A_238, %ne3A_242 : vector<16xi1>
          %and3A_244 = arith.andi %ne3A_243, %ne3A_235 : vector<16xi1>
          %add3A_245 = vector.broadcast %select_n3A_230 : i32 to vector<16xi32>
          %add3A_246 = arith.addi %rem3A_232, %add3A_245 : vector<16xi32>
          %select_n3A_247 = arith.select %and3A_244, %add3A_246, %rem3A_232 : vector<16xi1>, vector<16xi32>
          %lt3A_248 = arith.constant 0 : i32
          %lt3A_249 = vector.broadcast %lt3A_248 : i32 to vector<16xi32>
          %lt3A_250 = arith.cmpi slt, %select_n3A_247, %lt3A_249 : vector<16xi32>
          %add3A_251 = arith.constant 16 : i32
          %add3A_252 = vector.broadcast %add3A_251 : i32 to vector<16xi32>
          %add3A_253 = arith.addi %select_n3A_247, %add3A_252 : vector<16xi32>
          %select_n3A_254 = arith.select %lt3A_250, %add3A_253, %select_n3A_247 : vector<16xi1>, vector<16xi32>
          %broadcast_in_dim3A_255 = vector.shape_cast %select_n3A_254 : vector<16xi32> to vector<16x1xi32>
          %gather3A_256 = vector.shape_cast %broadcast_in_dim3A_255 : vector<16x1xi32> to vector<16xi32>
          %gather3A_257 = tpu.dynamic_gather %select_n3A_219[%gather3A_256] in [0] : vector<16xi32>, vector<16xi32> -> vector<16xi32>
          %lt3A_258 = arith.constant 15 : i32
          %lt3A_259 = vector.broadcast %lt3A_258 : i32 to vector<16xi32>
          %lt3A_260 = arith.cmpi slt, %iota3A, %lt3A_259 : vector<16xi32>
          %eq3A_261 = arith.cmpi eq, %gather3A_257, %select_n3A_219 : vector<16xi32>
          %and3A_262 = arith.andi %lt3A_260, %eq3A_261 : vector<16xi1>
          %or3A = arith.ori %lt3A_222, %and3A_262 : vector<16xi1>
          %add3A_263 = arith.constant 2 : i32
          %add3A_264 = vector.broadcast %add3A_263 : i32 to vector<16xi32>
          %add3A_265 = arith.addi %iota3A, %add3A_264 : vector<16xi32>
          %jit3A_266 = arith.constant 16 : i32
          %eq3A_267 = arith.constant 0 : i32
          %eq3A_268 = arith.cmpi eq, %jit3A_266, %eq3A_267 : i32
          %jit3A_269 = arith.constant 1 : i32
          %select_n3A_270 = arith.select %eq3A_268, %jit3A_269, %jit3A_266 : i32
          %rem3A_271 = vector.broadcast %select_n3A_270 : i32 to vector<16xi32>
          %rem3A_272 = arith.remsi %add3A_265, %rem3A_271 : vector<16xi32>
          %ne3A_273 = arith.constant 0 : i32
          %ne3A_274 = vector.broadcast %ne3A_273 : i32 to vector<16xi32>
          %ne3A_275 = arith.cmpi ne, %rem3A_272, %ne3A_274 : vector<16xi32>
          %lt3A_276 = arith.constant 0 : i32
          %lt3A_277 = vector.broadcast %lt3A_276 : i32 to vector<16xi32>
          %lt3A_278 = arith.cmpi slt, %rem3A_272, %lt3A_277 : vector<16xi32>
          %lt3A_279 = arith.constant 0 : i32
          %lt3A_280 = arith.cmpi slt, %select_n3A_270, %lt3A_279 : i32
          %ne3A_281 = vector.broadcast %lt3A_280 : i1 to vector<16xi1>
          %ne3A_282 = vector.broadcast %ne3A_281 : vector<16xi1> to vector<16xi1>
          %ne3A_283 = arith.xori %lt3A_278, %ne3A_282 : vector<16xi1>
          %and3A_284 = arith.andi %ne3A_283, %ne3A_275 : vector<16xi1>
          %add3A_285 = vector.broadcast %select_n3A_270 : i32 to vector<16xi32>
          %add3A_286 = arith.addi %rem3A_272, %add3A_285 : vector<16xi32>
          %select_n3A_287 = arith.select %and3A_284, %add3A_286, %rem3A_272 : vector<16xi1>, vector<16xi32>
          %lt3A_288 = arith.constant 0 : i32
          %lt3A_289 = vector.broadcast %lt3A_288 : i32 to vector<16xi32>
          %lt3A_290 = arith.cmpi slt, %select_n3A_287, %lt3A_289 : vector<16xi32>
          %add3A_291 = arith.constant 16 : i32
          %add3A_292 = vector.broadcast %add3A_291 : i32 to vector<16xi32>
          %add3A_293 = arith.addi %select_n3A_287, %add3A_292 : vector<16xi32>
          %select_n3A_294 = arith.select %lt3A_290, %add3A_293, %select_n3A_287 : vector<16xi1>, vector<16xi32>
          %broadcast_in_dim3A_295 = vector.shape_cast %select_n3A_294 : vector<16xi32> to vector<16x1xi32>
          %gather3A_296 = vector.shape_cast %broadcast_in_dim3A_295 : vector<16x1xi32> to vector<16xi32>
          %gather3A_297 = tpu.dynamic_gather %select_n3A_219[%gather3A_296] in [0] : vector<16xi32>, vector<16xi32> -> vector<16xi32>
          %lt3A_298 = arith.constant 14 : i32
          %lt3A_299 = vector.broadcast %lt3A_298 : i32 to vector<16xi32>
          %lt3A_300 = arith.cmpi slt, %iota3A, %lt3A_299 : vector<16xi32>
          %eq3A_301 = arith.cmpi eq, %gather3A_297, %select_n3A_219 : vector<16xi32>
          %and3A_302 = arith.andi %lt3A_300, %eq3A_301 : vector<16xi1>
          %or3A_303 = arith.ori %or3A, %and3A_302 : vector<16xi1>
          %add3A_304 = arith.constant 3 : i32
          %add3A_305 = vector.broadcast %add3A_304 : i32 to vector<16xi32>
          %add3A_306 = arith.addi %iota3A, %add3A_305 : vector<16xi32>
          %jit3A_307 = arith.constant 16 : i32
          %eq3A_308 = arith.constant 0 : i32
          %eq3A_309 = arith.cmpi eq, %jit3A_307, %eq3A_308 : i32
          %jit3A_310 = arith.constant 1 : i32
          %select_n3A_311 = arith.select %eq3A_309, %jit3A_310, %jit3A_307 : i32
          %rem3A_312 = vector.broadcast %select_n3A_311 : i32 to vector<16xi32>
          %rem3A_313 = arith.remsi %add3A_306, %rem3A_312 : vector<16xi32>
          %ne3A_314 = arith.constant 0 : i32
          %ne3A_315 = vector.broadcast %ne3A_314 : i32 to vector<16xi32>
          %ne3A_316 = arith.cmpi ne, %rem3A_313, %ne3A_315 : vector<16xi32>
          %lt3A_317 = arith.constant 0 : i32
          %lt3A_318 = vector.broadcast %lt3A_317 : i32 to vector<16xi32>
          %lt3A_319 = arith.cmpi slt, %rem3A_313, %lt3A_318 : vector<16xi32>
          %lt3A_320 = arith.constant 0 : i32
          %lt3A_321 = arith.cmpi slt, %select_n3A_311, %lt3A_320 : i32
          %ne3A_322 = vector.broadcast %lt3A_321 : i1 to vector<16xi1>
          %ne3A_323 = vector.broadcast %ne3A_322 : vector<16xi1> to vector<16xi1>
          %ne3A_324 = arith.xori %lt3A_319, %ne3A_323 : vector<16xi1>
          %and3A_325 = arith.andi %ne3A_324, %ne3A_316 : vector<16xi1>
          %add3A_326 = vector.broadcast %select_n3A_311 : i32 to vector<16xi32>
          %add3A_327 = arith.addi %rem3A_313, %add3A_326 : vector<16xi32>
          %select_n3A_328 = arith.select %and3A_325, %add3A_327, %rem3A_313 : vector<16xi1>, vector<16xi32>
          %lt3A_329 = arith.constant 0 : i32
          %lt3A_330 = vector.broadcast %lt3A_329 : i32 to vector<16xi32>
          %lt3A_331 = arith.cmpi slt, %select_n3A_328, %lt3A_330 : vector<16xi32>
          %add3A_332 = arith.constant 16 : i32
          %add3A_333 = vector.broadcast %add3A_332 : i32 to vector<16xi32>
          %add3A_334 = arith.addi %select_n3A_328, %add3A_333 : vector<16xi32>
          %select_n3A_335 = arith.select %lt3A_331, %add3A_334, %select_n3A_328 : vector<16xi1>, vector<16xi32>
          %broadcast_in_dim3A_336 = vector.shape_cast %select_n3A_335 : vector<16xi32> to vector<16x1xi32>
          %gather3A_337 = vector.shape_cast %broadcast_in_dim3A_336 : vector<16x1xi32> to vector<16xi32>
          %gather3A_338 = tpu.dynamic_gather %select_n3A_219[%gather3A_337] in [0] : vector<16xi32>, vector<16xi32> -> vector<16xi32>
          %lt3A_339 = arith.constant 13 : i32
          %lt3A_340 = vector.broadcast %lt3A_339 : i32 to vector<16xi32>
          %lt3A_341 = arith.cmpi slt, %iota3A, %lt3A_340 : vector<16xi32>
          %eq3A_342 = arith.cmpi eq, %gather3A_338, %select_n3A_219 : vector<16xi32>
          %and3A_343 = arith.andi %lt3A_341, %eq3A_342 : vector<16xi1>
          %or3A_344 = arith.ori %or3A_303, %and3A_343 : vector<16xi1>
          %add3A_345 = arith.constant 4 : i32
          %add3A_346 = vector.broadcast %add3A_345 : i32 to vector<16xi32>
          %add3A_347 = arith.addi %iota3A, %add3A_346 : vector<16xi32>
          %jit3A_348 = arith.constant 16 : i32
          %eq3A_349 = arith.constant 0 : i32
          %eq3A_350 = arith.cmpi eq, %jit3A_348, %eq3A_349 : i32
          %jit3A_351 = arith.constant 1 : i32
          %select_n3A_352 = arith.select %eq3A_350, %jit3A_351, %jit3A_348 : i32
          %rem3A_353 = vector.broadcast %select_n3A_352 : i32 to vector<16xi32>
          %rem3A_354 = arith.remsi %add3A_347, %rem3A_353 : vector<16xi32>
          %ne3A_355 = arith.constant 0 : i32
          %ne3A_356 = vector.broadcast %ne3A_355 : i32 to vector<16xi32>
          %ne3A_357 = arith.cmpi ne, %rem3A_354, %ne3A_356 : vector<16xi32>
          %lt3A_358 = arith.constant 0 : i32
          %lt3A_359 = vector.broadcast %lt3A_358 : i32 to vector<16xi32>
          %lt3A_360 = arith.cmpi slt, %rem3A_354, %lt3A_359 : vector<16xi32>
          %lt3A_361 = arith.constant 0 : i32
          %lt3A_362 = arith.cmpi slt, %select_n3A_352, %lt3A_361 : i32
          %ne3A_363 = vector.broadcast %lt3A_362 : i1 to vector<16xi1>
          %ne3A_364 = vector.broadcast %ne3A_363 : vector<16xi1> to vector<16xi1>
          %ne3A_365 = arith.xori %lt3A_360, %ne3A_364 : vector<16xi1>
          %and3A_366 = arith.andi %ne3A_365, %ne3A_357 : vector<16xi1>
          %add3A_367 = vector.broadcast %select_n3A_352 : i32 to vector<16xi32>
          %add3A_368 = arith.addi %rem3A_354, %add3A_367 : vector<16xi32>
          %select_n3A_369 = arith.select %and3A_366, %add3A_368, %rem3A_354 : vector<16xi1>, vector<16xi32>
          %lt3A_370 = arith.constant 0 : i32
          %lt3A_371 = vector.broadcast %lt3A_370 : i32 to vector<16xi32>
          %lt3A_372 = arith.cmpi slt, %select_n3A_369, %lt3A_371 : vector<16xi32>
          %add3A_373 = arith.constant 16 : i32
          %add3A_374 = vector.broadcast %add3A_373 : i32 to vector<16xi32>
          %add3A_375 = arith.addi %select_n3A_369, %add3A_374 : vector<16xi32>
          %select_n3A_376 = arith.select %lt3A_372, %add3A_375, %select_n3A_369 : vector<16xi1>, vector<16xi32>
          %broadcast_in_dim3A_377 = vector.shape_cast %select_n3A_376 : vector<16xi32> to vector<16x1xi32>
          %gather3A_378 = vector.shape_cast %broadcast_in_dim3A_377 : vector<16x1xi32> to vector<16xi32>
          %gather3A_379 = tpu.dynamic_gather %select_n3A_219[%gather3A_378] in [0] : vector<16xi32>, vector<16xi32> -> vector<16xi32>
          %lt3A_380 = arith.constant 12 : i32
          %lt3A_381 = vector.broadcast %lt3A_380 : i32 to vector<16xi32>
          %lt3A_382 = arith.cmpi slt, %iota3A, %lt3A_381 : vector<16xi32>
          %eq3A_383 = arith.cmpi eq, %gather3A_379, %select_n3A_219 : vector<16xi32>
          %and3A_384 = arith.andi %lt3A_382, %eq3A_383 : vector<16xi1>
          %or3A_385 = arith.ori %or3A_344, %and3A_384 : vector<16xi1>
          %add3A_386 = arith.constant 5 : i32
          %add3A_387 = vector.broadcast %add3A_386 : i32 to vector<16xi32>
          %add3A_388 = arith.addi %iota3A, %add3A_387 : vector<16xi32>
          %jit3A_389 = arith.constant 16 : i32
          %eq3A_390 = arith.constant 0 : i32
          %eq3A_391 = arith.cmpi eq, %jit3A_389, %eq3A_390 : i32
          %jit3A_392 = arith.constant 1 : i32
          %select_n3A_393 = arith.select %eq3A_391, %jit3A_392, %jit3A_389 : i32
          %rem3A_394 = vector.broadcast %select_n3A_393 : i32 to vector<16xi32>
          %rem3A_395 = arith.remsi %add3A_388, %rem3A_394 : vector<16xi32>
          %ne3A_396 = arith.constant 0 : i32
          %ne3A_397 = vector.broadcast %ne3A_396 : i32 to vector<16xi32>
          %ne3A_398 = arith.cmpi ne, %rem3A_395, %ne3A_397 : vector<16xi32>
          %lt3A_399 = arith.constant 0 : i32
          %lt3A_400 = vector.broadcast %lt3A_399 : i32 to vector<16xi32>
          %lt3A_401 = arith.cmpi slt, %rem3A_395, %lt3A_400 : vector<16xi32>
          %lt3A_402 = arith.constant 0 : i32
          %lt3A_403 = arith.cmpi slt, %select_n3A_393, %lt3A_402 : i32
          %ne3A_404 = vector.broadcast %lt3A_403 : i1 to vector<16xi1>
          %ne3A_405 = vector.broadcast %ne3A_404 : vector<16xi1> to vector<16xi1>
          %ne3A_406 = arith.xori %lt3A_401, %ne3A_405 : vector<16xi1>
          %and3A_407 = arith.andi %ne3A_406, %ne3A_398 : vector<16xi1>
          %add3A_408 = vector.broadcast %select_n3A_393 : i32 to vector<16xi32>
          %add3A_409 = arith.addi %rem3A_395, %add3A_408 : vector<16xi32>
          %select_n3A_410 = arith.select %and3A_407, %add3A_409, %rem3A_395 : vector<16xi1>, vector<16xi32>
          %lt3A_411 = arith.constant 0 : i32
          %lt3A_412 = vector.broadcast %lt3A_411 : i32 to vector<16xi32>
          %lt3A_413 = arith.cmpi slt, %select_n3A_410, %lt3A_412 : vector<16xi32>
          %add3A_414 = arith.constant 16 : i32
          %add3A_415 = vector.broadcast %add3A_414 : i32 to vector<16xi32>
          %add3A_416 = arith.addi %select_n3A_410, %add3A_415 : vector<16xi32>
          %select_n3A_417 = arith.select %lt3A_413, %add3A_416, %select_n3A_410 : vector<16xi1>, vector<16xi32>
          %broadcast_in_dim3A_418 = vector.shape_cast %select_n3A_417 : vector<16xi32> to vector<16x1xi32>
          %gather3A_419 = vector.shape_cast %broadcast_in_dim3A_418 : vector<16x1xi32> to vector<16xi32>
          %gather3A_420 = tpu.dynamic_gather %select_n3A_219[%gather3A_419] in [0] : vector<16xi32>, vector<16xi32> -> vector<16xi32>
          %lt3A_421 = arith.constant 11 : i32
          %lt3A_422 = vector.broadcast %lt3A_421 : i32 to vector<16xi32>
          %lt3A_423 = arith.cmpi slt, %iota3A, %lt3A_422 : vector<16xi32>
          %eq3A_424 = arith.cmpi eq, %gather3A_420, %select_n3A_219 : vector<16xi32>
          %and3A_425 = arith.andi %lt3A_423, %eq3A_424 : vector<16xi1>
          %or3A_426 = arith.ori %or3A_385, %and3A_425 : vector<16xi1>
          %add3A_427 = arith.constant 6 : i32
          %add3A_428 = vector.broadcast %add3A_427 : i32 to vector<16xi32>
          %add3A_429 = arith.addi %iota3A, %add3A_428 : vector<16xi32>
          %jit3A_430 = arith.constant 16 : i32
          %eq3A_431 = arith.constant 0 : i32
          %eq3A_432 = arith.cmpi eq, %jit3A_430, %eq3A_431 : i32
          %jit3A_433 = arith.constant 1 : i32
          %select_n3A_434 = arith.select %eq3A_432, %jit3A_433, %jit3A_430 : i32
          %rem3A_435 = vector.broadcast %select_n3A_434 : i32 to vector<16xi32>
          %rem3A_436 = arith.remsi %add3A_429, %rem3A_435 : vector<16xi32>
          %ne3A_437 = arith.constant 0 : i32
          %ne3A_438 = vector.broadcast %ne3A_437 : i32 to vector<16xi32>
          %ne3A_439 = arith.cmpi ne, %rem3A_436, %ne3A_438 : vector<16xi32>
          %lt3A_440 = arith.constant 0 : i32
          %lt3A_441 = vector.broadcast %lt3A_440 : i32 to vector<16xi32>
          %lt3A_442 = arith.cmpi slt, %rem3A_436, %lt3A_441 : vector<16xi32>
          %lt3A_443 = arith.constant 0 : i32
          %lt3A_444 = arith.cmpi slt, %select_n3A_434, %lt3A_443 : i32
          %ne3A_445 = vector.broadcast %lt3A_444 : i1 to vector<16xi1>
          %ne3A_446 = vector.broadcast %ne3A_445 : vector<16xi1> to vector<16xi1>
          %ne3A_447 = arith.xori %lt3A_442, %ne3A_446 : vector<16xi1>
          %and3A_448 = arith.andi %ne3A_447, %ne3A_439 : vector<16xi1>
          %add3A_449 = vector.broadcast %select_n3A_434 : i32 to vector<16xi32>
          %add3A_450 = arith.addi %rem3A_436, %add3A_449 : vector<16xi32>
          %select_n3A_451 = arith.select %and3A_448, %add3A_450, %rem3A_436 : vector<16xi1>, vector<16xi32>
          %lt3A_452 = arith.constant 0 : i32
          %lt3A_453 = vector.broadcast %lt3A_452 : i32 to vector<16xi32>
          %lt3A_454 = arith.cmpi slt, %select_n3A_451, %lt3A_453 : vector<16xi32>
          %add3A_455 = arith.constant 16 : i32
          %add3A_456 = vector.broadcast %add3A_455 : i32 to vector<16xi32>
          %add3A_457 = arith.addi %select_n3A_451, %add3A_456 : vector<16xi32>
          %select_n3A_458 = arith.select %lt3A_454, %add3A_457, %select_n3A_451 : vector<16xi1>, vector<16xi32>
          %broadcast_in_dim3A_459 = vector.shape_cast %select_n3A_458 : vector<16xi32> to vector<16x1xi32>
          %gather3A_460 = vector.shape_cast %broadcast_in_dim3A_459 : vector<16x1xi32> to vector<16xi32>
          %gather3A_461 = tpu.dynamic_gather %select_n3A_219[%gather3A_460] in [0] : vector<16xi32>, vector<16xi32> -> vector<16xi32>
          %lt3A_462 = arith.constant 10 : i32
          %lt3A_463 = vector.broadcast %lt3A_462 : i32 to vector<16xi32>
          %lt3A_464 = arith.cmpi slt, %iota3A, %lt3A_463 : vector<16xi32>
          %eq3A_465 = arith.cmpi eq, %gather3A_461, %select_n3A_219 : vector<16xi32>
          %and3A_466 = arith.andi %lt3A_464, %eq3A_465 : vector<16xi1>
          %or3A_467 = arith.ori %or3A_426, %and3A_466 : vector<16xi1>
          %add3A_468 = arith.constant 7 : i32
          %add3A_469 = vector.broadcast %add3A_468 : i32 to vector<16xi32>
          %add3A_470 = arith.addi %iota3A, %add3A_469 : vector<16xi32>
          %jit3A_471 = arith.constant 16 : i32
          %eq3A_472 = arith.constant 0 : i32
          %eq3A_473 = arith.cmpi eq, %jit3A_471, %eq3A_472 : i32
          %jit3A_474 = arith.constant 1 : i32
          %select_n3A_475 = arith.select %eq3A_473, %jit3A_474, %jit3A_471 : i32
          %rem3A_476 = vector.broadcast %select_n3A_475 : i32 to vector<16xi32>
          %rem3A_477 = arith.remsi %add3A_470, %rem3A_476 : vector<16xi32>
          %ne3A_478 = arith.constant 0 : i32
          %ne3A_479 = vector.broadcast %ne3A_478 : i32 to vector<16xi32>
          %ne3A_480 = arith.cmpi ne, %rem3A_477, %ne3A_479 : vector<16xi32>
          %lt3A_481 = arith.constant 0 : i32
          %lt3A_482 = vector.broadcast %lt3A_481 : i32 to vector<16xi32>
          %lt3A_483 = arith.cmpi slt, %rem3A_477, %lt3A_482 : vector<16xi32>
          %lt3A_484 = arith.constant 0 : i32
          %lt3A_485 = arith.cmpi slt, %select_n3A_475, %lt3A_484 : i32
          %ne3A_486 = vector.broadcast %lt3A_485 : i1 to vector<16xi1>
          %ne3A_487 = vector.broadcast %ne3A_486 : vector<16xi1> to vector<16xi1>
          %ne3A_488 = arith.xori %lt3A_483, %ne3A_487 : vector<16xi1>
          %and3A_489 = arith.andi %ne3A_488, %ne3A_480 : vector<16xi1>
          %add3A_490 = vector.broadcast %select_n3A_475 : i32 to vector<16xi32>
          %add3A_491 = arith.addi %rem3A_477, %add3A_490 : vector<16xi32>
          %select_n3A_492 = arith.select %and3A_489, %add3A_491, %rem3A_477 : vector<16xi1>, vector<16xi32>
          %lt3A_493 = arith.constant 0 : i32
          %lt3A_494 = vector.broadcast %lt3A_493 : i32 to vector<16xi32>
          %lt3A_495 = arith.cmpi slt, %select_n3A_492, %lt3A_494 : vector<16xi32>
          %add3A_496 = arith.constant 16 : i32
          %add3A_497 = vector.broadcast %add3A_496 : i32 to vector<16xi32>
          %add3A_498 = arith.addi %select_n3A_492, %add3A_497 : vector<16xi32>
          %select_n3A_499 = arith.select %lt3A_495, %add3A_498, %select_n3A_492 : vector<16xi1>, vector<16xi32>
          %broadcast_in_dim3A_500 = vector.shape_cast %select_n3A_499 : vector<16xi32> to vector<16x1xi32>
          %gather3A_501 = vector.shape_cast %broadcast_in_dim3A_500 : vector<16x1xi32> to vector<16xi32>
          %gather3A_502 = tpu.dynamic_gather %select_n3A_219[%gather3A_501] in [0] : vector<16xi32>, vector<16xi32> -> vector<16xi32>
          %lt3A_503 = arith.constant 9 : i32
          %lt3A_504 = vector.broadcast %lt3A_503 : i32 to vector<16xi32>
          %lt3A_505 = arith.cmpi slt, %iota3A, %lt3A_504 : vector<16xi32>
          %eq3A_506 = arith.cmpi eq, %gather3A_502, %select_n3A_219 : vector<16xi32>
          %and3A_507 = arith.andi %lt3A_505, %eq3A_506 : vector<16xi1>
          %or3A_508 = arith.ori %or3A_467, %and3A_507 : vector<16xi1>
          %add3A_509 = arith.constant 8 : i32
          %add3A_510 = vector.broadcast %add3A_509 : i32 to vector<16xi32>
          %add3A_511 = arith.addi %iota3A, %add3A_510 : vector<16xi32>
          %jit3A_512 = arith.constant 16 : i32
          %eq3A_513 = arith.constant 0 : i32
          %eq3A_514 = arith.cmpi eq, %jit3A_512, %eq3A_513 : i32
          %jit3A_515 = arith.constant 1 : i32
          %select_n3A_516 = arith.select %eq3A_514, %jit3A_515, %jit3A_512 : i32
          %rem3A_517 = vector.broadcast %select_n3A_516 : i32 to vector<16xi32>
          %rem3A_518 = arith.remsi %add3A_511, %rem3A_517 : vector<16xi32>
          %ne3A_519 = arith.constant 0 : i32
          %ne3A_520 = vector.broadcast %ne3A_519 : i32 to vector<16xi32>
          %ne3A_521 = arith.cmpi ne, %rem3A_518, %ne3A_520 : vector<16xi32>
          %lt3A_522 = arith.constant 0 : i32
          %lt3A_523 = vector.broadcast %lt3A_522 : i32 to vector<16xi32>
          %lt3A_524 = arith.cmpi slt, %rem3A_518, %lt3A_523 : vector<16xi32>
          %lt3A_525 = arith.constant 0 : i32
          %lt3A_526 = arith.cmpi slt, %select_n3A_516, %lt3A_525 : i32
          %ne3A_527 = vector.broadcast %lt3A_526 : i1 to vector<16xi1>
          %ne3A_528 = vector.broadcast %ne3A_527 : vector<16xi1> to vector<16xi1>
          %ne3A_529 = arith.xori %lt3A_524, %ne3A_528 : vector<16xi1>
          %and3A_530 = arith.andi %ne3A_529, %ne3A_521 : vector<16xi1>
          %add3A_531 = vector.broadcast %select_n3A_516 : i32 to vector<16xi32>
          %add3A_532 = arith.addi %rem3A_518, %add3A_531 : vector<16xi32>
          %select_n3A_533 = arith.select %and3A_530, %add3A_532, %rem3A_518 : vector<16xi1>, vector<16xi32>
          %lt3A_534 = arith.constant 0 : i32
          %lt3A_535 = vector.broadcast %lt3A_534 : i32 to vector<16xi32>
          %lt3A_536 = arith.cmpi slt, %select_n3A_533, %lt3A_535 : vector<16xi32>
          %add3A_537 = arith.constant 16 : i32
          %add3A_538 = vector.broadcast %add3A_537 : i32 to vector<16xi32>
          %add3A_539 = arith.addi %select_n3A_533, %add3A_538 : vector<16xi32>
          %select_n3A_540 = arith.select %lt3A_536, %add3A_539, %select_n3A_533 : vector<16xi1>, vector<16xi32>
          %broadcast_in_dim3A_541 = vector.shape_cast %select_n3A_540 : vector<16xi32> to vector<16x1xi32>
          %gather3A_542 = vector.shape_cast %broadcast_in_dim3A_541 : vector<16x1xi32> to vector<16xi32>
          %gather3A_543 = tpu.dynamic_gather %select_n3A_219[%gather3A_542] in [0] : vector<16xi32>, vector<16xi32> -> vector<16xi32>
          %lt3A_544 = arith.constant 8 : i32
          %lt3A_545 = vector.broadcast %lt3A_544 : i32 to vector<16xi32>
          %lt3A_546 = arith.cmpi slt, %iota3A, %lt3A_545 : vector<16xi32>
          %eq3A_547 = arith.cmpi eq, %gather3A_543, %select_n3A_219 : vector<16xi32>
          %and3A_548 = arith.andi %lt3A_546, %eq3A_547 : vector<16xi1>
          %or3A_549 = arith.ori %or3A_508, %and3A_548 : vector<16xi1>
          %add3A_550 = arith.constant 9 : i32
          %add3A_551 = vector.broadcast %add3A_550 : i32 to vector<16xi32>
          %add3A_552 = arith.addi %iota3A, %add3A_551 : vector<16xi32>
          %jit3A_553 = arith.constant 16 : i32
          %eq3A_554 = arith.constant 0 : i32
          %eq3A_555 = arith.cmpi eq, %jit3A_553, %eq3A_554 : i32
          %jit3A_556 = arith.constant 1 : i32
          %select_n3A_557 = arith.select %eq3A_555, %jit3A_556, %jit3A_553 : i32
          %rem3A_558 = vector.broadcast %select_n3A_557 : i32 to vector<16xi32>
          %rem3A_559 = arith.remsi %add3A_552, %rem3A_558 : vector<16xi32>
          %ne3A_560 = arith.constant 0 : i32
          %ne3A_561 = vector.broadcast %ne3A_560 : i32 to vector<16xi32>
          %ne3A_562 = arith.cmpi ne, %rem3A_559, %ne3A_561 : vector<16xi32>
          %lt3A_563 = arith.constant 0 : i32
          %lt3A_564 = vector.broadcast %lt3A_563 : i32 to vector<16xi32>
          %lt3A_565 = arith.cmpi slt, %rem3A_559, %lt3A_564 : vector<16xi32>
          %lt3A_566 = arith.constant 0 : i32
          %lt3A_567 = arith.cmpi slt, %select_n3A_557, %lt3A_566 : i32
          %ne3A_568 = vector.broadcast %lt3A_567 : i1 to vector<16xi1>
          %ne3A_569 = vector.broadcast %ne3A_568 : vector<16xi1> to vector<16xi1>
          %ne3A_570 = arith.xori %lt3A_565, %ne3A_569 : vector<16xi1>
          %and3A_571 = arith.andi %ne3A_570, %ne3A_562 : vector<16xi1>
          %add3A_572 = vector.broadcast %select_n3A_557 : i32 to vector<16xi32>
          %add3A_573 = arith.addi %rem3A_559, %add3A_572 : vector<16xi32>
          %select_n3A_574 = arith.select %and3A_571, %add3A_573, %rem3A_559 : vector<16xi1>, vector<16xi32>
          %lt3A_575 = arith.constant 0 : i32
          %lt3A_576 = vector.broadcast %lt3A_575 : i32 to vector<16xi32>
          %lt3A_577 = arith.cmpi slt, %select_n3A_574, %lt3A_576 : vector<16xi32>
          %add3A_578 = arith.constant 16 : i32
          %add3A_579 = vector.broadcast %add3A_578 : i32 to vector<16xi32>
          %add3A_580 = arith.addi %select_n3A_574, %add3A_579 : vector<16xi32>
          %select_n3A_581 = arith.select %lt3A_577, %add3A_580, %select_n3A_574 : vector<16xi1>, vector<16xi32>
          %broadcast_in_dim3A_582 = vector.shape_cast %select_n3A_581 : vector<16xi32> to vector<16x1xi32>
          %gather3A_583 = vector.shape_cast %broadcast_in_dim3A_582 : vector<16x1xi32> to vector<16xi32>
          %gather3A_584 = tpu.dynamic_gather %select_n3A_219[%gather3A_583] in [0] : vector<16xi32>, vector<16xi32> -> vector<16xi32>
          %lt3A_585 = arith.constant 7 : i32
          %lt3A_586 = vector.broadcast %lt3A_585 : i32 to vector<16xi32>
          %lt3A_587 = arith.cmpi slt, %iota3A, %lt3A_586 : vector<16xi32>
          %eq3A_588 = arith.cmpi eq, %gather3A_584, %select_n3A_219 : vector<16xi32>
          %and3A_589 = arith.andi %lt3A_587, %eq3A_588 : vector<16xi1>
          %or3A_590 = arith.ori %or3A_549, %and3A_589 : vector<16xi1>
          %add3A_591 = arith.constant 10 : i32
          %add3A_592 = vector.broadcast %add3A_591 : i32 to vector<16xi32>
          %add3A_593 = arith.addi %iota3A, %add3A_592 : vector<16xi32>
          %jit3A_594 = arith.constant 16 : i32
          %eq3A_595 = arith.constant 0 : i32
          %eq3A_596 = arith.cmpi eq, %jit3A_594, %eq3A_595 : i32
          %jit3A_597 = arith.constant 1 : i32
          %select_n3A_598 = arith.select %eq3A_596, %jit3A_597, %jit3A_594 : i32
          %rem3A_599 = vector.broadcast %select_n3A_598 : i32 to vector<16xi32>
          %rem3A_600 = arith.remsi %add3A_593, %rem3A_599 : vector<16xi32>
          %ne3A_601 = arith.constant 0 : i32
          %ne3A_602 = vector.broadcast %ne3A_601 : i32 to vector<16xi32>
          %ne3A_603 = arith.cmpi ne, %rem3A_600, %ne3A_602 : vector<16xi32>
          %lt3A_604 = arith.constant 0 : i32
          %lt3A_605 = vector.broadcast %lt3A_604 : i32 to vector<16xi32>
          %lt3A_606 = arith.cmpi slt, %rem3A_600, %lt3A_605 : vector<16xi32>
          %lt3A_607 = arith.constant 0 : i32
          %lt3A_608 = arith.cmpi slt, %select_n3A_598, %lt3A_607 : i32
          %ne3A_609 = vector.broadcast %lt3A_608 : i1 to vector<16xi1>
          %ne3A_610 = vector.broadcast %ne3A_609 : vector<16xi1> to vector<16xi1>
          %ne3A_611 = arith.xori %lt3A_606, %ne3A_610 : vector<16xi1>
          %and3A_612 = arith.andi %ne3A_611, %ne3A_603 : vector<16xi1>
          %add3A_613 = vector.broadcast %select_n3A_598 : i32 to vector<16xi32>
          %add3A_614 = arith.addi %rem3A_600, %add3A_613 : vector<16xi32>
          %select_n3A_615 = arith.select %and3A_612, %add3A_614, %rem3A_600 : vector<16xi1>, vector<16xi32>
          %lt3A_616 = arith.constant 0 : i32
          %lt3A_617 = vector.broadcast %lt3A_616 : i32 to vector<16xi32>
          %lt3A_618 = arith.cmpi slt, %select_n3A_615, %lt3A_617 : vector<16xi32>
          %add3A_619 = arith.constant 16 : i32
          %add3A_620 = vector.broadcast %add3A_619 : i32 to vector<16xi32>
          %add3A_621 = arith.addi %select_n3A_615, %add3A_620 : vector<16xi32>
          %select_n3A_622 = arith.select %lt3A_618, %add3A_621, %select_n3A_615 : vector<16xi1>, vector<16xi32>
          %broadcast_in_dim3A_623 = vector.shape_cast %select_n3A_622 : vector<16xi32> to vector<16x1xi32>
          %gather3A_624 = vector.shape_cast %broadcast_in_dim3A_623 : vector<16x1xi32> to vector<16xi32>
          %gather3A_625 = tpu.dynamic_gather %select_n3A_219[%gather3A_624] in [0] : vector<16xi32>, vector<16xi32> -> vector<16xi32>
          %lt3A_626 = arith.constant 6 : i32
          %lt3A_627 = vector.broadcast %lt3A_626 : i32 to vector<16xi32>
          %lt3A_628 = arith.cmpi slt, %iota3A, %lt3A_627 : vector<16xi32>
          %eq3A_629 = arith.cmpi eq, %gather3A_625, %select_n3A_219 : vector<16xi32>
          %and3A_630 = arith.andi %lt3A_628, %eq3A_629 : vector<16xi1>
          %or3A_631 = arith.ori %or3A_590, %and3A_630 : vector<16xi1>
          %add3A_632 = arith.constant 11 : i32
          %add3A_633 = vector.broadcast %add3A_632 : i32 to vector<16xi32>
          %add3A_634 = arith.addi %iota3A, %add3A_633 : vector<16xi32>
          %jit3A_635 = arith.constant 16 : i32
          %eq3A_636 = arith.constant 0 : i32
          %eq3A_637 = arith.cmpi eq, %jit3A_635, %eq3A_636 : i32
          %jit3A_638 = arith.constant 1 : i32
          %select_n3A_639 = arith.select %eq3A_637, %jit3A_638, %jit3A_635 : i32
          %rem3A_640 = vector.broadcast %select_n3A_639 : i32 to vector<16xi32>
          %rem3A_641 = arith.remsi %add3A_634, %rem3A_640 : vector<16xi32>
          %ne3A_642 = arith.constant 0 : i32
          %ne3A_643 = vector.broadcast %ne3A_642 : i32 to vector<16xi32>
          %ne3A_644 = arith.cmpi ne, %rem3A_641, %ne3A_643 : vector<16xi32>
          %lt3A_645 = arith.constant 0 : i32
          %lt3A_646 = vector.broadcast %lt3A_645 : i32 to vector<16xi32>
          %lt3A_647 = arith.cmpi slt, %rem3A_641, %lt3A_646 : vector<16xi32>
          %lt3A_648 = arith.constant 0 : i32
          %lt3A_649 = arith.cmpi slt, %select_n3A_639, %lt3A_648 : i32
          %ne3A_650 = vector.broadcast %lt3A_649 : i1 to vector<16xi1>
          %ne3A_651 = vector.broadcast %ne3A_650 : vector<16xi1> to vector<16xi1>
          %ne3A_652 = arith.xori %lt3A_647, %ne3A_651 : vector<16xi1>
          %and3A_653 = arith.andi %ne3A_652, %ne3A_644 : vector<16xi1>
          %add3A_654 = vector.broadcast %select_n3A_639 : i32 to vector<16xi32>
          %add3A_655 = arith.addi %rem3A_641, %add3A_654 : vector<16xi32>
          %select_n3A_656 = arith.select %and3A_653, %add3A_655, %rem3A_641 : vector<16xi1>, vector<16xi32>
          %lt3A_657 = arith.constant 0 : i32
          %lt3A_658 = vector.broadcast %lt3A_657 : i32 to vector<16xi32>
          %lt3A_659 = arith.cmpi slt, %select_n3A_656, %lt3A_658 : vector<16xi32>
          %add3A_660 = arith.constant 16 : i32
          %add3A_661 = vector.broadcast %add3A_660 : i32 to vector<16xi32>
          %add3A_662 = arith.addi %select_n3A_656, %add3A_661 : vector<16xi32>
          %select_n3A_663 = arith.select %lt3A_659, %add3A_662, %select_n3A_656 : vector<16xi1>, vector<16xi32>
          %broadcast_in_dim3A_664 = vector.shape_cast %select_n3A_663 : vector<16xi32> to vector<16x1xi32>
          %gather3A_665 = vector.shape_cast %broadcast_in_dim3A_664 : vector<16x1xi32> to vector<16xi32>
          %gather3A_666 = tpu.dynamic_gather %select_n3A_219[%gather3A_665] in [0] : vector<16xi32>, vector<16xi32> -> vector<16xi32>
          %lt3A_667 = arith.constant 5 : i32
          %lt3A_668 = vector.broadcast %lt3A_667 : i32 to vector<16xi32>
          %lt3A_669 = arith.cmpi slt, %iota3A, %lt3A_668 : vector<16xi32>
          %eq3A_670 = arith.cmpi eq, %gather3A_666, %select_n3A_219 : vector<16xi32>
          %and3A_671 = arith.andi %lt3A_669, %eq3A_670 : vector<16xi1>
          %or3A_672 = arith.ori %or3A_631, %and3A_671 : vector<16xi1>
          %add3A_673 = arith.constant 12 : i32
          %add3A_674 = vector.broadcast %add3A_673 : i32 to vector<16xi32>
          %add3A_675 = arith.addi %iota3A, %add3A_674 : vector<16xi32>
          %jit3A_676 = arith.constant 16 : i32
          %eq3A_677 = arith.constant 0 : i32
          %eq3A_678 = arith.cmpi eq, %jit3A_676, %eq3A_677 : i32
          %jit3A_679 = arith.constant 1 : i32
          %select_n3A_680 = arith.select %eq3A_678, %jit3A_679, %jit3A_676 : i32
          %rem3A_681 = vector.broadcast %select_n3A_680 : i32 to vector<16xi32>
          %rem3A_682 = arith.remsi %add3A_675, %rem3A_681 : vector<16xi32>
          %ne3A_683 = arith.constant 0 : i32
          %ne3A_684 = vector.broadcast %ne3A_683 : i32 to vector<16xi32>
          %ne3A_685 = arith.cmpi ne, %rem3A_682, %ne3A_684 : vector<16xi32>
          %lt3A_686 = arith.constant 0 : i32
          %lt3A_687 = vector.broadcast %lt3A_686 : i32 to vector<16xi32>
          %lt3A_688 = arith.cmpi slt, %rem3A_682, %lt3A_687 : vector<16xi32>
          %lt3A_689 = arith.constant 0 : i32
          %lt3A_690 = arith.cmpi slt, %select_n3A_680, %lt3A_689 : i32
          %ne3A_691 = vector.broadcast %lt3A_690 : i1 to vector<16xi1>
          %ne3A_692 = vector.broadcast %ne3A_691 : vector<16xi1> to vector<16xi1>
          %ne3A_693 = arith.xori %lt3A_688, %ne3A_692 : vector<16xi1>
          %and3A_694 = arith.andi %ne3A_693, %ne3A_685 : vector<16xi1>
          %add3A_695 = vector.broadcast %select_n3A_680 : i32 to vector<16xi32>
          %add3A_696 = arith.addi %rem3A_682, %add3A_695 : vector<16xi32>
          %select_n3A_697 = arith.select %and3A_694, %add3A_696, %rem3A_682 : vector<16xi1>, vector<16xi32>
          %lt3A_698 = arith.constant 0 : i32
          %lt3A_699 = vector.broadcast %lt3A_698 : i32 to vector<16xi32>
          %lt3A_700 = arith.cmpi slt, %select_n3A_697, %lt3A_699 : vector<16xi32>
          %add3A_701 = arith.constant 16 : i32
          %add3A_702 = vector.broadcast %add3A_701 : i32 to vector<16xi32>
          %add3A_703 = arith.addi %select_n3A_697, %add3A_702 : vector<16xi32>
          %select_n3A_704 = arith.select %lt3A_700, %add3A_703, %select_n3A_697 : vector<16xi1>, vector<16xi32>
          %broadcast_in_dim3A_705 = vector.shape_cast %select_n3A_704 : vector<16xi32> to vector<16x1xi32>
          %gather3A_706 = vector.shape_cast %broadcast_in_dim3A_705 : vector<16x1xi32> to vector<16xi32>
          %gather3A_707 = tpu.dynamic_gather %select_n3A_219[%gather3A_706] in [0] : vector<16xi32>, vector<16xi32> -> vector<16xi32>
          %lt3A_708 = arith.constant 4 : i32
          %lt3A_709 = vector.broadcast %lt3A_708 : i32 to vector<16xi32>
          %lt3A_710 = arith.cmpi slt, %iota3A, %lt3A_709 : vector<16xi32>
          %eq3A_711 = arith.cmpi eq, %gather3A_707, %select_n3A_219 : vector<16xi32>
          %and3A_712 = arith.andi %lt3A_710, %eq3A_711 : vector<16xi1>
          %or3A_713 = arith.ori %or3A_672, %and3A_712 : vector<16xi1>
          %add3A_714 = arith.constant 13 : i32
          %add3A_715 = vector.broadcast %add3A_714 : i32 to vector<16xi32>
          %add3A_716 = arith.addi %iota3A, %add3A_715 : vector<16xi32>
          %jit3A_717 = arith.constant 16 : i32
          %eq3A_718 = arith.constant 0 : i32
          %eq3A_719 = arith.cmpi eq, %jit3A_717, %eq3A_718 : i32
          %jit3A_720 = arith.constant 1 : i32
          %select_n3A_721 = arith.select %eq3A_719, %jit3A_720, %jit3A_717 : i32
          %rem3A_722 = vector.broadcast %select_n3A_721 : i32 to vector<16xi32>
          %rem3A_723 = arith.remsi %add3A_716, %rem3A_722 : vector<16xi32>
          %ne3A_724 = arith.constant 0 : i32
          %ne3A_725 = vector.broadcast %ne3A_724 : i32 to vector<16xi32>
          %ne3A_726 = arith.cmpi ne, %rem3A_723, %ne3A_725 : vector<16xi32>
          %lt3A_727 = arith.constant 0 : i32
          %lt3A_728 = vector.broadcast %lt3A_727 : i32 to vector<16xi32>
          %lt3A_729 = arith.cmpi slt, %rem3A_723, %lt3A_728 : vector<16xi32>
          %lt3A_730 = arith.constant 0 : i32
          %lt3A_731 = arith.cmpi slt, %select_n3A_721, %lt3A_730 : i32
          %ne3A_732 = vector.broadcast %lt3A_731 : i1 to vector<16xi1>
          %ne3A_733 = vector.broadcast %ne3A_732 : vector<16xi1> to vector<16xi1>
          %ne3A_734 = arith.xori %lt3A_729, %ne3A_733 : vector<16xi1>
          %and3A_735 = arith.andi %ne3A_734, %ne3A_726 : vector<16xi1>
          %add3A_736 = vector.broadcast %select_n3A_721 : i32 to vector<16xi32>
          %add3A_737 = arith.addi %rem3A_723, %add3A_736 : vector<16xi32>
          %select_n3A_738 = arith.select %and3A_735, %add3A_737, %rem3A_723 : vector<16xi1>, vector<16xi32>
          %lt3A_739 = arith.constant 0 : i32
          %lt3A_740 = vector.broadcast %lt3A_739 : i32 to vector<16xi32>
          %lt3A_741 = arith.cmpi slt, %select_n3A_738, %lt3A_740 : vector<16xi32>
          %add3A_742 = arith.constant 16 : i32
          %add3A_743 = vector.broadcast %add3A_742 : i32 to vector<16xi32>
          %add3A_744 = arith.addi %select_n3A_738, %add3A_743 : vector<16xi32>
          %select_n3A_745 = arith.select %lt3A_741, %add3A_744, %select_n3A_738 : vector<16xi1>, vector<16xi32>
          %broadcast_in_dim3A_746 = vector.shape_cast %select_n3A_745 : vector<16xi32> to vector<16x1xi32>
          %gather3A_747 = vector.shape_cast %broadcast_in_dim3A_746 : vector<16x1xi32> to vector<16xi32>
          %gather3A_748 = tpu.dynamic_gather %select_n3A_219[%gather3A_747] in [0] : vector<16xi32>, vector<16xi32> -> vector<16xi32>
          %lt3A_749 = arith.constant 3 : i32
          %lt3A_750 = vector.broadcast %lt3A_749 : i32 to vector<16xi32>
          %lt3A_751 = arith.cmpi slt, %iota3A, %lt3A_750 : vector<16xi32>
          %eq3A_752 = arith.cmpi eq, %gather3A_748, %select_n3A_219 : vector<16xi32>
          %and3A_753 = arith.andi %lt3A_751, %eq3A_752 : vector<16xi1>
          %or3A_754 = arith.ori %or3A_713, %and3A_753 : vector<16xi1>
          %add3A_755 = arith.constant 14 : i32
          %add3A_756 = vector.broadcast %add3A_755 : i32 to vector<16xi32>
          %add3A_757 = arith.addi %iota3A, %add3A_756 : vector<16xi32>
          %jit3A_758 = arith.constant 16 : i32
          %eq3A_759 = arith.constant 0 : i32
          %eq3A_760 = arith.cmpi eq, %jit3A_758, %eq3A_759 : i32
          %jit3A_761 = arith.constant 1 : i32
          %select_n3A_762 = arith.select %eq3A_760, %jit3A_761, %jit3A_758 : i32
          %rem3A_763 = vector.broadcast %select_n3A_762 : i32 to vector<16xi32>
          %rem3A_764 = arith.remsi %add3A_757, %rem3A_763 : vector<16xi32>
          %ne3A_765 = arith.constant 0 : i32
          %ne3A_766 = vector.broadcast %ne3A_765 : i32 to vector<16xi32>
          %ne3A_767 = arith.cmpi ne, %rem3A_764, %ne3A_766 : vector<16xi32>
          %lt3A_768 = arith.constant 0 : i32
          %lt3A_769 = vector.broadcast %lt3A_768 : i32 to vector<16xi32>
          %lt3A_770 = arith.cmpi slt, %rem3A_764, %lt3A_769 : vector<16xi32>
          %lt3A_771 = arith.constant 0 : i32
          %lt3A_772 = arith.cmpi slt, %select_n3A_762, %lt3A_771 : i32
          %ne3A_773 = vector.broadcast %lt3A_772 : i1 to vector<16xi1>
          %ne3A_774 = vector.broadcast %ne3A_773 : vector<16xi1> to vector<16xi1>
          %ne3A_775 = arith.xori %lt3A_770, %ne3A_774 : vector<16xi1>
          %and3A_776 = arith.andi %ne3A_775, %ne3A_767 : vector<16xi1>
          %add3A_777 = vector.broadcast %select_n3A_762 : i32 to vector<16xi32>
          %add3A_778 = arith.addi %rem3A_764, %add3A_777 : vector<16xi32>
          %select_n3A_779 = arith.select %and3A_776, %add3A_778, %rem3A_764 : vector<16xi1>, vector<16xi32>
          %lt3A_780 = arith.constant 0 : i32
          %lt3A_781 = vector.broadcast %lt3A_780 : i32 to vector<16xi32>
          %lt3A_782 = arith.cmpi slt, %select_n3A_779, %lt3A_781 : vector<16xi32>
          %add3A_783 = arith.constant 16 : i32
          %add3A_784 = vector.broadcast %add3A_783 : i32 to vector<16xi32>
          %add3A_785 = arith.addi %select_n3A_779, %add3A_784 : vector<16xi32>
          %select_n3A_786 = arith.select %lt3A_782, %add3A_785, %select_n3A_779 : vector<16xi1>, vector<16xi32>
          %broadcast_in_dim3A_787 = vector.shape_cast %select_n3A_786 : vector<16xi32> to vector<16x1xi32>
          %gather3A_788 = vector.shape_cast %broadcast_in_dim3A_787 : vector<16x1xi32> to vector<16xi32>
          %gather3A_789 = tpu.dynamic_gather %select_n3A_219[%gather3A_788] in [0] : vector<16xi32>, vector<16xi32> -> vector<16xi32>
          %lt3A_790 = arith.constant 2 : i32
          %lt3A_791 = vector.broadcast %lt3A_790 : i32 to vector<16xi32>
          %lt3A_792 = arith.cmpi slt, %iota3A, %lt3A_791 : vector<16xi32>
          %eq3A_793 = arith.cmpi eq, %gather3A_789, %select_n3A_219 : vector<16xi32>
          %and3A_794 = arith.andi %lt3A_792, %eq3A_793 : vector<16xi1>
          %or3A_795 = arith.ori %or3A_754, %and3A_794 : vector<16xi1>
          %add3A_796 = arith.constant 15 : i32
          %add3A_797 = vector.broadcast %add3A_796 : i32 to vector<16xi32>
          %add3A_798 = arith.addi %iota3A, %add3A_797 : vector<16xi32>
          %jit3A_799 = arith.constant 16 : i32
          %eq3A_800 = arith.constant 0 : i32
          %eq3A_801 = arith.cmpi eq, %jit3A_799, %eq3A_800 : i32
          %jit3A_802 = arith.constant 1 : i32
          %select_n3A_803 = arith.select %eq3A_801, %jit3A_802, %jit3A_799 : i32
          %rem3A_804 = vector.broadcast %select_n3A_803 : i32 to vector<16xi32>
          %rem3A_805 = arith.remsi %add3A_798, %rem3A_804 : vector<16xi32>
          %ne3A_806 = arith.constant 0 : i32
          %ne3A_807 = vector.broadcast %ne3A_806 : i32 to vector<16xi32>
          %ne3A_808 = arith.cmpi ne, %rem3A_805, %ne3A_807 : vector<16xi32>
          %lt3A_809 = arith.constant 0 : i32
          %lt3A_810 = vector.broadcast %lt3A_809 : i32 to vector<16xi32>
          %lt3A_811 = arith.cmpi slt, %rem3A_805, %lt3A_810 : vector<16xi32>
          %lt3A_812 = arith.constant 0 : i32
          %lt3A_813 = arith.cmpi slt, %select_n3A_803, %lt3A_812 : i32
          %ne3A_814 = vector.broadcast %lt3A_813 : i1 to vector<16xi1>
          %ne3A_815 = vector.broadcast %ne3A_814 : vector<16xi1> to vector<16xi1>
          %ne3A_816 = arith.xori %lt3A_811, %ne3A_815 : vector<16xi1>
          %and3A_817 = arith.andi %ne3A_816, %ne3A_808 : vector<16xi1>
          %add3A_818 = vector.broadcast %select_n3A_803 : i32 to vector<16xi32>
          %add3A_819 = arith.addi %rem3A_805, %add3A_818 : vector<16xi32>
          %select_n3A_820 = arith.select %and3A_817, %add3A_819, %rem3A_805 : vector<16xi1>, vector<16xi32>
          %lt3A_821 = arith.constant 0 : i32
          %lt3A_822 = vector.broadcast %lt3A_821 : i32 to vector<16xi32>
          %lt3A_823 = arith.cmpi slt, %select_n3A_820, %lt3A_822 : vector<16xi32>
          %add3A_824 = arith.constant 16 : i32
          %add3A_825 = vector.broadcast %add3A_824 : i32 to vector<16xi32>
          %add3A_826 = arith.addi %select_n3A_820, %add3A_825 : vector<16xi32>
          %select_n3A_827 = arith.select %lt3A_823, %add3A_826, %select_n3A_820 : vector<16xi1>, vector<16xi32>
          %broadcast_in_dim3A_828 = vector.shape_cast %select_n3A_827 : vector<16xi32> to vector<16x1xi32>
          %gather3A_829 = vector.shape_cast %broadcast_in_dim3A_828 : vector<16x1xi32> to vector<16xi32>
          %gather3A_830 = tpu.dynamic_gather %select_n3A_219[%gather3A_829] in [0] : vector<16xi32>, vector<16xi32> -> vector<16xi32>
          %lt3A_831 = arith.constant 1 : i32
          %lt3A_832 = vector.broadcast %lt3A_831 : i32 to vector<16xi32>
          %lt3A_833 = arith.cmpi slt, %iota3A, %lt3A_832 : vector<16xi32>
          %eq3A_834 = arith.cmpi eq, %gather3A_830, %select_n3A_219 : vector<16xi32>
          %and3A_835 = arith.andi %lt3A_833, %eq3A_834 : vector<16xi1>
          %or3A_836 = arith.ori %or3A_795, %and3A_835 : vector<16xi1>
          %not3A = arith.constant dense<true> : vector<16xi1>
          %not3A_837 = arith.xori %or3A_836, %not3A : vector<16xi1>
          %and3A_838 = arith.andi %and3A_210, %not3A_837 : vector<16xi1>
          %add3A_839 = arith.constant 1 : i32
          %add3A_840 = vector.broadcast %add3A_839 : i32 to vector<16xi32>
          %add3A_841 = arith.addi %add3A_201, %add3A_840 : vector<16xi32>
          tpu.vector_store_idx %arg7[%select_n3A_219], %add3A_841 masked %and3A_838 : memref<2000xi32, #tpu.memory_space<vmem>>[vector<16xi32>], vector<16xi32>, vector<16xi1>
        }
        %scan3A_175 = arith.constant 64 : i32
        %gt3A = arith.constant 0 : i32
        %gt3A_176 = arith.cmpi sgt, %scan3A_39, %gt3A : i32
        %eq3A = arith.constant 0 : i32
        %eq3A_177 = arith.cmpi eq, %while3A_143, %eq3A : i32
        %and3A_178 = arith.andi %gt3A_176, %eq3A_177 : i1
        %convert_element_type3A_179 = arith.extui %and3A_178 : i1 to i32
        %cond3A_180 = arith.constant 0 : i32
        %cond3A_181 = arith.cmpi ne, %convert_element_type3A_179, %cond3A_180 : i32
        scf.if %cond3A_181 {
          %sub3A_190 = arith.constant 32 : i32
          %sub3A_191 = arith.subi %add3A_42, %sub3A_190 : i32
          %mul3A_192 = arith.constant 250 : i32
          %mul3A_193 = arith.muli %sub3A_191, %mul3A_192 : i32
          %dma_wait3A_194 = arith.constant 0 : i32
          %dma_wait3A_195 = arith.constant 0 : i32
          %dma_wait3A_196 = tpu.memref_slice %arg11[%dma_wait3A_194, %dma_wait3A_195] : memref<256x256xf32, #tpu.memory_space<vmem>> -> memref<250x256xf32, #tpu.memory_space<vmem>>
          %dma_wait3A_197 = arith.constant 0 : i32
          %dma_wait3A_198 = tpu.memref_slice %arg6[%mul3A_193, %dma_wait3A_197] : memref<100000x256xf32, #tpu.memory_space<hbm>> -> memref<250x256xf32, #tpu.memory_space<hbm>>
          %dma_wait3A_199 = arith.constant 0 : i32
          %dma_wait3A_200 = tpu.memref_slice %arg6[%mul3A_193, %dma_wait3A_199] : memref<100000x256xf32, #tpu.memory_space<hbm>> -> memref<250x256xf32, #tpu.memory_space<hbm>>
          %dma_wait3A_201 = arith.constant 0 : i32
          %dma_wait3A_202 = arith.constant 0 : i32
          %dma_wait3A_203 = tpu.memref_slice %arg11[%dma_wait3A_201, %dma_wait3A_202] : memref<256x256xf32, #tpu.memory_space<vmem>> -> memref<250x256xf32, #tpu.memory_space<vmem>>
          tpu.wait_dma2 semaphore(%arg14 : memref<!tpu.dma_semaphore, #tpu.memory_space<semaphore_mem>>) src(%dma_wait3A_203 : memref<250x256xf32, #tpu.memory_space<vmem>>) dst(%dma_wait3A_200 : memref<250x256xf32, #tpu.memory_space<hbm>>)
        } else {
        }
        %eq3A_182 = arith.constant 0 : i32
        %eq3A_183 = arith.cmpi eq, %while3A_143, %eq3A_182 : i32
        %scan3A_184 = arith.constant 0 : i32
        %scan3A_185 = arith.constant 0 : i32
        %scan3A_186 = arith.constant 125 : i32
        %scan3A_187 = arith.addi %scan3A_185, %scan3A_186 : i32
        %scan3A_188 = arith.constant 1 : i32
        scf.for %scan3A_190 = %scan3A_185 to %scan3A_187 step %scan3A_188  : i32 {
          %mul3A_191 = arith.constant 16 : i32
          %mul3A_192 = arith.muli %scan3A_190, %mul3A_191 : i32
          %add3A_193 = vector.broadcast %mul3A_192 : i32 to vector<16xi32>
          %add3A_194 = arith.addi %add3A_193, %iota3A : vector<16xi32>
          %lt3A_195 = arith.constant 2000 : i32
          %lt3A_196 = vector.broadcast %lt3A_195 : i32 to vector<16xi32>
          %lt3A_197 = arith.cmpi slt, %add3A_194, %lt3A_196 : vector<16xi32>
          %mul3A_198 = arith.constant 16 : i32
          %mul3A_199 = arith.muli %scan3A_190, %mul3A_198 : i32
          %get3A = arith.index_cast %mul3A_199 : i32 to index
          %get3A_200 = tpu.vector_load %arg7[%get3A] {strides = array<i32>} : memref<2000xi32, #tpu.memory_space<vmem>>, vector<16xi32>,
          %gt3A_201 = arith.constant 0 : i32
          %gt3A_202 = vector.broadcast %gt3A_201 : i32 to vector<16xi32>
          %gt3A_203 = arith.cmpi sgt, %get3A_200, %gt3A_202 : vector<16xi32>
          %sub3A_204 = arith.constant 1 : i32
          %sub3A_205 = vector.broadcast %sub3A_204 : i32 to vector<16xi32>
          %sub3A_206 = arith.subi %get3A_200, %sub3A_205 : vector<16xi32>
          %max3A_207 = arith.constant 0 : i32
          %max3A_208 = vector.broadcast %max3A_207 : i32 to vector<16xi32>
          %max3A_209 = arith.maxsi %sub3A_206, %max3A_208 : vector<16xi32>
          %or3A = vector.broadcast %eq3A_183 : i1 to vector<16xi1>
          %or3A_210 = arith.ori %gt3A_203, %or3A : vector<16xi1>
          %and3A_211 = arith.andi %lt3A_197, %or3A_210 : vector<16xi1>
          %shift_right_arithmetic3A = arith.constant 3 : i32
          %shift_right_arithmetic3A_212 = vector.broadcast %shift_right_arithmetic3A : i32 to vector<16xi32>
          %shift_right_arithmetic3A_213 = arith.shrsi %add3A_194, %shift_right_arithmetic3A_212 : vector<16xi32>
          %and3A_214 = arith.constant 7 : i32
          %and3A_215 = vector.broadcast %and3A_214 : i32 to vector<16xi32>
          %and3A_216 = arith.andi %add3A_194, %and3A_215 : vector<16xi32>
          %mul3A_217 = arith.constant 32 : i32
          %mul3A_218 = vector.broadcast %mul3A_217 : i32 to vector<16xi32>
          %mul3A_219 = arith.muli %and3A_216, %mul3A_218 : vector<16xi32>
          %broadcast_in_dim3A_220 = arith.constant 0 : i32
          %broadcast_in_dim3A_221 = vector.broadcast %broadcast_in_dim3A_220 : i32 to vector<16xi32>
          %add3A_222 = arith.constant 0 : i32
          %add3A_223 = vector.broadcast %add3A_222 : i32 to vector<16xi32>
          %add3A_224 = arith.addi %broadcast_in_dim3A_221, %add3A_223 : vector<16xi32>
          %gather3A_225 = tpu.vector_load_idx %arg10[%max3A_209, %add3A_224] masked %gt3A_203 : memref<1024x32xf32, #tpu.memory_space<vmem>>[vector<16xi32>, vector<16xi32>], vector<16xf32>, vector<16xi1>
          %jit3A_226 = arith.constant 0.000000e+00 : f32
          %broadcast_in_dim3A_227 = vector.broadcast %jit3A_226 : f32 to vector<16xf32>
          %select_n3A_228 = arith.select %gt3A_203, %gather3A_225, %broadcast_in_dim3A_227 : vector<16xi1>, vector<16xf32>
          %add3A_229 = arith.constant 0 : i32
          %add3A_230 = vector.broadcast %add3A_229 : i32 to vector<16xi32>
          %add3A_231 = arith.addi %mul3A_219, %add3A_230 : vector<16xi32>
          tpu.vector_store_idx %arg11[%shift_right_arithmetic3A_213, %add3A_231], %select_n3A_228 masked %and3A_211 : memref<256x256xf32, #tpu.memory_space<vmem>>[vector<16xi32>, vector<16xi32>], vector<16xf32>, vector<16xi1>
          %broadcast_in_dim3A_232 = arith.constant 0 : i32
          %broadcast_in_dim3A_233 = vector.broadcast %broadcast_in_dim3A_232 : i32 to vector<16xi32>
          %add3A_234 = arith.constant 1 : i32
          %add3A_235 = vector.broadcast %add3A_234 : i32 to vector<16xi32>
          %add3A_236 = arith.addi %broadcast_in_dim3A_233, %add3A_235 : vector<16xi32>
          %gather3A_237 = tpu.vector_load_idx %arg10[%max3A_209, %add3A_236] masked %gt3A_203 : memref<1024x32xf32, #tpu.memory_space<vmem>>[vector<16xi32>, vector<16xi32>], vector<16xf32>, vector<16xi1>
          %jit3A_238 = arith.constant 0.000000e+00 : f32
          %broadcast_in_dim3A_239 = vector.broadcast %jit3A_238 : f32 to vector<16xf32>
          %select_n3A_240 = arith.select %gt3A_203, %gather3A_237, %broadcast_in_dim3A_239 : vector<16xi1>, vector<16xf32>
          %add3A_241 = arith.constant 1 : i32
          %add3A_242 = vector.broadcast %add3A_241 : i32 to vector<16xi32>
          %add3A_243 = arith.addi %mul3A_219, %add3A_242 : vector<16xi32>
          tpu.vector_store_idx %arg11[%shift_right_arithmetic3A_213, %add3A_243], %select_n3A_240 masked %and3A_211 : memref<256x256xf32, #tpu.memory_space<vmem>>[vector<16xi32>, vector<16xi32>], vector<16xf32>, vector<16xi1>
          %broadcast_in_dim3A_244 = arith.constant 0 : i32
          %broadcast_in_dim3A_245 = vector.broadcast %broadcast_in_dim3A_244 : i32 to vector<16xi32>
          %add3A_246 = arith.constant 2 : i32
          %add3A_247 = vector.broadcast %add3A_246 : i32 to vector<16xi32>
          %add3A_248 = arith.addi %broadcast_in_dim3A_245, %add3A_247 : vector<16xi32>
          %gather3A_249 = tpu.vector_load_idx %arg10[%max3A_209, %add3A_248] masked %gt3A_203 : memref<1024x32xf32, #tpu.memory_space<vmem>>[vector<16xi32>, vector<16xi32>], vector<16xf32>, vector<16xi1>
          %jit3A_250 = arith.constant 0.000000e+00 : f32
          %broadcast_in_dim3A_251 = vector.broadcast %jit3A_250 : f32 to vector<16xf32>
          %select_n3A_252 = arith.select %gt3A_203, %gather3A_249, %broadcast_in_dim3A_251 : vector<16xi1>, vector<16xf32>
          %add3A_253 = arith.constant 2 : i32
          %add3A_254 = vector.broadcast %add3A_253 : i32 to vector<16xi32>
          %add3A_255 = arith.addi %mul3A_219, %add3A_254 : vector<16xi32>
          tpu.vector_store_idx %arg11[%shift_right_arithmetic3A_213, %add3A_255], %select_n3A_252 masked %and3A_211 : memref<256x256xf32, #tpu.memory_space<vmem>>[vector<16xi32>, vector<16xi32>], vector<16xf32>, vector<16xi1>
          %broadcast_in_dim3A_256 = arith.constant 0 : i32
          %broadcast_in_dim3A_257 = vector.broadcast %broadcast_in_dim3A_256 : i32 to vector<16xi32>
          %add3A_258 = arith.constant 3 : i32
          %add3A_259 = vector.broadcast %add3A_258 : i32 to vector<16xi32>
          %add3A_260 = arith.addi %broadcast_in_dim3A_257, %add3A_259 : vector<16xi32>
          %gather3A_261 = tpu.vector_load_idx %arg10[%max3A_209, %add3A_260] masked %gt3A_203 : memref<1024x32xf32, #tpu.memory_space<vmem>>[vector<16xi32>, vector<16xi32>], vector<16xf32>, vector<16xi1>
          %jit3A_262 = arith.constant 0.000000e+00 : f32
          %broadcast_in_dim3A_263 = vector.broadcast %jit3A_262 : f32 to vector<16xf32>
          %select_n3A_264 = arith.select %gt3A_203, %gather3A_261, %broadcast_in_dim3A_263 : vector<16xi1>, vector<16xf32>
          %add3A_265 = arith.constant 3 : i32
          %add3A_266 = vector.broadcast %add3A_265 : i32 to vector<16xi32>
          %add3A_267 = arith.addi %mul3A_219, %add3A_266 : vector<16xi32>
          tpu.vector_store_idx %arg11[%shift_right_arithmetic3A_213, %add3A_267], %select_n3A_264 masked %and3A_211 : memref<256x256xf32, #tpu.memory_space<vmem>>[vector<16xi32>, vector<16xi32>], vector<16xf32>, vector<16xi1>
          %broadcast_in_dim3A_268 = arith.constant 0 : i32
          %broadcast_in_dim3A_269 = vector.broadcast %broadcast_in_dim3A_268 : i32 to vector<16xi32>
          %add3A_270 = arith.constant 4 : i32
          %add3A_271 = vector.broadcast %add3A_270 : i32 to vector<16xi32>
          %add3A_272 = arith.addi %broadcast_in_dim3A_269, %add3A_271 : vector<16xi32>
          %gather3A_273 = tpu.vector_load_idx %arg10[%max3A_209, %add3A_272] masked %gt3A_203 : memref<1024x32xf32, #tpu.memory_space<vmem>>[vector<16xi32>, vector<16xi32>], vector<16xf32>, vector<16xi1>
          %jit3A_274 = arith.constant 0.000000e+00 : f32
          %broadcast_in_dim3A_275 = vector.broadcast %jit3A_274 : f32 to vector<16xf32>
          %select_n3A_276 = arith.select %gt3A_203, %gather3A_273, %broadcast_in_dim3A_275 : vector<16xi1>, vector<16xf32>
          %add3A_277 = arith.constant 4 : i32
          %add3A_278 = vector.broadcast %add3A_277 : i32 to vector<16xi32>
          %add3A_279 = arith.addi %mul3A_219, %add3A_278 : vector<16xi32>
          tpu.vector_store_idx %arg11[%shift_right_arithmetic3A_213, %add3A_279], %select_n3A_276 masked %and3A_211 : memref<256x256xf32, #tpu.memory_space<vmem>>[vector<16xi32>, vector<16xi32>], vector<16xf32>, vector<16xi1>
          %broadcast_in_dim3A_280 = arith.constant 0 : i32
          %broadcast_in_dim3A_281 = vector.broadcast %broadcast_in_dim3A_280 : i32 to vector<16xi32>
          %add3A_282 = arith.constant 5 : i32
          %add3A_283 = vector.broadcast %add3A_282 : i32 to vector<16xi32>
          %add3A_284 = arith.addi %broadcast_in_dim3A_281, %add3A_283 : vector<16xi32>
          %gather3A_285 = tpu.vector_load_idx %arg10[%max3A_209, %add3A_284] masked %gt3A_203 : memref<1024x32xf32, #tpu.memory_space<vmem>>[vector<16xi32>, vector<16xi32>], vector<16xf32>, vector<16xi1>
          %jit3A_286 = arith.constant 0.000000e+00 : f32
          %broadcast_in_dim3A_287 = vector.broadcast %jit3A_286 : f32 to vector<16xf32>
          %select_n3A_288 = arith.select %gt3A_203, %gather3A_285, %broadcast_in_dim3A_287 : vector<16xi1>, vector<16xf32>
          %add3A_289 = arith.constant 5 : i32
          %add3A_290 = vector.broadcast %add3A_289 : i32 to vector<16xi32>
          %add3A_291 = arith.addi %mul3A_219, %add3A_290 : vector<16xi32>
          tpu.vector_store_idx %arg11[%shift_right_arithmetic3A_213, %add3A_291], %select_n3A_288 masked %and3A_211 : memref<256x256xf32, #tpu.memory_space<vmem>>[vector<16xi32>, vector<16xi32>], vector<16xf32>, vector<16xi1>
          %broadcast_in_dim3A_292 = arith.constant 0 : i32
          %broadcast_in_dim3A_293 = vector.broadcast %broadcast_in_dim3A_292 : i32 to vector<16xi32>
          %add3A_294 = arith.constant 6 : i32
          %add3A_295 = vector.broadcast %add3A_294 : i32 to vector<16xi32>
          %add3A_296 = arith.addi %broadcast_in_dim3A_293, %add3A_295 : vector<16xi32>
          %gather3A_297 = tpu.vector_load_idx %arg10[%max3A_209, %add3A_296] masked %gt3A_203 : memref<1024x32xf32, #tpu.memory_space<vmem>>[vector<16xi32>, vector<16xi32>], vector<16xf32>, vector<16xi1>
          %jit3A_298 = arith.constant 0.000000e+00 : f32
          %broadcast_in_dim3A_299 = vector.broadcast %jit3A_298 : f32 to vector<16xf32>
          %select_n3A_300 = arith.select %gt3A_203, %gather3A_297, %broadcast_in_dim3A_299 : vector<16xi1>, vector<16xf32>
          %add3A_301 = arith.constant 6 : i32
          %add3A_302 = vector.broadcast %add3A_301 : i32 to vector<16xi32>
          %add3A_303 = arith.addi %mul3A_219, %add3A_302 : vector<16xi32>
          tpu.vector_store_idx %arg11[%shift_right_arithmetic3A_213, %add3A_303], %select_n3A_300 masked %and3A_211 : memref<256x256xf32, #tpu.memory_space<vmem>>[vector<16xi32>, vector<16xi32>], vector<16xf32>, vector<16xi1>
          %broadcast_in_dim3A_304 = arith.constant 0 : i32
          %broadcast_in_dim3A_305 = vector.broadcast %broadcast_in_dim3A_304 : i32 to vector<16xi32>
          %add3A_306 = arith.constant 7 : i32
          %add3A_307 = vector.broadcast %add3A_306 : i32 to vector<16xi32>
          %add3A_308 = arith.addi %broadcast_in_dim3A_305, %add3A_307 : vector<16xi32>
          %gather3A_309 = tpu.vector_load_idx %arg10[%max3A_209, %add3A_308] masked %gt3A_203 : memref<1024x32xf32, #tpu.memory_space<vmem>>[vector<16xi32>, vector<16xi32>], vector<16xf32>, vector<16xi1>
          %jit3A_310 = arith.constant 0.000000e+00 : f32
          %broadcast_in_dim3A_311 = vector.broadcast %jit3A_310 : f32 to vector<16xf32>
          %select_n3A_312 = arith.select %gt3A_203, %gather3A_309, %broadcast_in_dim3A_311 : vector<16xi1>, vector<16xf32>
          %add3A_313 = arith.constant 7 : i32
          %add3A_314 = vector.broadcast %add3A_313 : i32 to vector<16xi32>
          %add3A_315 = arith.addi %mul3A_219, %add3A_314 : vector<16xi32>
          tpu.vector_store_idx %arg11[%shift_right_arithmetic3A_213, %add3A_315], %select_n3A_312 masked %and3A_211 : memref<256x256xf32, #tpu.memory_space<vmem>>[vector<16xi32>, vector<16xi32>], vector<16xf32>, vector<16xi1>
          %broadcast_in_dim3A_316 = arith.constant 0 : i32
          %broadcast_in_dim3A_317 = vector.broadcast %broadcast_in_dim3A_316 : i32 to vector<16xi32>
          %add3A_318 = arith.constant 8 : i32
          %add3A_319 = vector.broadcast %add3A_318 : i32 to vector<16xi32>
          %add3A_320 = arith.addi %broadcast_in_dim3A_317, %add3A_319 : vector<16xi32>
          %gather3A_321 = tpu.vector_load_idx %arg10[%max3A_209, %add3A_320] masked %gt3A_203 : memref<1024x32xf32, #tpu.memory_space<vmem>>[vector<16xi32>, vector<16xi32>], vector<16xf32>, vector<16xi1>
          %jit3A_322 = arith.constant 0.000000e+00 : f32
          %broadcast_in_dim3A_323 = vector.broadcast %jit3A_322 : f32 to vector<16xf32>
          %select_n3A_324 = arith.select %gt3A_203, %gather3A_321, %broadcast_in_dim3A_323 : vector<16xi1>, vector<16xf32>
          %add3A_325 = arith.constant 8 : i32
          %add3A_326 = vector.broadcast %add3A_325 : i32 to vector<16xi32>
          %add3A_327 = arith.addi %mul3A_219, %add3A_326 : vector<16xi32>
          tpu.vector_store_idx %arg11[%shift_right_arithmetic3A_213, %add3A_327], %select_n3A_324 masked %and3A_211 : memref<256x256xf32, #tpu.memory_space<vmem>>[vector<16xi32>, vector<16xi32>], vector<16xf32>, vector<16xi1>
          %broadcast_in_dim3A_328 = arith.constant 0 : i32
          %broadcast_in_dim3A_329 = vector.broadcast %broadcast_in_dim3A_328 : i32 to vector<16xi32>
          %add3A_330 = arith.constant 9 : i32
          %add3A_331 = vector.broadcast %add3A_330 : i32 to vector<16xi32>
          %add3A_332 = arith.addi %broadcast_in_dim3A_329, %add3A_331 : vector<16xi32>
          %gather3A_333 = tpu.vector_load_idx %arg10[%max3A_209, %add3A_332] masked %gt3A_203 : memref<1024x32xf32, #tpu.memory_space<vmem>>[vector<16xi32>, vector<16xi32>], vector<16xf32>, vector<16xi1>
          %jit3A_334 = arith.constant 0.000000e+00 : f32
          %broadcast_in_dim3A_335 = vector.broadcast %jit3A_334 : f32 to vector<16xf32>
          %select_n3A_336 = arith.select %gt3A_203, %gather3A_333, %broadcast_in_dim3A_335 : vector<16xi1>, vector<16xf32>
          %add3A_337 = arith.constant 9 : i32
          %add3A_338 = vector.broadcast %add3A_337 : i32 to vector<16xi32>
          %add3A_339 = arith.addi %mul3A_219, %add3A_338 : vector<16xi32>
          tpu.vector_store_idx %arg11[%shift_right_arithmetic3A_213, %add3A_339], %select_n3A_336 masked %and3A_211 : memref<256x256xf32, #tpu.memory_space<vmem>>[vector<16xi32>, vector<16xi32>], vector<16xf32>, vector<16xi1>
          %broadcast_in_dim3A_340 = arith.constant 0 : i32
          %broadcast_in_dim3A_341 = vector.broadcast %broadcast_in_dim3A_340 : i32 to vector<16xi32>
          %add3A_342 = arith.constant 10 : i32
          %add3A_343 = vector.broadcast %add3A_342 : i32 to vector<16xi32>
          %add3A_344 = arith.addi %broadcast_in_dim3A_341, %add3A_343 : vector<16xi32>
          %gather3A_345 = tpu.vector_load_idx %arg10[%max3A_209, %add3A_344] masked %gt3A_203 : memref<1024x32xf32, #tpu.memory_space<vmem>>[vector<16xi32>, vector<16xi32>], vector<16xf32>, vector<16xi1>
          %jit3A_346 = arith.constant 0.000000e+00 : f32
          %broadcast_in_dim3A_347 = vector.broadcast %jit3A_346 : f32 to vector<16xf32>
          %select_n3A_348 = arith.select %gt3A_203, %gather3A_345, %broadcast_in_dim3A_347 : vector<16xi1>, vector<16xf32>
          %add3A_349 = arith.constant 10 : i32
          %add3A_350 = vector.broadcast %add3A_349 : i32 to vector<16xi32>
          %add3A_351 = arith.addi %mul3A_219, %add3A_350 : vector<16xi32>
          tpu.vector_store_idx %arg11[%shift_right_arithmetic3A_213, %add3A_351], %select_n3A_348 masked %and3A_211 : memref<256x256xf32, #tpu.memory_space<vmem>>[vector<16xi32>, vector<16xi32>], vector<16xf32>, vector<16xi1>
          %broadcast_in_dim3A_352 = arith.constant 0 : i32
          %broadcast_in_dim3A_353 = vector.broadcast %broadcast_in_dim3A_352 : i32 to vector<16xi32>
          %add3A_354 = arith.constant 11 : i32
          %add3A_355 = vector.broadcast %add3A_354 : i32 to vector<16xi32>
          %add3A_356 = arith.addi %broadcast_in_dim3A_353, %add3A_355 : vector<16xi32>
          %gather3A_357 = tpu.vector_load_idx %arg10[%max3A_209, %add3A_356] masked %gt3A_203 : memref<1024x32xf32, #tpu.memory_space<vmem>>[vector<16xi32>, vector<16xi32>], vector<16xf32>, vector<16xi1>
          %jit3A_358 = arith.constant 0.000000e+00 : f32
          %broadcast_in_dim3A_359 = vector.broadcast %jit3A_358 : f32 to vector<16xf32>
          %select_n3A_360 = arith.select %gt3A_203, %gather3A_357, %broadcast_in_dim3A_359 : vector<16xi1>, vector<16xf32>
          %add3A_361 = arith.constant 11 : i32
          %add3A_362 = vector.broadcast %add3A_361 : i32 to vector<16xi32>
          %add3A_363 = arith.addi %mul3A_219, %add3A_362 : vector<16xi32>
          tpu.vector_store_idx %arg11[%shift_right_arithmetic3A_213, %add3A_363], %select_n3A_360 masked %and3A_211 : memref<256x256xf32, #tpu.memory_space<vmem>>[vector<16xi32>, vector<16xi32>], vector<16xf32>, vector<16xi1>
          %broadcast_in_dim3A_364 = arith.constant 0 : i32
          %broadcast_in_dim3A_365 = vector.broadcast %broadcast_in_dim3A_364 : i32 to vector<16xi32>
          %add3A_366 = arith.constant 12 : i32
          %add3A_367 = vector.broadcast %add3A_366 : i32 to vector<16xi32>
          %add3A_368 = arith.addi %broadcast_in_dim3A_365, %add3A_367 : vector<16xi32>
          %gather3A_369 = tpu.vector_load_idx %arg10[%max3A_209, %add3A_368] masked %gt3A_203 : memref<1024x32xf32, #tpu.memory_space<vmem>>[vector<16xi32>, vector<16xi32>], vector<16xf32>, vector<16xi1>
          %jit3A_370 = arith.constant 0.000000e+00 : f32
          %broadcast_in_dim3A_371 = vector.broadcast %jit3A_370 : f32 to vector<16xf32>
          %select_n3A_372 = arith.select %gt3A_203, %gather3A_369, %broadcast_in_dim3A_371 : vector<16xi1>, vector<16xf32>
          %add3A_373 = arith.constant 12 : i32
          %add3A_374 = vector.broadcast %add3A_373 : i32 to vector<16xi32>
          %add3A_375 = arith.addi %mul3A_219, %add3A_374 : vector<16xi32>
          tpu.vector_store_idx %arg11[%shift_right_arithmetic3A_213, %add3A_375], %select_n3A_372 masked %and3A_211 : memref<256x256xf32, #tpu.memory_space<vmem>>[vector<16xi32>, vector<16xi32>], vector<16xf32>, vector<16xi1>
          %broadcast_in_dim3A_376 = arith.constant 0 : i32
          %broadcast_in_dim3A_377 = vector.broadcast %broadcast_in_dim3A_376 : i32 to vector<16xi32>
          %add3A_378 = arith.constant 13 : i32
          %add3A_379 = vector.broadcast %add3A_378 : i32 to vector<16xi32>
          %add3A_380 = arith.addi %broadcast_in_dim3A_377, %add3A_379 : vector<16xi32>
          %gather3A_381 = tpu.vector_load_idx %arg10[%max3A_209, %add3A_380] masked %gt3A_203 : memref<1024x32xf32, #tpu.memory_space<vmem>>[vector<16xi32>, vector<16xi32>], vector<16xf32>, vector<16xi1>
          %jit3A_382 = arith.constant 0.000000e+00 : f32
          %broadcast_in_dim3A_383 = vector.broadcast %jit3A_382 : f32 to vector<16xf32>
          %select_n3A_384 = arith.select %gt3A_203, %gather3A_381, %broadcast_in_dim3A_383 : vector<16xi1>, vector<16xf32>
          %add3A_385 = arith.constant 13 : i32
          %add3A_386 = vector.broadcast %add3A_385 : i32 to vector<16xi32>
          %add3A_387 = arith.addi %mul3A_219, %add3A_386 : vector<16xi32>
          tpu.vector_store_idx %arg11[%shift_right_arithmetic3A_213, %add3A_387], %select_n3A_384 masked %and3A_211 : memref<256x256xf32, #tpu.memory_space<vmem>>[vector<16xi32>, vector<16xi32>], vector<16xf32>, vector<16xi1>
          %broadcast_in_dim3A_388 = arith.constant 0 : i32
          %broadcast_in_dim3A_389 = vector.broadcast %broadcast_in_dim3A_388 : i32 to vector<16xi32>
          %add3A_390 = arith.constant 14 : i32
          %add3A_391 = vector.broadcast %add3A_390 : i32 to vector<16xi32>
          %add3A_392 = arith.addi %broadcast_in_dim3A_389, %add3A_391 : vector<16xi32>
          %gather3A_393 = tpu.vector_load_idx %arg10[%max3A_209, %add3A_392] masked %gt3A_203 : memref<1024x32xf32, #tpu.memory_space<vmem>>[vector<16xi32>, vector<16xi32>], vector<16xf32>, vector<16xi1>
          %jit3A_394 = arith.constant 0.000000e+00 : f32
          %broadcast_in_dim3A_395 = vector.broadcast %jit3A_394 : f32 to vector<16xf32>
          %select_n3A_396 = arith.select %gt3A_203, %gather3A_393, %broadcast_in_dim3A_395 : vector<16xi1>, vector<16xf32>
          %add3A_397 = arith.constant 14 : i32
          %add3A_398 = vector.broadcast %add3A_397 : i32 to vector<16xi32>
          %add3A_399 = arith.addi %mul3A_219, %add3A_398 : vector<16xi32>
          tpu.vector_store_idx %arg11[%shift_right_arithmetic3A_213, %add3A_399], %select_n3A_396 masked %and3A_211 : memref<256x256xf32, #tpu.memory_space<vmem>>[vector<16xi32>, vector<16xi32>], vector<16xf32>, vector<16xi1>
          %broadcast_in_dim3A_400 = arith.constant 0 : i32
          %broadcast_in_dim3A_401 = vector.broadcast %broadcast_in_dim3A_400 : i32 to vector<16xi32>
          %add3A_402 = arith.constant 15 : i32
          %add3A_403 = vector.broadcast %add3A_402 : i32 to vector<16xi32>
          %add3A_404 = arith.addi %broadcast_in_dim3A_401, %add3A_403 : vector<16xi32>
          %gather3A_405 = tpu.vector_load_idx %arg10[%max3A_209, %add3A_404] masked %gt3A_203 : memref<1024x32xf32, #tpu.memory_space<vmem>>[vector<16xi32>, vector<16xi32>], vector<16xf32>, vector<16xi1>
          %jit3A_406 = arith.constant 0.000000e+00 : f32
          %broadcast_in_dim3A_407 = vector.broadcast %jit3A_406 : f32 to vector<16xf32>
          %select_n3A_408 = arith.select %gt3A_203, %gather3A_405, %broadcast_in_dim3A_407 : vector<16xi1>, vector<16xf32>
          %add3A_409 = arith.constant 15 : i32
          %add3A_410 = vector.broadcast %add3A_409 : i32 to vector<16xi32>
          %add3A_411 = arith.addi %mul3A_219, %add3A_410 : vector<16xi32>
          tpu.vector_store_idx %arg11[%shift_right_arithmetic3A_213, %add3A_411], %select_n3A_408 masked %and3A_211 : memref<256x256xf32, #tpu.memory_space<vmem>>[vector<16xi32>, vector<16xi32>], vector<16xf32>, vector<16xi1>
          %broadcast_in_dim3A_412 = arith.constant 0 : i32
          %broadcast_in_dim3A_413 = vector.broadcast %broadcast_in_dim3A_412 : i32 to vector<16xi32>
          %add3A_414 = arith.constant 16 : i32
          %add3A_415 = vector.broadcast %add3A_414 : i32 to vector<16xi32>
          %add3A_416 = arith.addi %broadcast_in_dim3A_413, %add3A_415 : vector<16xi32>
          %gather3A_417 = tpu.vector_load_idx %arg10[%max3A_209, %add3A_416] masked %gt3A_203 : memref<1024x32xf32, #tpu.memory_space<vmem>>[vector<16xi32>, vector<16xi32>], vector<16xf32>, vector<16xi1>
          %jit3A_418 = arith.constant 0.000000e+00 : f32
          %broadcast_in_dim3A_419 = vector.broadcast %jit3A_418 : f32 to vector<16xf32>
          %select_n3A_420 = arith.select %gt3A_203, %gather3A_417, %broadcast_in_dim3A_419 : vector<16xi1>, vector<16xf32>
          %add3A_421 = arith.constant 16 : i32
          %add3A_422 = vector.broadcast %add3A_421 : i32 to vector<16xi32>
          %add3A_423 = arith.addi %mul3A_219, %add3A_422 : vector<16xi32>
          tpu.vector_store_idx %arg11[%shift_right_arithmetic3A_213, %add3A_423], %select_n3A_420 masked %and3A_211 : memref<256x256xf32, #tpu.memory_space<vmem>>[vector<16xi32>, vector<16xi32>], vector<16xf32>, vector<16xi1>
          %broadcast_in_dim3A_424 = arith.constant 0 : i32
          %broadcast_in_dim3A_425 = vector.broadcast %broadcast_in_dim3A_424 : i32 to vector<16xi32>
          %add3A_426 = arith.constant 17 : i32
          %add3A_427 = vector.broadcast %add3A_426 : i32 to vector<16xi32>
          %add3A_428 = arith.addi %broadcast_in_dim3A_425, %add3A_427 : vector<16xi32>
          %gather3A_429 = tpu.vector_load_idx %arg10[%max3A_209, %add3A_428] masked %gt3A_203 : memref<1024x32xf32, #tpu.memory_space<vmem>>[vector<16xi32>, vector<16xi32>], vector<16xf32>, vector<16xi1>
          %jit3A_430 = arith.constant 0.000000e+00 : f32
          %broadcast_in_dim3A_431 = vector.broadcast %jit3A_430 : f32 to vector<16xf32>
          %select_n3A_432 = arith.select %gt3A_203, %gather3A_429, %broadcast_in_dim3A_431 : vector<16xi1>, vector<16xf32>
          %add3A_433 = arith.constant 17 : i32
          %add3A_434 = vector.broadcast %add3A_433 : i32 to vector<16xi32>
          %add3A_435 = arith.addi %mul3A_219, %add3A_434 : vector<16xi32>
          tpu.vector_store_idx %arg11[%shift_right_arithmetic3A_213, %add3A_435], %select_n3A_432 masked %and3A_211 : memref<256x256xf32, #tpu.memory_space<vmem>>[vector<16xi32>, vector<16xi32>], vector<16xf32>, vector<16xi1>
          %broadcast_in_dim3A_436 = arith.constant 0 : i32
          %broadcast_in_dim3A_437 = vector.broadcast %broadcast_in_dim3A_436 : i32 to vector<16xi32>
          %add3A_438 = arith.constant 18 : i32
          %add3A_439 = vector.broadcast %add3A_438 : i32 to vector<16xi32>
          %add3A_440 = arith.addi %broadcast_in_dim3A_437, %add3A_439 : vector<16xi32>
          %gather3A_441 = tpu.vector_load_idx %arg10[%max3A_209, %add3A_440] masked %gt3A_203 : memref<1024x32xf32, #tpu.memory_space<vmem>>[vector<16xi32>, vector<16xi32>], vector<16xf32>, vector<16xi1>
          %jit3A_442 = arith.constant 0.000000e+00 : f32
          %broadcast_in_dim3A_443 = vector.broadcast %jit3A_442 : f32 to vector<16xf32>
          %select_n3A_444 = arith.select %gt3A_203, %gather3A_441, %broadcast_in_dim3A_443 : vector<16xi1>, vector<16xf32>
          %add3A_445 = arith.constant 18 : i32
          %add3A_446 = vector.broadcast %add3A_445 : i32 to vector<16xi32>
          %add3A_447 = arith.addi %mul3A_219, %add3A_446 : vector<16xi32>
          tpu.vector_store_idx %arg11[%shift_right_arithmetic3A_213, %add3A_447], %select_n3A_444 masked %and3A_211 : memref<256x256xf32, #tpu.memory_space<vmem>>[vector<16xi32>, vector<16xi32>], vector<16xf32>, vector<16xi1>
          %broadcast_in_dim3A_448 = arith.constant 0 : i32
          %broadcast_in_dim3A_449 = vector.broadcast %broadcast_in_dim3A_448 : i32 to vector<16xi32>
          %add3A_450 = arith.constant 19 : i32
          %add3A_451 = vector.broadcast %add3A_450 : i32 to vector<16xi32>
          %add3A_452 = arith.addi %broadcast_in_dim3A_449, %add3A_451 : vector<16xi32>
          %gather3A_453 = tpu.vector_load_idx %arg10[%max3A_209, %add3A_452] masked %gt3A_203 : memref<1024x32xf32, #tpu.memory_space<vmem>>[vector<16xi32>, vector<16xi32>], vector<16xf32>, vector<16xi1>
          %jit3A_454 = arith.constant 0.000000e+00 : f32
          %broadcast_in_dim3A_455 = vector.broadcast %jit3A_454 : f32 to vector<16xf32>
          %select_n3A_456 = arith.select %gt3A_203, %gather3A_453, %broadcast_in_dim3A_455 : vector<16xi1>, vector<16xf32>
          %add3A_457 = arith.constant 19 : i32
          %add3A_458 = vector.broadcast %add3A_457 : i32 to vector<16xi32>
          %add3A_459 = arith.addi %mul3A_219, %add3A_458 : vector<16xi32>
          tpu.vector_store_idx %arg11[%shift_right_arithmetic3A_213, %add3A_459], %select_n3A_456 masked %and3A_211 : memref<256x256xf32, #tpu.memory_space<vmem>>[vector<16xi32>, vector<16xi32>], vector<16xf32>, vector<16xi1>
          %broadcast_in_dim3A_460 = arith.constant 0 : i32
          %broadcast_in_dim3A_461 = vector.broadcast %broadcast_in_dim3A_460 : i32 to vector<16xi32>
          %add3A_462 = arith.constant 20 : i32
          %add3A_463 = vector.broadcast %add3A_462 : i32 to vector<16xi32>
          %add3A_464 = arith.addi %broadcast_in_dim3A_461, %add3A_463 : vector<16xi32>
          %gather3A_465 = tpu.vector_load_idx %arg10[%max3A_209, %add3A_464] masked %gt3A_203 : memref<1024x32xf32, #tpu.memory_space<vmem>>[vector<16xi32>, vector<16xi32>], vector<16xf32>, vector<16xi1>
          %jit3A_466 = arith.constant 0.000000e+00 : f32
          %broadcast_in_dim3A_467 = vector.broadcast %jit3A_466 : f32 to vector<16xf32>
          %select_n3A_468 = arith.select %gt3A_203, %gather3A_465, %broadcast_in_dim3A_467 : vector<16xi1>, vector<16xf32>
          %add3A_469 = arith.constant 20 : i32
          %add3A_470 = vector.broadcast %add3A_469 : i32 to vector<16xi32>
          %add3A_471 = arith.addi %mul3A_219, %add3A_470 : vector<16xi32>
          tpu.vector_store_idx %arg11[%shift_right_arithmetic3A_213, %add3A_471], %select_n3A_468 masked %and3A_211 : memref<256x256xf32, #tpu.memory_space<vmem>>[vector<16xi32>, vector<16xi32>], vector<16xf32>, vector<16xi1>
          %broadcast_in_dim3A_472 = arith.constant 0 : i32
          %broadcast_in_dim3A_473 = vector.broadcast %broadcast_in_dim3A_472 : i32 to vector<16xi32>
          %add3A_474 = arith.constant 21 : i32
          %add3A_475 = vector.broadcast %add3A_474 : i32 to vector<16xi32>
          %add3A_476 = arith.addi %broadcast_in_dim3A_473, %add3A_475 : vector<16xi32>
          %gather3A_477 = tpu.vector_load_idx %arg10[%max3A_209, %add3A_476] masked %gt3A_203 : memref<1024x32xf32, #tpu.memory_space<vmem>>[vector<16xi32>, vector<16xi32>], vector<16xf32>, vector<16xi1>
          %jit3A_478 = arith.constant 0.000000e+00 : f32
          %broadcast_in_dim3A_479 = vector.broadcast %jit3A_478 : f32 to vector<16xf32>
          %select_n3A_480 = arith.select %gt3A_203, %gather3A_477, %broadcast_in_dim3A_479 : vector<16xi1>, vector<16xf32>
          %add3A_481 = arith.constant 21 : i32
          %add3A_482 = vector.broadcast %add3A_481 : i32 to vector<16xi32>
          %add3A_483 = arith.addi %mul3A_219, %add3A_482 : vector<16xi32>
          tpu.vector_store_idx %arg11[%shift_right_arithmetic3A_213, %add3A_483], %select_n3A_480 masked %and3A_211 : memref<256x256xf32, #tpu.memory_space<vmem>>[vector<16xi32>, vector<16xi32>], vector<16xf32>, vector<16xi1>
          %broadcast_in_dim3A_484 = arith.constant 0 : i32
          %broadcast_in_dim3A_485 = vector.broadcast %broadcast_in_dim3A_484 : i32 to vector<16xi32>
          %add3A_486 = arith.constant 22 : i32
          %add3A_487 = vector.broadcast %add3A_486 : i32 to vector<16xi32>
          %add3A_488 = arith.addi %broadcast_in_dim3A_485, %add3A_487 : vector<16xi32>
          %gather3A_489 = tpu.vector_load_idx %arg10[%max3A_209, %add3A_488] masked %gt3A_203 : memref<1024x32xf32, #tpu.memory_space<vmem>>[vector<16xi32>, vector<16xi32>], vector<16xf32>, vector<16xi1>
          %jit3A_490 = arith.constant 0.000000e+00 : f32
          %broadcast_in_dim3A_491 = vector.broadcast %jit3A_490 : f32 to vector<16xf32>
          %select_n3A_492 = arith.select %gt3A_203, %gather3A_489, %broadcast_in_dim3A_491 : vector<16xi1>, vector<16xf32>
          %add3A_493 = arith.constant 22 : i32
          %add3A_494 = vector.broadcast %add3A_493 : i32 to vector<16xi32>
          %add3A_495 = arith.addi %mul3A_219, %add3A_494 : vector<16xi32>
          tpu.vector_store_idx %arg11[%shift_right_arithmetic3A_213, %add3A_495], %select_n3A_492 masked %and3A_211 : memref<256x256xf32, #tpu.memory_space<vmem>>[vector<16xi32>, vector<16xi32>], vector<16xf32>, vector<16xi1>
          %broadcast_in_dim3A_496 = arith.constant 0 : i32
          %broadcast_in_dim3A_497 = vector.broadcast %broadcast_in_dim3A_496 : i32 to vector<16xi32>
          %add3A_498 = arith.constant 23 : i32
          %add3A_499 = vector.broadcast %add3A_498 : i32 to vector<16xi32>
          %add3A_500 = arith.addi %broadcast_in_dim3A_497, %add3A_499 : vector<16xi32>
          %gather3A_501 = tpu.vector_load_idx %arg10[%max3A_209, %add3A_500] masked %gt3A_203 : memref<1024x32xf32, #tpu.memory_space<vmem>>[vector<16xi32>, vector<16xi32>], vector<16xf32>, vector<16xi1>
          %jit3A_502 = arith.constant 0.000000e+00 : f32
          %broadcast_in_dim3A_503 = vector.broadcast %jit3A_502 : f32 to vector<16xf32>
          %select_n3A_504 = arith.select %gt3A_203, %gather3A_501, %broadcast_in_dim3A_503 : vector<16xi1>, vector<16xf32>
          %add3A_505 = arith.constant 23 : i32
          %add3A_506 = vector.broadcast %add3A_505 : i32 to vector<16xi32>
          %add3A_507 = arith.addi %mul3A_219, %add3A_506 : vector<16xi32>
          tpu.vector_store_idx %arg11[%shift_right_arithmetic3A_213, %add3A_507], %select_n3A_504 masked %and3A_211 : memref<256x256xf32, #tpu.memory_space<vmem>>[vector<16xi32>, vector<16xi32>], vector<16xf32>, vector<16xi1>
          %broadcast_in_dim3A_508 = arith.constant 0 : i32
          %broadcast_in_dim3A_509 = vector.broadcast %broadcast_in_dim3A_508 : i32 to vector<16xi32>
          %add3A_510 = arith.constant 24 : i32
          %add3A_511 = vector.broadcast %add3A_510 : i32 to vector<16xi32>
          %add3A_512 = arith.addi %broadcast_in_dim3A_509, %add3A_511 : vector<16xi32>
          %gather3A_513 = tpu.vector_load_idx %arg10[%max3A_209, %add3A_512] masked %gt3A_203 : memref<1024x32xf32, #tpu.memory_space<vmem>>[vector<16xi32>, vector<16xi32>], vector<16xf32>, vector<16xi1>
          %jit3A_514 = arith.constant 0.000000e+00 : f32
          %broadcast_in_dim3A_515 = vector.broadcast %jit3A_514 : f32 to vector<16xf32>
          %select_n3A_516 = arith.select %gt3A_203, %gather3A_513, %broadcast_in_dim3A_515 : vector<16xi1>, vector<16xf32>
          %add3A_517 = arith.constant 24 : i32
          %add3A_518 = vector.broadcast %add3A_517 : i32 to vector<16xi32>
          %add3A_519 = arith.addi %mul3A_219, %add3A_518 : vector<16xi32>
          tpu.vector_store_idx %arg11[%shift_right_arithmetic3A_213, %add3A_519], %select_n3A_516 masked %and3A_211 : memref<256x256xf32, #tpu.memory_space<vmem>>[vector<16xi32>, vector<16xi32>], vector<16xf32>, vector<16xi1>
          %broadcast_in_dim3A_520 = arith.constant 0 : i32
          %broadcast_in_dim3A_521 = vector.broadcast %broadcast_in_dim3A_520 : i32 to vector<16xi32>
          %add3A_522 = arith.constant 25 : i32
          %add3A_523 = vector.broadcast %add3A_522 : i32 to vector<16xi32>
          %add3A_524 = arith.addi %broadcast_in_dim3A_521, %add3A_523 : vector<16xi32>
          %gather3A_525 = tpu.vector_load_idx %arg10[%max3A_209, %add3A_524] masked %gt3A_203 : memref<1024x32xf32, #tpu.memory_space<vmem>>[vector<16xi32>, vector<16xi32>], vector<16xf32>, vector<16xi1>
          %jit3A_526 = arith.constant 0.000000e+00 : f32
          %broadcast_in_dim3A_527 = vector.broadcast %jit3A_526 : f32 to vector<16xf32>
          %select_n3A_528 = arith.select %gt3A_203, %gather3A_525, %broadcast_in_dim3A_527 : vector<16xi1>, vector<16xf32>
          %add3A_529 = arith.constant 25 : i32
          %add3A_530 = vector.broadcast %add3A_529 : i32 to vector<16xi32>
          %add3A_531 = arith.addi %mul3A_219, %add3A_530 : vector<16xi32>
          tpu.vector_store_idx %arg11[%shift_right_arithmetic3A_213, %add3A_531], %select_n3A_528 masked %and3A_211 : memref<256x256xf32, #tpu.memory_space<vmem>>[vector<16xi32>, vector<16xi32>], vector<16xf32>, vector<16xi1>
          %broadcast_in_dim3A_532 = arith.constant 0 : i32
          %broadcast_in_dim3A_533 = vector.broadcast %broadcast_in_dim3A_532 : i32 to vector<16xi32>
          %add3A_534 = arith.constant 26 : i32
          %add3A_535 = vector.broadcast %add3A_534 : i32 to vector<16xi32>
          %add3A_536 = arith.addi %broadcast_in_dim3A_533, %add3A_535 : vector<16xi32>
          %gather3A_537 = tpu.vector_load_idx %arg10[%max3A_209, %add3A_536] masked %gt3A_203 : memref<1024x32xf32, #tpu.memory_space<vmem>>[vector<16xi32>, vector<16xi32>], vector<16xf32>, vector<16xi1>
          %jit3A_538 = arith.constant 0.000000e+00 : f32
          %broadcast_in_dim3A_539 = vector.broadcast %jit3A_538 : f32 to vector<16xf32>
          %select_n3A_540 = arith.select %gt3A_203, %gather3A_537, %broadcast_in_dim3A_539 : vector<16xi1>, vector<16xf32>
          %add3A_541 = arith.constant 26 : i32
          %add3A_542 = vector.broadcast %add3A_541 : i32 to vector<16xi32>
          %add3A_543 = arith.addi %mul3A_219, %add3A_542 : vector<16xi32>
          tpu.vector_store_idx %arg11[%shift_right_arithmetic3A_213, %add3A_543], %select_n3A_540 masked %and3A_211 : memref<256x256xf32, #tpu.memory_space<vmem>>[vector<16xi32>, vector<16xi32>], vector<16xf32>, vector<16xi1>
          %broadcast_in_dim3A_544 = arith.constant 0 : i32
          %broadcast_in_dim3A_545 = vector.broadcast %broadcast_in_dim3A_544 : i32 to vector<16xi32>
          %add3A_546 = arith.constant 27 : i32
          %add3A_547 = vector.broadcast %add3A_546 : i32 to vector<16xi32>
          %add3A_548 = arith.addi %broadcast_in_dim3A_545, %add3A_547 : vector<16xi32>
          %gather3A_549 = tpu.vector_load_idx %arg10[%max3A_209, %add3A_548] masked %gt3A_203 : memref<1024x32xf32, #tpu.memory_space<vmem>>[vector<16xi32>, vector<16xi32>], vector<16xf32>, vector<16xi1>
          %jit3A_550 = arith.constant 0.000000e+00 : f32
          %broadcast_in_dim3A_551 = vector.broadcast %jit3A_550 : f32 to vector<16xf32>
          %select_n3A_552 = arith.select %gt3A_203, %gather3A_549, %broadcast_in_dim3A_551 : vector<16xi1>, vector<16xf32>
          %add3A_553 = arith.constant 27 : i32
          %add3A_554 = vector.broadcast %add3A_553 : i32 to vector<16xi32>
          %add3A_555 = arith.addi %mul3A_219, %add3A_554 : vector<16xi32>
          tpu.vector_store_idx %arg11[%shift_right_arithmetic3A_213, %add3A_555], %select_n3A_552 masked %and3A_211 : memref<256x256xf32, #tpu.memory_space<vmem>>[vector<16xi32>, vector<16xi32>], vector<16xf32>, vector<16xi1>
          %broadcast_in_dim3A_556 = arith.constant 0 : i32
          %broadcast_in_dim3A_557 = vector.broadcast %broadcast_in_dim3A_556 : i32 to vector<16xi32>
          %add3A_558 = arith.constant 28 : i32
          %add3A_559 = vector.broadcast %add3A_558 : i32 to vector<16xi32>
          %add3A_560 = arith.addi %broadcast_in_dim3A_557, %add3A_559 : vector<16xi32>
          %gather3A_561 = tpu.vector_load_idx %arg10[%max3A_209, %add3A_560] masked %gt3A_203 : memref<1024x32xf32, #tpu.memory_space<vmem>>[vector<16xi32>, vector<16xi32>], vector<16xf32>, vector<16xi1>
          %jit3A_562 = arith.constant 0.000000e+00 : f32
          %broadcast_in_dim3A_563 = vector.broadcast %jit3A_562 : f32 to vector<16xf32>
          %select_n3A_564 = arith.select %gt3A_203, %gather3A_561, %broadcast_in_dim3A_563 : vector<16xi1>, vector<16xf32>
          %add3A_565 = arith.constant 28 : i32
          %add3A_566 = vector.broadcast %add3A_565 : i32 to vector<16xi32>
          %add3A_567 = arith.addi %mul3A_219, %add3A_566 : vector<16xi32>
          tpu.vector_store_idx %arg11[%shift_right_arithmetic3A_213, %add3A_567], %select_n3A_564 masked %and3A_211 : memref<256x256xf32, #tpu.memory_space<vmem>>[vector<16xi32>, vector<16xi32>], vector<16xf32>, vector<16xi1>
          %broadcast_in_dim3A_568 = arith.constant 0 : i32
          %broadcast_in_dim3A_569 = vector.broadcast %broadcast_in_dim3A_568 : i32 to vector<16xi32>
          %add3A_570 = arith.constant 29 : i32
          %add3A_571 = vector.broadcast %add3A_570 : i32 to vector<16xi32>
          %add3A_572 = arith.addi %broadcast_in_dim3A_569, %add3A_571 : vector<16xi32>
          %gather3A_573 = tpu.vector_load_idx %arg10[%max3A_209, %add3A_572] masked %gt3A_203 : memref<1024x32xf32, #tpu.memory_space<vmem>>[vector<16xi32>, vector<16xi32>], vector<16xf32>, vector<16xi1>
          %jit3A_574 = arith.constant 0.000000e+00 : f32
          %broadcast_in_dim3A_575 = vector.broadcast %jit3A_574 : f32 to vector<16xf32>
          %select_n3A_576 = arith.select %gt3A_203, %gather3A_573, %broadcast_in_dim3A_575 : vector<16xi1>, vector<16xf32>
          %add3A_577 = arith.constant 29 : i32
          %add3A_578 = vector.broadcast %add3A_577 : i32 to vector<16xi32>
          %add3A_579 = arith.addi %mul3A_219, %add3A_578 : vector<16xi32>
          tpu.vector_store_idx %arg11[%shift_right_arithmetic3A_213, %add3A_579], %select_n3A_576 masked %and3A_211 : memref<256x256xf32, #tpu.memory_space<vmem>>[vector<16xi32>, vector<16xi32>], vector<16xf32>, vector<16xi1>
          %broadcast_in_dim3A_580 = arith.constant 0 : i32
          %broadcast_in_dim3A_581 = vector.broadcast %broadcast_in_dim3A_580 : i32 to vector<16xi32>
          %add3A_582 = arith.constant 30 : i32
          %add3A_583 = vector.broadcast %add3A_582 : i32 to vector<16xi32>
          %add3A_584 = arith.addi %broadcast_in_dim3A_581, %add3A_583 : vector<16xi32>
          %gather3A_585 = tpu.vector_load_idx %arg10[%max3A_209, %add3A_584] masked %gt3A_203 : memref<1024x32xf32, #tpu.memory_space<vmem>>[vector<16xi32>, vector<16xi32>], vector<16xf32>, vector<16xi1>
          %jit3A_586 = arith.constant 0.000000e+00 : f32
          %broadcast_in_dim3A_587 = vector.broadcast %jit3A_586 : f32 to vector<16xf32>
          %select_n3A_588 = arith.select %gt3A_203, %gather3A_585, %broadcast_in_dim3A_587 : vector<16xi1>, vector<16xf32>
          %add3A_589 = arith.constant 30 : i32
          %add3A_590 = vector.broadcast %add3A_589 : i32 to vector<16xi32>
          %add3A_591 = arith.addi %mul3A_219, %add3A_590 : vector<16xi32>
          tpu.vector_store_idx %arg11[%shift_right_arithmetic3A_213, %add3A_591], %select_n3A_588 masked %and3A_211 : memref<256x256xf32, #tpu.memory_space<vmem>>[vector<16xi32>, vector<16xi32>], vector<16xf32>, vector<16xi1>
          %broadcast_in_dim3A_592 = arith.constant 0 : i32
          %broadcast_in_dim3A_593 = vector.broadcast %broadcast_in_dim3A_592 : i32 to vector<16xi32>
          %add3A_594 = arith.constant 31 : i32
          %add3A_595 = vector.broadcast %add3A_594 : i32 to vector<16xi32>
          %add3A_596 = arith.addi %broadcast_in_dim3A_593, %add3A_595 : vector<16xi32>
          %gather3A_597 = tpu.vector_load_idx %arg10[%max3A_209, %add3A_596] masked %gt3A_203 : memref<1024x32xf32, #tpu.memory_space<vmem>>[vector<16xi32>, vector<16xi32>], vector<16xf32>, vector<16xi1>
          %jit3A_598 = arith.constant 0.000000e+00 : f32
          %broadcast_in_dim3A_599 = vector.broadcast %jit3A_598 : f32 to vector<16xf32>
          %select_n3A_600 = arith.select %gt3A_203, %gather3A_597, %broadcast_in_dim3A_599 : vector<16xi1>, vector<16xf32>
          %add3A_601 = arith.constant 31 : i32
          %add3A_602 = vector.broadcast %add3A_601 : i32 to vector<16xi32>
          %add3A_603 = arith.addi %mul3A_219, %add3A_602 : vector<16xi32>
          tpu.vector_store_idx %arg11[%shift_right_arithmetic3A_213, %add3A_603], %select_n3A_600 masked %and3A_211 : memref<256x256xf32, #tpu.memory_space<vmem>>[vector<16xi32>, vector<16xi32>], vector<16xf32>, vector<16xi1>
        }
        %scan3A_189 = arith.constant 125 : i32
      }
      %while3A_141 = arith.constant 1 : i32
      scf.for %while3A_143 = %while3A_139 to %while3A_135 step %while3A_141  : i32 {
        %mul3A_144 = arith.constant 1024 : i32
        %mul3A_145 = arith.muli %while3A_143, %mul3A_144 : i32
        %add3A_146 = arith.addi %mul3A_102, %mul3A_145 : i32
        %min3A_147 = arith.constant 398976 : i32
        %min3A_148 = arith.minsi %add3A_146, %min3A_147 : i32
        %dma_start3A = tpu.memref_slice %arg2[%min3A_148] : memref<400000xi32, #tpu.memory_space<hbm>> -> memref<1024xi32, #tpu.memory_space<hbm>>
        %dma_start3A_149 = tpu.memref_slice %arg2[%min3A_148] : memref<400000xi32, #tpu.memory_space<hbm>> -> memref<1024xi32, #tpu.memory_space<hbm>>
        tpu.enqueue_dma source(%dma_start3A_149 : memref<1024xi32, #tpu.memory_space<hbm>>) target(%arg8 : memref<1024xi32, #tpu.memory_space<vmem>>) target_semaphore(%arg13 : memref<!tpu.dma_semaphore, #tpu.memory_space<semaphore_mem>>)
        %dma_start3A_150 = tpu.memref_slice %arg3[%min3A_148] : memref<400000xi32, #tpu.memory_space<hbm>> -> memref<1024xi32, #tpu.memory_space<hbm>>
        %dma_start3A_151 = tpu.memref_slice %arg3[%min3A_148] : memref<400000xi32, #tpu.memory_space<hbm>> -> memref<1024xi32, #tpu.memory_space<hbm>>
        tpu.enqueue_dma source(%dma_start3A_151 : memref<1024xi32, #tpu.memory_space<hbm>>) target(%arg9 : memref<1024xi32, #tpu.memory_space<vmem>>) target_semaphore(%arg13 : memref<!tpu.dma_semaphore, #tpu.memory_space<semaphore_mem>>)
        %dma_start3A_152 = arith.constant 0 : i32
        %dma_start3A_153 = tpu.memref_slice %arg4[%min3A_148, %dma_start3A_152] : memref<400000x32xf32, #tpu.memory_space<hbm>> -> memref<1024x32xf32, #tpu.memory_space<hbm>>
        %dma_start3A_154 = arith.constant 0 : i32
        %dma_start3A_155 = tpu.memref_slice %arg4[%min3A_148, %dma_start3A_154] : memref<400000x32xf32, #tpu.memory_space<hbm>> -> memref<1024x32xf32, #tpu.memory_space<hbm>>
        tpu.enqueue_dma source(%dma_start3A_155 : memref<1024x32xf32, #tpu.memory_space<hbm>>) target(%arg10 : memref<1024x32xf32, #tpu.memory_space<vmem>>) target_semaphore(%arg13 : memref<!tpu.dma_semaphore, #tpu.memory_space<semaphore_mem>>)
        %scan3A_156 = arith.constant 0 : i32
        %scan3A_157 = arith.constant 0 : i32
        %scan3A_158 = arith.constant 125 : i32
        %scan3A_159 = arith.addi %scan3A_157, %scan3A_158 : i32
        %scan3A_160 = arith.constant 1 : i32
        scf.for %scan3A_190 = %scan3A_157 to %scan3A_159 step %scan3A_160  : i32 {
          %mul3A_191 = arith.constant 16 : i32
          %mul3A_192 = arith.muli %scan3A_190, %mul3A_191 : i32
          %swap3A = arith.index_cast %mul3A_192 : i32 to index
          %swap3A_193 = tpu.vector_load %arg7[%swap3A] {strides = array<i32>} : memref<2000xi32, #tpu.memory_space<vmem>>, vector<16xi32>,
          tpu.vector_store %arg7[%swap3A], %broadcast_in_dim3A_1 {strides = array<i32>} : memref<2000xi32, #tpu.memory_space<vmem>>, vector<16xi32>,
        }
        %scan3A_161 = arith.constant 125 : i32
        %dma_wait3A_162 = tpu.memref_slice %arg2[%min3A_148] : memref<400000xi32, #tpu.memory_space<hbm>> -> memref<1024xi32, #tpu.memory_space<hbm>>
        %dma_wait3A_163 = tpu.memref_slice %arg2[%min3A_148] : memref<400000xi32, #tpu.memory_space<hbm>> -> memref<1024xi32, #tpu.memory_space<hbm>>
        tpu.wait_dma2 semaphore(%arg13 : memref<!tpu.dma_semaphore, #tpu.memory_space<semaphore_mem>>) src(%dma_wait3A_163 : memref<1024xi32, #tpu.memory_space<hbm>>) dst(%arg8 : memref<1024xi32, #tpu.memory_space<vmem>>)
        %dma_wait3A_164 = tpu.memref_slice %arg3[%min3A_148] : memref<400000xi32, #tpu.memory_space<hbm>> -> memref<1024xi32, #tpu.memory_space<hbm>>
        %dma_wait3A_165 = tpu.memref_slice %arg3[%min3A_148] : memref<400000xi32, #tpu.memory_space<hbm>> -> memref<1024xi32, #tpu.memory_space<hbm>>
        tpu.wait_dma2 semaphore(%arg13 : memref<!tpu.dma_semaphore, #tpu.memory_space<semaphore_mem>>) src(%dma_wait3A_165 : memref<1024xi32, #tpu.memory_space<hbm>>) dst(%arg9 : memref<1024xi32, #tpu.memory_space<vmem>>)
        %dma_wait3A_166 = arith.constant 0 : i32
        %dma_wait3A_167 = tpu.memref_slice %arg4[%min3A_148, %dma_wait3A_166] : memref<400000x32xf32, #tpu.memory_space<hbm>> -> memref<1024x32xf32, #tpu.memory_space<hbm>>
        %dma_wait3A_168 = arith.constant 0 : i32
        %dma_wait3A_169 = tpu.memref_slice %arg4[%min3A_148, %dma_wait3A_168] : memref<400000x32xf32, #tpu.memory_space<hbm>> -> memref<1024x32xf32, #tpu.memory_space<hbm>>
        tpu.wait_dma2 semaphore(%arg13 : memref<!tpu.dma_semaphore, #tpu.memory_space<semaphore_mem>>) src(%dma_wait3A_169 : memref<1024x32xf32, #tpu.memory_space<hbm>>) dst(%arg10 : memref<1024x32xf32, #tpu.memory_space<vmem>>)
        %scan3A_170 = arith.constant 0 : i32
        %scan3A_171 = arith.constant 0 : i32
        %scan3A_172 = arith.constant 64 : i32
        %scan3A_173 = arith.addi %scan3A_171, %scan3A_172 : i32
        %scan3A_174 = arith.constant 1 : i32
        scf.for %scan3A_190 = %scan3A_171 to %scan3A_173 step %scan3A_174  : i32 {
          %mul3A_191 = arith.constant 16 : i32
          %mul3A_192 = arith.muli %scan3A_190, %mul3A_191 : i32
          %get3A = arith.index_cast %mul3A_192 : i32 to index
          %get3A_193 = tpu.vector_load %arg8[%get3A] {strides = array<i32>} : memref<1024xi32, #tpu.memory_space<vmem>>, vector<16xi32>,
          %mul3A_194 = arith.constant 16 : i32
          %mul3A_195 = arith.muli %scan3A_190, %mul3A_194 : i32
          %get3A_196 = arith.index_cast %mul3A_195 : i32 to index
          %get3A_197 = tpu.vector_load %arg9[%get3A_196] {strides = array<i32>} : memref<1024xi32, #tpu.memory_space<vmem>>, vector<16xi32>,
          %mul3A_198 = arith.constant 16 : i32
          %mul3A_199 = arith.muli %scan3A_190, %mul3A_198 : i32
          %add3A_200 = vector.broadcast %mul3A_199 : i32 to vector<16xi32>
          %add3A_201 = arith.addi %add3A_200, %iota3A : vector<16xi32>
          %ge3A = vector.broadcast %mul3A_44 : i32 to vector<16xi32>
          %ge3A_202 = arith.cmpi sge, %get3A_193, %ge3A : vector<16xi32>
          %lt3A_203 = vector.broadcast %add3A_46 : i32 to vector<16xi32>
          %lt3A_204 = arith.cmpi slt, %get3A_193, %lt3A_203 : vector<16xi32>
          %and3A_205 = arith.andi %ge3A_202, %lt3A_204 : vector<16xi1>
          %add3A_206 = vector.broadcast %min3A_148 : i32 to vector<16xi32>
          %add3A_207 = arith.addi %add3A_206, %add3A_201 : vector<16xi32>
          %ge3A_208 = vector.broadcast %add3A_146 : i32 to vector<16xi32>
          %ge3A_209 = arith.cmpi sge, %add3A_207, %ge3A_208 : vector<16xi32>
          %and3A_210 = arith.andi %and3A_205, %ge3A_209 : vector<16xi1>
          %sub3A_211 = vector.broadcast %mul3A_44 : i32 to vector<16xi32>
          %sub3A_212 = arith.subi %get3A_193, %sub3A_211 : vector<16xi32>
          %mul3A_213 = arith.constant 8 : i32
          %mul3A_214 = vector.broadcast %mul3A_213 : i32 to vector<16xi32>
          %mul3A_215 = arith.muli %sub3A_212, %mul3A_214 : vector<16xi32>
          %add3A_216 = arith.addi %mul3A_215, %get3A_197 : vector<16xi32>
          %jit3A_217 = arith.constant 2000 : i32
          %broadcast_in_dim3A_218 = vector.broadcast %jit3A_217 : i32 to vector<16xi32>
          %select_n3A_219 = arith.select %and3A_210, %add3A_216, %broadcast_in_dim3A_218 : vector<16xi1>, vector<16xi32>
          %lt3A_220 = arith.constant 0 : i32
          %lt3A_221 = vector.broadcast %lt3A_220 : i32 to vector<16xi32>
          %lt3A_222 = arith.cmpi slt, %iota3A, %lt3A_221 : vector<16xi32>
          %add3A_223 = arith.constant 1 : i32
          %add3A_224 = vector.broadcast %add3A_223 : i32 to vector<16xi32>
          %add3A_225 = arith.addi %iota3A, %add3A_224 : vector<16xi32>
          %jit3A_226 = arith.constant 16 : i32
          %eq3A_227 = arith.constant 0 : i32
          %eq3A_228 = arith.cmpi eq, %jit3A_226, %eq3A_227 : i32
          %jit3A_229 = arith.constant 1 : i32
          %select_n3A_230 = arith.select %eq3A_228, %jit3A_229, %jit3A_226 : i32
          %rem3A_231 = vector.broadcast %select_n3A_230 : i32 to vector<16xi32>
          %rem3A_232 = arith.remsi %add3A_225, %rem3A_231 : vector<16xi32>
          %ne3A_233 = arith.constant 0 : i32
          %ne3A_234 = vector.broadcast %ne3A_233 : i32 to vector<16xi32>
          %ne3A_235 = arith.cmpi ne, %rem3A_232, %ne3A_234 : vector<16xi32>
          %lt3A_236 = arith.constant 0 : i32
          %lt3A_237 = vector.broadcast %lt3A_236 : i32 to vector<16xi32>
          %lt3A_238 = arith.cmpi slt, %rem3A_232, %lt3A_237 : vector<16xi32>
          %lt3A_239 = arith.constant 0 : i32
          %lt3A_240 = arith.cmpi slt, %select_n3A_230, %lt3A_239 : i32
          %ne3A_241 = vector.broadcast %lt3A_240 : i1 to vector<16xi1>
          %ne3A_242 = vector.broadcast %ne3A_241 : vector<16xi1> to vector<16xi1>
          %ne3A_243 = arith.xori %lt3A_238, %ne3A_242 : vector<16xi1>
          %and3A_244 = arith.andi %ne3A_243, %ne3A_235 : vector<16xi1>
          %add3A_245 = vector.broadcast %select_n3A_230 : i32 to vector<16xi32>
          %add3A_246 = arith.addi %rem3A_232, %add3A_245 : vector<16xi32>
          %select_n3A_247 = arith.select %and3A_244, %add3A_246, %rem3A_232 : vector<16xi1>, vector<16xi32>
          %lt3A_248 = arith.constant 0 : i32
          %lt3A_249 = vector.broadcast %lt3A_248 : i32 to vector<16xi32>
          %lt3A_250 = arith.cmpi slt, %select_n3A_247, %lt3A_249 : vector<16xi32>
          %add3A_251 = arith.constant 16 : i32
          %add3A_252 = vector.broadcast %add3A_251 : i32 to vector<16xi32>
          %add3A_253 = arith.addi %select_n3A_247, %add3A_252 : vector<16xi32>
          %select_n3A_254 = arith.select %lt3A_250, %add3A_253, %select_n3A_247 : vector<16xi1>, vector<16xi32>
          %broadcast_in_dim3A_255 = vector.shape_cast %select_n3A_254 : vector<16xi32> to vector<16x1xi32>
          %gather3A_256 = vector.shape_cast %broadcast_in_dim3A_255 : vector<16x1xi32> to vector<16xi32>
          %gather3A_257 = tpu.dynamic_gather %select_n3A_219[%gather3A_256] in [0] : vector<16xi32>, vector<16xi32> -> vector<16xi32>
          %lt3A_258 = arith.constant 15 : i32
          %lt3A_259 = vector.broadcast %lt3A_258 : i32 to vector<16xi32>
          %lt3A_260 = arith.cmpi slt, %iota3A, %lt3A_259 : vector<16xi32>
          %eq3A_261 = arith.cmpi eq, %gather3A_257, %select_n3A_219 : vector<16xi32>
          %and3A_262 = arith.andi %lt3A_260, %eq3A_261 : vector<16xi1>
          %or3A = arith.ori %lt3A_222, %and3A_262 : vector<16xi1>
          %add3A_263 = arith.constant 2 : i32
          %add3A_264 = vector.broadcast %add3A_263 : i32 to vector<16xi32>
          %add3A_265 = arith.addi %iota3A, %add3A_264 : vector<16xi32>
          %jit3A_266 = arith.constant 16 : i32
          %eq3A_267 = arith.constant 0 : i32
          %eq3A_268 = arith.cmpi eq, %jit3A_266, %eq3A_267 : i32
          %jit3A_269 = arith.constant 1 : i32
          %select_n3A_270 = arith.select %eq3A_268, %jit3A_269, %jit3A_266 : i32
          %rem3A_271 = vector.broadcast %select_n3A_270 : i32 to vector<16xi32>
          %rem3A_272 = arith.remsi %add3A_265, %rem3A_271 : vector<16xi32>
          %ne3A_273 = arith.constant 0 : i32
          %ne3A_274 = vector.broadcast %ne3A_273 : i32 to vector<16xi32>
          %ne3A_275 = arith.cmpi ne, %rem3A_272, %ne3A_274 : vector<16xi32>
          %lt3A_276 = arith.constant 0 : i32
          %lt3A_277 = vector.broadcast %lt3A_276 : i32 to vector<16xi32>
          %lt3A_278 = arith.cmpi slt, %rem3A_272, %lt3A_277 : vector<16xi32>
          %lt3A_279 = arith.constant 0 : i32
          %lt3A_280 = arith.cmpi slt, %select_n3A_270, %lt3A_279 : i32
          %ne3A_281 = vector.broadcast %lt3A_280 : i1 to vector<16xi1>
          %ne3A_282 = vector.broadcast %ne3A_281 : vector<16xi1> to vector<16xi1>
          %ne3A_283 = arith.xori %lt3A_278, %ne3A_282 : vector<16xi1>
          %and3A_284 = arith.andi %ne3A_283, %ne3A_275 : vector<16xi1>
          %add3A_285 = vector.broadcast %select_n3A_270 : i32 to vector<16xi32>
          %add3A_286 = arith.addi %rem3A_272, %add3A_285 : vector<16xi32>
          %select_n3A_287 = arith.select %and3A_284, %add3A_286, %rem3A_272 : vector<16xi1>, vector<16xi32>
          %lt3A_288 = arith.constant 0 : i32
          %lt3A_289 = vector.broadcast %lt3A_288 : i32 to vector<16xi32>
          %lt3A_290 = arith.cmpi slt, %select_n3A_287, %lt3A_289 : vector<16xi32>
          %add3A_291 = arith.constant 16 : i32
          %add3A_292 = vector.broadcast %add3A_291 : i32 to vector<16xi32>
          %add3A_293 = arith.addi %select_n3A_287, %add3A_292 : vector<16xi32>
          %select_n3A_294 = arith.select %lt3A_290, %add3A_293, %select_n3A_287 : vector<16xi1>, vector<16xi32>
          %broadcast_in_dim3A_295 = vector.shape_cast %select_n3A_294 : vector<16xi32> to vector<16x1xi32>
          %gather3A_296 = vector.shape_cast %broadcast_in_dim3A_295 : vector<16x1xi32> to vector<16xi32>
          %gather3A_297 = tpu.dynamic_gather %select_n3A_219[%gather3A_296] in [0] : vector<16xi32>, vector<16xi32> -> vector<16xi32>
          %lt3A_298 = arith.constant 14 : i32
          %lt3A_299 = vector.broadcast %lt3A_298 : i32 to vector<16xi32>
          %lt3A_300 = arith.cmpi slt, %iota3A, %lt3A_299 : vector<16xi32>
          %eq3A_301 = arith.cmpi eq, %gather3A_297, %select_n3A_219 : vector<16xi32>
          %and3A_302 = arith.andi %lt3A_300, %eq3A_301 : vector<16xi1>
          %or3A_303 = arith.ori %or3A, %and3A_302 : vector<16xi1>
          %add3A_304 = arith.constant 3 : i32
          %add3A_305 = vector.broadcast %add3A_304 : i32 to vector<16xi32>
          %add3A_306 = arith.addi %iota3A, %add3A_305 : vector<16xi32>
          %jit3A_307 = arith.constant 16 : i32
          %eq3A_308 = arith.constant 0 : i32
          %eq3A_309 = arith.cmpi eq, %jit3A_307, %eq3A_308 : i32
          %jit3A_310 = arith.constant 1 : i32
          %select_n3A_311 = arith.select %eq3A_309, %jit3A_310, %jit3A_307 : i32
          %rem3A_312 = vector.broadcast %select_n3A_311 : i32 to vector<16xi32>
          %rem3A_313 = arith.remsi %add3A_306, %rem3A_312 : vector<16xi32>
          %ne3A_314 = arith.constant 0 : i32
          %ne3A_315 = vector.broadcast %ne3A_314 : i32 to vector<16xi32>
          %ne3A_316 = arith.cmpi ne, %rem3A_313, %ne3A_315 : vector<16xi32>
          %lt3A_317 = arith.constant 0 : i32
          %lt3A_318 = vector.broadcast %lt3A_317 : i32 to vector<16xi32>
          %lt3A_319 = arith.cmpi slt, %rem3A_313, %lt3A_318 : vector<16xi32>
          %lt3A_320 = arith.constant 0 : i32
          %lt3A_321 = arith.cmpi slt, %select_n3A_311, %lt3A_320 : i32
          %ne3A_322 = vector.broadcast %lt3A_321 : i1 to vector<16xi1>
          %ne3A_323 = vector.broadcast %ne3A_322 : vector<16xi1> to vector<16xi1>
          %ne3A_324 = arith.xori %lt3A_319, %ne3A_323 : vector<16xi1>
          %and3A_325 = arith.andi %ne3A_324, %ne3A_316 : vector<16xi1>
          %add3A_326 = vector.broadcast %select_n3A_311 : i32 to vector<16xi32>
          %add3A_327 = arith.addi %rem3A_313, %add3A_326 : vector<16xi32>
          %select_n3A_328 = arith.select %and3A_325, %add3A_327, %rem3A_313 : vector<16xi1>, vector<16xi32>
          %lt3A_329 = arith.constant 0 : i32
          %lt3A_330 = vector.broadcast %lt3A_329 : i32 to vector<16xi32>
          %lt3A_331 = arith.cmpi slt, %select_n3A_328, %lt3A_330 : vector<16xi32>
          %add3A_332 = arith.constant 16 : i32
          %add3A_333 = vector.broadcast %add3A_332 : i32 to vector<16xi32>
          %add3A_334 = arith.addi %select_n3A_328, %add3A_333 : vector<16xi32>
          %select_n3A_335 = arith.select %lt3A_331, %add3A_334, %select_n3A_328 : vector<16xi1>, vector<16xi32>
          %broadcast_in_dim3A_336 = vector.shape_cast %select_n3A_335 : vector<16xi32> to vector<16x1xi32>
          %gather3A_337 = vector.shape_cast %broadcast_in_dim3A_336 : vector<16x1xi32> to vector<16xi32>
          %gather3A_338 = tpu.dynamic_gather %select_n3A_219[%gather3A_337] in [0] : vector<16xi32>, vector<16xi32> -> vector<16xi32>
          %lt3A_339 = arith.constant 13 : i32
          %lt3A_340 = vector.broadcast %lt3A_339 : i32 to vector<16xi32>
          %lt3A_341 = arith.cmpi slt, %iota3A, %lt3A_340 : vector<16xi32>
          %eq3A_342 = arith.cmpi eq, %gather3A_338, %select_n3A_219 : vector<16xi32>
          %and3A_343 = arith.andi %lt3A_341, %eq3A_342 : vector<16xi1>
          %or3A_344 = arith.ori %or3A_303, %and3A_343 : vector<16xi1>
          %add3A_345 = arith.constant 4 : i32
          %add3A_346 = vector.broadcast %add3A_345 : i32 to vector<16xi32>
          %add3A_347 = arith.addi %iota3A, %add3A_346 : vector<16xi32>
          %jit3A_348 = arith.constant 16 : i32
          %eq3A_349 = arith.constant 0 : i32
          %eq3A_350 = arith.cmpi eq, %jit3A_348, %eq3A_349 : i32
          %jit3A_351 = arith.constant 1 : i32
          %select_n3A_352 = arith.select %eq3A_350, %jit3A_351, %jit3A_348 : i32
          %rem3A_353 = vector.broadcast %select_n3A_352 : i32 to vector<16xi32>
          %rem3A_354 = arith.remsi %add3A_347, %rem3A_353 : vector<16xi32>
          %ne3A_355 = arith.constant 0 : i32
          %ne3A_356 = vector.broadcast %ne3A_355 : i32 to vector<16xi32>
          %ne3A_357 = arith.cmpi ne, %rem3A_354, %ne3A_356 : vector<16xi32>
          %lt3A_358 = arith.constant 0 : i32
          %lt3A_359 = vector.broadcast %lt3A_358 : i32 to vector<16xi32>
          %lt3A_360 = arith.cmpi slt, %rem3A_354, %lt3A_359 : vector<16xi32>
          %lt3A_361 = arith.constant 0 : i32
          %lt3A_362 = arith.cmpi slt, %select_n3A_352, %lt3A_361 : i32
          %ne3A_363 = vector.broadcast %lt3A_362 : i1 to vector<16xi1>
          %ne3A_364 = vector.broadcast %ne3A_363 : vector<16xi1> to vector<16xi1>
          %ne3A_365 = arith.xori %lt3A_360, %ne3A_364 : vector<16xi1>
          %and3A_366 = arith.andi %ne3A_365, %ne3A_357 : vector<16xi1>
          %add3A_367 = vector.broadcast %select_n3A_352 : i32 to vector<16xi32>
          %add3A_368 = arith.addi %rem3A_354, %add3A_367 : vector<16xi32>
          %select_n3A_369 = arith.select %and3A_366, %add3A_368, %rem3A_354 : vector<16xi1>, vector<16xi32>
          %lt3A_370 = arith.constant 0 : i32
          %lt3A_371 = vector.broadcast %lt3A_370 : i32 to vector<16xi32>
          %lt3A_372 = arith.cmpi slt, %select_n3A_369, %lt3A_371 : vector<16xi32>
          %add3A_373 = arith.constant 16 : i32
          %add3A_374 = vector.broadcast %add3A_373 : i32 to vector<16xi32>
          %add3A_375 = arith.addi %select_n3A_369, %add3A_374 : vector<16xi32>
          %select_n3A_376 = arith.select %lt3A_372, %add3A_375, %select_n3A_369 : vector<16xi1>, vector<16xi32>
          %broadcast_in_dim3A_377 = vector.shape_cast %select_n3A_376 : vector<16xi32> to vector<16x1xi32>
          %gather3A_378 = vector.shape_cast %broadcast_in_dim3A_377 : vector<16x1xi32> to vector<16xi32>
          %gather3A_379 = tpu.dynamic_gather %select_n3A_219[%gather3A_378] in [0] : vector<16xi32>, vector<16xi32> -> vector<16xi32>
          %lt3A_380 = arith.constant 12 : i32
          %lt3A_381 = vector.broadcast %lt3A_380 : i32 to vector<16xi32>
          %lt3A_382 = arith.cmpi slt, %iota3A, %lt3A_381 : vector<16xi32>
          %eq3A_383 = arith.cmpi eq, %gather3A_379, %select_n3A_219 : vector<16xi32>
          %and3A_384 = arith.andi %lt3A_382, %eq3A_383 : vector<16xi1>
          %or3A_385 = arith.ori %or3A_344, %and3A_384 : vector<16xi1>
          %add3A_386 = arith.constant 5 : i32
          %add3A_387 = vector.broadcast %add3A_386 : i32 to vector<16xi32>
          %add3A_388 = arith.addi %iota3A, %add3A_387 : vector<16xi32>
          %jit3A_389 = arith.constant 16 : i32
          %eq3A_390 = arith.constant 0 : i32
          %eq3A_391 = arith.cmpi eq, %jit3A_389, %eq3A_390 : i32
          %jit3A_392 = arith.constant 1 : i32
          %select_n3A_393 = arith.select %eq3A_391, %jit3A_392, %jit3A_389 : i32
          %rem3A_394 = vector.broadcast %select_n3A_393 : i32 to vector<16xi32>
          %rem3A_395 = arith.remsi %add3A_388, %rem3A_394 : vector<16xi32>
          %ne3A_396 = arith.constant 0 : i32
          %ne3A_397 = vector.broadcast %ne3A_396 : i32 to vector<16xi32>
          %ne3A_398 = arith.cmpi ne, %rem3A_395, %ne3A_397 : vector<16xi32>
          %lt3A_399 = arith.constant 0 : i32
          %lt3A_400 = vector.broadcast %lt3A_399 : i32 to vector<16xi32>
          %lt3A_401 = arith.cmpi slt, %rem3A_395, %lt3A_400 : vector<16xi32>
          %lt3A_402 = arith.constant 0 : i32
          %lt3A_403 = arith.cmpi slt, %select_n3A_393, %lt3A_402 : i32
          %ne3A_404 = vector.broadcast %lt3A_403 : i1 to vector<16xi1>
          %ne3A_405 = vector.broadcast %ne3A_404 : vector<16xi1> to vector<16xi1>
          %ne3A_406 = arith.xori %lt3A_401, %ne3A_405 : vector<16xi1>
          %and3A_407 = arith.andi %ne3A_406, %ne3A_398 : vector<16xi1>
          %add3A_408 = vector.broadcast %select_n3A_393 : i32 to vector<16xi32>
          %add3A_409 = arith.addi %rem3A_395, %add3A_408 : vector<16xi32>
          %select_n3A_410 = arith.select %and3A_407, %add3A_409, %rem3A_395 : vector<16xi1>, vector<16xi32>
          %lt3A_411 = arith.constant 0 : i32
          %lt3A_412 = vector.broadcast %lt3A_411 : i32 to vector<16xi32>
          %lt3A_413 = arith.cmpi slt, %select_n3A_410, %lt3A_412 : vector<16xi32>
          %add3A_414 = arith.constant 16 : i32
          %add3A_415 = vector.broadcast %add3A_414 : i32 to vector<16xi32>
          %add3A_416 = arith.addi %select_n3A_410, %add3A_415 : vector<16xi32>
          %select_n3A_417 = arith.select %lt3A_413, %add3A_416, %select_n3A_410 : vector<16xi1>, vector<16xi32>
          %broadcast_in_dim3A_418 = vector.shape_cast %select_n3A_417 : vector<16xi32> to vector<16x1xi32>
          %gather3A_419 = vector.shape_cast %broadcast_in_dim3A_418 : vector<16x1xi32> to vector<16xi32>
          %gather3A_420 = tpu.dynamic_gather %select_n3A_219[%gather3A_419] in [0] : vector<16xi32>, vector<16xi32> -> vector<16xi32>
          %lt3A_421 = arith.constant 11 : i32
          %lt3A_422 = vector.broadcast %lt3A_421 : i32 to vector<16xi32>
          %lt3A_423 = arith.cmpi slt, %iota3A, %lt3A_422 : vector<16xi32>
          %eq3A_424 = arith.cmpi eq, %gather3A_420, %select_n3A_219 : vector<16xi32>
          %and3A_425 = arith.andi %lt3A_423, %eq3A_424 : vector<16xi1>
          %or3A_426 = arith.ori %or3A_385, %and3A_425 : vector<16xi1>
          %add3A_427 = arith.constant 6 : i32
          %add3A_428 = vector.broadcast %add3A_427 : i32 to vector<16xi32>
          %add3A_429 = arith.addi %iota3A, %add3A_428 : vector<16xi32>
          %jit3A_430 = arith.constant 16 : i32
          %eq3A_431 = arith.constant 0 : i32
          %eq3A_432 = arith.cmpi eq, %jit3A_430, %eq3A_431 : i32
          %jit3A_433 = arith.constant 1 : i32
          %select_n3A_434 = arith.select %eq3A_432, %jit3A_433, %jit3A_430 : i32
          %rem3A_435 = vector.broadcast %select_n3A_434 : i32 to vector<16xi32>
          %rem3A_436 = arith.remsi %add3A_429, %rem3A_435 : vector<16xi32>
          %ne3A_437 = arith.constant 0 : i32
          %ne3A_438 = vector.broadcast %ne3A_437 : i32 to vector<16xi32>
          %ne3A_439 = arith.cmpi ne, %rem3A_436, %ne3A_438 : vector<16xi32>
          %lt3A_440 = arith.constant 0 : i32
          %lt3A_441 = vector.broadcast %lt3A_440 : i32 to vector<16xi32>
          %lt3A_442 = arith.cmpi slt, %rem3A_436, %lt3A_441 : vector<16xi32>
          %lt3A_443 = arith.constant 0 : i32
          %lt3A_444 = arith.cmpi slt, %select_n3A_434, %lt3A_443 : i32
          %ne3A_445 = vector.broadcast %lt3A_444 : i1 to vector<16xi1>
          %ne3A_446 = vector.broadcast %ne3A_445 : vector<16xi1> to vector<16xi1>
          %ne3A_447 = arith.xori %lt3A_442, %ne3A_446 : vector<16xi1>
          %and3A_448 = arith.andi %ne3A_447, %ne3A_439 : vector<16xi1>
          %add3A_449 = vector.broadcast %select_n3A_434 : i32 to vector<16xi32>
          %add3A_450 = arith.addi %rem3A_436, %add3A_449 : vector<16xi32>
          %select_n3A_451 = arith.select %and3A_448, %add3A_450, %rem3A_436 : vector<16xi1>, vector<16xi32>
          %lt3A_452 = arith.constant 0 : i32
          %lt3A_453 = vector.broadcast %lt3A_452 : i32 to vector<16xi32>
          %lt3A_454 = arith.cmpi slt, %select_n3A_451, %lt3A_453 : vector<16xi32>
          %add3A_455 = arith.constant 16 : i32
          %add3A_456 = vector.broadcast %add3A_455 : i32 to vector<16xi32>
          %add3A_457 = arith.addi %select_n3A_451, %add3A_456 : vector<16xi32>
          %select_n3A_458 = arith.select %lt3A_454, %add3A_457, %select_n3A_451 : vector<16xi1>, vector<16xi32>
          %broadcast_in_dim3A_459 = vector.shape_cast %select_n3A_458 : vector<16xi32> to vector<16x1xi32>
          %gather3A_460 = vector.shape_cast %broadcast_in_dim3A_459 : vector<16x1xi32> to vector<16xi32>
          %gather3A_461 = tpu.dynamic_gather %select_n3A_219[%gather3A_460] in [0] : vector<16xi32>, vector<16xi32> -> vector<16xi32>
          %lt3A_462 = arith.constant 10 : i32
          %lt3A_463 = vector.broadcast %lt3A_462 : i32 to vector<16xi32>
          %lt3A_464 = arith.cmpi slt, %iota3A, %lt3A_463 : vector<16xi32>
          %eq3A_465 = arith.cmpi eq, %gather3A_461, %select_n3A_219 : vector<16xi32>
          %and3A_466 = arith.andi %lt3A_464, %eq3A_465 : vector<16xi1>
          %or3A_467 = arith.ori %or3A_426, %and3A_466 : vector<16xi1>
          %add3A_468 = arith.constant 7 : i32
          %add3A_469 = vector.broadcast %add3A_468 : i32 to vector<16xi32>
          %add3A_470 = arith.addi %iota3A, %add3A_469 : vector<16xi32>
          %jit3A_471 = arith.constant 16 : i32
          %eq3A_472 = arith.constant 0 : i32
          %eq3A_473 = arith.cmpi eq, %jit3A_471, %eq3A_472 : i32
          %jit3A_474 = arith.constant 1 : i32
          %select_n3A_475 = arith.select %eq3A_473, %jit3A_474, %jit3A_471 : i32
          %rem3A_476 = vector.broadcast %select_n3A_475 : i32 to vector<16xi32>
          %rem3A_477 = arith.remsi %add3A_470, %rem3A_476 : vector<16xi32>
          %ne3A_478 = arith.constant 0 : i32
          %ne3A_479 = vector.broadcast %ne3A_478 : i32 to vector<16xi32>
          %ne3A_480 = arith.cmpi ne, %rem3A_477, %ne3A_479 : vector<16xi32>
          %lt3A_481 = arith.constant 0 : i32
          %lt3A_482 = vector.broadcast %lt3A_481 : i32 to vector<16xi32>
          %lt3A_483 = arith.cmpi slt, %rem3A_477, %lt3A_482 : vector<16xi32>
          %lt3A_484 = arith.constant 0 : i32
          %lt3A_485 = arith.cmpi slt, %select_n3A_475, %lt3A_484 : i32
          %ne3A_486 = vector.broadcast %lt3A_485 : i1 to vector<16xi1>
          %ne3A_487 = vector.broadcast %ne3A_486 : vector<16xi1> to vector<16xi1>
          %ne3A_488 = arith.xori %lt3A_483, %ne3A_487 : vector<16xi1>
          %and3A_489 = arith.andi %ne3A_488, %ne3A_480 : vector<16xi1>
          %add3A_490 = vector.broadcast %select_n3A_475 : i32 to vector<16xi32>
          %add3A_491 = arith.addi %rem3A_477, %add3A_490 : vector<16xi32>
          %select_n3A_492 = arith.select %and3A_489, %add3A_491, %rem3A_477 : vector<16xi1>, vector<16xi32>
          %lt3A_493 = arith.constant 0 : i32
          %lt3A_494 = vector.broadcast %lt3A_493 : i32 to vector<16xi32>
          %lt3A_495 = arith.cmpi slt, %select_n3A_492, %lt3A_494 : vector<16xi32>
          %add3A_496 = arith.constant 16 : i32
          %add3A_497 = vector.broadcast %add3A_496 : i32 to vector<16xi32>
          %add3A_498 = arith.addi %select_n3A_492, %add3A_497 : vector<16xi32>
          %select_n3A_499 = arith.select %lt3A_495, %add3A_498, %select_n3A_492 : vector<16xi1>, vector<16xi32>
          %broadcast_in_dim3A_500 = vector.shape_cast %select_n3A_499 : vector<16xi32> to vector<16x1xi32>
          %gather3A_501 = vector.shape_cast %broadcast_in_dim3A_500 : vector<16x1xi32> to vector<16xi32>
          %gather3A_502 = tpu.dynamic_gather %select_n3A_219[%gather3A_501] in [0] : vector<16xi32>, vector<16xi32> -> vector<16xi32>
          %lt3A_503 = arith.constant 9 : i32
          %lt3A_504 = vector.broadcast %lt3A_503 : i32 to vector<16xi32>
          %lt3A_505 = arith.cmpi slt, %iota3A, %lt3A_504 : vector<16xi32>
          %eq3A_506 = arith.cmpi eq, %gather3A_502, %select_n3A_219 : vector<16xi32>
          %and3A_507 = arith.andi %lt3A_505, %eq3A_506 : vector<16xi1>
          %or3A_508 = arith.ori %or3A_467, %and3A_507 : vector<16xi1>
          %add3A_509 = arith.constant 8 : i32
          %add3A_510 = vector.broadcast %add3A_509 : i32 to vector<16xi32>
          %add3A_511 = arith.addi %iota3A, %add3A_510 : vector<16xi32>
          %jit3A_512 = arith.constant 16 : i32
          %eq3A_513 = arith.constant 0 : i32
          %eq3A_514 = arith.cmpi eq, %jit3A_512, %eq3A_513 : i32
          %jit3A_515 = arith.constant 1 : i32
          %select_n3A_516 = arith.select %eq3A_514, %jit3A_515, %jit3A_512 : i32
          %rem3A_517 = vector.broadcast %select_n3A_516 : i32 to vector<16xi32>
          %rem3A_518 = arith.remsi %add3A_511, %rem3A_517 : vector<16xi32>
          %ne3A_519 = arith.constant 0 : i32
          %ne3A_520 = vector.broadcast %ne3A_519 : i32 to vector<16xi32>
          %ne3A_521 = arith.cmpi ne, %rem3A_518, %ne3A_520 : vector<16xi32>
          %lt3A_522 = arith.constant 0 : i32
          %lt3A_523 = vector.broadcast %lt3A_522 : i32 to vector<16xi32>
          %lt3A_524 = arith.cmpi slt, %rem3A_518, %lt3A_523 : vector<16xi32>
          %lt3A_525 = arith.constant 0 : i32
          %lt3A_526 = arith.cmpi slt, %select_n3A_516, %lt3A_525 : i32
          %ne3A_527 = vector.broadcast %lt3A_526 : i1 to vector<16xi1>
          %ne3A_528 = vector.broadcast %ne3A_527 : vector<16xi1> to vector<16xi1>
          %ne3A_529 = arith.xori %lt3A_524, %ne3A_528 : vector<16xi1>
          %and3A_530 = arith.andi %ne3A_529, %ne3A_521 : vector<16xi1>
          %add3A_531 = vector.broadcast %select_n3A_516 : i32 to vector<16xi32>
          %add3A_532 = arith.addi %rem3A_518, %add3A_531 : vector<16xi32>
          %select_n3A_533 = arith.select %and3A_530, %add3A_532, %rem3A_518 : vector<16xi1>, vector<16xi32>
          %lt3A_534 = arith.constant 0 : i32
          %lt3A_535 = vector.broadcast %lt3A_534 : i32 to vector<16xi32>
          %lt3A_536 = arith.cmpi slt, %select_n3A_533, %lt3A_535 : vector<16xi32>
          %add3A_537 = arith.constant 16 : i32
          %add3A_538 = vector.broadcast %add3A_537 : i32 to vector<16xi32>
          %add3A_539 = arith.addi %select_n3A_533, %add3A_538 : vector<16xi32>
          %select_n3A_540 = arith.select %lt3A_536, %add3A_539, %select_n3A_533 : vector<16xi1>, vector<16xi32>
          %broadcast_in_dim3A_541 = vector.shape_cast %select_n3A_540 : vector<16xi32> to vector<16x1xi32>
          %gather3A_542 = vector.shape_cast %broadcast_in_dim3A_541 : vector<16x1xi32> to vector<16xi32>
          %gather3A_543 = tpu.dynamic_gather %select_n3A_219[%gather3A_542] in [0] : vector<16xi32>, vector<16xi32> -> vector<16xi32>
          %lt3A_544 = arith.constant 8 : i32
          %lt3A_545 = vector.broadcast %lt3A_544 : i32 to vector<16xi32>
          %lt3A_546 = arith.cmpi slt, %iota3A, %lt3A_545 : vector<16xi32>
          %eq3A_547 = arith.cmpi eq, %gather3A_543, %select_n3A_219 : vector<16xi32>
          %and3A_548 = arith.andi %lt3A_546, %eq3A_547 : vector<16xi1>
          %or3A_549 = arith.ori %or3A_508, %and3A_548 : vector<16xi1>
          %add3A_550 = arith.constant 9 : i32
          %add3A_551 = vector.broadcast %add3A_550 : i32 to vector<16xi32>
          %add3A_552 = arith.addi %iota3A, %add3A_551 : vector<16xi32>
          %jit3A_553 = arith.constant 16 : i32
          %eq3A_554 = arith.constant 0 : i32
          %eq3A_555 = arith.cmpi eq, %jit3A_553, %eq3A_554 : i32
          %jit3A_556 = arith.constant 1 : i32
          %select_n3A_557 = arith.select %eq3A_555, %jit3A_556, %jit3A_553 : i32
          %rem3A_558 = vector.broadcast %select_n3A_557 : i32 to vector<16xi32>
          %rem3A_559 = arith.remsi %add3A_552, %rem3A_558 : vector<16xi32>
          %ne3A_560 = arith.constant 0 : i32
          %ne3A_561 = vector.broadcast %ne3A_560 : i32 to vector<16xi32>
          %ne3A_562 = arith.cmpi ne, %rem3A_559, %ne3A_561 : vector<16xi32>
          %lt3A_563 = arith.constant 0 : i32
          %lt3A_564 = vector.broadcast %lt3A_563 : i32 to vector<16xi32>
          %lt3A_565 = arith.cmpi slt, %rem3A_559, %lt3A_564 : vector<16xi32>
          %lt3A_566 = arith.constant 0 : i32
          %lt3A_567 = arith.cmpi slt, %select_n3A_557, %lt3A_566 : i32
          %ne3A_568 = vector.broadcast %lt3A_567 : i1 to vector<16xi1>
          %ne3A_569 = vector.broadcast %ne3A_568 : vector<16xi1> to vector<16xi1>
          %ne3A_570 = arith.xori %lt3A_565, %ne3A_569 : vector<16xi1>
          %and3A_571 = arith.andi %ne3A_570, %ne3A_562 : vector<16xi1>
          %add3A_572 = vector.broadcast %select_n3A_557 : i32 to vector<16xi32>
          %add3A_573 = arith.addi %rem3A_559, %add3A_572 : vector<16xi32>
          %select_n3A_574 = arith.select %and3A_571, %add3A_573, %rem3A_559 : vector<16xi1>, vector<16xi32>
          %lt3A_575 = arith.constant 0 : i32
          %lt3A_576 = vector.broadcast %lt3A_575 : i32 to vector<16xi32>
          %lt3A_577 = arith.cmpi slt, %select_n3A_574, %lt3A_576 : vector<16xi32>
          %add3A_578 = arith.constant 16 : i32
          %add3A_579 = vector.broadcast %add3A_578 : i32 to vector<16xi32>
          %add3A_580 = arith.addi %select_n3A_574, %add3A_579 : vector<16xi32>
          %select_n3A_581 = arith.select %lt3A_577, %add3A_580, %select_n3A_574 : vector<16xi1>, vector<16xi32>
          %broadcast_in_dim3A_582 = vector.shape_cast %select_n3A_581 : vector<16xi32> to vector<16x1xi32>
          %gather3A_583 = vector.shape_cast %broadcast_in_dim3A_582 : vector<16x1xi32> to vector<16xi32>
          %gather3A_584 = tpu.dynamic_gather %select_n3A_219[%gather3A_583] in [0] : vector<16xi32>, vector<16xi32> -> vector<16xi32>
          %lt3A_585 = arith.constant 7 : i32
          %lt3A_586 = vector.broadcast %lt3A_585 : i32 to vector<16xi32>
          %lt3A_587 = arith.cmpi slt, %iota3A, %lt3A_586 : vector<16xi32>
          %eq3A_588 = arith.cmpi eq, %gather3A_584, %select_n3A_219 : vector<16xi32>
          %and3A_589 = arith.andi %lt3A_587, %eq3A_588 : vector<16xi1>
          %or3A_590 = arith.ori %or3A_549, %and3A_589 : vector<16xi1>
          %add3A_591 = arith.constant 10 : i32
          %add3A_592 = vector.broadcast %add3A_591 : i32 to vector<16xi32>
          %add3A_593 = arith.addi %iota3A, %add3A_592 : vector<16xi32>
          %jit3A_594 = arith.constant 16 : i32
          %eq3A_595 = arith.constant 0 : i32
          %eq3A_596 = arith.cmpi eq, %jit3A_594, %eq3A_595 : i32
          %jit3A_597 = arith.constant 1 : i32
          %select_n3A_598 = arith.select %eq3A_596, %jit3A_597, %jit3A_594 : i32
          %rem3A_599 = vector.broadcast %select_n3A_598 : i32 to vector<16xi32>
          %rem3A_600 = arith.remsi %add3A_593, %rem3A_599 : vector<16xi32>
          %ne3A_601 = arith.constant 0 : i32
          %ne3A_602 = vector.broadcast %ne3A_601 : i32 to vector<16xi32>
          %ne3A_603 = arith.cmpi ne, %rem3A_600, %ne3A_602 : vector<16xi32>
          %lt3A_604 = arith.constant 0 : i32
          %lt3A_605 = vector.broadcast %lt3A_604 : i32 to vector<16xi32>
          %lt3A_606 = arith.cmpi slt, %rem3A_600, %lt3A_605 : vector<16xi32>
          %lt3A_607 = arith.constant 0 : i32
          %lt3A_608 = arith.cmpi slt, %select_n3A_598, %lt3A_607 : i32
          %ne3A_609 = vector.broadcast %lt3A_608 : i1 to vector<16xi1>
          %ne3A_610 = vector.broadcast %ne3A_609 : vector<16xi1> to vector<16xi1>
          %ne3A_611 = arith.xori %lt3A_606, %ne3A_610 : vector<16xi1>
          %and3A_612 = arith.andi %ne3A_611, %ne3A_603 : vector<16xi1>
          %add3A_613 = vector.broadcast %select_n3A_598 : i32 to vector<16xi32>
          %add3A_614 = arith.addi %rem3A_600, %add3A_613 : vector<16xi32>
          %select_n3A_615 = arith.select %and3A_612, %add3A_614, %rem3A_600 : vector<16xi1>, vector<16xi32>
          %lt3A_616 = arith.constant 0 : i32
          %lt3A_617 = vector.broadcast %lt3A_616 : i32 to vector<16xi32>
          %lt3A_618 = arith.cmpi slt, %select_n3A_615, %lt3A_617 : vector<16xi32>
          %add3A_619 = arith.constant 16 : i32
          %add3A_620 = vector.broadcast %add3A_619 : i32 to vector<16xi32>
          %add3A_621 = arith.addi %select_n3A_615, %add3A_620 : vector<16xi32>
          %select_n3A_622 = arith.select %lt3A_618, %add3A_621, %select_n3A_615 : vector<16xi1>, vector<16xi32>
          %broadcast_in_dim3A_623 = vector.shape_cast %select_n3A_622 : vector<16xi32> to vector<16x1xi32>
          %gather3A_624 = vector.shape_cast %broadcast_in_dim3A_623 : vector<16x1xi32> to vector<16xi32>
          %gather3A_625 = tpu.dynamic_gather %select_n3A_219[%gather3A_624] in [0] : vector<16xi32>, vector<16xi32> -> vector<16xi32>
          %lt3A_626 = arith.constant 6 : i32
          %lt3A_627 = vector.broadcast %lt3A_626 : i32 to vector<16xi32>
          %lt3A_628 = arith.cmpi slt, %iota3A, %lt3A_627 : vector<16xi32>
          %eq3A_629 = arith.cmpi eq, %gather3A_625, %select_n3A_219 : vector<16xi32>
          %and3A_630 = arith.andi %lt3A_628, %eq3A_629 : vector<16xi1>
          %or3A_631 = arith.ori %or3A_590, %and3A_630 : vector<16xi1>
          %add3A_632 = arith.constant 11 : i32
          %add3A_633 = vector.broadcast %add3A_632 : i32 to vector<16xi32>
          %add3A_634 = arith.addi %iota3A, %add3A_633 : vector<16xi32>
          %jit3A_635 = arith.constant 16 : i32
          %eq3A_636 = arith.constant 0 : i32
          %eq3A_637 = arith.cmpi eq, %jit3A_635, %eq3A_636 : i32
          %jit3A_638 = arith.constant 1 : i32
          %select_n3A_639 = arith.select %eq3A_637, %jit3A_638, %jit3A_635 : i32
          %rem3A_640 = vector.broadcast %select_n3A_639 : i32 to vector<16xi32>
          %rem3A_641 = arith.remsi %add3A_634, %rem3A_640 : vector<16xi32>
          %ne3A_642 = arith.constant 0 : i32
          %ne3A_643 = vector.broadcast %ne3A_642 : i32 to vector<16xi32>
          %ne3A_644 = arith.cmpi ne, %rem3A_641, %ne3A_643 : vector<16xi32>
          %lt3A_645 = arith.constant 0 : i32
          %lt3A_646 = vector.broadcast %lt3A_645 : i32 to vector<16xi32>
          %lt3A_647 = arith.cmpi slt, %rem3A_641, %lt3A_646 : vector<16xi32>
          %lt3A_648 = arith.constant 0 : i32
          %lt3A_649 = arith.cmpi slt, %select_n3A_639, %lt3A_648 : i32
          %ne3A_650 = vector.broadcast %lt3A_649 : i1 to vector<16xi1>
          %ne3A_651 = vector.broadcast %ne3A_650 : vector<16xi1> to vector<16xi1>
          %ne3A_652 = arith.xori %lt3A_647, %ne3A_651 : vector<16xi1>
          %and3A_653 = arith.andi %ne3A_652, %ne3A_644 : vector<16xi1>
          %add3A_654 = vector.broadcast %select_n3A_639 : i32 to vector<16xi32>
          %add3A_655 = arith.addi %rem3A_641, %add3A_654 : vector<16xi32>
          %select_n3A_656 = arith.select %and3A_653, %add3A_655, %rem3A_641 : vector<16xi1>, vector<16xi32>
          %lt3A_657 = arith.constant 0 : i32
          %lt3A_658 = vector.broadcast %lt3A_657 : i32 to vector<16xi32>
          %lt3A_659 = arith.cmpi slt, %select_n3A_656, %lt3A_658 : vector<16xi32>
          %add3A_660 = arith.constant 16 : i32
          %add3A_661 = vector.broadcast %add3A_660 : i32 to vector<16xi32>
          %add3A_662 = arith.addi %select_n3A_656, %add3A_661 : vector<16xi32>
          %select_n3A_663 = arith.select %lt3A_659, %add3A_662, %select_n3A_656 : vector<16xi1>, vector<16xi32>
          %broadcast_in_dim3A_664 = vector.shape_cast %select_n3A_663 : vector<16xi32> to vector<16x1xi32>
          %gather3A_665 = vector.shape_cast %broadcast_in_dim3A_664 : vector<16x1xi32> to vector<16xi32>
          %gather3A_666 = tpu.dynamic_gather %select_n3A_219[%gather3A_665] in [0] : vector<16xi32>, vector<16xi32> -> vector<16xi32>
          %lt3A_667 = arith.constant 5 : i32
          %lt3A_668 = vector.broadcast %lt3A_667 : i32 to vector<16xi32>
          %lt3A_669 = arith.cmpi slt, %iota3A, %lt3A_668 : vector<16xi32>
          %eq3A_670 = arith.cmpi eq, %gather3A_666, %select_n3A_219 : vector<16xi32>
          %and3A_671 = arith.andi %lt3A_669, %eq3A_670 : vector<16xi1>
          %or3A_672 = arith.ori %or3A_631, %and3A_671 : vector<16xi1>
          %add3A_673 = arith.constant 12 : i32
          %add3A_674 = vector.broadcast %add3A_673 : i32 to vector<16xi32>
          %add3A_675 = arith.addi %iota3A, %add3A_674 : vector<16xi32>
          %jit3A_676 = arith.constant 16 : i32
          %eq3A_677 = arith.constant 0 : i32
          %eq3A_678 = arith.cmpi eq, %jit3A_676, %eq3A_677 : i32
          %jit3A_679 = arith.constant 1 : i32
          %select_n3A_680 = arith.select %eq3A_678, %jit3A_679, %jit3A_676 : i32
          %rem3A_681 = vector.broadcast %select_n3A_680 : i32 to vector<16xi32>
          %rem3A_682 = arith.remsi %add3A_675, %rem3A_681 : vector<16xi32>
          %ne3A_683 = arith.constant 0 : i32
          %ne3A_684 = vector.broadcast %ne3A_683 : i32 to vector<16xi32>
          %ne3A_685 = arith.cmpi ne, %rem3A_682, %ne3A_684 : vector<16xi32>
          %lt3A_686 = arith.constant 0 : i32
          %lt3A_687 = vector.broadcast %lt3A_686 : i32 to vector<16xi32>
          %lt3A_688 = arith.cmpi slt, %rem3A_682, %lt3A_687 : vector<16xi32>
          %lt3A_689 = arith.constant 0 : i32
          %lt3A_690 = arith.cmpi slt, %select_n3A_680, %lt3A_689 : i32
          %ne3A_691 = vector.broadcast %lt3A_690 : i1 to vector<16xi1>
          %ne3A_692 = vector.broadcast %ne3A_691 : vector<16xi1> to vector<16xi1>
          %ne3A_693 = arith.xori %lt3A_688, %ne3A_692 : vector<16xi1>
          %and3A_694 = arith.andi %ne3A_693, %ne3A_685 : vector<16xi1>
          %add3A_695 = vector.broadcast %select_n3A_680 : i32 to vector<16xi32>
          %add3A_696 = arith.addi %rem3A_682, %add3A_695 : vector<16xi32>
          %select_n3A_697 = arith.select %and3A_694, %add3A_696, %rem3A_682 : vector<16xi1>, vector<16xi32>
          %lt3A_698 = arith.constant 0 : i32
          %lt3A_699 = vector.broadcast %lt3A_698 : i32 to vector<16xi32>
          %lt3A_700 = arith.cmpi slt, %select_n3A_697, %lt3A_699 : vector<16xi32>
          %add3A_701 = arith.constant 16 : i32
          %add3A_702 = vector.broadcast %add3A_701 : i32 to vector<16xi32>
          %add3A_703 = arith.addi %select_n3A_697, %add3A_702 : vector<16xi32>
          %select_n3A_704 = arith.select %lt3A_700, %add3A_703, %select_n3A_697 : vector<16xi1>, vector<16xi32>
          %broadcast_in_dim3A_705 = vector.shape_cast %select_n3A_704 : vector<16xi32> to vector<16x1xi32>
          %gather3A_706 = vector.shape_cast %broadcast_in_dim3A_705 : vector<16x1xi32> to vector<16xi32>
          %gather3A_707 = tpu.dynamic_gather %select_n3A_219[%gather3A_706] in [0] : vector<16xi32>, vector<16xi32> -> vector<16xi32>
          %lt3A_708 = arith.constant 4 : i32
          %lt3A_709 = vector.broadcast %lt3A_708 : i32 to vector<16xi32>
          %lt3A_710 = arith.cmpi slt, %iota3A, %lt3A_709 : vector<16xi32>
          %eq3A_711 = arith.cmpi eq, %gather3A_707, %select_n3A_219 : vector<16xi32>
          %and3A_712 = arith.andi %lt3A_710, %eq3A_711 : vector<16xi1>
          %or3A_713 = arith.ori %or3A_672, %and3A_712 : vector<16xi1>
          %add3A_714 = arith.constant 13 : i32
          %add3A_715 = vector.broadcast %add3A_714 : i32 to vector<16xi32>
          %add3A_716 = arith.addi %iota3A, %add3A_715 : vector<16xi32>
          %jit3A_717 = arith.constant 16 : i32
          %eq3A_718 = arith.constant 0 : i32
          %eq3A_719 = arith.cmpi eq, %jit3A_717, %eq3A_718 : i32
          %jit3A_720 = arith.constant 1 : i32
          %select_n3A_721 = arith.select %eq3A_719, %jit3A_720, %jit3A_717 : i32
          %rem3A_722 = vector.broadcast %select_n3A_721 : i32 to vector<16xi32>
          %rem3A_723 = arith.remsi %add3A_716, %rem3A_722 : vector<16xi32>
          %ne3A_724 = arith.constant 0 : i32
          %ne3A_725 = vector.broadcast %ne3A_724 : i32 to vector<16xi32>
          %ne3A_726 = arith.cmpi ne, %rem3A_723, %ne3A_725 : vector<16xi32>
          %lt3A_727 = arith.constant 0 : i32
          %lt3A_728 = vector.broadcast %lt3A_727 : i32 to vector<16xi32>
          %lt3A_729 = arith.cmpi slt, %rem3A_723, %lt3A_728 : vector<16xi32>
          %lt3A_730 = arith.constant 0 : i32
          %lt3A_731 = arith.cmpi slt, %select_n3A_721, %lt3A_730 : i32
          %ne3A_732 = vector.broadcast %lt3A_731 : i1 to vector<16xi1>
          %ne3A_733 = vector.broadcast %ne3A_732 : vector<16xi1> to vector<16xi1>
          %ne3A_734 = arith.xori %lt3A_729, %ne3A_733 : vector<16xi1>
          %and3A_735 = arith.andi %ne3A_734, %ne3A_726 : vector<16xi1>
          %add3A_736 = vector.broadcast %select_n3A_721 : i32 to vector<16xi32>
          %add3A_737 = arith.addi %rem3A_723, %add3A_736 : vector<16xi32>
          %select_n3A_738 = arith.select %and3A_735, %add3A_737, %rem3A_723 : vector<16xi1>, vector<16xi32>
          %lt3A_739 = arith.constant 0 : i32
          %lt3A_740 = vector.broadcast %lt3A_739 : i32 to vector<16xi32>
          %lt3A_741 = arith.cmpi slt, %select_n3A_738, %lt3A_740 : vector<16xi32>
          %add3A_742 = arith.constant 16 : i32
          %add3A_743 = vector.broadcast %add3A_742 : i32 to vector<16xi32>
          %add3A_744 = arith.addi %select_n3A_738, %add3A_743 : vector<16xi32>
          %select_n3A_745 = arith.select %lt3A_741, %add3A_744, %select_n3A_738 : vector<16xi1>, vector<16xi32>
          %broadcast_in_dim3A_746 = vector.shape_cast %select_n3A_745 : vector<16xi32> to vector<16x1xi32>
          %gather3A_747 = vector.shape_cast %broadcast_in_dim3A_746 : vector<16x1xi32> to vector<16xi32>
          %gather3A_748 = tpu.dynamic_gather %select_n3A_219[%gather3A_747] in [0] : vector<16xi32>, vector<16xi32> -> vector<16xi32>
          %lt3A_749 = arith.constant 3 : i32
          %lt3A_750 = vector.broadcast %lt3A_749 : i32 to vector<16xi32>
          %lt3A_751 = arith.cmpi slt, %iota3A, %lt3A_750 : vector<16xi32>
          %eq3A_752 = arith.cmpi eq, %gather3A_748, %select_n3A_219 : vector<16xi32>
          %and3A_753 = arith.andi %lt3A_751, %eq3A_752 : vector<16xi1>
          %or3A_754 = arith.ori %or3A_713, %and3A_753 : vector<16xi1>
          %add3A_755 = arith.constant 14 : i32
          %add3A_756 = vector.broadcast %add3A_755 : i32 to vector<16xi32>
          %add3A_757 = arith.addi %iota3A, %add3A_756 : vector<16xi32>
          %jit3A_758 = arith.constant 16 : i32
          %eq3A_759 = arith.constant 0 : i32
          %eq3A_760 = arith.cmpi eq, %jit3A_758, %eq3A_759 : i32
          %jit3A_761 = arith.constant 1 : i32
          %select_n3A_762 = arith.select %eq3A_760, %jit3A_761, %jit3A_758 : i32
          %rem3A_763 = vector.broadcast %select_n3A_762 : i32 to vector<16xi32>
          %rem3A_764 = arith.remsi %add3A_757, %rem3A_763 : vector<16xi32>
          %ne3A_765 = arith.constant 0 : i32
          %ne3A_766 = vector.broadcast %ne3A_765 : i32 to vector<16xi32>
          %ne3A_767 = arith.cmpi ne, %rem3A_764, %ne3A_766 : vector<16xi32>
          %lt3A_768 = arith.constant 0 : i32
          %lt3A_769 = vector.broadcast %lt3A_768 : i32 to vector<16xi32>
          %lt3A_770 = arith.cmpi slt, %rem3A_764, %lt3A_769 : vector<16xi32>
          %lt3A_771 = arith.constant 0 : i32
          %lt3A_772 = arith.cmpi slt, %select_n3A_762, %lt3A_771 : i32
          %ne3A_773 = vector.broadcast %lt3A_772 : i1 to vector<16xi1>
          %ne3A_774 = vector.broadcast %ne3A_773 : vector<16xi1> to vector<16xi1>
          %ne3A_775 = arith.xori %lt3A_770, %ne3A_774 : vector<16xi1>
          %and3A_776 = arith.andi %ne3A_775, %ne3A_767 : vector<16xi1>
          %add3A_777 = vector.broadcast %select_n3A_762 : i32 to vector<16xi32>
          %add3A_778 = arith.addi %rem3A_764, %add3A_777 : vector<16xi32>
          %select_n3A_779 = arith.select %and3A_776, %add3A_778, %rem3A_764 : vector<16xi1>, vector<16xi32>
          %lt3A_780 = arith.constant 0 : i32
          %lt3A_781 = vector.broadcast %lt3A_780 : i32 to vector<16xi32>
          %lt3A_782 = arith.cmpi slt, %select_n3A_779, %lt3A_781 : vector<16xi32>
          %add3A_783 = arith.constant 16 : i32
          %add3A_784 = vector.broadcast %add3A_783 : i32 to vector<16xi32>
          %add3A_785 = arith.addi %select_n3A_779, %add3A_784 : vector<16xi32>
          %select_n3A_786 = arith.select %lt3A_782, %add3A_785, %select_n3A_779 : vector<16xi1>, vector<16xi32>
          %broadcast_in_dim3A_787 = vector.shape_cast %select_n3A_786 : vector<16xi32> to vector<16x1xi32>
          %gather3A_788 = vector.shape_cast %broadcast_in_dim3A_787 : vector<16x1xi32> to vector<16xi32>
          %gather3A_789 = tpu.dynamic_gather %select_n3A_219[%gather3A_788] in [0] : vector<16xi32>, vector<16xi32> -> vector<16xi32>
          %lt3A_790 = arith.constant 2 : i32
          %lt3A_791 = vector.broadcast %lt3A_790 : i32 to vector<16xi32>
          %lt3A_792 = arith.cmpi slt, %iota3A, %lt3A_791 : vector<16xi32>
          %eq3A_793 = arith.cmpi eq, %gather3A_789, %select_n3A_219 : vector<16xi32>
          %and3A_794 = arith.andi %lt3A_792, %eq3A_793 : vector<16xi1>
          %or3A_795 = arith.ori %or3A_754, %and3A_794 : vector<16xi1>
          %add3A_796 = arith.constant 15 : i32
          %add3A_797 = vector.broadcast %add3A_796 : i32 to vector<16xi32>
          %add3A_798 = arith.addi %iota3A, %add3A_797 : vector<16xi32>
          %jit3A_799 = arith.constant 16 : i32
          %eq3A_800 = arith.constant 0 : i32
          %eq3A_801 = arith.cmpi eq, %jit3A_799, %eq3A_800 : i32
          %jit3A_802 = arith.constant 1 : i32
          %select_n3A_803 = arith.select %eq3A_801, %jit3A_802, %jit3A_799 : i32
          %rem3A_804 = vector.broadcast %select_n3A_803 : i32 to vector<16xi32>
          %rem3A_805 = arith.remsi %add3A_798, %rem3A_804 : vector<16xi32>
          %ne3A_806 = arith.constant 0 : i32
          %ne3A_807 = vector.broadcast %ne3A_806 : i32 to vector<16xi32>
          %ne3A_808 = arith.cmpi ne, %rem3A_805, %ne3A_807 : vector<16xi32>
          %lt3A_809 = arith.constant 0 : i32
          %lt3A_810 = vector.broadcast %lt3A_809 : i32 to vector<16xi32>
          %lt3A_811 = arith.cmpi slt, %rem3A_805, %lt3A_810 : vector<16xi32>
          %lt3A_812 = arith.constant 0 : i32
          %lt3A_813 = arith.cmpi slt, %select_n3A_803, %lt3A_812 : i32
          %ne3A_814 = vector.broadcast %lt3A_813 : i1 to vector<16xi1>
          %ne3A_815 = vector.broadcast %ne3A_814 : vector<16xi1> to vector<16xi1>
          %ne3A_816 = arith.xori %lt3A_811, %ne3A_815 : vector<16xi1>
          %and3A_817 = arith.andi %ne3A_816, %ne3A_808 : vector<16xi1>
          %add3A_818 = vector.broadcast %select_n3A_803 : i32 to vector<16xi32>
          %add3A_819 = arith.addi %rem3A_805, %add3A_818 : vector<16xi32>
          %select_n3A_820 = arith.select %and3A_817, %add3A_819, %rem3A_805 : vector<16xi1>, vector<16xi32>
          %lt3A_821 = arith.constant 0 : i32
          %lt3A_822 = vector.broadcast %lt3A_821 : i32 to vector<16xi32>
          %lt3A_823 = arith.cmpi slt, %select_n3A_820, %lt3A_822 : vector<16xi32>
          %add3A_824 = arith.constant 16 : i32
          %add3A_825 = vector.broadcast %add3A_824 : i32 to vector<16xi32>
          %add3A_826 = arith.addi %select_n3A_820, %add3A_825 : vector<16xi32>
          %select_n3A_827 = arith.select %lt3A_823, %add3A_826, %select_n3A_820 : vector<16xi1>, vector<16xi32>
          %broadcast_in_dim3A_828 = vector.shape_cast %select_n3A_827 : vector<16xi32> to vector<16x1xi32>
          %gather3A_829 = vector.shape_cast %broadcast_in_dim3A_828 : vector<16x1xi32> to vector<16xi32>
          %gather3A_830 = tpu.dynamic_gather %select_n3A_219[%gather3A_829] in [0] : vector<16xi32>, vector<16xi32> -> vector<16xi32>
          %lt3A_831 = arith.constant 1 : i32
          %lt3A_832 = vector.broadcast %lt3A_831 : i32 to vector<16xi32>
          %lt3A_833 = arith.cmpi slt, %iota3A, %lt3A_832 : vector<16xi32>
          %eq3A_834 = arith.cmpi eq, %gather3A_830, %select_n3A_219 : vector<16xi32>
          %and3A_835 = arith.andi %lt3A_833, %eq3A_834 : vector<16xi1>
          %or3A_836 = arith.ori %or3A_795, %and3A_835 : vector<16xi1>
          %not3A = arith.constant dense<true> : vector<16xi1>
          %not3A_837 = arith.xori %or3A_836, %not3A : vector<16xi1>
          %and3A_838 = arith.andi %and3A_210, %not3A_837 : vector<16xi1>
          %add3A_839 = arith.constant 1 : i32
          %add3A_840 = vector.broadcast %add3A_839 : i32 to vector<16xi32>
          %add3A_841 = arith.addi %add3A_201, %add3A_840 : vector<16xi32>
          tpu.vector_store_idx %arg7[%select_n3A_219], %add3A_841 masked %and3A_838 : memref<2000xi32, #tpu.memory_space<vmem>>[vector<16xi32>], vector<16xi32>, vector<16xi1>
        }
        %scan3A_175 = arith.constant 64 : i32
        %gt3A = arith.constant 0 : i32
        %gt3A_176 = arith.cmpi sgt, %scan3A_39, %gt3A : i32
        %eq3A = arith.constant 0 : i32
        %eq3A_177 = arith.cmpi eq, %while3A_143, %eq3A : i32
        %and3A_178 = arith.andi %gt3A_176, %eq3A_177 : i1
        %convert_element_type3A_179 = arith.extui %and3A_178 : i1 to i32
        %cond3A_180 = arith.constant 0 : i32
        %cond3A_181 = arith.cmpi ne, %convert_element_type3A_179, %cond3A_180 : i32
        scf.if %cond3A_181 {
          %sub3A_190 = arith.constant 32 : i32
          %sub3A_191 = arith.subi %add3A_42, %sub3A_190 : i32
          %mul3A_192 = arith.constant 250 : i32
          %mul3A_193 = arith.muli %sub3A_191, %mul3A_192 : i32
          %dma_wait3A_194 = arith.constant 0 : i32
          %dma_wait3A_195 = arith.constant 0 : i32
          %dma_wait3A_196 = tpu.memref_slice %arg11[%dma_wait3A_194, %dma_wait3A_195] : memref<256x256xf32, #tpu.memory_space<vmem>> -> memref<250x256xf32, #tpu.memory_space<vmem>>
          %dma_wait3A_197 = arith.constant 0 : i32
          %dma_wait3A_198 = tpu.memref_slice %arg6[%mul3A_193, %dma_wait3A_197] : memref<100000x256xf32, #tpu.memory_space<hbm>> -> memref<250x256xf32, #tpu.memory_space<hbm>>
          %dma_wait3A_199 = arith.constant 0 : i32
          %dma_wait3A_200 = tpu.memref_slice %arg6[%mul3A_193, %dma_wait3A_199] : memref<100000x256xf32, #tpu.memory_space<hbm>> -> memref<250x256xf32, #tpu.memory_space<hbm>>
          %dma_wait3A_201 = arith.constant 0 : i32
          %dma_wait3A_202 = arith.constant 0 : i32
          %dma_wait3A_203 = tpu.memref_slice %arg11[%dma_wait3A_201, %dma_wait3A_202] : memref<256x256xf32, #tpu.memory_space<vmem>> -> memref<250x256xf32, #tpu.memory_space<vmem>>
          tpu.wait_dma2 semaphore(%arg14 : memref<!tpu.dma_semaphore, #tpu.memory_space<semaphore_mem>>) src(%dma_wait3A_203 : memref<250x256xf32, #tpu.memory_space<vmem>>) dst(%dma_wait3A_200 : memref<250x256xf32, #tpu.memory_space<hbm>>)
        } else {
        }
        %eq3A_182 = arith.constant 0 : i32
        %eq3A_183 = arith.cmpi eq, %while3A_143, %eq3A_182 : i32
        %scan3A_184 = arith.constant 0 : i32
        %scan3A_185 = arith.constant 0 : i32
        %scan3A_186 = arith.constant 125 : i32
        %scan3A_187 = arith.addi %scan3A_185, %scan3A_186 : i32
        %scan3A_188 = arith.constant 1 : i32
        scf.for %scan3A_190 = %scan3A_185 to %scan3A_187 step %scan3A_188  : i32 {
          %mul3A_191 = arith.constant 16 : i32
          %mul3A_192 = arith.muli %scan3A_190, %mul3A_191 : i32
          %add3A_193 = vector.broadcast %mul3A_192 : i32 to vector<16xi32>
          %add3A_194 = arith.addi %add3A_193, %iota3A : vector<16xi32>
          %lt3A_195 = arith.constant 2000 : i32
          %lt3A_196 = vector.broadcast %lt3A_195 : i32 to vector<16xi32>
          %lt3A_197 = arith.cmpi slt, %add3A_194, %lt3A_196 : vector<16xi32>
          %mul3A_198 = arith.constant 16 : i32
          %mul3A_199 = arith.muli %scan3A_190, %mul3A_198 : i32
          %get3A = arith.index_cast %mul3A_199 : i32 to index
          %get3A_200 = tpu.vector_load %arg7[%get3A] {strides = array<i32>} : memref<2000xi32, #tpu.memory_space<vmem>>, vector<16xi32>,
          %gt3A_201 = arith.constant 0 : i32
          %gt3A_202 = vector.broadcast %gt3A_201 : i32 to vector<16xi32>
          %gt3A_203 = arith.cmpi sgt, %get3A_200, %gt3A_202 : vector<16xi32>
          %sub3A_204 = arith.constant 1 : i32
          %sub3A_205 = vector.broadcast %sub3A_204 : i32 to vector<16xi32>
          %sub3A_206 = arith.subi %get3A_200, %sub3A_205 : vector<16xi32>
          %max3A_207 = arith.constant 0 : i32
          %max3A_208 = vector.broadcast %max3A_207 : i32 to vector<16xi32>
          %max3A_209 = arith.maxsi %sub3A_206, %max3A_208 : vector<16xi32>
          %or3A = vector.broadcast %eq3A_183 : i1 to vector<16xi1>
          %or3A_210 = arith.ori %gt3A_203, %or3A : vector<16xi1>
          %and3A_211 = arith.andi %lt3A_197, %or3A_210 : vector<16xi1>
          %shift_right_arithmetic3A = arith.constant 3 : i32
          %shift_right_arithmetic3A_212 = vector.broadcast %shift_right_arithmetic3A : i32 to vector<16xi32>
          %shift_right_arithmetic3A_213 = arith.shrsi %add3A_194, %shift_right_arithmetic3A_212 : vector<16xi32>
          %and3A_214 = arith.constant 7 : i32
          %and3A_215 = vector.broadcast %and3A_214 : i32 to vector<16xi32>
          %and3A_216 = arith.andi %add3A_194, %and3A_215 : vector<16xi32>
          %mul3A_217 = arith.constant 32 : i32
          %mul3A_218 = vector.broadcast %mul3A_217 : i32 to vector<16xi32>
          %mul3A_219 = arith.muli %and3A_216, %mul3A_218 : vector<16xi32>
          %broadcast_in_dim3A_220 = arith.constant 0 : i32
          %broadcast_in_dim3A_221 = vector.broadcast %broadcast_in_dim3A_220 : i32 to vector<16xi32>
          %add3A_222 = arith.constant 0 : i32
          %add3A_223 = vector.broadcast %add3A_222 : i32 to vector<16xi32>
          %add3A_224 = arith.addi %broadcast_in_dim3A_221, %add3A_223 : vector<16xi32>
          %gather3A_225 = tpu.vector_load_idx %arg10[%max3A_209, %add3A_224] masked %gt3A_203 : memref<1024x32xf32, #tpu.memory_space<vmem>>[vector<16xi32>, vector<16xi32>], vector<16xf32>, vector<16xi1>
          %jit3A_226 = arith.constant 0.000000e+00 : f32
          %broadcast_in_dim3A_227 = vector.broadcast %jit3A_226 : f32 to vector<16xf32>
          %select_n3A_228 = arith.select %gt3A_203, %gather3A_225, %broadcast_in_dim3A_227 : vector<16xi1>, vector<16xf32>
          %add3A_229 = arith.constant 0 : i32
          %add3A_230 = vector.broadcast %add3A_229 : i32 to vector<16xi32>
          %add3A_231 = arith.addi %mul3A_219, %add3A_230 : vector<16xi32>
          tpu.vector_store_idx %arg11[%shift_right_arithmetic3A_213, %add3A_231], %select_n3A_228 masked %and3A_211 : memref<256x256xf32, #tpu.memory_space<vmem>>[vector<16xi32>, vector<16xi32>], vector<16xf32>, vector<16xi1>
          %broadcast_in_dim3A_232 = arith.constant 0 : i32
          %broadcast_in_dim3A_233 = vector.broadcast %broadcast_in_dim3A_232 : i32 to vector<16xi32>
          %add3A_234 = arith.constant 1 : i32
          %add3A_235 = vector.broadcast %add3A_234 : i32 to vector<16xi32>
          %add3A_236 = arith.addi %broadcast_in_dim3A_233, %add3A_235 : vector<16xi32>
          %gather3A_237 = tpu.vector_load_idx %arg10[%max3A_209, %add3A_236] masked %gt3A_203 : memref<1024x32xf32, #tpu.memory_space<vmem>>[vector<16xi32>, vector<16xi32>], vector<16xf32>, vector<16xi1>
          %jit3A_238 = arith.constant 0.000000e+00 : f32
          %broadcast_in_dim3A_239 = vector.broadcast %jit3A_238 : f32 to vector<16xf32>
          %select_n3A_240 = arith.select %gt3A_203, %gather3A_237, %broadcast_in_dim3A_239 : vector<16xi1>, vector<16xf32>
          %add3A_241 = arith.constant 1 : i32
          %add3A_242 = vector.broadcast %add3A_241 : i32 to vector<16xi32>
          %add3A_243 = arith.addi %mul3A_219, %add3A_242 : vector<16xi32>
          tpu.vector_store_idx %arg11[%shift_right_arithmetic3A_213, %add3A_243], %select_n3A_240 masked %and3A_211 : memref<256x256xf32, #tpu.memory_space<vmem>>[vector<16xi32>, vector<16xi32>], vector<16xf32>, vector<16xi1>
          %broadcast_in_dim3A_244 = arith.constant 0 : i32
          %broadcast_in_dim3A_245 = vector.broadcast %broadcast_in_dim3A_244 : i32 to vector<16xi32>
          %add3A_246 = arith.constant 2 : i32
          %add3A_247 = vector.broadcast %add3A_246 : i32 to vector<16xi32>
          %add3A_248 = arith.addi %broadcast_in_dim3A_245, %add3A_247 : vector<16xi32>
          %gather3A_249 = tpu.vector_load_idx %arg10[%max3A_209, %add3A_248] masked %gt3A_203 : memref<1024x32xf32, #tpu.memory_space<vmem>>[vector<16xi32>, vector<16xi32>], vector<16xf32>, vector<16xi1>
          %jit3A_250 = arith.constant 0.000000e+00 : f32
          %broadcast_in_dim3A_251 = vector.broadcast %jit3A_250 : f32 to vector<16xf32>
          %select_n3A_252 = arith.select %gt3A_203, %gather3A_249, %broadcast_in_dim3A_251 : vector<16xi1>, vector<16xf32>
          %add3A_253 = arith.constant 2 : i32
          %add3A_254 = vector.broadcast %add3A_253 : i32 to vector<16xi32>
          %add3A_255 = arith.addi %mul3A_219, %add3A_254 : vector<16xi32>
          tpu.vector_store_idx %arg11[%shift_right_arithmetic3A_213, %add3A_255], %select_n3A_252 masked %and3A_211 : memref<256x256xf32, #tpu.memory_space<vmem>>[vector<16xi32>, vector<16xi32>], vector<16xf32>, vector<16xi1>
          %broadcast_in_dim3A_256 = arith.constant 0 : i32
          %broadcast_in_dim3A_257 = vector.broadcast %broadcast_in_dim3A_256 : i32 to vector<16xi32>
          %add3A_258 = arith.constant 3 : i32
          %add3A_259 = vector.broadcast %add3A_258 : i32 to vector<16xi32>
          %add3A_260 = arith.addi %broadcast_in_dim3A_257, %add3A_259 : vector<16xi32>
          %gather3A_261 = tpu.vector_load_idx %arg10[%max3A_209, %add3A_260] masked %gt3A_203 : memref<1024x32xf32, #tpu.memory_space<vmem>>[vector<16xi32>, vector<16xi32>], vector<16xf32>, vector<16xi1>
          %jit3A_262 = arith.constant 0.000000e+00 : f32
          %broadcast_in_dim3A_263 = vector.broadcast %jit3A_262 : f32 to vector<16xf32>
          %select_n3A_264 = arith.select %gt3A_203, %gather3A_261, %broadcast_in_dim3A_263 : vector<16xi1>, vector<16xf32>
          %add3A_265 = arith.constant 3 : i32
          %add3A_266 = vector.broadcast %add3A_265 : i32 to vector<16xi32>
          %add3A_267 = arith.addi %mul3A_219, %add3A_266 : vector<16xi32>
          tpu.vector_store_idx %arg11[%shift_right_arithmetic3A_213, %add3A_267], %select_n3A_264 masked %and3A_211 : memref<256x256xf32, #tpu.memory_space<vmem>>[vector<16xi32>, vector<16xi32>], vector<16xf32>, vector<16xi1>
          %broadcast_in_dim3A_268 = arith.constant 0 : i32
          %broadcast_in_dim3A_269 = vector.broadcast %broadcast_in_dim3A_268 : i32 to vector<16xi32>
          %add3A_270 = arith.constant 4 : i32
          %add3A_271 = vector.broadcast %add3A_270 : i32 to vector<16xi32>
          %add3A_272 = arith.addi %broadcast_in_dim3A_269, %add3A_271 : vector<16xi32>
          %gather3A_273 = tpu.vector_load_idx %arg10[%max3A_209, %add3A_272] masked %gt3A_203 : memref<1024x32xf32, #tpu.memory_space<vmem>>[vector<16xi32>, vector<16xi32>], vector<16xf32>, vector<16xi1>
          %jit3A_274 = arith.constant 0.000000e+00 : f32
          %broadcast_in_dim3A_275 = vector.broadcast %jit3A_274 : f32 to vector<16xf32>
          %select_n3A_276 = arith.select %gt3A_203, %gather3A_273, %broadcast_in_dim3A_275 : vector<16xi1>, vector<16xf32>
          %add3A_277 = arith.constant 4 : i32
          %add3A_278 = vector.broadcast %add3A_277 : i32 to vector<16xi32>
          %add3A_279 = arith.addi %mul3A_219, %add3A_278 : vector<16xi32>
          tpu.vector_store_idx %arg11[%shift_right_arithmetic3A_213, %add3A_279], %select_n3A_276 masked %and3A_211 : memref<256x256xf32, #tpu.memory_space<vmem>>[vector<16xi32>, vector<16xi32>], vector<16xf32>, vector<16xi1>
          %broadcast_in_dim3A_280 = arith.constant 0 : i32
          %broadcast_in_dim3A_281 = vector.broadcast %broadcast_in_dim3A_280 : i32 to vector<16xi32>
          %add3A_282 = arith.constant 5 : i32
          %add3A_283 = vector.broadcast %add3A_282 : i32 to vector<16xi32>
          %add3A_284 = arith.addi %broadcast_in_dim3A_281, %add3A_283 : vector<16xi32>
          %gather3A_285 = tpu.vector_load_idx %arg10[%max3A_209, %add3A_284] masked %gt3A_203 : memref<1024x32xf32, #tpu.memory_space<vmem>>[vector<16xi32>, vector<16xi32>], vector<16xf32>, vector<16xi1>
          %jit3A_286 = arith.constant 0.000000e+00 : f32
          %broadcast_in_dim3A_287 = vector.broadcast %jit3A_286 : f32 to vector<16xf32>
          %select_n3A_288 = arith.select %gt3A_203, %gather3A_285, %broadcast_in_dim3A_287 : vector<16xi1>, vector<16xf32>
          %add3A_289 = arith.constant 5 : i32
          %add3A_290 = vector.broadcast %add3A_289 : i32 to vector<16xi32>
          %add3A_291 = arith.addi %mul3A_219, %add3A_290 : vector<16xi32>
          tpu.vector_store_idx %arg11[%shift_right_arithmetic3A_213, %add3A_291], %select_n3A_288 masked %and3A_211 : memref<256x256xf32, #tpu.memory_space<vmem>>[vector<16xi32>, vector<16xi32>], vector<16xf32>, vector<16xi1>
          %broadcast_in_dim3A_292 = arith.constant 0 : i32
          %broadcast_in_dim3A_293 = vector.broadcast %broadcast_in_dim3A_292 : i32 to vector<16xi32>
          %add3A_294 = arith.constant 6 : i32
          %add3A_295 = vector.broadcast %add3A_294 : i32 to vector<16xi32>
          %add3A_296 = arith.addi %broadcast_in_dim3A_293, %add3A_295 : vector<16xi32>
          %gather3A_297 = tpu.vector_load_idx %arg10[%max3A_209, %add3A_296] masked %gt3A_203 : memref<1024x32xf32, #tpu.memory_space<vmem>>[vector<16xi32>, vector<16xi32>], vector<16xf32>, vector<16xi1>
          %jit3A_298 = arith.constant 0.000000e+00 : f32
          %broadcast_in_dim3A_299 = vector.broadcast %jit3A_298 : f32 to vector<16xf32>
          %select_n3A_300 = arith.select %gt3A_203, %gather3A_297, %broadcast_in_dim3A_299 : vector<16xi1>, vector<16xf32>
          %add3A_301 = arith.constant 6 : i32
          %add3A_302 = vector.broadcast %add3A_301 : i32 to vector<16xi32>
          %add3A_303 = arith.addi %mul3A_219, %add3A_302 : vector<16xi32>
          tpu.vector_store_idx %arg11[%shift_right_arithmetic3A_213, %add3A_303], %select_n3A_300 masked %and3A_211 : memref<256x256xf32, #tpu.memory_space<vmem>>[vector<16xi32>, vector<16xi32>], vector<16xf32>, vector<16xi1>
          %broadcast_in_dim3A_304 = arith.constant 0 : i32
          %broadcast_in_dim3A_305 = vector.broadcast %broadcast_in_dim3A_304 : i32 to vector<16xi32>
          %add3A_306 = arith.constant 7 : i32
          %add3A_307 = vector.broadcast %add3A_306 : i32 to vector<16xi32>
          %add3A_308 = arith.addi %broadcast_in_dim3A_305, %add3A_307 : vector<16xi32>
          %gather3A_309 = tpu.vector_load_idx %arg10[%max3A_209, %add3A_308] masked %gt3A_203 : memref<1024x32xf32, #tpu.memory_space<vmem>>[vector<16xi32>, vector<16xi32>], vector<16xf32>, vector<16xi1>
          %jit3A_310 = arith.constant 0.000000e+00 : f32
          %broadcast_in_dim3A_311 = vector.broadcast %jit3A_310 : f32 to vector<16xf32>
          %select_n3A_312 = arith.select %gt3A_203, %gather3A_309, %broadcast_in_dim3A_311 : vector<16xi1>, vector<16xf32>
          %add3A_313 = arith.constant 7 : i32
          %add3A_314 = vector.broadcast %add3A_313 : i32 to vector<16xi32>
          %add3A_315 = arith.addi %mul3A_219, %add3A_314 : vector<16xi32>
          tpu.vector_store_idx %arg11[%shift_right_arithmetic3A_213, %add3A_315], %select_n3A_312 masked %and3A_211 : memref<256x256xf32, #tpu.memory_space<vmem>>[vector<16xi32>, vector<16xi32>], vector<16xf32>, vector<16xi1>
          %broadcast_in_dim3A_316 = arith.constant 0 : i32
          %broadcast_in_dim3A_317 = vector.broadcast %broadcast_in_dim3A_316 : i32 to vector<16xi32>
          %add3A_318 = arith.constant 8 : i32
          %add3A_319 = vector.broadcast %add3A_318 : i32 to vector<16xi32>
          %add3A_320 = arith.addi %broadcast_in_dim3A_317, %add3A_319 : vector<16xi32>
          %gather3A_321 = tpu.vector_load_idx %arg10[%max3A_209, %add3A_320] masked %gt3A_203 : memref<1024x32xf32, #tpu.memory_space<vmem>>[vector<16xi32>, vector<16xi32>], vector<16xf32>, vector<16xi1>
          %jit3A_322 = arith.constant 0.000000e+00 : f32
          %broadcast_in_dim3A_323 = vector.broadcast %jit3A_322 : f32 to vector<16xf32>
          %select_n3A_324 = arith.select %gt3A_203, %gather3A_321, %broadcast_in_dim3A_323 : vector<16xi1>, vector<16xf32>
          %add3A_325 = arith.constant 8 : i32
          %add3A_326 = vector.broadcast %add3A_325 : i32 to vector<16xi32>
          %add3A_327 = arith.addi %mul3A_219, %add3A_326 : vector<16xi32>
          tpu.vector_store_idx %arg11[%shift_right_arithmetic3A_213, %add3A_327], %select_n3A_324 masked %and3A_211 : memref<256x256xf32, #tpu.memory_space<vmem>>[vector<16xi32>, vector<16xi32>], vector<16xf32>, vector<16xi1>
          %broadcast_in_dim3A_328 = arith.constant 0 : i32
          %broadcast_in_dim3A_329 = vector.broadcast %broadcast_in_dim3A_328 : i32 to vector<16xi32>
          %add3A_330 = arith.constant 9 : i32
          %add3A_331 = vector.broadcast %add3A_330 : i32 to vector<16xi32>
          %add3A_332 = arith.addi %broadcast_in_dim3A_329, %add3A_331 : vector<16xi32>
          %gather3A_333 = tpu.vector_load_idx %arg10[%max3A_209, %add3A_332] masked %gt3A_203 : memref<1024x32xf32, #tpu.memory_space<vmem>>[vector<16xi32>, vector<16xi32>], vector<16xf32>, vector<16xi1>
          %jit3A_334 = arith.constant 0.000000e+00 : f32
          %broadcast_in_dim3A_335 = vector.broadcast %jit3A_334 : f32 to vector<16xf32>
          %select_n3A_336 = arith.select %gt3A_203, %gather3A_333, %broadcast_in_dim3A_335 : vector<16xi1>, vector<16xf32>
          %add3A_337 = arith.constant 9 : i32
          %add3A_338 = vector.broadcast %add3A_337 : i32 to vector<16xi32>
          %add3A_339 = arith.addi %mul3A_219, %add3A_338 : vector<16xi32>
          tpu.vector_store_idx %arg11[%shift_right_arithmetic3A_213, %add3A_339], %select_n3A_336 masked %and3A_211 : memref<256x256xf32, #tpu.memory_space<vmem>>[vector<16xi32>, vector<16xi32>], vector<16xf32>, vector<16xi1>
          %broadcast_in_dim3A_340 = arith.constant 0 : i32
          %broadcast_in_dim3A_341 = vector.broadcast %broadcast_in_dim3A_340 : i32 to vector<16xi32>
          %add3A_342 = arith.constant 10 : i32
          %add3A_343 = vector.broadcast %add3A_342 : i32 to vector<16xi32>
          %add3A_344 = arith.addi %broadcast_in_dim3A_341, %add3A_343 : vector<16xi32>
          %gather3A_345 = tpu.vector_load_idx %arg10[%max3A_209, %add3A_344] masked %gt3A_203 : memref<1024x32xf32, #tpu.memory_space<vmem>>[vector<16xi32>, vector<16xi32>], vector<16xf32>, vector<16xi1>
          %jit3A_346 = arith.constant 0.000000e+00 : f32
          %broadcast_in_dim3A_347 = vector.broadcast %jit3A_346 : f32 to vector<16xf32>
          %select_n3A_348 = arith.select %gt3A_203, %gather3A_345, %broadcast_in_dim3A_347 : vector<16xi1>, vector<16xf32>
          %add3A_349 = arith.constant 10 : i32
          %add3A_350 = vector.broadcast %add3A_349 : i32 to vector<16xi32>
          %add3A_351 = arith.addi %mul3A_219, %add3A_350 : vector<16xi32>
          tpu.vector_store_idx %arg11[%shift_right_arithmetic3A_213, %add3A_351], %select_n3A_348 masked %and3A_211 : memref<256x256xf32, #tpu.memory_space<vmem>>[vector<16xi32>, vector<16xi32>], vector<16xf32>, vector<16xi1>
          %broadcast_in_dim3A_352 = arith.constant 0 : i32
          %broadcast_in_dim3A_353 = vector.broadcast %broadcast_in_dim3A_352 : i32 to vector<16xi32>
          %add3A_354 = arith.constant 11 : i32
          %add3A_355 = vector.broadcast %add3A_354 : i32 to vector<16xi32>
          %add3A_356 = arith.addi %broadcast_in_dim3A_353, %add3A_355 : vector<16xi32>
          %gather3A_357 = tpu.vector_load_idx %arg10[%max3A_209, %add3A_356] masked %gt3A_203 : memref<1024x32xf32, #tpu.memory_space<vmem>>[vector<16xi32>, vector<16xi32>], vector<16xf32>, vector<16xi1>
          %jit3A_358 = arith.constant 0.000000e+00 : f32
          %broadcast_in_dim3A_359 = vector.broadcast %jit3A_358 : f32 to vector<16xf32>
          %select_n3A_360 = arith.select %gt3A_203, %gather3A_357, %broadcast_in_dim3A_359 : vector<16xi1>, vector<16xf32>
          %add3A_361 = arith.constant 11 : i32
          %add3A_362 = vector.broadcast %add3A_361 : i32 to vector<16xi32>
          %add3A_363 = arith.addi %mul3A_219, %add3A_362 : vector<16xi32>
          tpu.vector_store_idx %arg11[%shift_right_arithmetic3A_213, %add3A_363], %select_n3A_360 masked %and3A_211 : memref<256x256xf32, #tpu.memory_space<vmem>>[vector<16xi32>, vector<16xi32>], vector<16xf32>, vector<16xi1>
          %broadcast_in_dim3A_364 = arith.constant 0 : i32
          %broadcast_in_dim3A_365 = vector.broadcast %broadcast_in_dim3A_364 : i32 to vector<16xi32>
          %add3A_366 = arith.constant 12 : i32
          %add3A_367 = vector.broadcast %add3A_366 : i32 to vector<16xi32>
          %add3A_368 = arith.addi %broadcast_in_dim3A_365, %add3A_367 : vector<16xi32>
          %gather3A_369 = tpu.vector_load_idx %arg10[%max3A_209, %add3A_368] masked %gt3A_203 : memref<1024x32xf32, #tpu.memory_space<vmem>>[vector<16xi32>, vector<16xi32>], vector<16xf32>, vector<16xi1>
          %jit3A_370 = arith.constant 0.000000e+00 : f32
          %broadcast_in_dim3A_371 = vector.broadcast %jit3A_370 : f32 to vector<16xf32>
          %select_n3A_372 = arith.select %gt3A_203, %gather3A_369, %broadcast_in_dim3A_371 : vector<16xi1>, vector<16xf32>
          %add3A_373 = arith.constant 12 : i32
          %add3A_374 = vector.broadcast %add3A_373 : i32 to vector<16xi32>
          %add3A_375 = arith.addi %mul3A_219, %add3A_374 : vector<16xi32>
          tpu.vector_store_idx %arg11[%shift_right_arithmetic3A_213, %add3A_375], %select_n3A_372 masked %and3A_211 : memref<256x256xf32, #tpu.memory_space<vmem>>[vector<16xi32>, vector<16xi32>], vector<16xf32>, vector<16xi1>
          %broadcast_in_dim3A_376 = arith.constant 0 : i32
          %broadcast_in_dim3A_377 = vector.broadcast %broadcast_in_dim3A_376 : i32 to vector<16xi32>
          %add3A_378 = arith.constant 13 : i32
          %add3A_379 = vector.broadcast %add3A_378 : i32 to vector<16xi32>
          %add3A_380 = arith.addi %broadcast_in_dim3A_377, %add3A_379 : vector<16xi32>
          %gather3A_381 = tpu.vector_load_idx %arg10[%max3A_209, %add3A_380] masked %gt3A_203 : memref<1024x32xf32, #tpu.memory_space<vmem>>[vector<16xi32>, vector<16xi32>], vector<16xf32>, vector<16xi1>
          %jit3A_382 = arith.constant 0.000000e+00 : f32
          %broadcast_in_dim3A_383 = vector.broadcast %jit3A_382 : f32 to vector<16xf32>
          %select_n3A_384 = arith.select %gt3A_203, %gather3A_381, %broadcast_in_dim3A_383 : vector<16xi1>, vector<16xf32>
          %add3A_385 = arith.constant 13 : i32
          %add3A_386 = vector.broadcast %add3A_385 : i32 to vector<16xi32>
          %add3A_387 = arith.addi %mul3A_219, %add3A_386 : vector<16xi32>
          tpu.vector_store_idx %arg11[%shift_right_arithmetic3A_213, %add3A_387], %select_n3A_384 masked %and3A_211 : memref<256x256xf32, #tpu.memory_space<vmem>>[vector<16xi32>, vector<16xi32>], vector<16xf32>, vector<16xi1>
          %broadcast_in_dim3A_388 = arith.constant 0 : i32
          %broadcast_in_dim3A_389 = vector.broadcast %broadcast_in_dim3A_388 : i32 to vector<16xi32>
          %add3A_390 = arith.constant 14 : i32
          %add3A_391 = vector.broadcast %add3A_390 : i32 to vector<16xi32>
          %add3A_392 = arith.addi %broadcast_in_dim3A_389, %add3A_391 : vector<16xi32>
          %gather3A_393 = tpu.vector_load_idx %arg10[%max3A_209, %add3A_392] masked %gt3A_203 : memref<1024x32xf32, #tpu.memory_space<vmem>>[vector<16xi32>, vector<16xi32>], vector<16xf32>, vector<16xi1>
          %jit3A_394 = arith.constant 0.000000e+00 : f32
          %broadcast_in_dim3A_395 = vector.broadcast %jit3A_394 : f32 to vector<16xf32>
          %select_n3A_396 = arith.select %gt3A_203, %gather3A_393, %broadcast_in_dim3A_395 : vector<16xi1>, vector<16xf32>
          %add3A_397 = arith.constant 14 : i32
          %add3A_398 = vector.broadcast %add3A_397 : i32 to vector<16xi32>
          %add3A_399 = arith.addi %mul3A_219, %add3A_398 : vector<16xi32>
          tpu.vector_store_idx %arg11[%shift_right_arithmetic3A_213, %add3A_399], %select_n3A_396 masked %and3A_211 : memref<256x256xf32, #tpu.memory_space<vmem>>[vector<16xi32>, vector<16xi32>], vector<16xf32>, vector<16xi1>
          %broadcast_in_dim3A_400 = arith.constant 0 : i32
          %broadcast_in_dim3A_401 = vector.broadcast %broadcast_in_dim3A_400 : i32 to vector<16xi32>
          %add3A_402 = arith.constant 15 : i32
          %add3A_403 = vector.broadcast %add3A_402 : i32 to vector<16xi32>
          %add3A_404 = arith.addi %broadcast_in_dim3A_401, %add3A_403 : vector<16xi32>
          %gather3A_405 = tpu.vector_load_idx %arg10[%max3A_209, %add3A_404] masked %gt3A_203 : memref<1024x32xf32, #tpu.memory_space<vmem>>[vector<16xi32>, vector<16xi32>], vector<16xf32>, vector<16xi1>
          %jit3A_406 = arith.constant 0.000000e+00 : f32
          %broadcast_in_dim3A_407 = vector.broadcast %jit3A_406 : f32 to vector<16xf32>
          %select_n3A_408 = arith.select %gt3A_203, %gather3A_405, %broadcast_in_dim3A_407 : vector<16xi1>, vector<16xf32>
          %add3A_409 = arith.constant 15 : i32
          %add3A_410 = vector.broadcast %add3A_409 : i32 to vector<16xi32>
          %add3A_411 = arith.addi %mul3A_219, %add3A_410 : vector<16xi32>
          tpu.vector_store_idx %arg11[%shift_right_arithmetic3A_213, %add3A_411], %select_n3A_408 masked %and3A_211 : memref<256x256xf32, #tpu.memory_space<vmem>>[vector<16xi32>, vector<16xi32>], vector<16xf32>, vector<16xi1>
          %broadcast_in_dim3A_412 = arith.constant 0 : i32
          %broadcast_in_dim3A_413 = vector.broadcast %broadcast_in_dim3A_412 : i32 to vector<16xi32>
          %add3A_414 = arith.constant 16 : i32
          %add3A_415 = vector.broadcast %add3A_414 : i32 to vector<16xi32>
          %add3A_416 = arith.addi %broadcast_in_dim3A_413, %add3A_415 : vector<16xi32>
          %gather3A_417 = tpu.vector_load_idx %arg10[%max3A_209, %add3A_416] masked %gt3A_203 : memref<1024x32xf32, #tpu.memory_space<vmem>>[vector<16xi32>, vector<16xi32>], vector<16xf32>, vector<16xi1>
          %jit3A_418 = arith.constant 0.000000e+00 : f32
          %broadcast_in_dim3A_419 = vector.broadcast %jit3A_418 : f32 to vector<16xf32>
          %select_n3A_420 = arith.select %gt3A_203, %gather3A_417, %broadcast_in_dim3A_419 : vector<16xi1>, vector<16xf32>
          %add3A_421 = arith.constant 16 : i32
          %add3A_422 = vector.broadcast %add3A_421 : i32 to vector<16xi32>
          %add3A_423 = arith.addi %mul3A_219, %add3A_422 : vector<16xi32>
          tpu.vector_store_idx %arg11[%shift_right_arithmetic3A_213, %add3A_423], %select_n3A_420 masked %and3A_211 : memref<256x256xf32, #tpu.memory_space<vmem>>[vector<16xi32>, vector<16xi32>], vector<16xf32>, vector<16xi1>
          %broadcast_in_dim3A_424 = arith.constant 0 : i32
          %broadcast_in_dim3A_425 = vector.broadcast %broadcast_in_dim3A_424 : i32 to vector<16xi32>
          %add3A_426 = arith.constant 17 : i32
          %add3A_427 = vector.broadcast %add3A_426 : i32 to vector<16xi32>
          %add3A_428 = arith.addi %broadcast_in_dim3A_425, %add3A_427 : vector<16xi32>
          %gather3A_429 = tpu.vector_load_idx %arg10[%max3A_209, %add3A_428] masked %gt3A_203 : memref<1024x32xf32, #tpu.memory_space<vmem>>[vector<16xi32>, vector<16xi32>], vector<16xf32>, vector<16xi1>
          %jit3A_430 = arith.constant 0.000000e+00 : f32
          %broadcast_in_dim3A_431 = vector.broadcast %jit3A_430 : f32 to vector<16xf32>
          %select_n3A_432 = arith.select %gt3A_203, %gather3A_429, %broadcast_in_dim3A_431 : vector<16xi1>, vector<16xf32>
          %add3A_433 = arith.constant 17 : i32
          %add3A_434 = vector.broadcast %add3A_433 : i32 to vector<16xi32>
          %add3A_435 = arith.addi %mul3A_219, %add3A_434 : vector<16xi32>
          tpu.vector_store_idx %arg11[%shift_right_arithmetic3A_213, %add3A_435], %select_n3A_432 masked %and3A_211 : memref<256x256xf32, #tpu.memory_space<vmem>>[vector<16xi32>, vector<16xi32>], vector<16xf32>, vector<16xi1>
          %broadcast_in_dim3A_436 = arith.constant 0 : i32
          %broadcast_in_dim3A_437 = vector.broadcast %broadcast_in_dim3A_436 : i32 to vector<16xi32>
          %add3A_438 = arith.constant 18 : i32
          %add3A_439 = vector.broadcast %add3A_438 : i32 to vector<16xi32>
          %add3A_440 = arith.addi %broadcast_in_dim3A_437, %add3A_439 : vector<16xi32>
          %gather3A_441 = tpu.vector_load_idx %arg10[%max3A_209, %add3A_440] masked %gt3A_203 : memref<1024x32xf32, #tpu.memory_space<vmem>>[vector<16xi32>, vector<16xi32>], vector<16xf32>, vector<16xi1>
          %jit3A_442 = arith.constant 0.000000e+00 : f32
          %broadcast_in_dim3A_443 = vector.broadcast %jit3A_442 : f32 to vector<16xf32>
          %select_n3A_444 = arith.select %gt3A_203, %gather3A_441, %broadcast_in_dim3A_443 : vector<16xi1>, vector<16xf32>
          %add3A_445 = arith.constant 18 : i32
          %add3A_446 = vector.broadcast %add3A_445 : i32 to vector<16xi32>
          %add3A_447 = arith.addi %mul3A_219, %add3A_446 : vector<16xi32>
          tpu.vector_store_idx %arg11[%shift_right_arithmetic3A_213, %add3A_447], %select_n3A_444 masked %and3A_211 : memref<256x256xf32, #tpu.memory_space<vmem>>[vector<16xi32>, vector<16xi32>], vector<16xf32>, vector<16xi1>
          %broadcast_in_dim3A_448 = arith.constant 0 : i32
          %broadcast_in_dim3A_449 = vector.broadcast %broadcast_in_dim3A_448 : i32 to vector<16xi32>
          %add3A_450 = arith.constant 19 : i32
          %add3A_451 = vector.broadcast %add3A_450 : i32 to vector<16xi32>
          %add3A_452 = arith.addi %broadcast_in_dim3A_449, %add3A_451 : vector<16xi32>
          %gather3A_453 = tpu.vector_load_idx %arg10[%max3A_209, %add3A_452] masked %gt3A_203 : memref<1024x32xf32, #tpu.memory_space<vmem>>[vector<16xi32>, vector<16xi32>], vector<16xf32>, vector<16xi1>
          %jit3A_454 = arith.constant 0.000000e+00 : f32
          %broadcast_in_dim3A_455 = vector.broadcast %jit3A_454 : f32 to vector<16xf32>
          %select_n3A_456 = arith.select %gt3A_203, %gather3A_453, %broadcast_in_dim3A_455 : vector<16xi1>, vector<16xf32>
          %add3A_457 = arith.constant 19 : i32
          %add3A_458 = vector.broadcast %add3A_457 : i32 to vector<16xi32>
          %add3A_459 = arith.addi %mul3A_219, %add3A_458 : vector<16xi32>
          tpu.vector_store_idx %arg11[%shift_right_arithmetic3A_213, %add3A_459], %select_n3A_456 masked %and3A_211 : memref<256x256xf32, #tpu.memory_space<vmem>>[vector<16xi32>, vector<16xi32>], vector<16xf32>, vector<16xi1>
          %broadcast_in_dim3A_460 = arith.constant 0 : i32
          %broadcast_in_dim3A_461 = vector.broadcast %broadcast_in_dim3A_460 : i32 to vector<16xi32>
          %add3A_462 = arith.constant 20 : i32
          %add3A_463 = vector.broadcast %add3A_462 : i32 to vector<16xi32>
          %add3A_464 = arith.addi %broadcast_in_dim3A_461, %add3A_463 : vector<16xi32>
          %gather3A_465 = tpu.vector_load_idx %arg10[%max3A_209, %add3A_464] masked %gt3A_203 : memref<1024x32xf32, #tpu.memory_space<vmem>>[vector<16xi32>, vector<16xi32>], vector<16xf32>, vector<16xi1>
          %jit3A_466 = arith.constant 0.000000e+00 : f32
          %broadcast_in_dim3A_467 = vector.broadcast %jit3A_466 : f32 to vector<16xf32>
          %select_n3A_468 = arith.select %gt3A_203, %gather3A_465, %broadcast_in_dim3A_467 : vector<16xi1>, vector<16xf32>
          %add3A_469 = arith.constant 20 : i32
          %add3A_470 = vector.broadcast %add3A_469 : i32 to vector<16xi32>
          %add3A_471 = arith.addi %mul3A_219, %add3A_470 : vector<16xi32>
          tpu.vector_store_idx %arg11[%shift_right_arithmetic3A_213, %add3A_471], %select_n3A_468 masked %and3A_211 : memref<256x256xf32, #tpu.memory_space<vmem>>[vector<16xi32>, vector<16xi32>], vector<16xf32>, vector<16xi1>
          %broadcast_in_dim3A_472 = arith.constant 0 : i32
          %broadcast_in_dim3A_473 = vector.broadcast %broadcast_in_dim3A_472 : i32 to vector<16xi32>
          %add3A_474 = arith.constant 21 : i32
          %add3A_475 = vector.broadcast %add3A_474 : i32 to vector<16xi32>
          %add3A_476 = arith.addi %broadcast_in_dim3A_473, %add3A_475 : vector<16xi32>
          %gather3A_477 = tpu.vector_load_idx %arg10[%max3A_209, %add3A_476] masked %gt3A_203 : memref<1024x32xf32, #tpu.memory_space<vmem>>[vector<16xi32>, vector<16xi32>], vector<16xf32>, vector<16xi1>
          %jit3A_478 = arith.constant 0.000000e+00 : f32
          %broadcast_in_dim3A_479 = vector.broadcast %jit3A_478 : f32 to vector<16xf32>
          %select_n3A_480 = arith.select %gt3A_203, %gather3A_477, %broadcast_in_dim3A_479 : vector<16xi1>, vector<16xf32>
          %add3A_481 = arith.constant 21 : i32
          %add3A_482 = vector.broadcast %add3A_481 : i32 to vector<16xi32>
          %add3A_483 = arith.addi %mul3A_219, %add3A_482 : vector<16xi32>
          tpu.vector_store_idx %arg11[%shift_right_arithmetic3A_213, %add3A_483], %select_n3A_480 masked %and3A_211 : memref<256x256xf32, #tpu.memory_space<vmem>>[vector<16xi32>, vector<16xi32>], vector<16xf32>, vector<16xi1>
          %broadcast_in_dim3A_484 = arith.constant 0 : i32
          %broadcast_in_dim3A_485 = vector.broadcast %broadcast_in_dim3A_484 : i32 to vector<16xi32>
          %add3A_486 = arith.constant 22 : i32
          %add3A_487 = vector.broadcast %add3A_486 : i32 to vector<16xi32>
          %add3A_488 = arith.addi %broadcast_in_dim3A_485, %add3A_487 : vector<16xi32>
          %gather3A_489 = tpu.vector_load_idx %arg10[%max3A_209, %add3A_488] masked %gt3A_203 : memref<1024x32xf32, #tpu.memory_space<vmem>>[vector<16xi32>, vector<16xi32>], vector<16xf32>, vector<16xi1>
          %jit3A_490 = arith.constant 0.000000e+00 : f32
          %broadcast_in_dim3A_491 = vector.broadcast %jit3A_490 : f32 to vector<16xf32>
          %select_n3A_492 = arith.select %gt3A_203, %gather3A_489, %broadcast_in_dim3A_491 : vector<16xi1>, vector<16xf32>
          %add3A_493 = arith.constant 22 : i32
          %add3A_494 = vector.broadcast %add3A_493 : i32 to vector<16xi32>
          %add3A_495 = arith.addi %mul3A_219, %add3A_494 : vector<16xi32>
          tpu.vector_store_idx %arg11[%shift_right_arithmetic3A_213, %add3A_495], %select_n3A_492 masked %and3A_211 : memref<256x256xf32, #tpu.memory_space<vmem>>[vector<16xi32>, vector<16xi32>], vector<16xf32>, vector<16xi1>
          %broadcast_in_dim3A_496 = arith.constant 0 : i32
          %broadcast_in_dim3A_497 = vector.broadcast %broadcast_in_dim3A_496 : i32 to vector<16xi32>
          %add3A_498 = arith.constant 23 : i32
          %add3A_499 = vector.broadcast %add3A_498 : i32 to vector<16xi32>
          %add3A_500 = arith.addi %broadcast_in_dim3A_497, %add3A_499 : vector<16xi32>
          %gather3A_501 = tpu.vector_load_idx %arg10[%max3A_209, %add3A_500] masked %gt3A_203 : memref<1024x32xf32, #tpu.memory_space<vmem>>[vector<16xi32>, vector<16xi32>], vector<16xf32>, vector<16xi1>
          %jit3A_502 = arith.constant 0.000000e+00 : f32
          %broadcast_in_dim3A_503 = vector.broadcast %jit3A_502 : f32 to vector<16xf32>
          %select_n3A_504 = arith.select %gt3A_203, %gather3A_501, %broadcast_in_dim3A_503 : vector<16xi1>, vector<16xf32>
          %add3A_505 = arith.constant 23 : i32
          %add3A_506 = vector.broadcast %add3A_505 : i32 to vector<16xi32>
          %add3A_507 = arith.addi %mul3A_219, %add3A_506 : vector<16xi32>
          tpu.vector_store_idx %arg11[%shift_right_arithmetic3A_213, %add3A_507], %select_n3A_504 masked %and3A_211 : memref<256x256xf32, #tpu.memory_space<vmem>>[vector<16xi32>, vector<16xi32>], vector<16xf32>, vector<16xi1>
          %broadcast_in_dim3A_508 = arith.constant 0 : i32
          %broadcast_in_dim3A_509 = vector.broadcast %broadcast_in_dim3A_508 : i32 to vector<16xi32>
          %add3A_510 = arith.constant 24 : i32
          %add3A_511 = vector.broadcast %add3A_510 : i32 to vector<16xi32>
          %add3A_512 = arith.addi %broadcast_in_dim3A_509, %add3A_511 : vector<16xi32>
          %gather3A_513 = tpu.vector_load_idx %arg10[%max3A_209, %add3A_512] masked %gt3A_203 : memref<1024x32xf32, #tpu.memory_space<vmem>>[vector<16xi32>, vector<16xi32>], vector<16xf32>, vector<16xi1>
          %jit3A_514 = arith.constant 0.000000e+00 : f32
          %broadcast_in_dim3A_515 = vector.broadcast %jit3A_514 : f32 to vector<16xf32>
          %select_n3A_516 = arith.select %gt3A_203, %gather3A_513, %broadcast_in_dim3A_515 : vector<16xi1>, vector<16xf32>
          %add3A_517 = arith.constant 24 : i32
          %add3A_518 = vector.broadcast %add3A_517 : i32 to vector<16xi32>
          %add3A_519 = arith.addi %mul3A_219, %add3A_518 : vector<16xi32>
          tpu.vector_store_idx %arg11[%shift_right_arithmetic3A_213, %add3A_519], %select_n3A_516 masked %and3A_211 : memref<256x256xf32, #tpu.memory_space<vmem>>[vector<16xi32>, vector<16xi32>], vector<16xf32>, vector<16xi1>
          %broadcast_in_dim3A_520 = arith.constant 0 : i32
          %broadcast_in_dim3A_521 = vector.broadcast %broadcast_in_dim3A_520 : i32 to vector<16xi32>
          %add3A_522 = arith.constant 25 : i32
          %add3A_523 = vector.broadcast %add3A_522 : i32 to vector<16xi32>
          %add3A_524 = arith.addi %broadcast_in_dim3A_521, %add3A_523 : vector<16xi32>
          %gather3A_525 = tpu.vector_load_idx %arg10[%max3A_209, %add3A_524] masked %gt3A_203 : memref<1024x32xf32, #tpu.memory_space<vmem>>[vector<16xi32>, vector<16xi32>], vector<16xf32>, vector<16xi1>
          %jit3A_526 = arith.constant 0.000000e+00 : f32
          %broadcast_in_dim3A_527 = vector.broadcast %jit3A_526 : f32 to vector<16xf32>
          %select_n3A_528 = arith.select %gt3A_203, %gather3A_525, %broadcast_in_dim3A_527 : vector<16xi1>, vector<16xf32>
          %add3A_529 = arith.constant 25 : i32
          %add3A_530 = vector.broadcast %add3A_529 : i32 to vector<16xi32>
          %add3A_531 = arith.addi %mul3A_219, %add3A_530 : vector<16xi32>
          tpu.vector_store_idx %arg11[%shift_right_arithmetic3A_213, %add3A_531], %select_n3A_528 masked %and3A_211 : memref<256x256xf32, #tpu.memory_space<vmem>>[vector<16xi32>, vector<16xi32>], vector<16xf32>, vector<16xi1>
          %broadcast_in_dim3A_532 = arith.constant 0 : i32
          %broadcast_in_dim3A_533 = vector.broadcast %broadcast_in_dim3A_532 : i32 to vector<16xi32>
          %add3A_534 = arith.constant 26 : i32
          %add3A_535 = vector.broadcast %add3A_534 : i32 to vector<16xi32>
          %add3A_536 = arith.addi %broadcast_in_dim3A_533, %add3A_535 : vector<16xi32>
          %gather3A_537 = tpu.vector_load_idx %arg10[%max3A_209, %add3A_536] masked %gt3A_203 : memref<1024x32xf32, #tpu.memory_space<vmem>>[vector<16xi32>, vector<16xi32>], vector<16xf32>, vector<16xi1>
          %jit3A_538 = arith.constant 0.000000e+00 : f32
          %broadcast_in_dim3A_539 = vector.broadcast %jit3A_538 : f32 to vector<16xf32>
          %select_n3A_540 = arith.select %gt3A_203, %gather3A_537, %broadcast_in_dim3A_539 : vector<16xi1>, vector<16xf32>
          %add3A_541 = arith.constant 26 : i32
          %add3A_542 = vector.broadcast %add3A_541 : i32 to vector<16xi32>
          %add3A_543 = arith.addi %mul3A_219, %add3A_542 : vector<16xi32>
          tpu.vector_store_idx %arg11[%shift_right_arithmetic3A_213, %add3A_543], %select_n3A_540 masked %and3A_211 : memref<256x256xf32, #tpu.memory_space<vmem>>[vector<16xi32>, vector<16xi32>], vector<16xf32>, vector<16xi1>
          %broadcast_in_dim3A_544 = arith.constant 0 : i32
          %broadcast_in_dim3A_545 = vector.broadcast %broadcast_in_dim3A_544 : i32 to vector<16xi32>
          %add3A_546 = arith.constant 27 : i32
          %add3A_547 = vector.broadcast %add3A_546 : i32 to vector<16xi32>
          %add3A_548 = arith.addi %broadcast_in_dim3A_545, %add3A_547 : vector<16xi32>
          %gather3A_549 = tpu.vector_load_idx %arg10[%max3A_209, %add3A_548] masked %gt3A_203 : memref<1024x32xf32, #tpu.memory_space<vmem>>[vector<16xi32>, vector<16xi32>], vector<16xf32>, vector<16xi1>
          %jit3A_550 = arith.constant 0.000000e+00 : f32
          %broadcast_in_dim3A_551 = vector.broadcast %jit3A_550 : f32 to vector<16xf32>
          %select_n3A_552 = arith.select %gt3A_203, %gather3A_549, %broadcast_in_dim3A_551 : vector<16xi1>, vector<16xf32>
          %add3A_553 = arith.constant 27 : i32
          %add3A_554 = vector.broadcast %add3A_553 : i32 to vector<16xi32>
          %add3A_555 = arith.addi %mul3A_219, %add3A_554 : vector<16xi32>
          tpu.vector_store_idx %arg11[%shift_right_arithmetic3A_213, %add3A_555], %select_n3A_552 masked %and3A_211 : memref<256x256xf32, #tpu.memory_space<vmem>>[vector<16xi32>, vector<16xi32>], vector<16xf32>, vector<16xi1>
          %broadcast_in_dim3A_556 = arith.constant 0 : i32
          %broadcast_in_dim3A_557 = vector.broadcast %broadcast_in_dim3A_556 : i32 to vector<16xi32>
          %add3A_558 = arith.constant 28 : i32
          %add3A_559 = vector.broadcast %add3A_558 : i32 to vector<16xi32>
          %add3A_560 = arith.addi %broadcast_in_dim3A_557, %add3A_559 : vector<16xi32>
          %gather3A_561 = tpu.vector_load_idx %arg10[%max3A_209, %add3A_560] masked %gt3A_203 : memref<1024x32xf32, #tpu.memory_space<vmem>>[vector<16xi32>, vector<16xi32>], vector<16xf32>, vector<16xi1>
          %jit3A_562 = arith.constant 0.000000e+00 : f32
          %broadcast_in_dim3A_563 = vector.broadcast %jit3A_562 : f32 to vector<16xf32>
          %select_n3A_564 = arith.select %gt3A_203, %gather3A_561, %broadcast_in_dim3A_563 : vector<16xi1>, vector<16xf32>
          %add3A_565 = arith.constant 28 : i32
          %add3A_566 = vector.broadcast %add3A_565 : i32 to vector<16xi32>
          %add3A_567 = arith.addi %mul3A_219, %add3A_566 : vector<16xi32>
          tpu.vector_store_idx %arg11[%shift_right_arithmetic3A_213, %add3A_567], %select_n3A_564 masked %and3A_211 : memref<256x256xf32, #tpu.memory_space<vmem>>[vector<16xi32>, vector<16xi32>], vector<16xf32>, vector<16xi1>
          %broadcast_in_dim3A_568 = arith.constant 0 : i32
          %broadcast_in_dim3A_569 = vector.broadcast %broadcast_in_dim3A_568 : i32 to vector<16xi32>
          %add3A_570 = arith.constant 29 : i32
          %add3A_571 = vector.broadcast %add3A_570 : i32 to vector<16xi32>
          %add3A_572 = arith.addi %broadcast_in_dim3A_569, %add3A_571 : vector<16xi32>
          %gather3A_573 = tpu.vector_load_idx %arg10[%max3A_209, %add3A_572] masked %gt3A_203 : memref<1024x32xf32, #tpu.memory_space<vmem>>[vector<16xi32>, vector<16xi32>], vector<16xf32>, vector<16xi1>
          %jit3A_574 = arith.constant 0.000000e+00 : f32
          %broadcast_in_dim3A_575 = vector.broadcast %jit3A_574 : f32 to vector<16xf32>
          %select_n3A_576 = arith.select %gt3A_203, %gather3A_573, %broadcast_in_dim3A_575 : vector<16xi1>, vector<16xf32>
          %add3A_577 = arith.constant 29 : i32
          %add3A_578 = vector.broadcast %add3A_577 : i32 to vector<16xi32>
          %add3A_579 = arith.addi %mul3A_219, %add3A_578 : vector<16xi32>
          tpu.vector_store_idx %arg11[%shift_right_arithmetic3A_213, %add3A_579], %select_n3A_576 masked %and3A_211 : memref<256x256xf32, #tpu.memory_space<vmem>>[vector<16xi32>, vector<16xi32>], vector<16xf32>, vector<16xi1>
          %broadcast_in_dim3A_580 = arith.constant 0 : i32
          %broadcast_in_dim3A_581 = vector.broadcast %broadcast_in_dim3A_580 : i32 to vector<16xi32>
          %add3A_582 = arith.constant 30 : i32
          %add3A_583 = vector.broadcast %add3A_582 : i32 to vector<16xi32>
          %add3A_584 = arith.addi %broadcast_in_dim3A_581, %add3A_583 : vector<16xi32>
          %gather3A_585 = tpu.vector_load_idx %arg10[%max3A_209, %add3A_584] masked %gt3A_203 : memref<1024x32xf32, #tpu.memory_space<vmem>>[vector<16xi32>, vector<16xi32>], vector<16xf32>, vector<16xi1>
          %jit3A_586 = arith.constant 0.000000e+00 : f32
          %broadcast_in_dim3A_587 = vector.broadcast %jit3A_586 : f32 to vector<16xf32>
          %select_n3A_588 = arith.select %gt3A_203, %gather3A_585, %broadcast_in_dim3A_587 : vector<16xi1>, vector<16xf32>
          %add3A_589 = arith.constant 30 : i32
          %add3A_590 = vector.broadcast %add3A_589 : i32 to vector<16xi32>
          %add3A_591 = arith.addi %mul3A_219, %add3A_590 : vector<16xi32>
          tpu.vector_store_idx %arg11[%shift_right_arithmetic3A_213, %add3A_591], %select_n3A_588 masked %and3A_211 : memref<256x256xf32, #tpu.memory_space<vmem>>[vector<16xi32>, vector<16xi32>], vector<16xf32>, vector<16xi1>
          %broadcast_in_dim3A_592 = arith.constant 0 : i32
          %broadcast_in_dim3A_593 = vector.broadcast %broadcast_in_dim3A_592 : i32 to vector<16xi32>
          %add3A_594 = arith.constant 31 : i32
          %add3A_595 = vector.broadcast %add3A_594 : i32 to vector<16xi32>
          %add3A_596 = arith.addi %broadcast_in_dim3A_593, %add3A_595 : vector<16xi32>
          %gather3A_597 = tpu.vector_load_idx %arg10[%max3A_209, %add3A_596] masked %gt3A_203 : memref<1024x32xf32, #tpu.memory_space<vmem>>[vector<16xi32>, vector<16xi32>], vector<16xf32>, vector<16xi1>
          %jit3A_598 = arith.constant 0.000000e+00 : f32
          %broadcast_in_dim3A_599 = vector.broadcast %jit3A_598 : f32 to vector<16xf32>
          %select_n3A_600 = arith.select %gt3A_203, %gather3A_597, %broadcast_in_dim3A_599 : vector<16xi1>, vector<16xf32>
          %add3A_601 = arith.constant 31 : i32
          %add3A_602 = vector.broadcast %add3A_601 : i32 to vector<16xi32>
          %add3A_603 = arith.addi %mul3A_219, %add3A_602 : vector<16xi32>
          tpu.vector_store_idx %arg11[%shift_right_arithmetic3A_213, %add3A_603], %select_n3A_600 masked %and3A_211 : memref<256x256xf32, #tpu.memory_space<vmem>>[vector<16xi32>, vector<16xi32>], vector<16xf32>, vector<16xi1>
        }
        %scan3A_189 = arith.constant 125 : i32
      }
      %convert_element_type3A = arith.extui %lt3A_47 : i1 to i32
      %cond3A = arith.constant 0 : i32
      %cond3A_142 = arith.cmpi ne, %convert_element_type3A, %cond3A : i32
      scf.if %cond3A_142 {
        %dma_start3A = arith.constant 0 : i32
        %dma_start3A_143 = arith.constant 0 : i32
        %dma_start3A_144 = tpu.memref_slice %arg11[%dma_start3A, %dma_start3A_143] : memref<256x256xf32, #tpu.memory_space<vmem>> -> memref<250x256xf32, #tpu.memory_space<vmem>>
        %dma_start3A_145 = arith.constant 0 : i32
        %dma_start3A_146 = tpu.memref_slice %arg6[%mul3A_44, %dma_start3A_145] : memref<100000x256xf32, #tpu.memory_space<hbm>> -> memref<250x256xf32, #tpu.memory_space<hbm>>
        %dma_start3A_147 = arith.constant 0 : i32
        %dma_start3A_148 = tpu.memref_slice %arg6[%mul3A_44, %dma_start3A_147] : memref<100000x256xf32, #tpu.memory_space<hbm>> -> memref<250x256xf32, #tpu.memory_space<hbm>>
        %dma_start3A_149 = arith.constant 0 : i32
        %dma_start3A_150 = arith.constant 0 : i32
        %dma_start3A_151 = tpu.memref_slice %arg11[%dma_start3A_149, %dma_start3A_150] : memref<256x256xf32, #tpu.memory_space<vmem>> -> memref<250x256xf32, #tpu.memory_space<vmem>>
        tpu.enqueue_dma source(%dma_start3A_151 : memref<250x256xf32, #tpu.memory_space<vmem>>) target(%dma_start3A_148 : memref<250x256xf32, #tpu.memory_space<hbm>>) target_semaphore(%arg14 : memref<!tpu.dma_semaphore, #tpu.memory_space<semaphore_mem>>)
      } else {
      }
    }
    %scan3A_6 = arith.constant 13 : i32
    %sub3A = arith.constant 399 : i32
    %sub3A_7 = arith.subi %sub3A, %add3A : i32
    %jit3A = arith.constant 32 : i32
    %div3A = arith.divsi %sub3A_7, %jit3A : i32
    %sign3A = arith.constant 0 : i32
    %sign3A_8 = arith.cmpi sgt, %sub3A_7, %sign3A : i32
    %sign3A_9 = arith.extui %sign3A_8 : i1 to i32
    %sign3A_10 = arith.constant 0 : i32
    %sign3A_11 = arith.cmpi slt, %sub3A_7, %sign3A_10 : i32
    %sign3A_12 = arith.extui %sign3A_11 : i1 to i32
    %sign3A_13 = arith.subi %sign3A_9, %sign3A_12 : i32
    %sign3A_14 = arith.constant 0 : i32
    %sign3A_15 = arith.cmpi sgt, %jit3A, %sign3A_14 : i32
    %sign3A_16 = arith.extui %sign3A_15 : i1 to i32
    %sign3A_17 = arith.constant 0 : i32
    %sign3A_18 = arith.cmpi slt, %jit3A, %sign3A_17 : i32
    %sign3A_19 = arith.extui %sign3A_18 : i1 to i32
    %sign3A_20 = arith.subi %sign3A_16, %sign3A_19 : i32
    %ne3A = arith.cmpi ne, %sign3A_13, %sign3A_20 : i32
    %rem3A = arith.remsi %sub3A_7, %jit3A : i32
    %ne3A_21 = arith.constant 0 : i32
    %ne3A_22 = arith.cmpi ne, %rem3A, %ne3A_21 : i32
    %and3A = arith.andi %ne3A, %ne3A_22 : i1
    %sub3A_23 = arith.constant 1 : i32
    %sub3A_24 = arith.subi %div3A, %sub3A_23 : i32
    %select_n3A = arith.select %and3A, %sub3A_24, %div3A : i32
    %mul3A_25 = arith.constant 32 : i32
    %mul3A_26 = arith.muli %mul3A_25, %select_n3A : i32
    %add3A_27 = arith.addi %add3A, %mul3A_26 : i32
    %mul3A_28 = arith.constant 250 : i32
    %mul3A_29 = arith.muli %add3A_27, %mul3A_28 : i32
    %dma_wait3A = arith.constant 0 : i32
    %dma_wait3A_30 = arith.constant 0 : i32
    %dma_wait3A_31 = tpu.memref_slice %arg11[%dma_wait3A, %dma_wait3A_30] : memref<256x256xf32, #tpu.memory_space<vmem>> -> memref<250x256xf32, #tpu.memory_space<vmem>>
    %dma_wait3A_32 = arith.constant 0 : i32
    %dma_wait3A_33 = tpu.memref_slice %arg6[%mul3A_29, %dma_wait3A_32] : memref<100000x256xf32, #tpu.memory_space<hbm>> -> memref<250x256xf32, #tpu.memory_space<hbm>>
    %dma_wait3A_34 = arith.constant 0 : i32
    %dma_wait3A_35 = tpu.memref_slice %arg6[%mul3A_29, %dma_wait3A_34] : memref<100000x256xf32, #tpu.memory_space<hbm>> -> memref<250x256xf32, #tpu.memory_space<hbm>>
    %dma_wait3A_36 = arith.constant 0 : i32
    %dma_wait3A_37 = arith.constant 0 : i32
    %dma_wait3A_38 = tpu.memref_slice %arg11[%dma_wait3A_36, %dma_wait3A_37] : memref<256x256xf32, #tpu.memory_space<vmem>> -> memref<250x256xf32, #tpu.memory_space<vmem>>
    tpu.wait_dma2 semaphore(%arg14 : memref<!tpu.dma_semaphore, #tpu.memory_space<semaphore_mem>>) src(%dma_wait3A_38 : memref<250x256xf32, #tpu.memory_space<vmem>>) dst(%dma_wait3A_35 : memref<250x256xf32, #tpu.memory_space<hbm>>)
    return
  }
}

module attributes {stable_mosaic.version = 14 : i64} {
  func.func @_tc_body(%arg0: i32, %arg1: memref<1000x64xf32, #tpu.memory_space<vmem>>, %arg2: memref<1000x128xf32, #tpu.memory_space<vmem>>, %arg3: memref<1000x256xf32, #tpu.memory_space<vmem>>, %arg4: memref<32x512xf32, #tpu.memory_space<vmem>>, %arg5: memref<1000x32xf32, #tpu.memory_space<vmem>>) attributes {dimension_semantics = [#tpu.dimension_semantics<arbitrary>], iteration_bounds = array<i64: 100>, scalar_prefetch = 0 : i64, scratch_operands = 0 : i64, tpu.core_type = #tpu.core_type<tc>, window_params = [{transform_indices = @transform_0, window_bounds = array<i64: 1000, 64>}, {transform_indices = @transform_1, window_bounds = array<i64: 1000, 128>}, {transform_indices = @transform_2, window_bounds = array<i64: 1000, 256>}, {pipeline_mode = #tpu.pipeline_mode<synchronous>, transform_indices = @transform_3, window_bounds = array<i64: 32, 512>}, {transform_indices = @transform_4, window_bounds = array<i64: 1000, 32>}]} {
    %get3A = arith.constant 0 : index
    %get3A_0 = arith.constant 0 : index
    %get3A_1 = vector.load %arg1[%get3A, %get3A_0] : memref<1000x64xf32, #tpu.memory_space<vmem>>, vector<1000x64xf32>
    %transpose3A = tpu.transpose %get3A_1, [1, 0] : vector<1000x64xf32> -> vector<64x1000xf32>
    %get3A_2 = arith.constant 0 : index
    %get3A_3 = arith.constant 0 : index
    %get3A_4 = vector.load %arg2[%get3A_2, %get3A_3] : memref<1000x128xf32, #tpu.memory_space<vmem>>, vector<1000x128xf32>
    %transpose3A_5 = tpu.transpose %get3A_4, [1, 0] : vector<1000x128xf32> -> vector<128x1000xf32>
    %get3A_6 = arith.constant 0 : index
    %get3A_7 = arith.constant 0 : index
    %get3A_8 = vector.load %arg3[%get3A_6, %get3A_7] : memref<1000x256xf32, #tpu.memory_space<vmem>>, vector<1000x256xf32>
    %transpose3A_9 = tpu.transpose %get3A_8, [1, 0] : vector<1000x256xf32> -> vector<256x1000xf32>
    %slice3A = vector.extract_strided_slice %transpose3A {offsets = [0, 0], sizes = [1, 1000], strides = [1, 1]} : vector<64x1000xf32> to vector<1x1000xf32>
    %slice3A_10 = vector.extract_strided_slice %transpose3A_9 {offsets = [0, 0], sizes = [32, 1000], strides = [1, 1]} : vector<256x1000xf32> to vector<32x1000xf32>
    %mul3A = vector.broadcast %slice3A : vector<1x1000xf32> to vector<32x1000xf32>
    %mul3A_11 = arith.mulf %mul3A, %slice3A_10 : vector<32x1000xf32>
    %slice3A_12 = vector.extract_strided_slice %transpose3A {offsets = [1, 0], sizes = [1, 1000], strides = [1, 1]} : vector<64x1000xf32> to vector<1x1000xf32>
    %slice3A_13 = vector.extract_strided_slice %transpose3A_9 {offsets = [32, 0], sizes = [32, 1000], strides = [1, 1]} : vector<256x1000xf32> to vector<32x1000xf32>
    %mul3A_14 = vector.broadcast %slice3A_12 : vector<1x1000xf32> to vector<32x1000xf32>
    %mul3A_15 = arith.mulf %mul3A_14, %slice3A_13 : vector<32x1000xf32>
    %add3A = arith.addf %mul3A_11, %mul3A_15 : vector<32x1000xf32>
    %slice3A_16 = vector.extract_strided_slice %transpose3A {offsets = [2, 0], sizes = [1, 1000], strides = [1, 1]} : vector<64x1000xf32> to vector<1x1000xf32>
    %slice3A_17 = vector.extract_strided_slice %transpose3A_9 {offsets = [64, 0], sizes = [32, 1000], strides = [1, 1]} : vector<256x1000xf32> to vector<32x1000xf32>
    %mul3A_18 = vector.broadcast %slice3A_16 : vector<1x1000xf32> to vector<32x1000xf32>
    %mul3A_19 = arith.mulf %mul3A_18, %slice3A_17 : vector<32x1000xf32>
    %add3A_20 = arith.addf %add3A, %mul3A_19 : vector<32x1000xf32>
    %slice3A_21 = vector.extract_strided_slice %transpose3A {offsets = [3, 0], sizes = [1, 1000], strides = [1, 1]} : vector<64x1000xf32> to vector<1x1000xf32>
    %slice3A_22 = vector.extract_strided_slice %transpose3A_9 {offsets = [96, 0], sizes = [32, 1000], strides = [1, 1]} : vector<256x1000xf32> to vector<32x1000xf32>
    %mul3A_23 = vector.broadcast %slice3A_21 : vector<1x1000xf32> to vector<32x1000xf32>
    %mul3A_24 = arith.mulf %mul3A_23, %slice3A_22 : vector<32x1000xf32>
    %add3A_25 = arith.addf %add3A_20, %mul3A_24 : vector<32x1000xf32>
    %slice3A_26 = vector.extract_strided_slice %transpose3A {offsets = [4, 0], sizes = [1, 1000], strides = [1, 1]} : vector<64x1000xf32> to vector<1x1000xf32>
    %slice3A_27 = vector.extract_strided_slice %transpose3A_9 {offsets = [128, 0], sizes = [32, 1000], strides = [1, 1]} : vector<256x1000xf32> to vector<32x1000xf32>
    %mul3A_28 = vector.broadcast %slice3A_26 : vector<1x1000xf32> to vector<32x1000xf32>
    %mul3A_29 = arith.mulf %mul3A_28, %slice3A_27 : vector<32x1000xf32>
    %add3A_30 = arith.addf %add3A_25, %mul3A_29 : vector<32x1000xf32>
    %slice3A_31 = vector.extract_strided_slice %transpose3A {offsets = [5, 0], sizes = [1, 1000], strides = [1, 1]} : vector<64x1000xf32> to vector<1x1000xf32>
    %slice3A_32 = vector.extract_strided_slice %transpose3A_9 {offsets = [160, 0], sizes = [32, 1000], strides = [1, 1]} : vector<256x1000xf32> to vector<32x1000xf32>
    %mul3A_33 = vector.broadcast %slice3A_31 : vector<1x1000xf32> to vector<32x1000xf32>
    %mul3A_34 = arith.mulf %mul3A_33, %slice3A_32 : vector<32x1000xf32>
    %add3A_35 = arith.addf %add3A_30, %mul3A_34 : vector<32x1000xf32>
    %slice3A_36 = vector.extract_strided_slice %transpose3A {offsets = [6, 0], sizes = [1, 1000], strides = [1, 1]} : vector<64x1000xf32> to vector<1x1000xf32>
    %slice3A_37 = vector.extract_strided_slice %transpose3A_9 {offsets = [192, 0], sizes = [32, 1000], strides = [1, 1]} : vector<256x1000xf32> to vector<32x1000xf32>
    %mul3A_38 = vector.broadcast %slice3A_36 : vector<1x1000xf32> to vector<32x1000xf32>
    %mul3A_39 = arith.mulf %mul3A_38, %slice3A_37 : vector<32x1000xf32>
    %add3A_40 = arith.addf %add3A_35, %mul3A_39 : vector<32x1000xf32>
    %slice3A_41 = vector.extract_strided_slice %transpose3A {offsets = [7, 0], sizes = [1, 1000], strides = [1, 1]} : vector<64x1000xf32> to vector<1x1000xf32>
    %slice3A_42 = vector.extract_strided_slice %transpose3A_9 {offsets = [224, 0], sizes = [32, 1000], strides = [1, 1]} : vector<256x1000xf32> to vector<32x1000xf32>
    %mul3A_43 = vector.broadcast %slice3A_41 : vector<1x1000xf32> to vector<32x1000xf32>
    %mul3A_44 = arith.mulf %mul3A_43, %slice3A_42 : vector<32x1000xf32>
    %add3A_45 = arith.addf %add3A_40, %mul3A_44 : vector<32x1000xf32>
    %slice3A_46 = vector.extract_strided_slice %transpose3A {offsets = [8, 0], sizes = [1, 1000], strides = [1, 1]} : vector<64x1000xf32> to vector<1x1000xf32>
    %slice3A_47 = vector.extract_strided_slice %transpose3A_9 {offsets = [0, 0], sizes = [32, 1000], strides = [1, 1]} : vector<256x1000xf32> to vector<32x1000xf32>
    %mul3A_48 = vector.broadcast %slice3A_46 : vector<1x1000xf32> to vector<32x1000xf32>
    %mul3A_49 = arith.mulf %mul3A_48, %slice3A_47 : vector<32x1000xf32>
    %slice3A_50 = vector.extract_strided_slice %transpose3A {offsets = [9, 0], sizes = [1, 1000], strides = [1, 1]} : vector<64x1000xf32> to vector<1x1000xf32>
    %slice3A_51 = vector.extract_strided_slice %transpose3A_9 {offsets = [32, 0], sizes = [32, 1000], strides = [1, 1]} : vector<256x1000xf32> to vector<32x1000xf32>
    %mul3A_52 = vector.broadcast %slice3A_50 : vector<1x1000xf32> to vector<32x1000xf32>
    %mul3A_53 = arith.mulf %mul3A_52, %slice3A_51 : vector<32x1000xf32>
    %add3A_54 = arith.addf %mul3A_49, %mul3A_53 : vector<32x1000xf32>
    %slice3A_55 = vector.extract_strided_slice %transpose3A {offsets = [10, 0], sizes = [1, 1000], strides = [1, 1]} : vector<64x1000xf32> to vector<1x1000xf32>
    %slice3A_56 = vector.extract_strided_slice %transpose3A_9 {offsets = [64, 0], sizes = [32, 1000], strides = [1, 1]} : vector<256x1000xf32> to vector<32x1000xf32>
    %mul3A_57 = vector.broadcast %slice3A_55 : vector<1x1000xf32> to vector<32x1000xf32>
    %mul3A_58 = arith.mulf %mul3A_57, %slice3A_56 : vector<32x1000xf32>
    %add3A_59 = arith.addf %add3A_54, %mul3A_58 : vector<32x1000xf32>
    %slice3A_60 = vector.extract_strided_slice %transpose3A {offsets = [11, 0], sizes = [1, 1000], strides = [1, 1]} : vector<64x1000xf32> to vector<1x1000xf32>
    %slice3A_61 = vector.extract_strided_slice %transpose3A_9 {offsets = [96, 0], sizes = [32, 1000], strides = [1, 1]} : vector<256x1000xf32> to vector<32x1000xf32>
    %mul3A_62 = vector.broadcast %slice3A_60 : vector<1x1000xf32> to vector<32x1000xf32>
    %mul3A_63 = arith.mulf %mul3A_62, %slice3A_61 : vector<32x1000xf32>
    %add3A_64 = arith.addf %add3A_59, %mul3A_63 : vector<32x1000xf32>
    %slice3A_65 = vector.extract_strided_slice %transpose3A {offsets = [12, 0], sizes = [1, 1000], strides = [1, 1]} : vector<64x1000xf32> to vector<1x1000xf32>
    %slice3A_66 = vector.extract_strided_slice %transpose3A_9 {offsets = [128, 0], sizes = [32, 1000], strides = [1, 1]} : vector<256x1000xf32> to vector<32x1000xf32>
    %mul3A_67 = vector.broadcast %slice3A_65 : vector<1x1000xf32> to vector<32x1000xf32>
    %mul3A_68 = arith.mulf %mul3A_67, %slice3A_66 : vector<32x1000xf32>
    %add3A_69 = arith.addf %add3A_64, %mul3A_68 : vector<32x1000xf32>
    %slice3A_70 = vector.extract_strided_slice %transpose3A {offsets = [13, 0], sizes = [1, 1000], strides = [1, 1]} : vector<64x1000xf32> to vector<1x1000xf32>
    %slice3A_71 = vector.extract_strided_slice %transpose3A_9 {offsets = [160, 0], sizes = [32, 1000], strides = [1, 1]} : vector<256x1000xf32> to vector<32x1000xf32>
    %mul3A_72 = vector.broadcast %slice3A_70 : vector<1x1000xf32> to vector<32x1000xf32>
    %mul3A_73 = arith.mulf %mul3A_72, %slice3A_71 : vector<32x1000xf32>
    %add3A_74 = arith.addf %add3A_69, %mul3A_73 : vector<32x1000xf32>
    %slice3A_75 = vector.extract_strided_slice %transpose3A {offsets = [14, 0], sizes = [1, 1000], strides = [1, 1]} : vector<64x1000xf32> to vector<1x1000xf32>
    %slice3A_76 = vector.extract_strided_slice %transpose3A_9 {offsets = [192, 0], sizes = [32, 1000], strides = [1, 1]} : vector<256x1000xf32> to vector<32x1000xf32>
    %mul3A_77 = vector.broadcast %slice3A_75 : vector<1x1000xf32> to vector<32x1000xf32>
    %mul3A_78 = arith.mulf %mul3A_77, %slice3A_76 : vector<32x1000xf32>
    %add3A_79 = arith.addf %add3A_74, %mul3A_78 : vector<32x1000xf32>
    %slice3A_80 = vector.extract_strided_slice %transpose3A {offsets = [15, 0], sizes = [1, 1000], strides = [1, 1]} : vector<64x1000xf32> to vector<1x1000xf32>
    %slice3A_81 = vector.extract_strided_slice %transpose3A_9 {offsets = [224, 0], sizes = [32, 1000], strides = [1, 1]} : vector<256x1000xf32> to vector<32x1000xf32>
    %mul3A_82 = vector.broadcast %slice3A_80 : vector<1x1000xf32> to vector<32x1000xf32>
    %mul3A_83 = arith.mulf %mul3A_82, %slice3A_81 : vector<32x1000xf32>
    %add3A_84 = arith.addf %add3A_79, %mul3A_83 : vector<32x1000xf32>
    %slice3A_85 = vector.extract_strided_slice %transpose3A {offsets = [16, 0], sizes = [1, 1000], strides = [1, 1]} : vector<64x1000xf32> to vector<1x1000xf32>
    %slice3A_86 = vector.extract_strided_slice %transpose3A_9 {offsets = [0, 0], sizes = [32, 1000], strides = [1, 1]} : vector<256x1000xf32> to vector<32x1000xf32>
    %mul3A_87 = vector.broadcast %slice3A_85 : vector<1x1000xf32> to vector<32x1000xf32>
    %mul3A_88 = arith.mulf %mul3A_87, %slice3A_86 : vector<32x1000xf32>
    %slice3A_89 = vector.extract_strided_slice %transpose3A {offsets = [17, 0], sizes = [1, 1000], strides = [1, 1]} : vector<64x1000xf32> to vector<1x1000xf32>
    %slice3A_90 = vector.extract_strided_slice %transpose3A_9 {offsets = [32, 0], sizes = [32, 1000], strides = [1, 1]} : vector<256x1000xf32> to vector<32x1000xf32>
    %mul3A_91 = vector.broadcast %slice3A_89 : vector<1x1000xf32> to vector<32x1000xf32>
    %mul3A_92 = arith.mulf %mul3A_91, %slice3A_90 : vector<32x1000xf32>
    %add3A_93 = arith.addf %mul3A_88, %mul3A_92 : vector<32x1000xf32>
    %slice3A_94 = vector.extract_strided_slice %transpose3A {offsets = [18, 0], sizes = [1, 1000], strides = [1, 1]} : vector<64x1000xf32> to vector<1x1000xf32>
    %slice3A_95 = vector.extract_strided_slice %transpose3A_9 {offsets = [64, 0], sizes = [32, 1000], strides = [1, 1]} : vector<256x1000xf32> to vector<32x1000xf32>
    %mul3A_96 = vector.broadcast %slice3A_94 : vector<1x1000xf32> to vector<32x1000xf32>
    %mul3A_97 = arith.mulf %mul3A_96, %slice3A_95 : vector<32x1000xf32>
    %add3A_98 = arith.addf %add3A_93, %mul3A_97 : vector<32x1000xf32>
    %slice3A_99 = vector.extract_strided_slice %transpose3A {offsets = [19, 0], sizes = [1, 1000], strides = [1, 1]} : vector<64x1000xf32> to vector<1x1000xf32>
    %slice3A_100 = vector.extract_strided_slice %transpose3A_9 {offsets = [96, 0], sizes = [32, 1000], strides = [1, 1]} : vector<256x1000xf32> to vector<32x1000xf32>
    %mul3A_101 = vector.broadcast %slice3A_99 : vector<1x1000xf32> to vector<32x1000xf32>
    %mul3A_102 = arith.mulf %mul3A_101, %slice3A_100 : vector<32x1000xf32>
    %add3A_103 = arith.addf %add3A_98, %mul3A_102 : vector<32x1000xf32>
    %slice3A_104 = vector.extract_strided_slice %transpose3A {offsets = [20, 0], sizes = [1, 1000], strides = [1, 1]} : vector<64x1000xf32> to vector<1x1000xf32>
    %slice3A_105 = vector.extract_strided_slice %transpose3A_9 {offsets = [128, 0], sizes = [32, 1000], strides = [1, 1]} : vector<256x1000xf32> to vector<32x1000xf32>
    %mul3A_106 = vector.broadcast %slice3A_104 : vector<1x1000xf32> to vector<32x1000xf32>
    %mul3A_107 = arith.mulf %mul3A_106, %slice3A_105 : vector<32x1000xf32>
    %add3A_108 = arith.addf %add3A_103, %mul3A_107 : vector<32x1000xf32>
    %slice3A_109 = vector.extract_strided_slice %transpose3A {offsets = [21, 0], sizes = [1, 1000], strides = [1, 1]} : vector<64x1000xf32> to vector<1x1000xf32>
    %slice3A_110 = vector.extract_strided_slice %transpose3A_9 {offsets = [160, 0], sizes = [32, 1000], strides = [1, 1]} : vector<256x1000xf32> to vector<32x1000xf32>
    %mul3A_111 = vector.broadcast %slice3A_109 : vector<1x1000xf32> to vector<32x1000xf32>
    %mul3A_112 = arith.mulf %mul3A_111, %slice3A_110 : vector<32x1000xf32>
    %add3A_113 = arith.addf %add3A_108, %mul3A_112 : vector<32x1000xf32>
    %slice3A_114 = vector.extract_strided_slice %transpose3A {offsets = [22, 0], sizes = [1, 1000], strides = [1, 1]} : vector<64x1000xf32> to vector<1x1000xf32>
    %slice3A_115 = vector.extract_strided_slice %transpose3A_9 {offsets = [192, 0], sizes = [32, 1000], strides = [1, 1]} : vector<256x1000xf32> to vector<32x1000xf32>
    %mul3A_116 = vector.broadcast %slice3A_114 : vector<1x1000xf32> to vector<32x1000xf32>
    %mul3A_117 = arith.mulf %mul3A_116, %slice3A_115 : vector<32x1000xf32>
    %add3A_118 = arith.addf %add3A_113, %mul3A_117 : vector<32x1000xf32>
    %slice3A_119 = vector.extract_strided_slice %transpose3A {offsets = [23, 0], sizes = [1, 1000], strides = [1, 1]} : vector<64x1000xf32> to vector<1x1000xf32>
    %slice3A_120 = vector.extract_strided_slice %transpose3A_9 {offsets = [224, 0], sizes = [32, 1000], strides = [1, 1]} : vector<256x1000xf32> to vector<32x1000xf32>
    %mul3A_121 = vector.broadcast %slice3A_119 : vector<1x1000xf32> to vector<32x1000xf32>
    %mul3A_122 = arith.mulf %mul3A_121, %slice3A_120 : vector<32x1000xf32>
    %add3A_123 = arith.addf %add3A_118, %mul3A_122 : vector<32x1000xf32>
    %slice3A_124 = vector.extract_strided_slice %transpose3A {offsets = [24, 0], sizes = [1, 1000], strides = [1, 1]} : vector<64x1000xf32> to vector<1x1000xf32>
    %slice3A_125 = vector.extract_strided_slice %transpose3A_9 {offsets = [0, 0], sizes = [32, 1000], strides = [1, 1]} : vector<256x1000xf32> to vector<32x1000xf32>
    %mul3A_126 = vector.broadcast %slice3A_124 : vector<1x1000xf32> to vector<32x1000xf32>
    %mul3A_127 = arith.mulf %mul3A_126, %slice3A_125 : vector<32x1000xf32>
    %slice3A_128 = vector.extract_strided_slice %transpose3A {offsets = [25, 0], sizes = [1, 1000], strides = [1, 1]} : vector<64x1000xf32> to vector<1x1000xf32>
    %slice3A_129 = vector.extract_strided_slice %transpose3A_9 {offsets = [32, 0], sizes = [32, 1000], strides = [1, 1]} : vector<256x1000xf32> to vector<32x1000xf32>
    %mul3A_130 = vector.broadcast %slice3A_128 : vector<1x1000xf32> to vector<32x1000xf32>
    %mul3A_131 = arith.mulf %mul3A_130, %slice3A_129 : vector<32x1000xf32>
    %add3A_132 = arith.addf %mul3A_127, %mul3A_131 : vector<32x1000xf32>
    %slice3A_133 = vector.extract_strided_slice %transpose3A {offsets = [26, 0], sizes = [1, 1000], strides = [1, 1]} : vector<64x1000xf32> to vector<1x1000xf32>
    %slice3A_134 = vector.extract_strided_slice %transpose3A_9 {offsets = [64, 0], sizes = [32, 1000], strides = [1, 1]} : vector<256x1000xf32> to vector<32x1000xf32>
    %mul3A_135 = vector.broadcast %slice3A_133 : vector<1x1000xf32> to vector<32x1000xf32>
    %mul3A_136 = arith.mulf %mul3A_135, %slice3A_134 : vector<32x1000xf32>
    %add3A_137 = arith.addf %add3A_132, %mul3A_136 : vector<32x1000xf32>
    %slice3A_138 = vector.extract_strided_slice %transpose3A {offsets = [27, 0], sizes = [1, 1000], strides = [1, 1]} : vector<64x1000xf32> to vector<1x1000xf32>
    %slice3A_139 = vector.extract_strided_slice %transpose3A_9 {offsets = [96, 0], sizes = [32, 1000], strides = [1, 1]} : vector<256x1000xf32> to vector<32x1000xf32>
    %mul3A_140 = vector.broadcast %slice3A_138 : vector<1x1000xf32> to vector<32x1000xf32>
    %mul3A_141 = arith.mulf %mul3A_140, %slice3A_139 : vector<32x1000xf32>
    %add3A_142 = arith.addf %add3A_137, %mul3A_141 : vector<32x1000xf32>
    %slice3A_143 = vector.extract_strided_slice %transpose3A {offsets = [28, 0], sizes = [1, 1000], strides = [1, 1]} : vector<64x1000xf32> to vector<1x1000xf32>
    %slice3A_144 = vector.extract_strided_slice %transpose3A_9 {offsets = [128, 0], sizes = [32, 1000], strides = [1, 1]} : vector<256x1000xf32> to vector<32x1000xf32>
    %mul3A_145 = vector.broadcast %slice3A_143 : vector<1x1000xf32> to vector<32x1000xf32>
    %mul3A_146 = arith.mulf %mul3A_145, %slice3A_144 : vector<32x1000xf32>
    %add3A_147 = arith.addf %add3A_142, %mul3A_146 : vector<32x1000xf32>
    %slice3A_148 = vector.extract_strided_slice %transpose3A {offsets = [29, 0], sizes = [1, 1000], strides = [1, 1]} : vector<64x1000xf32> to vector<1x1000xf32>
    %slice3A_149 = vector.extract_strided_slice %transpose3A_9 {offsets = [160, 0], sizes = [32, 1000], strides = [1, 1]} : vector<256x1000xf32> to vector<32x1000xf32>
    %mul3A_150 = vector.broadcast %slice3A_148 : vector<1x1000xf32> to vector<32x1000xf32>
    %mul3A_151 = arith.mulf %mul3A_150, %slice3A_149 : vector<32x1000xf32>
    %add3A_152 = arith.addf %add3A_147, %mul3A_151 : vector<32x1000xf32>
    %slice3A_153 = vector.extract_strided_slice %transpose3A {offsets = [30, 0], sizes = [1, 1000], strides = [1, 1]} : vector<64x1000xf32> to vector<1x1000xf32>
    %slice3A_154 = vector.extract_strided_slice %transpose3A_9 {offsets = [192, 0], sizes = [32, 1000], strides = [1, 1]} : vector<256x1000xf32> to vector<32x1000xf32>
    %mul3A_155 = vector.broadcast %slice3A_153 : vector<1x1000xf32> to vector<32x1000xf32>
    %mul3A_156 = arith.mulf %mul3A_155, %slice3A_154 : vector<32x1000xf32>
    %add3A_157 = arith.addf %add3A_152, %mul3A_156 : vector<32x1000xf32>
    %slice3A_158 = vector.extract_strided_slice %transpose3A {offsets = [31, 0], sizes = [1, 1000], strides = [1, 1]} : vector<64x1000xf32> to vector<1x1000xf32>
    %slice3A_159 = vector.extract_strided_slice %transpose3A_9 {offsets = [224, 0], sizes = [32, 1000], strides = [1, 1]} : vector<256x1000xf32> to vector<32x1000xf32>
    %mul3A_160 = vector.broadcast %slice3A_158 : vector<1x1000xf32> to vector<32x1000xf32>
    %mul3A_161 = arith.mulf %mul3A_160, %slice3A_159 : vector<32x1000xf32>
    %add3A_162 = arith.addf %add3A_157, %mul3A_161 : vector<32x1000xf32>
    %slice3A_163 = vector.extract_strided_slice %transpose3A {offsets = [32, 0], sizes = [1, 1000], strides = [1, 1]} : vector<64x1000xf32> to vector<1x1000xf32>
    %slice3A_164 = vector.extract_strided_slice %transpose3A_9 {offsets = [0, 0], sizes = [32, 1000], strides = [1, 1]} : vector<256x1000xf32> to vector<32x1000xf32>
    %mul3A_165 = vector.broadcast %slice3A_163 : vector<1x1000xf32> to vector<32x1000xf32>
    %mul3A_166 = arith.mulf %mul3A_165, %slice3A_164 : vector<32x1000xf32>
    %slice3A_167 = vector.extract_strided_slice %transpose3A {offsets = [33, 0], sizes = [1, 1000], strides = [1, 1]} : vector<64x1000xf32> to vector<1x1000xf32>
    %slice3A_168 = vector.extract_strided_slice %transpose3A_9 {offsets = [32, 0], sizes = [32, 1000], strides = [1, 1]} : vector<256x1000xf32> to vector<32x1000xf32>
    %mul3A_169 = vector.broadcast %slice3A_167 : vector<1x1000xf32> to vector<32x1000xf32>
    %mul3A_170 = arith.mulf %mul3A_169, %slice3A_168 : vector<32x1000xf32>
    %add3A_171 = arith.addf %mul3A_166, %mul3A_170 : vector<32x1000xf32>
    %slice3A_172 = vector.extract_strided_slice %transpose3A {offsets = [34, 0], sizes = [1, 1000], strides = [1, 1]} : vector<64x1000xf32> to vector<1x1000xf32>
    %slice3A_173 = vector.extract_strided_slice %transpose3A_9 {offsets = [64, 0], sizes = [32, 1000], strides = [1, 1]} : vector<256x1000xf32> to vector<32x1000xf32>
    %mul3A_174 = vector.broadcast %slice3A_172 : vector<1x1000xf32> to vector<32x1000xf32>
    %mul3A_175 = arith.mulf %mul3A_174, %slice3A_173 : vector<32x1000xf32>
    %add3A_176 = arith.addf %add3A_171, %mul3A_175 : vector<32x1000xf32>
    %slice3A_177 = vector.extract_strided_slice %transpose3A {offsets = [35, 0], sizes = [1, 1000], strides = [1, 1]} : vector<64x1000xf32> to vector<1x1000xf32>
    %slice3A_178 = vector.extract_strided_slice %transpose3A_9 {offsets = [96, 0], sizes = [32, 1000], strides = [1, 1]} : vector<256x1000xf32> to vector<32x1000xf32>
    %mul3A_179 = vector.broadcast %slice3A_177 : vector<1x1000xf32> to vector<32x1000xf32>
    %mul3A_180 = arith.mulf %mul3A_179, %slice3A_178 : vector<32x1000xf32>
    %add3A_181 = arith.addf %add3A_176, %mul3A_180 : vector<32x1000xf32>
    %slice3A_182 = vector.extract_strided_slice %transpose3A {offsets = [36, 0], sizes = [1, 1000], strides = [1, 1]} : vector<64x1000xf32> to vector<1x1000xf32>
    %slice3A_183 = vector.extract_strided_slice %transpose3A_9 {offsets = [128, 0], sizes = [32, 1000], strides = [1, 1]} : vector<256x1000xf32> to vector<32x1000xf32>
    %mul3A_184 = vector.broadcast %slice3A_182 : vector<1x1000xf32> to vector<32x1000xf32>
    %mul3A_185 = arith.mulf %mul3A_184, %slice3A_183 : vector<32x1000xf32>
    %add3A_186 = arith.addf %add3A_181, %mul3A_185 : vector<32x1000xf32>
    %slice3A_187 = vector.extract_strided_slice %transpose3A {offsets = [37, 0], sizes = [1, 1000], strides = [1, 1]} : vector<64x1000xf32> to vector<1x1000xf32>
    %slice3A_188 = vector.extract_strided_slice %transpose3A_9 {offsets = [160, 0], sizes = [32, 1000], strides = [1, 1]} : vector<256x1000xf32> to vector<32x1000xf32>
    %mul3A_189 = vector.broadcast %slice3A_187 : vector<1x1000xf32> to vector<32x1000xf32>
    %mul3A_190 = arith.mulf %mul3A_189, %slice3A_188 : vector<32x1000xf32>
    %add3A_191 = arith.addf %add3A_186, %mul3A_190 : vector<32x1000xf32>
    %slice3A_192 = vector.extract_strided_slice %transpose3A {offsets = [38, 0], sizes = [1, 1000], strides = [1, 1]} : vector<64x1000xf32> to vector<1x1000xf32>
    %slice3A_193 = vector.extract_strided_slice %transpose3A_9 {offsets = [192, 0], sizes = [32, 1000], strides = [1, 1]} : vector<256x1000xf32> to vector<32x1000xf32>
    %mul3A_194 = vector.broadcast %slice3A_192 : vector<1x1000xf32> to vector<32x1000xf32>
    %mul3A_195 = arith.mulf %mul3A_194, %slice3A_193 : vector<32x1000xf32>
    %add3A_196 = arith.addf %add3A_191, %mul3A_195 : vector<32x1000xf32>
    %slice3A_197 = vector.extract_strided_slice %transpose3A {offsets = [39, 0], sizes = [1, 1000], strides = [1, 1]} : vector<64x1000xf32> to vector<1x1000xf32>
    %slice3A_198 = vector.extract_strided_slice %transpose3A_9 {offsets = [224, 0], sizes = [32, 1000], strides = [1, 1]} : vector<256x1000xf32> to vector<32x1000xf32>
    %mul3A_199 = vector.broadcast %slice3A_197 : vector<1x1000xf32> to vector<32x1000xf32>
    %mul3A_200 = arith.mulf %mul3A_199, %slice3A_198 : vector<32x1000xf32>
    %add3A_201 = arith.addf %add3A_196, %mul3A_200 : vector<32x1000xf32>
    %slice3A_202 = vector.extract_strided_slice %transpose3A {offsets = [40, 0], sizes = [1, 1000], strides = [1, 1]} : vector<64x1000xf32> to vector<1x1000xf32>
    %slice3A_203 = vector.extract_strided_slice %transpose3A_9 {offsets = [0, 0], sizes = [32, 1000], strides = [1, 1]} : vector<256x1000xf32> to vector<32x1000xf32>
    %mul3A_204 = vector.broadcast %slice3A_202 : vector<1x1000xf32> to vector<32x1000xf32>
    %mul3A_205 = arith.mulf %mul3A_204, %slice3A_203 : vector<32x1000xf32>
    %slice3A_206 = vector.extract_strided_slice %transpose3A {offsets = [41, 0], sizes = [1, 1000], strides = [1, 1]} : vector<64x1000xf32> to vector<1x1000xf32>
    %slice3A_207 = vector.extract_strided_slice %transpose3A_9 {offsets = [32, 0], sizes = [32, 1000], strides = [1, 1]} : vector<256x1000xf32> to vector<32x1000xf32>
    %mul3A_208 = vector.broadcast %slice3A_206 : vector<1x1000xf32> to vector<32x1000xf32>
    %mul3A_209 = arith.mulf %mul3A_208, %slice3A_207 : vector<32x1000xf32>
    %add3A_210 = arith.addf %mul3A_205, %mul3A_209 : vector<32x1000xf32>
    %slice3A_211 = vector.extract_strided_slice %transpose3A {offsets = [42, 0], sizes = [1, 1000], strides = [1, 1]} : vector<64x1000xf32> to vector<1x1000xf32>
    %slice3A_212 = vector.extract_strided_slice %transpose3A_9 {offsets = [64, 0], sizes = [32, 1000], strides = [1, 1]} : vector<256x1000xf32> to vector<32x1000xf32>
    %mul3A_213 = vector.broadcast %slice3A_211 : vector<1x1000xf32> to vector<32x1000xf32>
    %mul3A_214 = arith.mulf %mul3A_213, %slice3A_212 : vector<32x1000xf32>
    %add3A_215 = arith.addf %add3A_210, %mul3A_214 : vector<32x1000xf32>
    %slice3A_216 = vector.extract_strided_slice %transpose3A {offsets = [43, 0], sizes = [1, 1000], strides = [1, 1]} : vector<64x1000xf32> to vector<1x1000xf32>
    %slice3A_217 = vector.extract_strided_slice %transpose3A_9 {offsets = [96, 0], sizes = [32, 1000], strides = [1, 1]} : vector<256x1000xf32> to vector<32x1000xf32>
    %mul3A_218 = vector.broadcast %slice3A_216 : vector<1x1000xf32> to vector<32x1000xf32>
    %mul3A_219 = arith.mulf %mul3A_218, %slice3A_217 : vector<32x1000xf32>
    %add3A_220 = arith.addf %add3A_215, %mul3A_219 : vector<32x1000xf32>
    %slice3A_221 = vector.extract_strided_slice %transpose3A {offsets = [44, 0], sizes = [1, 1000], strides = [1, 1]} : vector<64x1000xf32> to vector<1x1000xf32>
    %slice3A_222 = vector.extract_strided_slice %transpose3A_9 {offsets = [128, 0], sizes = [32, 1000], strides = [1, 1]} : vector<256x1000xf32> to vector<32x1000xf32>
    %mul3A_223 = vector.broadcast %slice3A_221 : vector<1x1000xf32> to vector<32x1000xf32>
    %mul3A_224 = arith.mulf %mul3A_223, %slice3A_222 : vector<32x1000xf32>
    %add3A_225 = arith.addf %add3A_220, %mul3A_224 : vector<32x1000xf32>
    %slice3A_226 = vector.extract_strided_slice %transpose3A {offsets = [45, 0], sizes = [1, 1000], strides = [1, 1]} : vector<64x1000xf32> to vector<1x1000xf32>
    %slice3A_227 = vector.extract_strided_slice %transpose3A_9 {offsets = [160, 0], sizes = [32, 1000], strides = [1, 1]} : vector<256x1000xf32> to vector<32x1000xf32>
    %mul3A_228 = vector.broadcast %slice3A_226 : vector<1x1000xf32> to vector<32x1000xf32>
    %mul3A_229 = arith.mulf %mul3A_228, %slice3A_227 : vector<32x1000xf32>
    %add3A_230 = arith.addf %add3A_225, %mul3A_229 : vector<32x1000xf32>
    %slice3A_231 = vector.extract_strided_slice %transpose3A {offsets = [46, 0], sizes = [1, 1000], strides = [1, 1]} : vector<64x1000xf32> to vector<1x1000xf32>
    %slice3A_232 = vector.extract_strided_slice %transpose3A_9 {offsets = [192, 0], sizes = [32, 1000], strides = [1, 1]} : vector<256x1000xf32> to vector<32x1000xf32>
    %mul3A_233 = vector.broadcast %slice3A_231 : vector<1x1000xf32> to vector<32x1000xf32>
    %mul3A_234 = arith.mulf %mul3A_233, %slice3A_232 : vector<32x1000xf32>
    %add3A_235 = arith.addf %add3A_230, %mul3A_234 : vector<32x1000xf32>
    %slice3A_236 = vector.extract_strided_slice %transpose3A {offsets = [47, 0], sizes = [1, 1000], strides = [1, 1]} : vector<64x1000xf32> to vector<1x1000xf32>
    %slice3A_237 = vector.extract_strided_slice %transpose3A_9 {offsets = [224, 0], sizes = [32, 1000], strides = [1, 1]} : vector<256x1000xf32> to vector<32x1000xf32>
    %mul3A_238 = vector.broadcast %slice3A_236 : vector<1x1000xf32> to vector<32x1000xf32>
    %mul3A_239 = arith.mulf %mul3A_238, %slice3A_237 : vector<32x1000xf32>
    %add3A_240 = arith.addf %add3A_235, %mul3A_239 : vector<32x1000xf32>
    %slice3A_241 = vector.extract_strided_slice %transpose3A {offsets = [48, 0], sizes = [1, 1000], strides = [1, 1]} : vector<64x1000xf32> to vector<1x1000xf32>
    %slice3A_242 = vector.extract_strided_slice %transpose3A_9 {offsets = [0, 0], sizes = [32, 1000], strides = [1, 1]} : vector<256x1000xf32> to vector<32x1000xf32>
    %mul3A_243 = vector.broadcast %slice3A_241 : vector<1x1000xf32> to vector<32x1000xf32>
    %mul3A_244 = arith.mulf %mul3A_243, %slice3A_242 : vector<32x1000xf32>
    %slice3A_245 = vector.extract_strided_slice %transpose3A {offsets = [49, 0], sizes = [1, 1000], strides = [1, 1]} : vector<64x1000xf32> to vector<1x1000xf32>
    %slice3A_246 = vector.extract_strided_slice %transpose3A_9 {offsets = [32, 0], sizes = [32, 1000], strides = [1, 1]} : vector<256x1000xf32> to vector<32x1000xf32>
    %mul3A_247 = vector.broadcast %slice3A_245 : vector<1x1000xf32> to vector<32x1000xf32>
    %mul3A_248 = arith.mulf %mul3A_247, %slice3A_246 : vector<32x1000xf32>
    %add3A_249 = arith.addf %mul3A_244, %mul3A_248 : vector<32x1000xf32>
    %slice3A_250 = vector.extract_strided_slice %transpose3A {offsets = [50, 0], sizes = [1, 1000], strides = [1, 1]} : vector<64x1000xf32> to vector<1x1000xf32>
    %slice3A_251 = vector.extract_strided_slice %transpose3A_9 {offsets = [64, 0], sizes = [32, 1000], strides = [1, 1]} : vector<256x1000xf32> to vector<32x1000xf32>
    %mul3A_252 = vector.broadcast %slice3A_250 : vector<1x1000xf32> to vector<32x1000xf32>
    %mul3A_253 = arith.mulf %mul3A_252, %slice3A_251 : vector<32x1000xf32>
    %add3A_254 = arith.addf %add3A_249, %mul3A_253 : vector<32x1000xf32>
    %slice3A_255 = vector.extract_strided_slice %transpose3A {offsets = [51, 0], sizes = [1, 1000], strides = [1, 1]} : vector<64x1000xf32> to vector<1x1000xf32>
    %slice3A_256 = vector.extract_strided_slice %transpose3A_9 {offsets = [96, 0], sizes = [32, 1000], strides = [1, 1]} : vector<256x1000xf32> to vector<32x1000xf32>
    %mul3A_257 = vector.broadcast %slice3A_255 : vector<1x1000xf32> to vector<32x1000xf32>
    %mul3A_258 = arith.mulf %mul3A_257, %slice3A_256 : vector<32x1000xf32>
    %add3A_259 = arith.addf %add3A_254, %mul3A_258 : vector<32x1000xf32>
    %slice3A_260 = vector.extract_strided_slice %transpose3A {offsets = [52, 0], sizes = [1, 1000], strides = [1, 1]} : vector<64x1000xf32> to vector<1x1000xf32>
    %slice3A_261 = vector.extract_strided_slice %transpose3A_9 {offsets = [128, 0], sizes = [32, 1000], strides = [1, 1]} : vector<256x1000xf32> to vector<32x1000xf32>
    %mul3A_262 = vector.broadcast %slice3A_260 : vector<1x1000xf32> to vector<32x1000xf32>
    %mul3A_263 = arith.mulf %mul3A_262, %slice3A_261 : vector<32x1000xf32>
    %add3A_264 = arith.addf %add3A_259, %mul3A_263 : vector<32x1000xf32>
    %slice3A_265 = vector.extract_strided_slice %transpose3A {offsets = [53, 0], sizes = [1, 1000], strides = [1, 1]} : vector<64x1000xf32> to vector<1x1000xf32>
    %slice3A_266 = vector.extract_strided_slice %transpose3A_9 {offsets = [160, 0], sizes = [32, 1000], strides = [1, 1]} : vector<256x1000xf32> to vector<32x1000xf32>
    %mul3A_267 = vector.broadcast %slice3A_265 : vector<1x1000xf32> to vector<32x1000xf32>
    %mul3A_268 = arith.mulf %mul3A_267, %slice3A_266 : vector<32x1000xf32>
    %add3A_269 = arith.addf %add3A_264, %mul3A_268 : vector<32x1000xf32>
    %slice3A_270 = vector.extract_strided_slice %transpose3A {offsets = [54, 0], sizes = [1, 1000], strides = [1, 1]} : vector<64x1000xf32> to vector<1x1000xf32>
    %slice3A_271 = vector.extract_strided_slice %transpose3A_9 {offsets = [192, 0], sizes = [32, 1000], strides = [1, 1]} : vector<256x1000xf32> to vector<32x1000xf32>
    %mul3A_272 = vector.broadcast %slice3A_270 : vector<1x1000xf32> to vector<32x1000xf32>
    %mul3A_273 = arith.mulf %mul3A_272, %slice3A_271 : vector<32x1000xf32>
    %add3A_274 = arith.addf %add3A_269, %mul3A_273 : vector<32x1000xf32>
    %slice3A_275 = vector.extract_strided_slice %transpose3A {offsets = [55, 0], sizes = [1, 1000], strides = [1, 1]} : vector<64x1000xf32> to vector<1x1000xf32>
    %slice3A_276 = vector.extract_strided_slice %transpose3A_9 {offsets = [224, 0], sizes = [32, 1000], strides = [1, 1]} : vector<256x1000xf32> to vector<32x1000xf32>
    %mul3A_277 = vector.broadcast %slice3A_275 : vector<1x1000xf32> to vector<32x1000xf32>
    %mul3A_278 = arith.mulf %mul3A_277, %slice3A_276 : vector<32x1000xf32>
    %add3A_279 = arith.addf %add3A_274, %mul3A_278 : vector<32x1000xf32>
    %slice3A_280 = vector.extract_strided_slice %transpose3A {offsets = [56, 0], sizes = [1, 1000], strides = [1, 1]} : vector<64x1000xf32> to vector<1x1000xf32>
    %slice3A_281 = vector.extract_strided_slice %transpose3A_9 {offsets = [0, 0], sizes = [32, 1000], strides = [1, 1]} : vector<256x1000xf32> to vector<32x1000xf32>
    %mul3A_282 = vector.broadcast %slice3A_280 : vector<1x1000xf32> to vector<32x1000xf32>
    %mul3A_283 = arith.mulf %mul3A_282, %slice3A_281 : vector<32x1000xf32>
    %slice3A_284 = vector.extract_strided_slice %transpose3A {offsets = [57, 0], sizes = [1, 1000], strides = [1, 1]} : vector<64x1000xf32> to vector<1x1000xf32>
    %slice3A_285 = vector.extract_strided_slice %transpose3A_9 {offsets = [32, 0], sizes = [32, 1000], strides = [1, 1]} : vector<256x1000xf32> to vector<32x1000xf32>
    %mul3A_286 = vector.broadcast %slice3A_284 : vector<1x1000xf32> to vector<32x1000xf32>
    %mul3A_287 = arith.mulf %mul3A_286, %slice3A_285 : vector<32x1000xf32>
    %add3A_288 = arith.addf %mul3A_283, %mul3A_287 : vector<32x1000xf32>
    %slice3A_289 = vector.extract_strided_slice %transpose3A {offsets = [58, 0], sizes = [1, 1000], strides = [1, 1]} : vector<64x1000xf32> to vector<1x1000xf32>
    %slice3A_290 = vector.extract_strided_slice %transpose3A_9 {offsets = [64, 0], sizes = [32, 1000], strides = [1, 1]} : vector<256x1000xf32> to vector<32x1000xf32>
    %mul3A_291 = vector.broadcast %slice3A_289 : vector<1x1000xf32> to vector<32x1000xf32>
    %mul3A_292 = arith.mulf %mul3A_291, %slice3A_290 : vector<32x1000xf32>
    %add3A_293 = arith.addf %add3A_288, %mul3A_292 : vector<32x1000xf32>
    %slice3A_294 = vector.extract_strided_slice %transpose3A {offsets = [59, 0], sizes = [1, 1000], strides = [1, 1]} : vector<64x1000xf32> to vector<1x1000xf32>
    %slice3A_295 = vector.extract_strided_slice %transpose3A_9 {offsets = [96, 0], sizes = [32, 1000], strides = [1, 1]} : vector<256x1000xf32> to vector<32x1000xf32>
    %mul3A_296 = vector.broadcast %slice3A_294 : vector<1x1000xf32> to vector<32x1000xf32>
    %mul3A_297 = arith.mulf %mul3A_296, %slice3A_295 : vector<32x1000xf32>
    %add3A_298 = arith.addf %add3A_293, %mul3A_297 : vector<32x1000xf32>
    %slice3A_299 = vector.extract_strided_slice %transpose3A {offsets = [60, 0], sizes = [1, 1000], strides = [1, 1]} : vector<64x1000xf32> to vector<1x1000xf32>
    %slice3A_300 = vector.extract_strided_slice %transpose3A_9 {offsets = [128, 0], sizes = [32, 1000], strides = [1, 1]} : vector<256x1000xf32> to vector<32x1000xf32>
    %mul3A_301 = vector.broadcast %slice3A_299 : vector<1x1000xf32> to vector<32x1000xf32>
    %mul3A_302 = arith.mulf %mul3A_301, %slice3A_300 : vector<32x1000xf32>
    %add3A_303 = arith.addf %add3A_298, %mul3A_302 : vector<32x1000xf32>
    %slice3A_304 = vector.extract_strided_slice %transpose3A {offsets = [61, 0], sizes = [1, 1000], strides = [1, 1]} : vector<64x1000xf32> to vector<1x1000xf32>
    %slice3A_305 = vector.extract_strided_slice %transpose3A_9 {offsets = [160, 0], sizes = [32, 1000], strides = [1, 1]} : vector<256x1000xf32> to vector<32x1000xf32>
    %mul3A_306 = vector.broadcast %slice3A_304 : vector<1x1000xf32> to vector<32x1000xf32>
    %mul3A_307 = arith.mulf %mul3A_306, %slice3A_305 : vector<32x1000xf32>
    %add3A_308 = arith.addf %add3A_303, %mul3A_307 : vector<32x1000xf32>
    %slice3A_309 = vector.extract_strided_slice %transpose3A {offsets = [62, 0], sizes = [1, 1000], strides = [1, 1]} : vector<64x1000xf32> to vector<1x1000xf32>
    %slice3A_310 = vector.extract_strided_slice %transpose3A_9 {offsets = [192, 0], sizes = [32, 1000], strides = [1, 1]} : vector<256x1000xf32> to vector<32x1000xf32>
    %mul3A_311 = vector.broadcast %slice3A_309 : vector<1x1000xf32> to vector<32x1000xf32>
    %mul3A_312 = arith.mulf %mul3A_311, %slice3A_310 : vector<32x1000xf32>
    %add3A_313 = arith.addf %add3A_308, %mul3A_312 : vector<32x1000xf32>
    %slice3A_314 = vector.extract_strided_slice %transpose3A {offsets = [63, 0], sizes = [1, 1000], strides = [1, 1]} : vector<64x1000xf32> to vector<1x1000xf32>
    %slice3A_315 = vector.extract_strided_slice %transpose3A_9 {offsets = [224, 0], sizes = [32, 1000], strides = [1, 1]} : vector<256x1000xf32> to vector<32x1000xf32>
    %mul3A_316 = vector.broadcast %slice3A_314 : vector<1x1000xf32> to vector<32x1000xf32>
    %mul3A_317 = arith.mulf %mul3A_316, %slice3A_315 : vector<32x1000xf32>
    %add3A_318 = arith.addf %add3A_313, %mul3A_317 : vector<32x1000xf32>
    %slice3A_319 = vector.extract_strided_slice %transpose3A_5 {offsets = [0, 0], sizes = [1, 1000], strides = [1, 1]} : vector<128x1000xf32> to vector<1x1000xf32>
    %mul3A_320 = vector.broadcast %slice3A_319 : vector<1x1000xf32> to vector<32x1000xf32>
    %mul3A_321 = arith.mulf %mul3A_320, %add3A_45 : vector<32x1000xf32>
    %slice3A_322 = vector.extract_strided_slice %transpose3A_5 {offsets = [1, 0], sizes = [1, 1000], strides = [1, 1]} : vector<128x1000xf32> to vector<1x1000xf32>
    %mul3A_323 = vector.broadcast %slice3A_322 : vector<1x1000xf32> to vector<32x1000xf32>
    %mul3A_324 = arith.mulf %mul3A_323, %add3A_84 : vector<32x1000xf32>
    %add3A_325 = arith.addf %mul3A_321, %mul3A_324 : vector<32x1000xf32>
    %slice3A_326 = vector.extract_strided_slice %transpose3A_5 {offsets = [2, 0], sizes = [1, 1000], strides = [1, 1]} : vector<128x1000xf32> to vector<1x1000xf32>
    %mul3A_327 = vector.broadcast %slice3A_326 : vector<1x1000xf32> to vector<32x1000xf32>
    %mul3A_328 = arith.mulf %mul3A_327, %add3A_123 : vector<32x1000xf32>
    %add3A_329 = arith.addf %add3A_325, %mul3A_328 : vector<32x1000xf32>
    %slice3A_330 = vector.extract_strided_slice %transpose3A_5 {offsets = [3, 0], sizes = [1, 1000], strides = [1, 1]} : vector<128x1000xf32> to vector<1x1000xf32>
    %mul3A_331 = vector.broadcast %slice3A_330 : vector<1x1000xf32> to vector<32x1000xf32>
    %mul3A_332 = arith.mulf %mul3A_331, %add3A_162 : vector<32x1000xf32>
    %add3A_333 = arith.addf %add3A_329, %mul3A_332 : vector<32x1000xf32>
    %slice3A_334 = vector.extract_strided_slice %transpose3A_5 {offsets = [4, 0], sizes = [1, 1000], strides = [1, 1]} : vector<128x1000xf32> to vector<1x1000xf32>
    %mul3A_335 = vector.broadcast %slice3A_334 : vector<1x1000xf32> to vector<32x1000xf32>
    %mul3A_336 = arith.mulf %mul3A_335, %add3A_201 : vector<32x1000xf32>
    %add3A_337 = arith.addf %add3A_333, %mul3A_336 : vector<32x1000xf32>
    %slice3A_338 = vector.extract_strided_slice %transpose3A_5 {offsets = [5, 0], sizes = [1, 1000], strides = [1, 1]} : vector<128x1000xf32> to vector<1x1000xf32>
    %mul3A_339 = vector.broadcast %slice3A_338 : vector<1x1000xf32> to vector<32x1000xf32>
    %mul3A_340 = arith.mulf %mul3A_339, %add3A_240 : vector<32x1000xf32>
    %add3A_341 = arith.addf %add3A_337, %mul3A_340 : vector<32x1000xf32>
    %slice3A_342 = vector.extract_strided_slice %transpose3A_5 {offsets = [6, 0], sizes = [1, 1000], strides = [1, 1]} : vector<128x1000xf32> to vector<1x1000xf32>
    %mul3A_343 = vector.broadcast %slice3A_342 : vector<1x1000xf32> to vector<32x1000xf32>
    %mul3A_344 = arith.mulf %mul3A_343, %add3A_279 : vector<32x1000xf32>
    %add3A_345 = arith.addf %add3A_341, %mul3A_344 : vector<32x1000xf32>
    %slice3A_346 = vector.extract_strided_slice %transpose3A_5 {offsets = [7, 0], sizes = [1, 1000], strides = [1, 1]} : vector<128x1000xf32> to vector<1x1000xf32>
    %mul3A_347 = vector.broadcast %slice3A_346 : vector<1x1000xf32> to vector<32x1000xf32>
    %mul3A_348 = arith.mulf %mul3A_347, %add3A_318 : vector<32x1000xf32>
    %add3A_349 = arith.addf %add3A_345, %mul3A_348 : vector<32x1000xf32>
    %slice3A_350 = vector.extract_strided_slice %transpose3A_5 {offsets = [8, 0], sizes = [1, 1000], strides = [1, 1]} : vector<128x1000xf32> to vector<1x1000xf32>
    %mul3A_351 = vector.broadcast %slice3A_350 : vector<1x1000xf32> to vector<32x1000xf32>
    %mul3A_352 = arith.mulf %mul3A_351, %add3A_45 : vector<32x1000xf32>
    %slice3A_353 = vector.extract_strided_slice %transpose3A_5 {offsets = [9, 0], sizes = [1, 1000], strides = [1, 1]} : vector<128x1000xf32> to vector<1x1000xf32>
    %mul3A_354 = vector.broadcast %slice3A_353 : vector<1x1000xf32> to vector<32x1000xf32>
    %mul3A_355 = arith.mulf %mul3A_354, %add3A_84 : vector<32x1000xf32>
    %add3A_356 = arith.addf %mul3A_352, %mul3A_355 : vector<32x1000xf32>
    %slice3A_357 = vector.extract_strided_slice %transpose3A_5 {offsets = [10, 0], sizes = [1, 1000], strides = [1, 1]} : vector<128x1000xf32> to vector<1x1000xf32>
    %mul3A_358 = vector.broadcast %slice3A_357 : vector<1x1000xf32> to vector<32x1000xf32>
    %mul3A_359 = arith.mulf %mul3A_358, %add3A_123 : vector<32x1000xf32>
    %add3A_360 = arith.addf %add3A_356, %mul3A_359 : vector<32x1000xf32>
    %slice3A_361 = vector.extract_strided_slice %transpose3A_5 {offsets = [11, 0], sizes = [1, 1000], strides = [1, 1]} : vector<128x1000xf32> to vector<1x1000xf32>
    %mul3A_362 = vector.broadcast %slice3A_361 : vector<1x1000xf32> to vector<32x1000xf32>
    %mul3A_363 = arith.mulf %mul3A_362, %add3A_162 : vector<32x1000xf32>
    %add3A_364 = arith.addf %add3A_360, %mul3A_363 : vector<32x1000xf32>
    %slice3A_365 = vector.extract_strided_slice %transpose3A_5 {offsets = [12, 0], sizes = [1, 1000], strides = [1, 1]} : vector<128x1000xf32> to vector<1x1000xf32>
    %mul3A_366 = vector.broadcast %slice3A_365 : vector<1x1000xf32> to vector<32x1000xf32>
    %mul3A_367 = arith.mulf %mul3A_366, %add3A_201 : vector<32x1000xf32>
    %add3A_368 = arith.addf %add3A_364, %mul3A_367 : vector<32x1000xf32>
    %slice3A_369 = vector.extract_strided_slice %transpose3A_5 {offsets = [13, 0], sizes = [1, 1000], strides = [1, 1]} : vector<128x1000xf32> to vector<1x1000xf32>
    %mul3A_370 = vector.broadcast %slice3A_369 : vector<1x1000xf32> to vector<32x1000xf32>
    %mul3A_371 = arith.mulf %mul3A_370, %add3A_240 : vector<32x1000xf32>
    %add3A_372 = arith.addf %add3A_368, %mul3A_371 : vector<32x1000xf32>
    %slice3A_373 = vector.extract_strided_slice %transpose3A_5 {offsets = [14, 0], sizes = [1, 1000], strides = [1, 1]} : vector<128x1000xf32> to vector<1x1000xf32>
    %mul3A_374 = vector.broadcast %slice3A_373 : vector<1x1000xf32> to vector<32x1000xf32>
    %mul3A_375 = arith.mulf %mul3A_374, %add3A_279 : vector<32x1000xf32>
    %add3A_376 = arith.addf %add3A_372, %mul3A_375 : vector<32x1000xf32>
    %slice3A_377 = vector.extract_strided_slice %transpose3A_5 {offsets = [15, 0], sizes = [1, 1000], strides = [1, 1]} : vector<128x1000xf32> to vector<1x1000xf32>
    %mul3A_378 = vector.broadcast %slice3A_377 : vector<1x1000xf32> to vector<32x1000xf32>
    %mul3A_379 = arith.mulf %mul3A_378, %add3A_318 : vector<32x1000xf32>
    %add3A_380 = arith.addf %add3A_376, %mul3A_379 : vector<32x1000xf32>
    %slice3A_381 = vector.extract_strided_slice %transpose3A_5 {offsets = [16, 0], sizes = [1, 1000], strides = [1, 1]} : vector<128x1000xf32> to vector<1x1000xf32>
    %mul3A_382 = vector.broadcast %slice3A_381 : vector<1x1000xf32> to vector<32x1000xf32>
    %mul3A_383 = arith.mulf %mul3A_382, %add3A_45 : vector<32x1000xf32>
    %slice3A_384 = vector.extract_strided_slice %transpose3A_5 {offsets = [17, 0], sizes = [1, 1000], strides = [1, 1]} : vector<128x1000xf32> to vector<1x1000xf32>
    %mul3A_385 = vector.broadcast %slice3A_384 : vector<1x1000xf32> to vector<32x1000xf32>
    %mul3A_386 = arith.mulf %mul3A_385, %add3A_84 : vector<32x1000xf32>
    %add3A_387 = arith.addf %mul3A_383, %mul3A_386 : vector<32x1000xf32>
    %slice3A_388 = vector.extract_strided_slice %transpose3A_5 {offsets = [18, 0], sizes = [1, 1000], strides = [1, 1]} : vector<128x1000xf32> to vector<1x1000xf32>
    %mul3A_389 = vector.broadcast %slice3A_388 : vector<1x1000xf32> to vector<32x1000xf32>
    %mul3A_390 = arith.mulf %mul3A_389, %add3A_123 : vector<32x1000xf32>
    %add3A_391 = arith.addf %add3A_387, %mul3A_390 : vector<32x1000xf32>
    %slice3A_392 = vector.extract_strided_slice %transpose3A_5 {offsets = [19, 0], sizes = [1, 1000], strides = [1, 1]} : vector<128x1000xf32> to vector<1x1000xf32>
    %mul3A_393 = vector.broadcast %slice3A_392 : vector<1x1000xf32> to vector<32x1000xf32>
    %mul3A_394 = arith.mulf %mul3A_393, %add3A_162 : vector<32x1000xf32>
    %add3A_395 = arith.addf %add3A_391, %mul3A_394 : vector<32x1000xf32>
    %slice3A_396 = vector.extract_strided_slice %transpose3A_5 {offsets = [20, 0], sizes = [1, 1000], strides = [1, 1]} : vector<128x1000xf32> to vector<1x1000xf32>
    %mul3A_397 = vector.broadcast %slice3A_396 : vector<1x1000xf32> to vector<32x1000xf32>
    %mul3A_398 = arith.mulf %mul3A_397, %add3A_201 : vector<32x1000xf32>
    %add3A_399 = arith.addf %add3A_395, %mul3A_398 : vector<32x1000xf32>
    %slice3A_400 = vector.extract_strided_slice %transpose3A_5 {offsets = [21, 0], sizes = [1, 1000], strides = [1, 1]} : vector<128x1000xf32> to vector<1x1000xf32>
    %mul3A_401 = vector.broadcast %slice3A_400 : vector<1x1000xf32> to vector<32x1000xf32>
    %mul3A_402 = arith.mulf %mul3A_401, %add3A_240 : vector<32x1000xf32>
    %add3A_403 = arith.addf %add3A_399, %mul3A_402 : vector<32x1000xf32>
    %slice3A_404 = vector.extract_strided_slice %transpose3A_5 {offsets = [22, 0], sizes = [1, 1000], strides = [1, 1]} : vector<128x1000xf32> to vector<1x1000xf32>
    %mul3A_405 = vector.broadcast %slice3A_404 : vector<1x1000xf32> to vector<32x1000xf32>
    %mul3A_406 = arith.mulf %mul3A_405, %add3A_279 : vector<32x1000xf32>
    %add3A_407 = arith.addf %add3A_403, %mul3A_406 : vector<32x1000xf32>
    %slice3A_408 = vector.extract_strided_slice %transpose3A_5 {offsets = [23, 0], sizes = [1, 1000], strides = [1, 1]} : vector<128x1000xf32> to vector<1x1000xf32>
    %mul3A_409 = vector.broadcast %slice3A_408 : vector<1x1000xf32> to vector<32x1000xf32>
    %mul3A_410 = arith.mulf %mul3A_409, %add3A_318 : vector<32x1000xf32>
    %add3A_411 = arith.addf %add3A_407, %mul3A_410 : vector<32x1000xf32>
    %slice3A_412 = vector.extract_strided_slice %transpose3A_5 {offsets = [24, 0], sizes = [1, 1000], strides = [1, 1]} : vector<128x1000xf32> to vector<1x1000xf32>
    %mul3A_413 = vector.broadcast %slice3A_412 : vector<1x1000xf32> to vector<32x1000xf32>
    %mul3A_414 = arith.mulf %mul3A_413, %add3A_45 : vector<32x1000xf32>
    %slice3A_415 = vector.extract_strided_slice %transpose3A_5 {offsets = [25, 0], sizes = [1, 1000], strides = [1, 1]} : vector<128x1000xf32> to vector<1x1000xf32>
    %mul3A_416 = vector.broadcast %slice3A_415 : vector<1x1000xf32> to vector<32x1000xf32>
    %mul3A_417 = arith.mulf %mul3A_416, %add3A_84 : vector<32x1000xf32>
    %add3A_418 = arith.addf %mul3A_414, %mul3A_417 : vector<32x1000xf32>
    %slice3A_419 = vector.extract_strided_slice %transpose3A_5 {offsets = [26, 0], sizes = [1, 1000], strides = [1, 1]} : vector<128x1000xf32> to vector<1x1000xf32>
    %mul3A_420 = vector.broadcast %slice3A_419 : vector<1x1000xf32> to vector<32x1000xf32>
    %mul3A_421 = arith.mulf %mul3A_420, %add3A_123 : vector<32x1000xf32>
    %add3A_422 = arith.addf %add3A_418, %mul3A_421 : vector<32x1000xf32>
    %slice3A_423 = vector.extract_strided_slice %transpose3A_5 {offsets = [27, 0], sizes = [1, 1000], strides = [1, 1]} : vector<128x1000xf32> to vector<1x1000xf32>
    %mul3A_424 = vector.broadcast %slice3A_423 : vector<1x1000xf32> to vector<32x1000xf32>
    %mul3A_425 = arith.mulf %mul3A_424, %add3A_162 : vector<32x1000xf32>
    %add3A_426 = arith.addf %add3A_422, %mul3A_425 : vector<32x1000xf32>
    %slice3A_427 = vector.extract_strided_slice %transpose3A_5 {offsets = [28, 0], sizes = [1, 1000], strides = [1, 1]} : vector<128x1000xf32> to vector<1x1000xf32>
    %mul3A_428 = vector.broadcast %slice3A_427 : vector<1x1000xf32> to vector<32x1000xf32>
    %mul3A_429 = arith.mulf %mul3A_428, %add3A_201 : vector<32x1000xf32>
    %add3A_430 = arith.addf %add3A_426, %mul3A_429 : vector<32x1000xf32>
    %slice3A_431 = vector.extract_strided_slice %transpose3A_5 {offsets = [29, 0], sizes = [1, 1000], strides = [1, 1]} : vector<128x1000xf32> to vector<1x1000xf32>
    %mul3A_432 = vector.broadcast %slice3A_431 : vector<1x1000xf32> to vector<32x1000xf32>
    %mul3A_433 = arith.mulf %mul3A_432, %add3A_240 : vector<32x1000xf32>
    %add3A_434 = arith.addf %add3A_430, %mul3A_433 : vector<32x1000xf32>
    %slice3A_435 = vector.extract_strided_slice %transpose3A_5 {offsets = [30, 0], sizes = [1, 1000], strides = [1, 1]} : vector<128x1000xf32> to vector<1x1000xf32>
    %mul3A_436 = vector.broadcast %slice3A_435 : vector<1x1000xf32> to vector<32x1000xf32>
    %mul3A_437 = arith.mulf %mul3A_436, %add3A_279 : vector<32x1000xf32>
    %add3A_438 = arith.addf %add3A_434, %mul3A_437 : vector<32x1000xf32>
    %slice3A_439 = vector.extract_strided_slice %transpose3A_5 {offsets = [31, 0], sizes = [1, 1000], strides = [1, 1]} : vector<128x1000xf32> to vector<1x1000xf32>
    %mul3A_440 = vector.broadcast %slice3A_439 : vector<1x1000xf32> to vector<32x1000xf32>
    %mul3A_441 = arith.mulf %mul3A_440, %add3A_318 : vector<32x1000xf32>
    %add3A_442 = arith.addf %add3A_438, %mul3A_441 : vector<32x1000xf32>
    %slice3A_443 = vector.extract_strided_slice %transpose3A_5 {offsets = [32, 0], sizes = [1, 1000], strides = [1, 1]} : vector<128x1000xf32> to vector<1x1000xf32>
    %mul3A_444 = vector.broadcast %slice3A_443 : vector<1x1000xf32> to vector<32x1000xf32>
    %mul3A_445 = arith.mulf %mul3A_444, %add3A_45 : vector<32x1000xf32>
    %slice3A_446 = vector.extract_strided_slice %transpose3A_5 {offsets = [33, 0], sizes = [1, 1000], strides = [1, 1]} : vector<128x1000xf32> to vector<1x1000xf32>
    %mul3A_447 = vector.broadcast %slice3A_446 : vector<1x1000xf32> to vector<32x1000xf32>
    %mul3A_448 = arith.mulf %mul3A_447, %add3A_84 : vector<32x1000xf32>
    %add3A_449 = arith.addf %mul3A_445, %mul3A_448 : vector<32x1000xf32>
    %slice3A_450 = vector.extract_strided_slice %transpose3A_5 {offsets = [34, 0], sizes = [1, 1000], strides = [1, 1]} : vector<128x1000xf32> to vector<1x1000xf32>
    %mul3A_451 = vector.broadcast %slice3A_450 : vector<1x1000xf32> to vector<32x1000xf32>
    %mul3A_452 = arith.mulf %mul3A_451, %add3A_123 : vector<32x1000xf32>
    %add3A_453 = arith.addf %add3A_449, %mul3A_452 : vector<32x1000xf32>
    %slice3A_454 = vector.extract_strided_slice %transpose3A_5 {offsets = [35, 0], sizes = [1, 1000], strides = [1, 1]} : vector<128x1000xf32> to vector<1x1000xf32>
    %mul3A_455 = vector.broadcast %slice3A_454 : vector<1x1000xf32> to vector<32x1000xf32>
    %mul3A_456 = arith.mulf %mul3A_455, %add3A_162 : vector<32x1000xf32>
    %add3A_457 = arith.addf %add3A_453, %mul3A_456 : vector<32x1000xf32>
    %slice3A_458 = vector.extract_strided_slice %transpose3A_5 {offsets = [36, 0], sizes = [1, 1000], strides = [1, 1]} : vector<128x1000xf32> to vector<1x1000xf32>
    %mul3A_459 = vector.broadcast %slice3A_458 : vector<1x1000xf32> to vector<32x1000xf32>
    %mul3A_460 = arith.mulf %mul3A_459, %add3A_201 : vector<32x1000xf32>
    %add3A_461 = arith.addf %add3A_457, %mul3A_460 : vector<32x1000xf32>
    %slice3A_462 = vector.extract_strided_slice %transpose3A_5 {offsets = [37, 0], sizes = [1, 1000], strides = [1, 1]} : vector<128x1000xf32> to vector<1x1000xf32>
    %mul3A_463 = vector.broadcast %slice3A_462 : vector<1x1000xf32> to vector<32x1000xf32>
    %mul3A_464 = arith.mulf %mul3A_463, %add3A_240 : vector<32x1000xf32>
    %add3A_465 = arith.addf %add3A_461, %mul3A_464 : vector<32x1000xf32>
    %slice3A_466 = vector.extract_strided_slice %transpose3A_5 {offsets = [38, 0], sizes = [1, 1000], strides = [1, 1]} : vector<128x1000xf32> to vector<1x1000xf32>
    %mul3A_467 = vector.broadcast %slice3A_466 : vector<1x1000xf32> to vector<32x1000xf32>
    %mul3A_468 = arith.mulf %mul3A_467, %add3A_279 : vector<32x1000xf32>
    %add3A_469 = arith.addf %add3A_465, %mul3A_468 : vector<32x1000xf32>
    %slice3A_470 = vector.extract_strided_slice %transpose3A_5 {offsets = [39, 0], sizes = [1, 1000], strides = [1, 1]} : vector<128x1000xf32> to vector<1x1000xf32>
    %mul3A_471 = vector.broadcast %slice3A_470 : vector<1x1000xf32> to vector<32x1000xf32>
    %mul3A_472 = arith.mulf %mul3A_471, %add3A_318 : vector<32x1000xf32>
    %add3A_473 = arith.addf %add3A_469, %mul3A_472 : vector<32x1000xf32>
    %slice3A_474 = vector.extract_strided_slice %transpose3A_5 {offsets = [40, 0], sizes = [1, 1000], strides = [1, 1]} : vector<128x1000xf32> to vector<1x1000xf32>
    %mul3A_475 = vector.broadcast %slice3A_474 : vector<1x1000xf32> to vector<32x1000xf32>
    %mul3A_476 = arith.mulf %mul3A_475, %add3A_45 : vector<32x1000xf32>
    %slice3A_477 = vector.extract_strided_slice %transpose3A_5 {offsets = [41, 0], sizes = [1, 1000], strides = [1, 1]} : vector<128x1000xf32> to vector<1x1000xf32>
    %mul3A_478 = vector.broadcast %slice3A_477 : vector<1x1000xf32> to vector<32x1000xf32>
    %mul3A_479 = arith.mulf %mul3A_478, %add3A_84 : vector<32x1000xf32>
    %add3A_480 = arith.addf %mul3A_476, %mul3A_479 : vector<32x1000xf32>
    %slice3A_481 = vector.extract_strided_slice %transpose3A_5 {offsets = [42, 0], sizes = [1, 1000], strides = [1, 1]} : vector<128x1000xf32> to vector<1x1000xf32>
    %mul3A_482 = vector.broadcast %slice3A_481 : vector<1x1000xf32> to vector<32x1000xf32>
    %mul3A_483 = arith.mulf %mul3A_482, %add3A_123 : vector<32x1000xf32>
    %add3A_484 = arith.addf %add3A_480, %mul3A_483 : vector<32x1000xf32>
    %slice3A_485 = vector.extract_strided_slice %transpose3A_5 {offsets = [43, 0], sizes = [1, 1000], strides = [1, 1]} : vector<128x1000xf32> to vector<1x1000xf32>
    %mul3A_486 = vector.broadcast %slice3A_485 : vector<1x1000xf32> to vector<32x1000xf32>
    %mul3A_487 = arith.mulf %mul3A_486, %add3A_162 : vector<32x1000xf32>
    %add3A_488 = arith.addf %add3A_484, %mul3A_487 : vector<32x1000xf32>
    %slice3A_489 = vector.extract_strided_slice %transpose3A_5 {offsets = [44, 0], sizes = [1, 1000], strides = [1, 1]} : vector<128x1000xf32> to vector<1x1000xf32>
    %mul3A_490 = vector.broadcast %slice3A_489 : vector<1x1000xf32> to vector<32x1000xf32>
    %mul3A_491 = arith.mulf %mul3A_490, %add3A_201 : vector<32x1000xf32>
    %add3A_492 = arith.addf %add3A_488, %mul3A_491 : vector<32x1000xf32>
    %slice3A_493 = vector.extract_strided_slice %transpose3A_5 {offsets = [45, 0], sizes = [1, 1000], strides = [1, 1]} : vector<128x1000xf32> to vector<1x1000xf32>
    %mul3A_494 = vector.broadcast %slice3A_493 : vector<1x1000xf32> to vector<32x1000xf32>
    %mul3A_495 = arith.mulf %mul3A_494, %add3A_240 : vector<32x1000xf32>
    %add3A_496 = arith.addf %add3A_492, %mul3A_495 : vector<32x1000xf32>
    %slice3A_497 = vector.extract_strided_slice %transpose3A_5 {offsets = [46, 0], sizes = [1, 1000], strides = [1, 1]} : vector<128x1000xf32> to vector<1x1000xf32>
    %mul3A_498 = vector.broadcast %slice3A_497 : vector<1x1000xf32> to vector<32x1000xf32>
    %mul3A_499 = arith.mulf %mul3A_498, %add3A_279 : vector<32x1000xf32>
    %add3A_500 = arith.addf %add3A_496, %mul3A_499 : vector<32x1000xf32>
    %slice3A_501 = vector.extract_strided_slice %transpose3A_5 {offsets = [47, 0], sizes = [1, 1000], strides = [1, 1]} : vector<128x1000xf32> to vector<1x1000xf32>
    %mul3A_502 = vector.broadcast %slice3A_501 : vector<1x1000xf32> to vector<32x1000xf32>
    %mul3A_503 = arith.mulf %mul3A_502, %add3A_318 : vector<32x1000xf32>
    %add3A_504 = arith.addf %add3A_500, %mul3A_503 : vector<32x1000xf32>
    %slice3A_505 = vector.extract_strided_slice %transpose3A_5 {offsets = [48, 0], sizes = [1, 1000], strides = [1, 1]} : vector<128x1000xf32> to vector<1x1000xf32>
    %mul3A_506 = vector.broadcast %slice3A_505 : vector<1x1000xf32> to vector<32x1000xf32>
    %mul3A_507 = arith.mulf %mul3A_506, %add3A_45 : vector<32x1000xf32>
    %slice3A_508 = vector.extract_strided_slice %transpose3A_5 {offsets = [49, 0], sizes = [1, 1000], strides = [1, 1]} : vector<128x1000xf32> to vector<1x1000xf32>
    %mul3A_509 = vector.broadcast %slice3A_508 : vector<1x1000xf32> to vector<32x1000xf32>
    %mul3A_510 = arith.mulf %mul3A_509, %add3A_84 : vector<32x1000xf32>
    %add3A_511 = arith.addf %mul3A_507, %mul3A_510 : vector<32x1000xf32>
    %slice3A_512 = vector.extract_strided_slice %transpose3A_5 {offsets = [50, 0], sizes = [1, 1000], strides = [1, 1]} : vector<128x1000xf32> to vector<1x1000xf32>
    %mul3A_513 = vector.broadcast %slice3A_512 : vector<1x1000xf32> to vector<32x1000xf32>
    %mul3A_514 = arith.mulf %mul3A_513, %add3A_123 : vector<32x1000xf32>
    %add3A_515 = arith.addf %add3A_511, %mul3A_514 : vector<32x1000xf32>
    %slice3A_516 = vector.extract_strided_slice %transpose3A_5 {offsets = [51, 0], sizes = [1, 1000], strides = [1, 1]} : vector<128x1000xf32> to vector<1x1000xf32>
    %mul3A_517 = vector.broadcast %slice3A_516 : vector<1x1000xf32> to vector<32x1000xf32>
    %mul3A_518 = arith.mulf %mul3A_517, %add3A_162 : vector<32x1000xf32>
    %add3A_519 = arith.addf %add3A_515, %mul3A_518 : vector<32x1000xf32>
    %slice3A_520 = vector.extract_strided_slice %transpose3A_5 {offsets = [52, 0], sizes = [1, 1000], strides = [1, 1]} : vector<128x1000xf32> to vector<1x1000xf32>
    %mul3A_521 = vector.broadcast %slice3A_520 : vector<1x1000xf32> to vector<32x1000xf32>
    %mul3A_522 = arith.mulf %mul3A_521, %add3A_201 : vector<32x1000xf32>
    %add3A_523 = arith.addf %add3A_519, %mul3A_522 : vector<32x1000xf32>
    %slice3A_524 = vector.extract_strided_slice %transpose3A_5 {offsets = [53, 0], sizes = [1, 1000], strides = [1, 1]} : vector<128x1000xf32> to vector<1x1000xf32>
    %mul3A_525 = vector.broadcast %slice3A_524 : vector<1x1000xf32> to vector<32x1000xf32>
    %mul3A_526 = arith.mulf %mul3A_525, %add3A_240 : vector<32x1000xf32>
    %add3A_527 = arith.addf %add3A_523, %mul3A_526 : vector<32x1000xf32>
    %slice3A_528 = vector.extract_strided_slice %transpose3A_5 {offsets = [54, 0], sizes = [1, 1000], strides = [1, 1]} : vector<128x1000xf32> to vector<1x1000xf32>
    %mul3A_529 = vector.broadcast %slice3A_528 : vector<1x1000xf32> to vector<32x1000xf32>
    %mul3A_530 = arith.mulf %mul3A_529, %add3A_279 : vector<32x1000xf32>
    %add3A_531 = arith.addf %add3A_527, %mul3A_530 : vector<32x1000xf32>
    %slice3A_532 = vector.extract_strided_slice %transpose3A_5 {offsets = [55, 0], sizes = [1, 1000], strides = [1, 1]} : vector<128x1000xf32> to vector<1x1000xf32>
    %mul3A_533 = vector.broadcast %slice3A_532 : vector<1x1000xf32> to vector<32x1000xf32>
    %mul3A_534 = arith.mulf %mul3A_533, %add3A_318 : vector<32x1000xf32>
    %add3A_535 = arith.addf %add3A_531, %mul3A_534 : vector<32x1000xf32>
    %slice3A_536 = vector.extract_strided_slice %transpose3A_5 {offsets = [56, 0], sizes = [1, 1000], strides = [1, 1]} : vector<128x1000xf32> to vector<1x1000xf32>
    %mul3A_537 = vector.broadcast %slice3A_536 : vector<1x1000xf32> to vector<32x1000xf32>
    %mul3A_538 = arith.mulf %mul3A_537, %add3A_45 : vector<32x1000xf32>
    %slice3A_539 = vector.extract_strided_slice %transpose3A_5 {offsets = [57, 0], sizes = [1, 1000], strides = [1, 1]} : vector<128x1000xf32> to vector<1x1000xf32>
    %mul3A_540 = vector.broadcast %slice3A_539 : vector<1x1000xf32> to vector<32x1000xf32>
    %mul3A_541 = arith.mulf %mul3A_540, %add3A_84 : vector<32x1000xf32>
    %add3A_542 = arith.addf %mul3A_538, %mul3A_541 : vector<32x1000xf32>
    %slice3A_543 = vector.extract_strided_slice %transpose3A_5 {offsets = [58, 0], sizes = [1, 1000], strides = [1, 1]} : vector<128x1000xf32> to vector<1x1000xf32>
    %mul3A_544 = vector.broadcast %slice3A_543 : vector<1x1000xf32> to vector<32x1000xf32>
    %mul3A_545 = arith.mulf %mul3A_544, %add3A_123 : vector<32x1000xf32>
    %add3A_546 = arith.addf %add3A_542, %mul3A_545 : vector<32x1000xf32>
    %slice3A_547 = vector.extract_strided_slice %transpose3A_5 {offsets = [59, 0], sizes = [1, 1000], strides = [1, 1]} : vector<128x1000xf32> to vector<1x1000xf32>
    %mul3A_548 = vector.broadcast %slice3A_547 : vector<1x1000xf32> to vector<32x1000xf32>
    %mul3A_549 = arith.mulf %mul3A_548, %add3A_162 : vector<32x1000xf32>
    %add3A_550 = arith.addf %add3A_546, %mul3A_549 : vector<32x1000xf32>
    %slice3A_551 = vector.extract_strided_slice %transpose3A_5 {offsets = [60, 0], sizes = [1, 1000], strides = [1, 1]} : vector<128x1000xf32> to vector<1x1000xf32>
    %mul3A_552 = vector.broadcast %slice3A_551 : vector<1x1000xf32> to vector<32x1000xf32>
    %mul3A_553 = arith.mulf %mul3A_552, %add3A_201 : vector<32x1000xf32>
    %add3A_554 = arith.addf %add3A_550, %mul3A_553 : vector<32x1000xf32>
    %slice3A_555 = vector.extract_strided_slice %transpose3A_5 {offsets = [61, 0], sizes = [1, 1000], strides = [1, 1]} : vector<128x1000xf32> to vector<1x1000xf32>
    %mul3A_556 = vector.broadcast %slice3A_555 : vector<1x1000xf32> to vector<32x1000xf32>
    %mul3A_557 = arith.mulf %mul3A_556, %add3A_240 : vector<32x1000xf32>
    %add3A_558 = arith.addf %add3A_554, %mul3A_557 : vector<32x1000xf32>
    %slice3A_559 = vector.extract_strided_slice %transpose3A_5 {offsets = [62, 0], sizes = [1, 1000], strides = [1, 1]} : vector<128x1000xf32> to vector<1x1000xf32>
    %mul3A_560 = vector.broadcast %slice3A_559 : vector<1x1000xf32> to vector<32x1000xf32>
    %mul3A_561 = arith.mulf %mul3A_560, %add3A_279 : vector<32x1000xf32>
    %add3A_562 = arith.addf %add3A_558, %mul3A_561 : vector<32x1000xf32>
    %slice3A_563 = vector.extract_strided_slice %transpose3A_5 {offsets = [63, 0], sizes = [1, 1000], strides = [1, 1]} : vector<128x1000xf32> to vector<1x1000xf32>
    %mul3A_564 = vector.broadcast %slice3A_563 : vector<1x1000xf32> to vector<32x1000xf32>
    %mul3A_565 = arith.mulf %mul3A_564, %add3A_318 : vector<32x1000xf32>
    %add3A_566 = arith.addf %add3A_562, %mul3A_565 : vector<32x1000xf32>
    %slice3A_567 = vector.extract_strided_slice %transpose3A_5 {offsets = [64, 0], sizes = [1, 1000], strides = [1, 1]} : vector<128x1000xf32> to vector<1x1000xf32>
    %mul3A_568 = vector.broadcast %slice3A_567 : vector<1x1000xf32> to vector<32x1000xf32>
    %mul3A_569 = arith.mulf %mul3A_568, %add3A_45 : vector<32x1000xf32>
    %slice3A_570 = vector.extract_strided_slice %transpose3A_5 {offsets = [65, 0], sizes = [1, 1000], strides = [1, 1]} : vector<128x1000xf32> to vector<1x1000xf32>
    %mul3A_571 = vector.broadcast %slice3A_570 : vector<1x1000xf32> to vector<32x1000xf32>
    %mul3A_572 = arith.mulf %mul3A_571, %add3A_84 : vector<32x1000xf32>
    %add3A_573 = arith.addf %mul3A_569, %mul3A_572 : vector<32x1000xf32>
    %slice3A_574 = vector.extract_strided_slice %transpose3A_5 {offsets = [66, 0], sizes = [1, 1000], strides = [1, 1]} : vector<128x1000xf32> to vector<1x1000xf32>
    %mul3A_575 = vector.broadcast %slice3A_574 : vector<1x1000xf32> to vector<32x1000xf32>
    %mul3A_576 = arith.mulf %mul3A_575, %add3A_123 : vector<32x1000xf32>
    %add3A_577 = arith.addf %add3A_573, %mul3A_576 : vector<32x1000xf32>
    %slice3A_578 = vector.extract_strided_slice %transpose3A_5 {offsets = [67, 0], sizes = [1, 1000], strides = [1, 1]} : vector<128x1000xf32> to vector<1x1000xf32>
    %mul3A_579 = vector.broadcast %slice3A_578 : vector<1x1000xf32> to vector<32x1000xf32>
    %mul3A_580 = arith.mulf %mul3A_579, %add3A_162 : vector<32x1000xf32>
    %add3A_581 = arith.addf %add3A_577, %mul3A_580 : vector<32x1000xf32>
    %slice3A_582 = vector.extract_strided_slice %transpose3A_5 {offsets = [68, 0], sizes = [1, 1000], strides = [1, 1]} : vector<128x1000xf32> to vector<1x1000xf32>
    %mul3A_583 = vector.broadcast %slice3A_582 : vector<1x1000xf32> to vector<32x1000xf32>
    %mul3A_584 = arith.mulf %mul3A_583, %add3A_201 : vector<32x1000xf32>
    %add3A_585 = arith.addf %add3A_581, %mul3A_584 : vector<32x1000xf32>
    %slice3A_586 = vector.extract_strided_slice %transpose3A_5 {offsets = [69, 0], sizes = [1, 1000], strides = [1, 1]} : vector<128x1000xf32> to vector<1x1000xf32>
    %mul3A_587 = vector.broadcast %slice3A_586 : vector<1x1000xf32> to vector<32x1000xf32>
    %mul3A_588 = arith.mulf %mul3A_587, %add3A_240 : vector<32x1000xf32>
    %add3A_589 = arith.addf %add3A_585, %mul3A_588 : vector<32x1000xf32>
    %slice3A_590 = vector.extract_strided_slice %transpose3A_5 {offsets = [70, 0], sizes = [1, 1000], strides = [1, 1]} : vector<128x1000xf32> to vector<1x1000xf32>
    %mul3A_591 = vector.broadcast %slice3A_590 : vector<1x1000xf32> to vector<32x1000xf32>
    %mul3A_592 = arith.mulf %mul3A_591, %add3A_279 : vector<32x1000xf32>
    %add3A_593 = arith.addf %add3A_589, %mul3A_592 : vector<32x1000xf32>
    %slice3A_594 = vector.extract_strided_slice %transpose3A_5 {offsets = [71, 0], sizes = [1, 1000], strides = [1, 1]} : vector<128x1000xf32> to vector<1x1000xf32>
    %mul3A_595 = vector.broadcast %slice3A_594 : vector<1x1000xf32> to vector<32x1000xf32>
    %mul3A_596 = arith.mulf %mul3A_595, %add3A_318 : vector<32x1000xf32>
    %add3A_597 = arith.addf %add3A_593, %mul3A_596 : vector<32x1000xf32>
    %slice3A_598 = vector.extract_strided_slice %transpose3A_5 {offsets = [72, 0], sizes = [1, 1000], strides = [1, 1]} : vector<128x1000xf32> to vector<1x1000xf32>
    %mul3A_599 = vector.broadcast %slice3A_598 : vector<1x1000xf32> to vector<32x1000xf32>
    %mul3A_600 = arith.mulf %mul3A_599, %add3A_45 : vector<32x1000xf32>
    %slice3A_601 = vector.extract_strided_slice %transpose3A_5 {offsets = [73, 0], sizes = [1, 1000], strides = [1, 1]} : vector<128x1000xf32> to vector<1x1000xf32>
    %mul3A_602 = vector.broadcast %slice3A_601 : vector<1x1000xf32> to vector<32x1000xf32>
    %mul3A_603 = arith.mulf %mul3A_602, %add3A_84 : vector<32x1000xf32>
    %add3A_604 = arith.addf %mul3A_600, %mul3A_603 : vector<32x1000xf32>
    %slice3A_605 = vector.extract_strided_slice %transpose3A_5 {offsets = [74, 0], sizes = [1, 1000], strides = [1, 1]} : vector<128x1000xf32> to vector<1x1000xf32>
    %mul3A_606 = vector.broadcast %slice3A_605 : vector<1x1000xf32> to vector<32x1000xf32>
    %mul3A_607 = arith.mulf %mul3A_606, %add3A_123 : vector<32x1000xf32>
    %add3A_608 = arith.addf %add3A_604, %mul3A_607 : vector<32x1000xf32>
    %slice3A_609 = vector.extract_strided_slice %transpose3A_5 {offsets = [75, 0], sizes = [1, 1000], strides = [1, 1]} : vector<128x1000xf32> to vector<1x1000xf32>
    %mul3A_610 = vector.broadcast %slice3A_609 : vector<1x1000xf32> to vector<32x1000xf32>
    %mul3A_611 = arith.mulf %mul3A_610, %add3A_162 : vector<32x1000xf32>
    %add3A_612 = arith.addf %add3A_608, %mul3A_611 : vector<32x1000xf32>
    %slice3A_613 = vector.extract_strided_slice %transpose3A_5 {offsets = [76, 0], sizes = [1, 1000], strides = [1, 1]} : vector<128x1000xf32> to vector<1x1000xf32>
    %mul3A_614 = vector.broadcast %slice3A_613 : vector<1x1000xf32> to vector<32x1000xf32>
    %mul3A_615 = arith.mulf %mul3A_614, %add3A_201 : vector<32x1000xf32>
    %add3A_616 = arith.addf %add3A_612, %mul3A_615 : vector<32x1000xf32>
    %slice3A_617 = vector.extract_strided_slice %transpose3A_5 {offsets = [77, 0], sizes = [1, 1000], strides = [1, 1]} : vector<128x1000xf32> to vector<1x1000xf32>
    %mul3A_618 = vector.broadcast %slice3A_617 : vector<1x1000xf32> to vector<32x1000xf32>
    %mul3A_619 = arith.mulf %mul3A_618, %add3A_240 : vector<32x1000xf32>
    %add3A_620 = arith.addf %add3A_616, %mul3A_619 : vector<32x1000xf32>
    %slice3A_621 = vector.extract_strided_slice %transpose3A_5 {offsets = [78, 0], sizes = [1, 1000], strides = [1, 1]} : vector<128x1000xf32> to vector<1x1000xf32>
    %mul3A_622 = vector.broadcast %slice3A_621 : vector<1x1000xf32> to vector<32x1000xf32>
    %mul3A_623 = arith.mulf %mul3A_622, %add3A_279 : vector<32x1000xf32>
    %add3A_624 = arith.addf %add3A_620, %mul3A_623 : vector<32x1000xf32>
    %slice3A_625 = vector.extract_strided_slice %transpose3A_5 {offsets = [79, 0], sizes = [1, 1000], strides = [1, 1]} : vector<128x1000xf32> to vector<1x1000xf32>
    %mul3A_626 = vector.broadcast %slice3A_625 : vector<1x1000xf32> to vector<32x1000xf32>
    %mul3A_627 = arith.mulf %mul3A_626, %add3A_318 : vector<32x1000xf32>
    %add3A_628 = arith.addf %add3A_624, %mul3A_627 : vector<32x1000xf32>
    %slice3A_629 = vector.extract_strided_slice %transpose3A_5 {offsets = [80, 0], sizes = [1, 1000], strides = [1, 1]} : vector<128x1000xf32> to vector<1x1000xf32>
    %mul3A_630 = vector.broadcast %slice3A_629 : vector<1x1000xf32> to vector<32x1000xf32>
    %mul3A_631 = arith.mulf %mul3A_630, %add3A_45 : vector<32x1000xf32>
    %slice3A_632 = vector.extract_strided_slice %transpose3A_5 {offsets = [81, 0], sizes = [1, 1000], strides = [1, 1]} : vector<128x1000xf32> to vector<1x1000xf32>
    %mul3A_633 = vector.broadcast %slice3A_632 : vector<1x1000xf32> to vector<32x1000xf32>
    %mul3A_634 = arith.mulf %mul3A_633, %add3A_84 : vector<32x1000xf32>
    %add3A_635 = arith.addf %mul3A_631, %mul3A_634 : vector<32x1000xf32>
    %slice3A_636 = vector.extract_strided_slice %transpose3A_5 {offsets = [82, 0], sizes = [1, 1000], strides = [1, 1]} : vector<128x1000xf32> to vector<1x1000xf32>
    %mul3A_637 = vector.broadcast %slice3A_636 : vector<1x1000xf32> to vector<32x1000xf32>
    %mul3A_638 = arith.mulf %mul3A_637, %add3A_123 : vector<32x1000xf32>
    %add3A_639 = arith.addf %add3A_635, %mul3A_638 : vector<32x1000xf32>
    %slice3A_640 = vector.extract_strided_slice %transpose3A_5 {offsets = [83, 0], sizes = [1, 1000], strides = [1, 1]} : vector<128x1000xf32> to vector<1x1000xf32>
    %mul3A_641 = vector.broadcast %slice3A_640 : vector<1x1000xf32> to vector<32x1000xf32>
    %mul3A_642 = arith.mulf %mul3A_641, %add3A_162 : vector<32x1000xf32>
    %add3A_643 = arith.addf %add3A_639, %mul3A_642 : vector<32x1000xf32>
    %slice3A_644 = vector.extract_strided_slice %transpose3A_5 {offsets = [84, 0], sizes = [1, 1000], strides = [1, 1]} : vector<128x1000xf32> to vector<1x1000xf32>
    %mul3A_645 = vector.broadcast %slice3A_644 : vector<1x1000xf32> to vector<32x1000xf32>
    %mul3A_646 = arith.mulf %mul3A_645, %add3A_201 : vector<32x1000xf32>
    %add3A_647 = arith.addf %add3A_643, %mul3A_646 : vector<32x1000xf32>
    %slice3A_648 = vector.extract_strided_slice %transpose3A_5 {offsets = [85, 0], sizes = [1, 1000], strides = [1, 1]} : vector<128x1000xf32> to vector<1x1000xf32>
    %mul3A_649 = vector.broadcast %slice3A_648 : vector<1x1000xf32> to vector<32x1000xf32>
    %mul3A_650 = arith.mulf %mul3A_649, %add3A_240 : vector<32x1000xf32>
    %add3A_651 = arith.addf %add3A_647, %mul3A_650 : vector<32x1000xf32>
    %slice3A_652 = vector.extract_strided_slice %transpose3A_5 {offsets = [86, 0], sizes = [1, 1000], strides = [1, 1]} : vector<128x1000xf32> to vector<1x1000xf32>
    %mul3A_653 = vector.broadcast %slice3A_652 : vector<1x1000xf32> to vector<32x1000xf32>
    %mul3A_654 = arith.mulf %mul3A_653, %add3A_279 : vector<32x1000xf32>
    %add3A_655 = arith.addf %add3A_651, %mul3A_654 : vector<32x1000xf32>
    %slice3A_656 = vector.extract_strided_slice %transpose3A_5 {offsets = [87, 0], sizes = [1, 1000], strides = [1, 1]} : vector<128x1000xf32> to vector<1x1000xf32>
    %mul3A_657 = vector.broadcast %slice3A_656 : vector<1x1000xf32> to vector<32x1000xf32>
    %mul3A_658 = arith.mulf %mul3A_657, %add3A_318 : vector<32x1000xf32>
    %add3A_659 = arith.addf %add3A_655, %mul3A_658 : vector<32x1000xf32>
    %slice3A_660 = vector.extract_strided_slice %transpose3A_5 {offsets = [88, 0], sizes = [1, 1000], strides = [1, 1]} : vector<128x1000xf32> to vector<1x1000xf32>
    %mul3A_661 = vector.broadcast %slice3A_660 : vector<1x1000xf32> to vector<32x1000xf32>
    %mul3A_662 = arith.mulf %mul3A_661, %add3A_45 : vector<32x1000xf32>
    %slice3A_663 = vector.extract_strided_slice %transpose3A_5 {offsets = [89, 0], sizes = [1, 1000], strides = [1, 1]} : vector<128x1000xf32> to vector<1x1000xf32>
    %mul3A_664 = vector.broadcast %slice3A_663 : vector<1x1000xf32> to vector<32x1000xf32>
    %mul3A_665 = arith.mulf %mul3A_664, %add3A_84 : vector<32x1000xf32>
    %add3A_666 = arith.addf %mul3A_662, %mul3A_665 : vector<32x1000xf32>
    %slice3A_667 = vector.extract_strided_slice %transpose3A_5 {offsets = [90, 0], sizes = [1, 1000], strides = [1, 1]} : vector<128x1000xf32> to vector<1x1000xf32>
    %mul3A_668 = vector.broadcast %slice3A_667 : vector<1x1000xf32> to vector<32x1000xf32>
    %mul3A_669 = arith.mulf %mul3A_668, %add3A_123 : vector<32x1000xf32>
    %add3A_670 = arith.addf %add3A_666, %mul3A_669 : vector<32x1000xf32>
    %slice3A_671 = vector.extract_strided_slice %transpose3A_5 {offsets = [91, 0], sizes = [1, 1000], strides = [1, 1]} : vector<128x1000xf32> to vector<1x1000xf32>
    %mul3A_672 = vector.broadcast %slice3A_671 : vector<1x1000xf32> to vector<32x1000xf32>
    %mul3A_673 = arith.mulf %mul3A_672, %add3A_162 : vector<32x1000xf32>
    %add3A_674 = arith.addf %add3A_670, %mul3A_673 : vector<32x1000xf32>
    %slice3A_675 = vector.extract_strided_slice %transpose3A_5 {offsets = [92, 0], sizes = [1, 1000], strides = [1, 1]} : vector<128x1000xf32> to vector<1x1000xf32>
    %mul3A_676 = vector.broadcast %slice3A_675 : vector<1x1000xf32> to vector<32x1000xf32>
    %mul3A_677 = arith.mulf %mul3A_676, %add3A_201 : vector<32x1000xf32>
    %add3A_678 = arith.addf %add3A_674, %mul3A_677 : vector<32x1000xf32>
    %slice3A_679 = vector.extract_strided_slice %transpose3A_5 {offsets = [93, 0], sizes = [1, 1000], strides = [1, 1]} : vector<128x1000xf32> to vector<1x1000xf32>
    %mul3A_680 = vector.broadcast %slice3A_679 : vector<1x1000xf32> to vector<32x1000xf32>
    %mul3A_681 = arith.mulf %mul3A_680, %add3A_240 : vector<32x1000xf32>
    %add3A_682 = arith.addf %add3A_678, %mul3A_681 : vector<32x1000xf32>
    %slice3A_683 = vector.extract_strided_slice %transpose3A_5 {offsets = [94, 0], sizes = [1, 1000], strides = [1, 1]} : vector<128x1000xf32> to vector<1x1000xf32>
    %mul3A_684 = vector.broadcast %slice3A_683 : vector<1x1000xf32> to vector<32x1000xf32>
    %mul3A_685 = arith.mulf %mul3A_684, %add3A_279 : vector<32x1000xf32>
    %add3A_686 = arith.addf %add3A_682, %mul3A_685 : vector<32x1000xf32>
    %slice3A_687 = vector.extract_strided_slice %transpose3A_5 {offsets = [95, 0], sizes = [1, 1000], strides = [1, 1]} : vector<128x1000xf32> to vector<1x1000xf32>
    %mul3A_688 = vector.broadcast %slice3A_687 : vector<1x1000xf32> to vector<32x1000xf32>
    %mul3A_689 = arith.mulf %mul3A_688, %add3A_318 : vector<32x1000xf32>
    %add3A_690 = arith.addf %add3A_686, %mul3A_689 : vector<32x1000xf32>
    %slice3A_691 = vector.extract_strided_slice %transpose3A_5 {offsets = [96, 0], sizes = [1, 1000], strides = [1, 1]} : vector<128x1000xf32> to vector<1x1000xf32>
    %mul3A_692 = vector.broadcast %slice3A_691 : vector<1x1000xf32> to vector<32x1000xf32>
    %mul3A_693 = arith.mulf %mul3A_692, %add3A_45 : vector<32x1000xf32>
    %slice3A_694 = vector.extract_strided_slice %transpose3A_5 {offsets = [97, 0], sizes = [1, 1000], strides = [1, 1]} : vector<128x1000xf32> to vector<1x1000xf32>
    %mul3A_695 = vector.broadcast %slice3A_694 : vector<1x1000xf32> to vector<32x1000xf32>
    %mul3A_696 = arith.mulf %mul3A_695, %add3A_84 : vector<32x1000xf32>
    %add3A_697 = arith.addf %mul3A_693, %mul3A_696 : vector<32x1000xf32>
    %slice3A_698 = vector.extract_strided_slice %transpose3A_5 {offsets = [98, 0], sizes = [1, 1000], strides = [1, 1]} : vector<128x1000xf32> to vector<1x1000xf32>
    %mul3A_699 = vector.broadcast %slice3A_698 : vector<1x1000xf32> to vector<32x1000xf32>
    %mul3A_700 = arith.mulf %mul3A_699, %add3A_123 : vector<32x1000xf32>
    %add3A_701 = arith.addf %add3A_697, %mul3A_700 : vector<32x1000xf32>
    %slice3A_702 = vector.extract_strided_slice %transpose3A_5 {offsets = [99, 0], sizes = [1, 1000], strides = [1, 1]} : vector<128x1000xf32> to vector<1x1000xf32>
    %mul3A_703 = vector.broadcast %slice3A_702 : vector<1x1000xf32> to vector<32x1000xf32>
    %mul3A_704 = arith.mulf %mul3A_703, %add3A_162 : vector<32x1000xf32>
    %add3A_705 = arith.addf %add3A_701, %mul3A_704 : vector<32x1000xf32>
    %slice3A_706 = vector.extract_strided_slice %transpose3A_5 {offsets = [100, 0], sizes = [1, 1000], strides = [1, 1]} : vector<128x1000xf32> to vector<1x1000xf32>
    %mul3A_707 = vector.broadcast %slice3A_706 : vector<1x1000xf32> to vector<32x1000xf32>
    %mul3A_708 = arith.mulf %mul3A_707, %add3A_201 : vector<32x1000xf32>
    %add3A_709 = arith.addf %add3A_705, %mul3A_708 : vector<32x1000xf32>
    %slice3A_710 = vector.extract_strided_slice %transpose3A_5 {offsets = [101, 0], sizes = [1, 1000], strides = [1, 1]} : vector<128x1000xf32> to vector<1x1000xf32>
    %mul3A_711 = vector.broadcast %slice3A_710 : vector<1x1000xf32> to vector<32x1000xf32>
    %mul3A_712 = arith.mulf %mul3A_711, %add3A_240 : vector<32x1000xf32>
    %add3A_713 = arith.addf %add3A_709, %mul3A_712 : vector<32x1000xf32>
    %slice3A_714 = vector.extract_strided_slice %transpose3A_5 {offsets = [102, 0], sizes = [1, 1000], strides = [1, 1]} : vector<128x1000xf32> to vector<1x1000xf32>
    %mul3A_715 = vector.broadcast %slice3A_714 : vector<1x1000xf32> to vector<32x1000xf32>
    %mul3A_716 = arith.mulf %mul3A_715, %add3A_279 : vector<32x1000xf32>
    %add3A_717 = arith.addf %add3A_713, %mul3A_716 : vector<32x1000xf32>
    %slice3A_718 = vector.extract_strided_slice %transpose3A_5 {offsets = [103, 0], sizes = [1, 1000], strides = [1, 1]} : vector<128x1000xf32> to vector<1x1000xf32>
    %mul3A_719 = vector.broadcast %slice3A_718 : vector<1x1000xf32> to vector<32x1000xf32>
    %mul3A_720 = arith.mulf %mul3A_719, %add3A_318 : vector<32x1000xf32>
    %add3A_721 = arith.addf %add3A_717, %mul3A_720 : vector<32x1000xf32>
    %slice3A_722 = vector.extract_strided_slice %transpose3A_5 {offsets = [104, 0], sizes = [1, 1000], strides = [1, 1]} : vector<128x1000xf32> to vector<1x1000xf32>
    %mul3A_723 = vector.broadcast %slice3A_722 : vector<1x1000xf32> to vector<32x1000xf32>
    %mul3A_724 = arith.mulf %mul3A_723, %add3A_45 : vector<32x1000xf32>
    %slice3A_725 = vector.extract_strided_slice %transpose3A_5 {offsets = [105, 0], sizes = [1, 1000], strides = [1, 1]} : vector<128x1000xf32> to vector<1x1000xf32>
    %mul3A_726 = vector.broadcast %slice3A_725 : vector<1x1000xf32> to vector<32x1000xf32>
    %mul3A_727 = arith.mulf %mul3A_726, %add3A_84 : vector<32x1000xf32>
    %add3A_728 = arith.addf %mul3A_724, %mul3A_727 : vector<32x1000xf32>
    %slice3A_729 = vector.extract_strided_slice %transpose3A_5 {offsets = [106, 0], sizes = [1, 1000], strides = [1, 1]} : vector<128x1000xf32> to vector<1x1000xf32>
    %mul3A_730 = vector.broadcast %slice3A_729 : vector<1x1000xf32> to vector<32x1000xf32>
    %mul3A_731 = arith.mulf %mul3A_730, %add3A_123 : vector<32x1000xf32>
    %add3A_732 = arith.addf %add3A_728, %mul3A_731 : vector<32x1000xf32>
    %slice3A_733 = vector.extract_strided_slice %transpose3A_5 {offsets = [107, 0], sizes = [1, 1000], strides = [1, 1]} : vector<128x1000xf32> to vector<1x1000xf32>
    %mul3A_734 = vector.broadcast %slice3A_733 : vector<1x1000xf32> to vector<32x1000xf32>
    %mul3A_735 = arith.mulf %mul3A_734, %add3A_162 : vector<32x1000xf32>
    %add3A_736 = arith.addf %add3A_732, %mul3A_735 : vector<32x1000xf32>
    %slice3A_737 = vector.extract_strided_slice %transpose3A_5 {offsets = [108, 0], sizes = [1, 1000], strides = [1, 1]} : vector<128x1000xf32> to vector<1x1000xf32>
    %mul3A_738 = vector.broadcast %slice3A_737 : vector<1x1000xf32> to vector<32x1000xf32>
    %mul3A_739 = arith.mulf %mul3A_738, %add3A_201 : vector<32x1000xf32>
    %add3A_740 = arith.addf %add3A_736, %mul3A_739 : vector<32x1000xf32>
    %slice3A_741 = vector.extract_strided_slice %transpose3A_5 {offsets = [109, 0], sizes = [1, 1000], strides = [1, 1]} : vector<128x1000xf32> to vector<1x1000xf32>
    %mul3A_742 = vector.broadcast %slice3A_741 : vector<1x1000xf32> to vector<32x1000xf32>
    %mul3A_743 = arith.mulf %mul3A_742, %add3A_240 : vector<32x1000xf32>
    %add3A_744 = arith.addf %add3A_740, %mul3A_743 : vector<32x1000xf32>
    %slice3A_745 = vector.extract_strided_slice %transpose3A_5 {offsets = [110, 0], sizes = [1, 1000], strides = [1, 1]} : vector<128x1000xf32> to vector<1x1000xf32>
    %mul3A_746 = vector.broadcast %slice3A_745 : vector<1x1000xf32> to vector<32x1000xf32>
    %mul3A_747 = arith.mulf %mul3A_746, %add3A_279 : vector<32x1000xf32>
    %add3A_748 = arith.addf %add3A_744, %mul3A_747 : vector<32x1000xf32>
    %slice3A_749 = vector.extract_strided_slice %transpose3A_5 {offsets = [111, 0], sizes = [1, 1000], strides = [1, 1]} : vector<128x1000xf32> to vector<1x1000xf32>
    %mul3A_750 = vector.broadcast %slice3A_749 : vector<1x1000xf32> to vector<32x1000xf32>
    %mul3A_751 = arith.mulf %mul3A_750, %add3A_318 : vector<32x1000xf32>
    %add3A_752 = arith.addf %add3A_748, %mul3A_751 : vector<32x1000xf32>
    %slice3A_753 = vector.extract_strided_slice %transpose3A_5 {offsets = [112, 0], sizes = [1, 1000], strides = [1, 1]} : vector<128x1000xf32> to vector<1x1000xf32>
    %mul3A_754 = vector.broadcast %slice3A_753 : vector<1x1000xf32> to vector<32x1000xf32>
    %mul3A_755 = arith.mulf %mul3A_754, %add3A_45 : vector<32x1000xf32>
    %slice3A_756 = vector.extract_strided_slice %transpose3A_5 {offsets = [113, 0], sizes = [1, 1000], strides = [1, 1]} : vector<128x1000xf32> to vector<1x1000xf32>
    %mul3A_757 = vector.broadcast %slice3A_756 : vector<1x1000xf32> to vector<32x1000xf32>
    %mul3A_758 = arith.mulf %mul3A_757, %add3A_84 : vector<32x1000xf32>
    %add3A_759 = arith.addf %mul3A_755, %mul3A_758 : vector<32x1000xf32>
    %slice3A_760 = vector.extract_strided_slice %transpose3A_5 {offsets = [114, 0], sizes = [1, 1000], strides = [1, 1]} : vector<128x1000xf32> to vector<1x1000xf32>
    %mul3A_761 = vector.broadcast %slice3A_760 : vector<1x1000xf32> to vector<32x1000xf32>
    %mul3A_762 = arith.mulf %mul3A_761, %add3A_123 : vector<32x1000xf32>
    %add3A_763 = arith.addf %add3A_759, %mul3A_762 : vector<32x1000xf32>
    %slice3A_764 = vector.extract_strided_slice %transpose3A_5 {offsets = [115, 0], sizes = [1, 1000], strides = [1, 1]} : vector<128x1000xf32> to vector<1x1000xf32>
    %mul3A_765 = vector.broadcast %slice3A_764 : vector<1x1000xf32> to vector<32x1000xf32>
    %mul3A_766 = arith.mulf %mul3A_765, %add3A_162 : vector<32x1000xf32>
    %add3A_767 = arith.addf %add3A_763, %mul3A_766 : vector<32x1000xf32>
    %slice3A_768 = vector.extract_strided_slice %transpose3A_5 {offsets = [116, 0], sizes = [1, 1000], strides = [1, 1]} : vector<128x1000xf32> to vector<1x1000xf32>
    %mul3A_769 = vector.broadcast %slice3A_768 : vector<1x1000xf32> to vector<32x1000xf32>
    %mul3A_770 = arith.mulf %mul3A_769, %add3A_201 : vector<32x1000xf32>
    %add3A_771 = arith.addf %add3A_767, %mul3A_770 : vector<32x1000xf32>
    %slice3A_772 = vector.extract_strided_slice %transpose3A_5 {offsets = [117, 0], sizes = [1, 1000], strides = [1, 1]} : vector<128x1000xf32> to vector<1x1000xf32>
    %mul3A_773 = vector.broadcast %slice3A_772 : vector<1x1000xf32> to vector<32x1000xf32>
    %mul3A_774 = arith.mulf %mul3A_773, %add3A_240 : vector<32x1000xf32>
    %add3A_775 = arith.addf %add3A_771, %mul3A_774 : vector<32x1000xf32>
    %slice3A_776 = vector.extract_strided_slice %transpose3A_5 {offsets = [118, 0], sizes = [1, 1000], strides = [1, 1]} : vector<128x1000xf32> to vector<1x1000xf32>
    %mul3A_777 = vector.broadcast %slice3A_776 : vector<1x1000xf32> to vector<32x1000xf32>
    %mul3A_778 = arith.mulf %mul3A_777, %add3A_279 : vector<32x1000xf32>
    %add3A_779 = arith.addf %add3A_775, %mul3A_778 : vector<32x1000xf32>
    %slice3A_780 = vector.extract_strided_slice %transpose3A_5 {offsets = [119, 0], sizes = [1, 1000], strides = [1, 1]} : vector<128x1000xf32> to vector<1x1000xf32>
    %mul3A_781 = vector.broadcast %slice3A_780 : vector<1x1000xf32> to vector<32x1000xf32>
    %mul3A_782 = arith.mulf %mul3A_781, %add3A_318 : vector<32x1000xf32>
    %add3A_783 = arith.addf %add3A_779, %mul3A_782 : vector<32x1000xf32>
    %slice3A_784 = vector.extract_strided_slice %transpose3A_5 {offsets = [120, 0], sizes = [1, 1000], strides = [1, 1]} : vector<128x1000xf32> to vector<1x1000xf32>
    %mul3A_785 = vector.broadcast %slice3A_784 : vector<1x1000xf32> to vector<32x1000xf32>
    %mul3A_786 = arith.mulf %mul3A_785, %add3A_45 : vector<32x1000xf32>
    %slice3A_787 = vector.extract_strided_slice %transpose3A_5 {offsets = [121, 0], sizes = [1, 1000], strides = [1, 1]} : vector<128x1000xf32> to vector<1x1000xf32>
    %mul3A_788 = vector.broadcast %slice3A_787 : vector<1x1000xf32> to vector<32x1000xf32>
    %mul3A_789 = arith.mulf %mul3A_788, %add3A_84 : vector<32x1000xf32>
    %add3A_790 = arith.addf %mul3A_786, %mul3A_789 : vector<32x1000xf32>
    %slice3A_791 = vector.extract_strided_slice %transpose3A_5 {offsets = [122, 0], sizes = [1, 1000], strides = [1, 1]} : vector<128x1000xf32> to vector<1x1000xf32>
    %mul3A_792 = vector.broadcast %slice3A_791 : vector<1x1000xf32> to vector<32x1000xf32>
    %mul3A_793 = arith.mulf %mul3A_792, %add3A_123 : vector<32x1000xf32>
    %add3A_794 = arith.addf %add3A_790, %mul3A_793 : vector<32x1000xf32>
    %slice3A_795 = vector.extract_strided_slice %transpose3A_5 {offsets = [123, 0], sizes = [1, 1000], strides = [1, 1]} : vector<128x1000xf32> to vector<1x1000xf32>
    %mul3A_796 = vector.broadcast %slice3A_795 : vector<1x1000xf32> to vector<32x1000xf32>
    %mul3A_797 = arith.mulf %mul3A_796, %add3A_162 : vector<32x1000xf32>
    %add3A_798 = arith.addf %add3A_794, %mul3A_797 : vector<32x1000xf32>
    %slice3A_799 = vector.extract_strided_slice %transpose3A_5 {offsets = [124, 0], sizes = [1, 1000], strides = [1, 1]} : vector<128x1000xf32> to vector<1x1000xf32>
    %mul3A_800 = vector.broadcast %slice3A_799 : vector<1x1000xf32> to vector<32x1000xf32>
    %mul3A_801 = arith.mulf %mul3A_800, %add3A_201 : vector<32x1000xf32>
    %add3A_802 = arith.addf %add3A_798, %mul3A_801 : vector<32x1000xf32>
    %slice3A_803 = vector.extract_strided_slice %transpose3A_5 {offsets = [125, 0], sizes = [1, 1000], strides = [1, 1]} : vector<128x1000xf32> to vector<1x1000xf32>
    %mul3A_804 = vector.broadcast %slice3A_803 : vector<1x1000xf32> to vector<32x1000xf32>
    %mul3A_805 = arith.mulf %mul3A_804, %add3A_240 : vector<32x1000xf32>
    %add3A_806 = arith.addf %add3A_802, %mul3A_805 : vector<32x1000xf32>
    %slice3A_807 = vector.extract_strided_slice %transpose3A_5 {offsets = [126, 0], sizes = [1, 1000], strides = [1, 1]} : vector<128x1000xf32> to vector<1x1000xf32>
    %mul3A_808 = vector.broadcast %slice3A_807 : vector<1x1000xf32> to vector<32x1000xf32>
    %mul3A_809 = arith.mulf %mul3A_808, %add3A_279 : vector<32x1000xf32>
    %add3A_810 = arith.addf %add3A_806, %mul3A_809 : vector<32x1000xf32>
    %slice3A_811 = vector.extract_strided_slice %transpose3A_5 {offsets = [127, 0], sizes = [1, 1000], strides = [1, 1]} : vector<128x1000xf32> to vector<1x1000xf32>
    %mul3A_812 = vector.broadcast %slice3A_811 : vector<1x1000xf32> to vector<32x1000xf32>
    %mul3A_813 = arith.mulf %mul3A_812, %add3A_318 : vector<32x1000xf32>
    %add3A_814 = arith.addf %add3A_810, %mul3A_813 : vector<32x1000xf32>
    %concatenate3A = tpu.concatenate %add3A_349, %add3A_380, %add3A_411, %add3A_442, %add3A_473, %add3A_504, %add3A_535, %add3A_566, %add3A_597, %add3A_628, %add3A_659, %add3A_690, %add3A_721, %add3A_752, %add3A_783, %add3A_814 in 0 : vector<32x1000xf32>, vector<32x1000xf32>, vector<32x1000xf32>, vector<32x1000xf32>, vector<32x1000xf32>, vector<32x1000xf32>, vector<32x1000xf32>, vector<32x1000xf32>, vector<32x1000xf32>, vector<32x1000xf32>, vector<32x1000xf32>, vector<32x1000xf32>, vector<32x1000xf32>, vector<32x1000xf32>, vector<32x1000xf32>, vector<32x1000xf32> -> vector<512x1000xf32>
    %get3A_815 = arith.constant 0 : index
    %get3A_816 = arith.constant 0 : index
    %get3A_817 = vector.load %arg4[%get3A_815, %get3A_816] : memref<32x512xf32, #tpu.memory_space<vmem>>, vector<32x512xf32>
    %dot_general3A = arith.constant dense<0.000000e+00> : vector<32x1000xf32>
    %dot_general3A_818 = tpu.matmul %get3A_817, %concatenate3A, %dot_general3A {dimension_numbers = #tpu.dot_dimension_numbers<[1], [0], [0], [1], [0, 0, 1, 1], [], []>, transpose_lhs_hint = false} : vector<32x512xf32>, vector<512x1000xf32>, vector<32x1000xf32> -> vector<32x1000xf32>
    %transpose3A_819 = tpu.transpose %dot_general3A_818, [1, 0] : vector<32x1000xf32> -> vector<1000x32xf32>
    %swap3A = arith.constant 0 : index
    %swap3A_820 = arith.constant 0 : index
    %swap3A_821 = vector.load %arg5[%swap3A, %swap3A_820] : memref<1000x32xf32, #tpu.memory_space<vmem>>, vector<1000x32xf32>
    tpu.vector_store %arg5[%swap3A, %swap3A_820], %transpose3A_819 {strides = array<i32>} : memref<1000x32xf32, #tpu.memory_space<vmem>>, vector<1000x32xf32>,
    return
  }
  func.func @transform_0(%arg0: i32) -> (i32, i32) {
    %c0_i32 = arith.constant 0 : i32
    %c0_i32_0 = arith.constant 0 : i32
    return %arg0, %c0_i32 : i32, i32
  }
  func.func @transform_1(%arg0: i32) -> (i32, i32) {
    %c0_i32 = arith.constant 0 : i32
    %c0_i32_0 = arith.constant 0 : i32
    return %arg0, %c0_i32 : i32, i32
  }
  func.func @transform_2(%arg0: i32) -> (i32, i32) {
    %c0_i32 = arith.constant 0 : i32
    %c0_i32_0 = arith.constant 0 : i32
    return %arg0, %c0_i32 : i32, i32
  }
  func.func @transform_3(%arg0: i32) -> (i32, i32) {
    %c0_i32 = arith.constant 0 : i32
    %c0_i32_0 = arith.constant 0 : i32
    %c0_i32_1 = arith.constant 0 : i32
    return %c0_i32, %c0_i32_0 : i32, i32
  }
  func.func @transform_4(%arg0: i32) -> (i32, i32) {
    %c0_i32 = arith.constant 0 : i32
    %c0_i32_0 = arith.constant 0 : i32
    return %arg0, %c0_i32 : i32, i32
  }
}

</mosaic_0001>

<sc_bundles>
// kernel: kernel.4.cloned.1.call-start
scs
__scs_entry_jumppad:
0x0: {  	(pc) =	sbr.rel $0x88, $3  }
0x1: {  	(tag) =	ssettag $0x0;
	lr =	simm.s32 $0x1  }
0x2: {  	[smem:$0x3F9B] =	sst lr;
	_ =	strace $0xD0000000  }
0x3: {  	_ = 	snop  }
0x4: {  	_ = 	snop  }
0x5: {  	_ = 	snop  }
0x6: {  	_ = 	snop  }
0x7: {  	_ = 	snop  }
__scs_overlays_trampoline_lowered:
0x8: {  	[smem:$0x3FAA] =	sst s0  }
0x9: {  	[smem:$0x3FAB] =	sst s1  }
0xa: {  	[smem:$0x3FAC] =	sst s2  }
0xb: {  	[smem:$0x3FAD] =	sst s3  }
0xc: {  	[smem:$0x3FAE] =	sst s4  }
0xd: {  	[smem:$0x3FAF] =	sst s5  }
0xe: {  	[smem:$0x3FB0] =	sst s6  }
0xf: {  	[smem:$0x3FB1] =	sst s7  }
0x10: {  	[smem:$0x3FB2] =	sst s8  }
0x11: {  	[smem:$0x3FB3] =	sst s9;
	s0 =	simm.s32 @!p0 $0x0  }
0x12: {  	s1 =	sld [smem:$0x3F99];
	s0 =	simm.s32 @p0 $0x1  }
0x13: {  	[smem:$0x3FB4] =	sst s0;
	s0 =	simm.s32 @!p1 $0x0  }
0x14: {  	s2 =	sld [smem:$0x3F98];
	s0 =	simm.s32 @p1 $0x1  }
0x15: {  	[smem:$0x3FB5] =	sst s0;
	s0 =	simm.s32 @!p2 $0x0  }
0x16: {  	s3 =	sld [smem:$0x3FDB];
	s0 =	simm.s32 @p2 $0x1  }
0x17: {  	s4 =	simm.s32 $0x1BF5;
	[smem:$0x3FB7] =	sst s0  }
0x18: {  	s0 =	sld [smem:$0x3F9A];
	_ =	swait.ge [sflag:s4], $0x0  }
0x19: {  	s7 =	sld [smem:$0x3F9B]  }
0x1a: {  	s8 =	sadd.s32 $0xFFFFE003, lr  }
0x1b: {  	s9 =	sadd.s32 $0xFFFFFEF7, lr;
	s5 =	simm.s32 $0xFFFFFFFF;
	p2 =	slt.u32 s8, $0xFFFFF086  }
0x1c: {  	p1 =	slt.u32 s9, $0xF7A;
	s5 =	simm.s32 @!p2 $0x0  }
0x1d: {  	s5 =	simm.s32 @p1 $0x1;
	p0 =	seq.s32 s7, s2  }
0x1e: {  	s7 =	smul.u32 @!p0 $0xF7A, s2;
	p2 =	seq.s32 @!p0 s5, $0x0  }
0x1f: {  	s9 =	smul.u32 $0xF7A, s1;
	s8 =	simm.s32 @!p0 $0x1BF5;
	p2 =	por !p2, p0  }
0x20: {  	[sflag:s8] =	ssyncset.s32 @!p0 $0xFFFFF086;
	s6 =	sadd.s32 @!p0 s3, s7;
	s7 =	simm.s32 @!p0 $0x108  }
0x21: {  	s3 =	sadd.s32 s3, s9;
	s6 =	sadd.s32 @!p0 $0x88, s6;
	s7 =	simm.s32 @p2 $0x1082  }
0x22: {  	[simem:s7], [sflag:s8] =	dma.local @!p0 [hbm:s6], $0xF7A  }
0x23: {  	s9 =	sor.u32 $0xD0000000, s2;
	s6 =	simm.s32 $0x108;
	_ =	swait.ge @!p0 [sflag:s8], $0x0  }
0x24: {  	s3 =	sadd.s32 $0x88, s3;
	s6 =	simm.s32 @!p1 $0x1082;
	[sflag:s4] =	ssyncset.s32 $0xFFFFF086  }
0x25: {  	[simem:s6], [sflag:s4] =	dma.local [hbm:s3], $0xF7A  }
0x26: {  	[smem:$0x3F9B] =	sst s1;
	(tag) =	ssettag s2;
	_ =	strace s9  }
0x27: {  	s1 =	sld [smem:$0x3FAB]  }
0x28: {  	s2 =	sld [smem:$0x3FAC]  }
0x29: {  	s4 =	sld [smem:$0x3FAE]  }
0x2a: {  	p0 =	seq.s32 s5, $0x0;
	s5 =	sld [smem:$0x3FAF]  }
0x2b: {  	s6 =	sld [smem:$0x3FB0]  }
0x2c: {  	s7 =	sld [smem:$0x3FB1]  }
0x2d: {  	s3 =	simm.s32 $0x108;
	s8 =	sld [smem:$0x3FB2]  }
0x2e: {  	s3 =	simm.s32 @!p0 $0x1082;
	s9 =	sld [smem:$0x3FB3]  }
0x2f: {  	lr =	sadd.s32 s0, s3;
	s0 =	sld [smem:$0x3FAA]  }
0x30: {  	s3 =	sld [smem:$0x3FAD]  }
0x31: {  	[smem:$0x3FB6] =	sst s10  }
0x32: {  	s10 =	sld [smem:$0x3FB4];
	_ =	sdelay $0x3  }
0x33: {  	p0 =	seq.s32 s10, $0x1;
	s10 =	sld [smem:$0x3FB6];
	_ =	sdelay $0x3  }
0x34: {  	[smem:$0x3FB6] =	sst s10  }
0x35: {  	s10 =	sld [smem:$0x3FB5];
	_ =	sdelay $0x3  }
0x36: {  	p1 =	seq.s32 s10, $0x1;
	s10 =	sld [smem:$0x3FB6];
	_ =	sdelay $0x3  }
0x37: {  	[smem:$0x3FB6] =	sst s10  }
0x38: {  	s10 =	sld [smem:$0x3FB7]  }
0x39: {  	_ = 	snop;
	(pc) =	sbr.ind lr, $3  }
0x3a: {  	_ = 	snop  }
0x3b: {  	_ = 	snop  }
0x3c: {  	p2 =	seq.s32 s10, $0x1;
	s10 =	sld [smem:$0x3FB6]  }
0x3d: {  	_ =	shalt  }
0x3e: {  	_ =	shalt  }
0x3f: {  	_ =	shalt  }
0x40: {  	_ =	shalt  }
0x41: {  	_ =	shalt  }
0x42: {  	_ =	shalt  }
0x43: {  	_ =	shalt  }
0x44: {  	_ =	shalt  }
0x45: {  	_ =	shalt  }
0x46: {  	_ =	shalt  }
0x47: {  	_ =	shalt  }
0x48: {  	_ =	shalt  }
0x49: {  	_ =	shalt  }
0x4a: {  	_ =	shalt  }
0x4b: {  	_ =	shalt  }
0x4c: {  	_ =	shalt  }
0x4d: {  	_ =	shalt  }
0x4e: {  	_ =	shalt  }
0x4f: {  	_ =	shalt  }
0x50: {  	_ =	shalt  }
0x51: {  	_ =	shalt  }
0x52: {  	_ =	shalt  }
0x53: {  	_ =	shalt  }
0x54: {  	_ =	shalt  }
0x55: {  	_ =	shalt  }
0x56: {  	_ =	shalt  }
0x57: {  	_ =	shalt  }
0x58: {  	_ =	shalt  }
0x59: {  	_ =	shalt  }
0x5a: {  	_ =	shalt  }
0x5b: {  	_ =	shalt  }
0x5c: {  	_ =	shalt  }
0x5d: {  	_ =	shalt  }
0x5e: {  	_ =	shalt  }
0x5f: {  	_ =	shalt  }
0x60: {  	_ =	shalt  }
0x61: {  	_ =	shalt  }
0x62: {  	_ =	shalt  }
0x63: {  	_ =	shalt  }
0x64: {  	_ =	shalt  }
0x65: {  	_ =	shalt  }
0x66: {  	_ =	shalt  }
0x67: {  	_ =	shalt  }
0x68: {  	_ =	shalt  }
0x69: {  	_ =	shalt  }
0x6a: {  	_ =	shalt  }
0x6b: {  	_ =	shalt  }
0x6c: {  	_ =	shalt  }
0x6d: {  	_ =	shalt  }
0x6e: {  	_ =	shalt  }
0x6f: {  	_ =	shalt  }
0x70: {  	_ =	shalt  }
0x71: {  	_ =	shalt  }
0x72: {  	_ =	shalt  }
0x73: {  	_ =	shalt  }
0x74: {  	_ =	shalt  }
0x75: {  	_ =	shalt  }
0x76: {  	_ =	shalt  }
0x77: {  	_ =	shalt  }
0x78: {  	_ =	shalt  }
0x79: {  	_ =	shalt  }
0x7a: {  	_ =	shalt  }
0x7b: {  	_ =	shalt  }
0x7c: {  	_ =	shalt  }
0x7d: {  	_ =	shalt  }
0x7e: {  	_ =	shalt  }
0x7f: {  	_ =	shalt  }
0x80: {  	_ =	shalt  }
0x81: {  	_ =	shalt  }
0x82: {  	_ =	shalt  }
0x83: {  	_ =	shalt  }
0x84: {  	_ =	shalt  }
0x85: {  	_ =	shalt  }
0x86: {  	_ =	shalt  }
0x87: {  	_ =	shalt  }
.Lfunc_end0:
.L_simem_size_0:
called_computation_lowered:
.L_overlay_start_0:
0x88: {  	s2 =	sld [smem:$0x3FD9]  }
0x89: {  	s3 =	sld [smem:$0x3FFE];
	_ =	sdelay $0x1  }
0x8a: {  	s1 =	srdreg.scid  }
0x8b: {  	s0 =	sand.u32 $0x1, s1  }
0x8c: {  	s17 =	sshll.u32 s0, $0xA;
	s2 =	sadd.s32 s3, s2  }
0x8d: {  	s2 =	sadd.s32 s2, s17  }
0x8e: {  	[smem:$0x3FC2] =	sst s2  }
0x8f: {  	_ = 	snop  }
0x90: {  	s2 =	sld [smem:$0x3FC6]  }
0x91: {  	s18 =	sld [smem:$0x3FC5]  }
0x92: {  	s4 =	sld [smem:$0x3FD0];
	(tm) =	ssettm $0x1  }
0x93: {  	s5 =	sld [smem:$0x3FFB];
	_ =	sdelay $0x3  }
0x94: {  	_ =	strace s5  }
0x95: {  	s5 =	sld [smem:$0x3FFC];
	_ =	sdelay $0x3  }
0x96: {  	_ =	strace s5  }
0x97: {  	s5 =	sld [smem:$0x3FFD];
	_ =	sdelay $0x3  }
0x98: {  	_ =	strace s5  }
0x99: {  	_ =	strace $0x8FFFFFFF  }
0x9a: {  	s19 =	sld [smem:$0x3FDB];
	_ =	sdelay $0x1  }
0x9b: {  	s6 =	simm.s32 $_scs_section_size  }
0x9c: {  	s7 =	simm.s32 $_size__tile_overlayer_lowered;
	s8 =	simm.s32 $_tile_overlayer_lowered  }
0x9d: {  	s22 =	simm.s32 $0x1BFF;
	s21 =	sshll.u32 s8, $0x1;
	s5 =	sadd.s32 s6, s19  }
0x9e: {  	s9 =	simm.s32 $0x0;
	s20 =	sshll.u32 s7, $0x1;
	s7 =	sadd.s32 s21, s5  }
0x9f: {  	[timem:s9], [sflag:s22] =	dma.local [hbm:s7], s20  }
0xa0: {  	_ =	swait.ge [sflag:s22], s20  }
0xa1: {  	s6 =	ssub.s32 $0x0, s20;
	[sflag:s22] =	ssyncset.done $0x0  }
0xa2: {  	[sflag:s22] =	ssyncadd.s32 s6;
	_ =	sdelay $0x1  }
0xa3: {  	s23 =	simm.s32 $0x1B8B  }
0xa4: {  	_ =	swait.ge [sflag:s23], $0x1  }
0xa5: {  	[sflag:s23] =	ssyncset.done $0x0  }
0xa6: {  	s25 =	simm.s32 $0x1B8E;
	s24 =	sld [smem:$0x3FFE];
	[sflag:s23] =	ssyncadd.s32 $0xFFFFFFFF  }
0xa7: {  	s26 =	simm.s32 $execute0_lowered;
	[smem:$0x3FD2] =	sst s25  }
0xa8: {  	s7 =	sshll.u32 s26, $0x1;
	_ =	strace $0x80000046;
	[dreg:$0x1] =	wrdreg $0xFFFFFFFF  }
0xa9: {  	s28 =	simm.s32 $_size_execute0_lowered;
	s5 =	sadd.s32 s5, s7;
	[dreg:$0x0] =	wrdreg $0x0  }
0xaa: {  	s7 =	sshll.u32 s28, $0x1;
	[dreg:$0x2] =	wrdreg s5  }
0xab: {  	[dreg:$0x3] =	wrdreg s7  }
0xac: {  	[dreg:$0x4] =	wrdreg $0xC0  }
0xad: {  	_ =	task [dreg:s9], $0x5FFFF  }
0xae: {  	[dreg:$0x1] =	wrdreg $0xFFFFFFFF  }
0xaf: {  	[dreg:$0x0] =	wrdreg $0x60  }
0xb0: {  	[dreg:$0x2] =	wrdreg s2  }
0xb1: {  	[dreg:$0x3] =	wrdreg s18  }
0xb2: {  	[dreg:$0x4] =	wrdreg s24  }
0xb3: {  	[dreg:$0x5] =	wrdreg s4  }
0xb4: {  	[dreg:$0x6] =	wrdreg $0x9  }
0xb5: {  	_ =	task.clear_ibuf [dreg:s9], $0x7FFFF;
	_ =	strace $0x90000046  }
0xb6: {  	s29 =	simm.s32 $0x9;
	_ =	strace $0x80000048  }
0xb7: {  	_ =	swait.ge [sflag:s29], $0x1  }
0xb8: {  	[sflag:s29] =	ssyncadd.s32 $0xFFFFFFFF  }
0xb9: {  	_ =	strace $0x90000048  }
0xba: {  	_ =	sfence  }
0xbb: {  	s30 =	sld [smem:$0x0];
	_ =	sdelay $0x2  }
0xbc: {  	s31 =	sshll.u32 s1, $0xD;
	s1 =	sshrl.u32 s1, $0x2  }
0xbd: {  	s3 =	sand.u32 $0x4000, s31;
	s1 =	sadd.s32 s1, s30  }
0xbe: {  	s0 =	sor.u32 s3, s0;
	s1 =	sshll.u32 s1, $0x11  }
0xbf: {  	s0 =	sor.u32 s1, s0  }
0xc0: {  	s0 =	sadd.s32 $0x8F2B, s0  }
0xc1: {  	[sflag:s0] =	ssyncadd.remote.s32 $0x1  }
0xc2: {  	_ =	sfence.sel $0xFFFF  }
0xc3: {  	[dreg:$0x0] =	wrdreg $0xFFFFFFFF;
	(pc) =	sbr.abs _section_cstart, $3  }
0xc4: {  	[dreg:$0x1] =	wrdreg $0xFFFFFFFF  }
0xc5: {  	_ =	task.clear_ibuf [dreg:s9], $0x2FFFF;
	_ =	strace $0x9FFFFFFF  }
0xc6: {  	(tm) =	ssettm $0x7FFFFFFF  }
0xc7: {  	_ =	shalt  }
tec
execute0_lowered:
.L_overlay_start_1:
0x0: {  	(tag) =	ssettag $0x1  }
0x1: {  	v0 =	vimm.s32 $0xFEDCBA9;
	v1 =	vimm.s32 $0x87654321  }
0x2: {  	v2 =	vimm.s32 $0x10FEDCBA;
	v3 =	vimm.s32 $0x98765432;
	vm3 =	vmmov $0x7fff  }
0x3: {  	v5 =	vimm.s32 $0x3210FEDC;
	v6 =	vimm.s32 $0xBA987654;
	v7 =	vimm.s32 $0x43210FED  }
0x4: {  	v8 =	vimm.s32 $0xCBA98765;
	vm6 =	vmmov $0x3fff;
	vm4 =	vmmov $0x1fff  }
0x5: {  	vm0 =	vmmov $0xfff;
	v9 =	vimm.s32 $0x6543210F;
	v20 =	vimm.s32 $0xEDCBA987  }
0x6: {  	v21 =	vimm.s32 $0xFEDCBA98;
	v22 =	vimm.s32 $0x76543210;
	vm8 =	vmmov $0x7ff  }
0x7: {  	vm11 =	vmmov $0x3ff;
	v25 =	vimm.s32 $0x0;
	vm5 =	vmmov $0x1f  }
0x8: {  	vm13 =	vmmov $0xf;
	vm7 =	vmmov $0x7;
	vm1 =	vmmov $0x1  }
0x9: {  	v46 =	vimm.s32 $0x0;
	v60 =	vimm.s32 $0x0;
	v61 =	vimm.s32 $0x0  }
0xa: {  	v62 =	vimm.s32 $0x0;
	v63 =	vimm.s32 $0x0;
	v0 =	vunpack.c.l.s4.s8 v0  }
0xb: {  	v1 =	vunpack.c.l.s4.s8 v1;
	v2 =	vunpack.c.l.s4.s8 v2;
	v3 =	vunpack.c.l.s4.s8 v3  }
0xc: {  	v5 =	vunpack.c.l.s4.s8 v5;
	v6 =	vunpack.c.l.s4.s8 v6;
	v7 =	vunpack.c.l.s4.s8 v7  }
0xd: {  	v8 =	vunpack.c.l.s4.s8 v8;
	v9 =	vunpack.c.l.s4.s8 v9;
	v20 =	vunpack.c.l.s4.s8 v20  }
0xe: {  	v21 =	vunpack.c.l.s4.s8 v21;
	v46 =	vsel vm5, $0xFFFFFFFF, v46;
	v10 =	vunpack.c.0.s8.s32 v0  }
0xf: {  	v11 =	vunpack.c.0.s8.s32 v1;
	v12 =	vunpack.c.0.s8.s32 v2;
	v13 =	vunpack.c.0.s8.s32 v3  }
0x10: {  	v2 =	vimm.s32 $0x210FEDCB;
	v0 =	vimm.s32 $0x0;
	v1 =	vlaneseq.u32  }
0x11: {  	v16 =	vunpack.c.0.s8.s32 v5;
	v17 =	vunpack.c.0.s8.s32 v6;
	v18 =	vunpack.c.0.s8.s32 v7  }
0x12: {  	v19 =	vunpack.c.0.s8.s32 v8;
	v6 =	vimm.s32 $0x0;
	v7 =	vimm.s32 $0x543210FE  }
0x13: {  	v8 =	vimm.s32 $0xDCBA9876;
	v20 =	vunpack.c.0.s8.s32 v20;
	v4 =	vunpack.c.l.s4.s8 v2  }
0x14: {  	v6 =	vsel vm0, $0xFFFFFFFF, v6;
	v7 =	vunpack.c.l.s4.s8 v7;
	v8 =	vunpack.c.l.s4.s8 v8  }
0x15: {  	vm0 =	vmmov $0x1ff;
	v2 =	vcombine.low v11, v10;
	v3 =	vcombine.low v13, v12  }
0x16: {  	v5 =	vcombine.low v17, v16;
	[tilespmem:$0x1FF60] =	vst v6;
	v6 =	vcombine.low v19, v18;
	v25 =	vsel vm0, $0xFFFFFFFF, v25  }
0x17: {  	vm0 =	vmmov $0xff;
	v24 =	vunpack.c.0.s8.s32 v8;
	v8 =	vunpack.c.l.s4.s8 v22  }
0x18: {  	v10 =	vcombine.low v10, v11;
	v22 =	vunpack.c.0.s8.s32 v9;
	v9 =	vunpack.c.0.s8.s32 v21  }
0x19: {  	v14 =	vunpack.c.0.s8.s32 v4;
	v4 =	vimm.s32 $0xA9876543;
	v21 =	vunpack.c.0.s8.s32 v8  }
0x1a: {  	v11 =	vimm.s32 $0x0;
	v4 =	vunpack.c.l.s4.s8 v4;
	v9 =	vand.u32 $0xF, v9  }
0x1b: {  	v23 =	vunpack.c.0.s8.s32 v7;
	v9 =	vcombine.low v9, v21;
	v21 =	vimm.s32 $0x0  }
0x1c: {  	v15 =	vunpack.c.0.s8.s32 v4;
	v21 =	vsel vm0, $0xFFFFFFFF, v21;
	vm0 =	vmmov $0x7f  }
0x1d: {  	v7 =	vcombine.low v24, v23;
	v8 =	vcombine.low v20, v22;
	v11 =	vsel vm0, $0xFFFFFFFF, v11  }
0x1e: {  	v4 =	vcombine.low v15, v14;
	vm0 =	vmmov $0x3f;
	[tilespmem:$0x1FF90] =	vst v11;
	v11 =	vcombine.low v12, v13  }
0x1f: {  	v12 =	vimm.s32 $0x0;
	v13 =	vcombine.low v16, v17;
	v17 =	vand.u32 $0x7, v1  }
0x20: {  	v16 =	vcombine.low v22, v20;
	v12 =	vsel vm0, $0xFFFFFFFF, v12;
	vm0 =	vmmov $0x3  }
0x21: {  	s0 =	rddreg [dreg:$0x0];
	v17 =	vmul.u32 $0x20, v17;
	[tilespmem:$0x1FFA0] =	vst v12;
	v12 =	vcombine.low v14, v15;
	v14 =	vcombine.low v18, v19  }
0x22: {  	s1 =	rddreg [dreg:$0x1];
	v15 =	vcombine.low v23, v24;
	v18 =	vadd.s32 $0x1, v1;
	v19 =	vmul.u32 $0x20, v1  }
0x23: {  	s8 =	rddreg [dreg:$0x2];
	[tilespmem:$0x1FF80] =	vst v21;
	v20 =	vor.u32 $0x1, v17;
	v21 =	vor.u32 $0x2, v17;
	v22 =	vor.u32 $0x3, v17  }
0x24: {  	s3 =	rddreg [dreg:$0x3];
	[tilespmem:$0x1FF70] =	vst v25;
	v23 =	vor.u32 $0x4, v17;
	v24 =	vor.u32 $0x5, v17;
	v25 =	vor.u32 $0x6, v17  }
0x25: {  	s5 =	srdreg.scid;
	s2 =	rddreg [dreg:$0x4];
	s4 =	simm.s32 $0x0;
	v26 =	vor.u32 $0x7, v17;
	v27 =	vor.u32 $0x8, v17;
	v28 =	vor.u32 $0x9, v17  }
0x26: {  	s6 =	stileid.u32;
	s11 =	simm.s32 $0x18FD0;
	s12 =	simm.s32 $0x3;
	v29 =	vor.u32 $0xA, v17;
	v30 =	vor.u32 $0xB, v17;
	v31 =	vor.u32 $0xC, v17  }
0x27: {  	s13 =	simm.s32 $0x1;
	s14 =	simm.s32 $0x7D0;
	[smem:$0x7FF] =	sst s4;
	v32 =	vor.u32 $0xD, v17;
	v33 =	vor.u32 $0xE, v17;
	v34 =	vor.u32 $0xF, v17  }
.Ltmp0:
0x28: {  	s5 =	sand.u32 $0x1, s5;
	_ =	strace $0x80000047;
	v35 =	vor.u32 $0x10, v17;
	v36 =	vor.u32 $0x11, v17;
	[tilespmem:$0x1FFB0] =	vst v46;
	v46 =	vsel vm13, $0xFFFFFFFF, v60;
	(pc) =	sbr.rel .LBB2_1-.Ltmp0, $4  }
0x29: {  	s15 =	simm.s32 $0xBD0;
	s16 =	simm.s32 $0xFD0;
	s9 =	ssub.s32 $0x2, s5;
	v37 =	vor.u32 $0x12, v17;
	v38 =	vor.u32 $0x13, v17;
	[tilespmem:$0x1FFC0] =	vst v46;
	v46 =	vsel vm7, $0xFFFFFFFF, v61  }
0x2a: {  	s17 =	simm.s32 $0x8FD0;
	s18 =	simm.s32 $0x2;
	s10 =	sshrl.u32 s9, $0x1;
	v39 =	vor.u32 $0x14, v17;
	v40 =	vor.u32 $0x15, v17;
	[tilespmem:$0x1FFD0] =	vst v46;
	v46 =	vsel vm0, $0xFFFFFFFF, v62  }
0x2b: {  	s19 =	simm.s32 $0x0;
	s7 =	sadd.s32 $0x61B600, s8;
	s10 =	ssub.s32 s9, s10;
	v41 =	vor.u32 $0x16, v17;
	v42 =	vor.u32 $0x17, v17;
	[tilespmem:$0x1FFE0] =	vst v46;
	v46 =	vsel vm1, $0xFFFFFFFF, v63  }
0x2c: {  	s8 =	sadd.s32 $0xE00, s8;
	s9 =	sshll.u32 s6, $0x1;
	s10 =	smax.u32 s10, $0x1;
	v43 =	vor.u32 $0x18, v17;
	v44 =	vor.u32 $0x19, v17;
	v45 =	vor.u32 $0x1A, v17;
	[tilespmem:$0x1FFF0] =	vst v46  }
.LBB2_13:
0x2d: {  	s19 =	sadd.s32 $0x1, s19  }
0x2e: {  	p0 =	sne.s32 s19, s10  }
.Ltmp1:
0x2f: {  	_ = 	snop;
	(pc) =	sbr.rel @!p0 .LBB2_14-.Ltmp1, $4  }
0x30: {  	_ = 	snop  }
0x31: {  	_ =	swait.ge [sflag:s18], $0xFA00  }
0x32: {  	[sflag:s18] =	ssyncset.done $0x0  }
0x33: {  	[sflag:s18] =	ssyncadd.s32 $0xFFFF0600  }
.LBB2_1:
.Ltmp2:
0x34: {  	(pc) =	sbr.rel .LBB2_2-.Ltmp2, $4  }
0x35: {  	[tilespmem:s11], [sflag:$0x3] =	stream.linear.gather [hbm4b:s3+s4], $0x1A0, $0x38;
	[tilespmem:$0x19170] =	vst v63  }
0x36: {  	_ =	swait.ge [sflag:s12], $0x1A0  }
0x37: {  	[sflag:s12] =	ssyncset.done $0x0  }
0x38: {  	s20 =	simm.s32 $0x0;
	[sflag:s12] =	ssyncadd.s32 $0xFFFFFE60  }
.LBB2_12:
0x39: {  	s20 =	sadd.s32 $0x1, s20  }
0x3a: {  	p0 =	sne.s32 s20, $0xD  }
.Ltmp3:
0x3b: {  	_ = 	snop;
	(pc) =	sbr.rel @!p0 .LBB2_13-.Ltmp3, $1  }
0x3c: {  	_ =	sdelay $0x3  }
.LBB2_2:
0x3d: {  	s21 =	sshll.u32 s20, $0x5  }
0x3e: {  	s22 =	sor.u32 s9, s21  }
0x3f: {  	s21 =	sor.u32 s5, s22  }
0x40: {  	s23 =	smin.u32 s21, $0x18F  }
0x41: {  	v46 =	vmov s23;
	_ =	sdelay $0x4  }
0x42: {  	v46 =	vld.idx.msk [tilespmem:v46+s11+$0x0], $0xffff;
	_ =	sdelay $0x4  }
0x43: {  	v46 =	vxor.u32 $0x80000000, v46  }
0x44: {  	(xrf0) =	vmax.scan.msk.u32 $0xffff, v46;
	_ =	sdelay $0x5  }
0x45: {  	v46, _, _ =	vpop (xrf0)  }
0x46: {  	(v2sf) =	vpush v46, $0xF;
	_ =	sdelay $0x9  }
0x47: {  	p0 =	sgt.u32 s22, $0x18F  }
.Ltmp4:
0x48: {  	_ = 	snop;
	(pc) =	sbr.rel @p0 .LBB2_12-.Ltmp4, $2  }
0x49: {  	_ =	sdelay $0x2  }
0x4a: {  	s22 =	spop (v2sf)  }
0x4b: {  	s23 =	sadd.s32 $0x1, s23  }
0x4c: {  	v46 =	vmov s23;
	_ =	sdelay $0x4  }
0x4d: {  	v46 =	vld.idx.msk [tilespmem:v46+s11+$0x0], $0xffff;
	_ =	sdelay $0x4  }
0x4e: {  	v46 =	vxor.u32 $0x80000000, v46  }
0x4f: {  	(xrf0) =	vmax.scan.msk.u32 $0xffff, v46;
	_ =	sdelay $0x5  }
0x50: {  	v46, _, _ =	vpop (xrf0)  }
0x51: {  	(v2sf) =	vpush v46, $0xF;
	_ =	sdelay $0x8  }
0x52: {  	s30 =	sxor.u32 $0x80000000, s22  }
0x53: {  	p1 =	sgt.s32 s22, $0xFFFFFFFF;
	s31 =	sand.u32 $0x7, s22;
	p0 =	slt.s32 s30, $0x1  }
0x54: {  	s24 =	sshra.s32 s30, $0x1F;
	p4 =	sne.s32 s31, $0x0;
	p0 =	por p1, p0  }
0x55: {  	s25 =	sshrl.u32 s24, $0x1D;
	p0 =	por !p4, !p0  }
0x56: {  	s23 =	simm.s32 $0x1;
	s22 =	sadd.s32 s25, s30;
	p0 =	por !p0, !p0  }
0x57: {  	s22 =	sshrl.u32 s22, $0x3;
	s23 =	simm.s32 @!p0 $0x0  }
0x58: {  	s22 =	ssub.s32 s22, s23;
	s26 =	spop (v2sf)  }
0x59: {  	s22 =	sshll.u32 s22, $0x3;
	s23 =	sxor.u32 $0x80000000, s26  }
0x5a: {  	s23 =	ssub.s32 s23, s22  }
0x5b: {  	s23 =	sadd.s32 $0x3FF, s23  }
0x5c: {  	s28 =	sand.u32 $0x3FF, s23  }
0x5d: {  	s25 =	sshra.s32 s23, $0x1F;
	p5 =	slt.s32 s23, $0x1;
	p6 =	sne.s32 s28, $0x0  }
0x5e: {  	s29 =	sshrl.u32 s25, $0x16;
	p0 =	por !p5, !p6  }
0x5f: {  	s24 =	simm.s32 $0x1;
	s23 =	sadd.s32 s29, s23;
	p0 =	por !p0, !p0  }
0x60: {  	s30 =	smul.u32 $0xFA, s21;
	s23 =	sshra.s32 s23, $0xA;
	s24 =	simm.s32 @!p0 $0x0  }
0x61: {  	s23 =	ssub.s32 s23, s24  }
0x62: {  	s31 =	sadd.s32 $0xFA, s30;
	s25 =	simm.s32 $0x0;
	p0 =	sgt.s32 s23, $0x1  }
0x63: {  	v47 =	vmov s31;
	v46 =	vmov s30;
	s24 =	simm.s32 $0x0;
	s23 =	simm.s32 @!p0 $0x1;
	p0 =	seq.s32 s20, $0x0  }
.LBB2_4:
0x64: {  	s26 =	sshll.u32 s25, $0xA  }
0x65: {  	s30 =	sadd.s32 s22, s26  }
0x66: {  	p1 =	slt.s32 s30, $0x61680;
	s29 =	smov.u32 s30  }
0x67: {  	s29 =	simm.s32 @!p1 $0x61680  }
0x68: {  	s31 =	sshrl.u32 s29, $0x3  }
0x69: {  	s28 =	sadd.s32 s0, s31  }
0x6a: {  	[tilespmem:s14], [sflag:$0x1] =	stream.linear.gather [hbm4b:s28+s24], $0x400, $0x38;
	[tilespmem:$0x19170] =	vst v63  }
0x6b: {  	s26 =	sadd.s32 s1, s31;
	s31 =	sshll.u32 s29, $0x2  }
0x6c: {  	[tilespmem:s15], [sflag:$0x1] =	stream.linear.gather [hbm4b:s26+s24], $0x400, $0x38;
	[tilespmem:$0x19170] =	vst v63  }
0x6d: {  	s26 =	sand.u32 $0x1FFFFFE0, s31  }
0x6e: {  	s26 =	sadd.s32 s7, s26  }
0x6f: {  	[tilespmem:s16], [sflag:$0x1] =	stream.linear.gather [hbm4b:s26+s24], $0x8000, $0x38;
	[tilespmem:$0x19170] =	vst v63  }
0x70: {  	s28 =	simm.s32 $0x0;
	s26 =	simm.s32 $0x40  }
.LBB2_5:
0x71: {  	p1 =	sne.s32 s26, $0x1F00;
	[tilespmem:s28+$0x0] =	vst v0;
	s28 =	smov.u32 s26;
	s26 =	sadd.s32 $0x40, s26  }
.Ltmp5:
0x72: {  	(pc) =	sbr.rel @p1 .LBB2_5-.Ltmp5, $2  }
0x73: {  	_ =	sdelay $0x2  }
0x74: {  	s28 =	sshra.s32 s28, $0x2  }
0x75: {  	[tilespmem:s28+$0x0] =	vst v0  }
0x76: {  	_ =	swait.ge [sflag:s13], $0x400  }
0x77: {  	[sflag:s13] =	ssyncset.done $0x0  }
0x78: {  	[sflag:s13] =	ssyncadd.s32 $0xFFFFFC00  }
0x79: {  	_ =	swait.ge [sflag:s13], $0x400  }
0x7a: {  	[sflag:s13] =	ssyncset.done $0x0  }
0x7b: {  	[sflag:s13] =	ssyncadd.s32 $0xFFFFFC00  }
0x7c: {  	_ =	swait.ge [sflag:s13], $0x8000  }
0x7d: {  	[sflag:s13] =	ssyncset.done $0x0  }
0x7e: {  	s26 =	simm.s32 $0x7D0;
	[sflag:s13] =	ssyncadd.s32 $0xFFFF8000  }
0x7f: {  	v50 =	vld [tilespmem:s26+$0x0]  }
0x80: {  	s28 =	simm.s32 $0xBD0  }
0x81: {  	v51 =	vld [tilespmem:s28+$0x0]  }
0x82: {  	v48 =	vadd.s32 s29, v1;
	s29 =	simm.s32 $0x0  }
0x83: {  	v49 =	vmov s30;
	v52 =	vadd.s32 s29, v48  }
0x84: {  	vm1 =	vge.s32 v52, v49;
	vm0 =	vge.s32 v50, v46;
	v57 =	vsub.s32 v50, v46  }
0x85: {  	vm15 =	vlt.s32 v50, v47;
	vm0 =	vmand vm0, vm1;
	v58 =	vshll.u32 v57, $0x3  }
0x86: {  	vm0 =	vmand vm0, vm15;
	v50 =	vadd.s32 v51, v58  }
0x87: {  	v50 =	vnsel vm0, $0x7D0, v50  }
0x88: {  	v57 =	vld [tilespmem:$0x1FF60];
	v60 =	vperm.xlane v50, v2;
	v53 =	vperm.xlane v50, v4  }
0x89: {  	v54 =	vperm.xlane v50, v9;
	v55 =	vperm.xlane v50, v3  }
0x8a: {  	v59 =	vimm.s32 $0x0;
	v61 =	vperm.xlane v50, v6;
	v56 =	vperm.xlane v50, v8  }
0x8b: {  	v52 =	vsel vm0, $0xFFFFFFFF, v59;
	v62 =	vperm.xlane v50, v5;
	v63 =	vperm.xlane v50, v7  }
0x8c: {  	v59 =	vld [tilespmem:$0x1FF70];
	vm1 =	veq.s32 v60, v50;
	vm15 =	veq.s32 v53, v50;
	vm0 =	veq.s32 v55, v50  }
0x8d: {  	vm5 =	vnez.u8 v57;
	vm1 =	vmand vm1, vm3;
	vm0 =	vmand vm0, vm6  }
0x8e: {  	vm15 =	vmand vm15, vm4;
	vm0 =	vmor vm1, vm0;
	vm1 =	veq.s32 v62, v50  }
0x8f: {  	v58 =	vperm.xlane v50, v10;
	v62 =	vld [tilespmem:$0x1FF80];
	vm0 =	vmor vm15, vm0;
	vm1 =	vmand vm1, vm5  }
0x90: {  	vm15 =	veq.s32 v61, v50;
	vm0 =	vmor vm1, vm0;
	vm1 =	veq.s32 v63, v50;
	v63 =	vld [tilespmem:$0x1FF90]  }
0x91: {  	v60 =	vperm.xlane v50, v11;
	vm2 =	vnez.u8 v59;
	vm15 =	vmand vm15, vm8  }
0x92: {  	v55 =	vld [tilespmem:$0x1FFA0];
	vm1 =	vmand vm1, vm11;
	vm0 =	vmor vm15, vm0;
	vm15 =	veq.s32 v56, v50  }
0x93: {  	v61 =	vperm.xlane v50, v12;
	vm15 =	vmand vm15, vm2;
	vm0 =	vmor vm1, vm0  }
0x94: {  	v57 =	vld [tilespmem:$0x1FFB0];
	vm1 =	veq.s32 v54, v50;
	vm0 =	vmor vm15, vm0;
	vm9 =	vnez.u8 v62  }
0x95: {  	vm15 =	veq.s32 v58, v50;
	vm1 =	vmand vm1, vm9;
	vm12 =	vnez.u8 v63  }
0x96: {  	vm0 =	vmor vm1, vm0;
	vm1 =	veq.s32 v60, v50;
	v60 =	vld [tilespmem:$0x1FFD0];
	vm15 =	vmand vm15, vm12  }
0x97: {  	[tilespmem:$0x1FF50] =	vst v52;
	v52 =	vperm.xlane v50, v13;
	vm10 =	vmor vm15, vm0;
	vm0 =	vnez.u8 v55  }
0x98: {  	v56 =	vperm.xlane v50, v14;
	vm15 =	veq.s32 v61, v50;
	v61 =	vld [tilespmem:$0x1FFE0];
	vm1 =	vmand vm1, vm0  }
0x99: {  	vm14 =	vmor vm1, vm10;
	vm1 =	veq.s32 v52, v50;
	vm10 =	vnez.u8 v57  }
0x9a: {  	v58 =	vperm.xlane v50, v15;
	v62 =	vld [tilespmem:$0x1FFF0];
	vm15 =	vmand vm15, vm10;
	vm2 =	vmand vm1, vm13  }
0x9b: {  	vm1 =	vmor vm15, vm14;
	vm15 =	veq.s32 v56, v50;
	vm14 =	vnez.u8 v60  }
0x9c: {  	v59 =	vperm.xlane v50, v16;
	vm15 =	vmand vm15, vm14  }
0x9d: {  	v63 =	vld [tilespmem:$0x1FF50];
	vm7 =	vmor vm2, vm1;
	vm1 =	veq.s32 v58, v50;
	vm2 =	vnez.u8 v61  }
0x9e: {  	vm1 =	vmand vm1, vm2;
	vm0 =	vmor vm15, vm7  }
0x9f: {  	vm15 =	veq.s32 v59, v50;
	vm0 =	vmor vm1, vm0;
	vm1 =	vnez.u8 v62  }
0xa0: {  	vm1 =	vmand vm15, vm1  }
0xa1: {  	vm0 =	vmor vm1, vm0  }
0xa2: {  	vm1 =	vnez.u8 v63;
	vm0 =	vmneg vm0  }
0xa3: {  	s30 =	simm.s32 $0x10;
	vm0 =	vmand vm1, vm0  }
.LBB2_7:
0xa4: {  	_ =	sdelay $0x3  }
0xa5: {  	v51 =	vadd.s32 s29, v18  }
0xa6: {  	s26 =	sadd.s32 $0x10, s26;
	[tilespmem:v50+s4+$0x0] =	vst.idx.msk vm0, v51  }
0xa7: {  	v50 =	vld [tilespmem:s26+$0x0]  }
0xa8: {  	s28 =	sadd.s32 $0x10, s28  }
0xa9: {  	s31 =	smov.u32 s30;
	v51 =	vld [tilespmem:s28+$0x0]  }
0xaa: {  	s29 =	smov.u32 s31  }
0xab: {  	v52 =	vadd.s32 s29, v48  }
0xac: {  	vm1 =	vge.s32 v52, v49;
	vm0 =	vge.s32 v50, v46;
	v59 =	vsub.s32 v50, v46  }
0xad: {  	vm15 =	vlt.s32 v50, v47;
	vm0 =	vmand vm0, vm1;
	v60 =	vshll.u32 v59, $0x3  }
0xae: {  	vm0 =	vmand vm0, vm15;
	v50 =	vadd.s32 v51, v60  }
0xaf: {  	v50 =	vnsel vm0, $0x7D0, v50  }
0xb0: {  	v61 =	vperm.xlane v50, v2;
	v52 =	vperm.xlane v50, v13  }
0xb1: {  	v53 =	vperm.xlane v50, v4;
	v54 =	vperm.xlane v50, v9  }
0xb2: {  	vm7 =	vmmov vm3;
	v62 =	vperm.xlane v50, v6;
	v55 =	vperm.xlane v50, v8  }
0xb3: {  	vm9 =	vmmov vm4;
	v63 =	vperm.xlane v50, v5;
	v56 =	vperm.xlane v50, v3  }
0xb4: {  	vm12 =	vmmov vm11;
	v57 =	vperm.xlane v50, v7;
	v58 =	vperm.xlane v50, v10  }
0xb5: {  	v59 =	vld [tilespmem:$0x1FF60];
	vm1 =	veq.s32 v61, v50;
	vm15 =	veq.s32 v53, v50;
	vm2 =	veq.s32 v63, v50  }
0xb6: {  	vm5 =	veq.s32 v57, v50;
	v61 =	vperm.xlane v50, v11;
	vm1 =	vmand vm1, vm3  }
0xb7: {  	v60 =	vld [tilespmem:$0x1FF70];
	vm15 =	vmand vm15, vm4;
	vm3 =	veq.s32 v62, v50;
	vm4 =	veq.s32 v56, v50  }
0xb8: {  	v63 =	vld [tilespmem:$0x1FF80];
	vm5 =	vmand vm5, vm11;
	vm11 =	vmmov vm8;
	v62 =	vperm.xlane v50, v12  }
0xb9: {  	vm3 =	vmand vm3, vm8;
	vm4 =	vmand vm4, vm6;
	vm8 =	vmmov vm6  }
0xba: {  	v57 =	vld [tilespmem:$0x1FF90];
	vm6 =	veq.s32 v55, v50;
	vm1 =	vmor vm1, vm4;
	vm4 =	vnez.u8 v59  }
0xbb: {  	v59 =	vperm.xlane v50, v14;
	vm2 =	vmand vm2, vm4;
	vm1 =	vmor vm15, vm1  }
0xbc: {  	vm4 =	veq.s32 v54, v50;
	vm1 =	vmor vm2, vm1;
	vm2 =	veq.s32 v58, v50;
	v58 =	vld [tilespmem:$0x1FFA0]  }
0xbd: {  	vm15 =	vnez.u8 v60;
	vm1 =	vmor vm3, vm1;
	vm3 =	vnez.u8 v63  }
0xbe: {  	v60 =	vperm.xlane v50, v15;
	vm6 =	vmand vm6, vm15;
	vm3 =	vmand vm4, vm3  }
0xbf: {  	vm4 =	veq.s32 v61, v50;
	vm1 =	vmor vm5, vm1;
	vm5 =	vnez.u8 v57  }
0xc0: {  	vm2 =	vmand vm2, vm5;
	vm5 =	veq.s32 v62, v50;
	vm1 =	vmor vm6, vm1;
	v62 =	vld [tilespmem:$0x1FFE0]  }
0xc1: {  	v61 =	vperm.xlane v50, v16;
	vm1 =	vmor vm3, vm1;
	vm6 =	vnez.u8 v58  }
0xc2: {  	v63 =	vld [tilespmem:$0x1FFF0];
	vm3 =	vmand vm5, vm10;
	vm1 =	vmor vm2, vm1;
	vm4 =	vmand vm4, vm6  }
0xc3: {  	vm6 =	veq.s32 v52, v50;
	vm1 =	vmor vm4, vm1;
	vm4 =	veq.s32 v59, v50  }
0xc4: {  	vm2 =	vmand vm6, vm13;
	vm1 =	vmor vm3, vm1;
	vm3 =	vmand vm4, vm14  }
0xc5: {  	vm4 =	veq.s32 v60, v50;
	vm1 =	vmor vm2, vm1;
	vm2 =	vnez.u8 v62  }
0xc6: {  	p1 =	sne.s32 s30, $0x3F0;
	vm2 =	vmand vm4, vm2  }
.Ltmp6:
0xc7: {  	vm4 =	veq.s32 v61, v50;
	vm1 =	vmor vm3, vm1;
	vm3 =	vnez.u8 v63;
	(pc) =	sbr.rel @p1 .LBB2_7-.Ltmp6, $4  }
0xc8: {  	vm3 =	vmand vm4, vm3;
	vm1 =	vmor vm2, vm1  }
0xc9: {  	vm6 =	vmmov vm8;
	vm1 =	vmor vm3, vm1  }
0xca: {  	vm8 =	vmmov vm11;
	vm11 =	vmmov vm12;
	vm1 =	vmneg vm1  }
0xcb: {  	s30 =	sadd.s32 $0x10, s30;
	vm4 =	vmmov vm9;
	vm3 =	vmmov vm7;
	vm0 =	vmand vm0, vm1  }
0xcc: {  	_ =	sdelay $0x2  }
0xcd: {  	p1 =	sne.s32 @!p0 s25, $0x0  }
0xce: {  	v48 =	vadd.s32 s29, v18;
	p1 =	por p1, p0  }
0xcf: {  	[tilespmem:v50+s4+$0x0] =	vst.idx.msk vm0, v48;
	s26 =	simm.s32 @!p1 $0x2  }
0xd0: {  	_ =	swait.ge @!p1 [sflag:s26], $0xFA00  }
0xd1: {  	[sflag:s26] =	ssyncset.done @!p1 $0x0  }
0xd2: {  	[sflag:s26] =	ssyncadd.s32 @!p1 $0xFFFF0600;
	s26 =	simm.s32 $0x0  }
0xd3: {  	v63 =	vld [tilespmem:s26+$0x0];
	_ =	sdelay $0x4  }
0xd4: {  	v49 =	vadd.s32 $0xFFFFFFFF, v63  }
0xd5: {  	vm0 =	vgt.s32 v49, $0x0  }
0xd6: {  	vm1 =	vgt.s32 v63, $0x0;
	v52 =	vnsel vm0, $0x0, v49  }
0xd7: {  	v52 =	vshll.u32 v52, $0x5;
	_ =	sdelay $0x1  }
0xd8: {  	vm15 =	vmxor vm15, vm15;
	p1 =	seq.s32 s25, $0x0;
	v53 =	vmov s26  }
0xd9: {  	vm15 =	vmneg @p1 vm15;
	v54 =	vshll.u32 v53, $0x5  }
0xda: {  	vm2 =	vlt.u32 v53, $0x7D0;
	v55 =	vor.u32 v19, v54;
	vm0 =	vmor vm15, vm1  }
0xdb: {  	v53 =	vand.u32 $0xFF00, v55;
	vm0 =	vmand vm2, vm0;
	v56 =	vld.idx.msk [tilespmem:v52+s16+$0x0], vm1  }
0xdc: {  	v48 =	vor.u32 v17, v53  }
0xdd: {  	v57 =	vor.u32 $0x1, v52;
	_ =	sdelay $0x2  }
0xde: {  	v49 =	vnsel vm1, $0x0, v56  }
0xdf: {  	[tilespmem:v48+s17+$0x0] =	vst.idx.msk vm0, v49  }
0xe0: {  	v48 =	vld.idx.msk [tilespmem:v57+s16+$0x0], vm1  }
0xe1: {  	v58 =	vor.u32 v20, v53  }
0xe2: {  	v59 =	vor.u32 $0x2, v52;
	_ =	sdelay $0x2  }
0xe3: {  	v48 =	vnsel vm1, $0x0, v48  }
0xe4: {  	[tilespmem:v58+s17+$0x0] =	vst.idx.msk vm0, v48  }
0xe5: {  	v48 =	vld.idx.msk [tilespmem:v59+s16+$0x0], vm1  }
0xe6: {  	v60 =	vor.u32 v21, v53  }
0xe7: {  	v61 =	vor.u32 $0x3, v52;
	_ =	sdelay $0x2  }
0xe8: {  	v48 =	vnsel vm1, $0x0, v48  }
0xe9: {  	[tilespmem:v60+s17+$0x0] =	vst.idx.msk vm0, v48  }
0xea: {  	v48 =	vld.idx.msk [tilespmem:v61+s16+$0x0], vm1  }
0xeb: {  	v62 =	vor.u32 v22, v53  }
0xec: {  	v63 =	vor.u32 $0x4, v52;
	_ =	sdelay $0x2  }
0xed: {  	v48 =	vnsel vm1, $0x0, v48  }
0xee: {  	[tilespmem:v62+s17+$0x0] =	vst.idx.msk vm0, v48  }
0xef: {  	v48 =	vld.idx.msk [tilespmem:v63+s16+$0x0], vm1  }
0xf0: {  	v54 =	vor.u32 v23, v53  }
0xf1: {  	v55 =	vor.u32 $0x5, v52;
	_ =	sdelay $0x2  }
0xf2: {  	v48 =	vnsel vm1, $0x0, v48  }
0xf3: {  	[tilespmem:v54+s17+$0x0] =	vst.idx.msk vm0, v48  }
0xf4: {  	v48 =	vld.idx.msk [tilespmem:v55+s16+$0x0], vm1  }
0xf5: {  	v56 =	vor.u32 v24, v53  }
0xf6: {  	v57 =	vor.u32 $0x6, v52;
	_ =	sdelay $0x2  }
0xf7: {  	v48 =	vnsel vm1, $0x0, v48  }
0xf8: {  	[tilespmem:v56+s17+$0x0] =	vst.idx.msk vm0, v48  }
0xf9: {  	v48 =	vld.idx.msk [tilespmem:v57+s16+$0x0], vm1  }
0xfa: {  	v58 =	vor.u32 v25, v53  }
0xfb: {  	v59 =	vor.u32 $0x7, v52;
	_ =	sdelay $0x2  }
0xfc: {  	v48 =	vnsel vm1, $0x0, v48  }
0xfd: {  	[tilespmem:v58+s17+$0x0] =	vst.idx.msk vm0, v48  }
0xfe: {  	v48 =	vld.idx.msk [tilespmem:v59+s16+$0x0], vm1  }
0xff: {  	v60 =	vor.u32 v26, v53  }
0x100: {  	v61 =	vor.u32 $0x8, v52;
	_ =	sdelay $0x2  }
0x101: {  	v48 =	vnsel vm1, $0x0, v48  }
0x102: {  	[tilespmem:v60+s17+$0x0] =	vst.idx.msk vm0, v48  }
0x103: {  	v48 =	vld.idx.msk [tilespmem:v61+s16+$0x0], vm1  }
0x104: {  	v62 =	vor.u32 v27, v53  }
0x105: {  	v63 =	vor.u32 $0x9, v52;
	_ =	sdelay $0x2  }
0x106: {  	v48 =	vnsel vm1, $0x0, v48  }
0x107: {  	[tilespmem:v62+s17+$0x0] =	vst.idx.msk vm0, v48  }
0x108: {  	v48 =	vld.idx.msk [tilespmem:v63+s16+$0x0], vm1  }
0x109: {  	v54 =	vor.u32 v28, v53  }
0x10a: {  	v55 =	vor.u32 $0xA, v52;
	_ =	sdelay $0x2  }
0x10b: {  	v48 =	vnsel vm1, $0x0, v48  }
0x10c: {  	[tilespmem:v54+s17+$0x0] =	vst.idx.msk vm0, v48  }
0x10d: {  	v48 =	vld.idx.msk [tilespmem:v55+s16+$0x0], vm1  }
0x10e: {  	v56 =	vor.u32 v29, v53  }
0x10f: {  	v57 =	vor.u32 $0xB, v52;
	_ =	sdelay $0x2  }
0x110: {  	v48 =	vnsel vm1, $0x0, v48  }
0x111: {  	[tilespmem:v56+s17+$0x0] =	vst.idx.msk vm0, v48  }
0x112: {  	v48 =	vld.idx.msk [tilespmem:v57+s16+$0x0], vm1  }
0x113: {  	v58 =	vor.u32 v30, v53  }
0x114: {  	v59 =	vor.u32 $0xC, v52;
	_ =	sdelay $0x2  }
0x115: {  	v48 =	vnsel vm1, $0x0, v48  }
0x116: {  	[tilespmem:v58+s17+$0x0] =	vst.idx.msk vm0, v48  }
0x117: {  	v48 =	vld.idx.msk [tilespmem:v59+s16+$0x0], vm1  }
0x118: {  	v60 =	vor.u32 v31, v53  }
0x119: {  	v61 =	vor.u32 $0xD, v52;
	_ =	sdelay $0x2  }
0x11a: {  	v48 =	vnsel vm1, $0x0, v48  }
0x11b: {  	[tilespmem:v60+s17+$0x0] =	vst.idx.msk vm0, v48  }
0x11c: {  	v48 =	vld.idx.msk [tilespmem:v61+s16+$0x0], vm1  }
0x11d: {  	v62 =	vor.u32 v32, v53  }
0x11e: {  	v63 =	vor.u32 $0xE, v52;
	_ =	sdelay $0x2  }
0x11f: {  	v48 =	vnsel vm1, $0x0, v48  }
0x120: {  	[tilespmem:v62+s17+$0x0] =	vst.idx.msk vm0, v48  }
0x121: {  	v48 =	vld.idx.msk [tilespmem:v63+s16+$0x0], vm1  }
0x122: {  	v54 =	vor.u32 v33, v53  }
0x123: {  	v55 =	vor.u32 $0xF, v52;
	_ =	sdelay $0x2  }
0x124: {  	v48 =	vnsel vm1, $0x0, v48  }
0x125: {  	[tilespmem:v54+s17+$0x0] =	vst.idx.msk vm0, v48  }
0x126: {  	v48 =	vld.idx.msk [tilespmem:v55+s16+$0x0], vm1  }
0x127: {  	v56 =	vor.u32 v34, v53  }
0x128: {  	v57 =	vor.u32 $0x10, v52;
	_ =	sdelay $0x2  }
0x129: {  	v48 =	vnsel vm1, $0x0, v48  }
0x12a: {  	[tilespmem:v56+s17+$0x0] =	vst.idx.msk vm0, v48  }
0x12b: {  	v48 =	vld.idx.msk [tilespmem:v57+s16+$0x0], vm1  }
0x12c: {  	v58 =	vor.u32 v35, v53  }
0x12d: {  	v59 =	vor.u32 $0x11, v52;
	_ =	sdelay $0x2  }
0x12e: {  	v48 =	vnsel vm1, $0x0, v48  }
0x12f: {  	[tilespmem:v58+s17+$0x0] =	vst.idx.msk vm0, v48  }
0x130: {  	v48 =	vld.idx.msk [tilespmem:v59+s16+$0x0], vm1  }
0x131: {  	v60 =	vor.u32 v36, v53  }
0x132: {  	v61 =	vor.u32 $0x12, v52;
	_ =	sdelay $0x2  }
0x133: {  	v48 =	vnsel vm1, $0x0, v48  }
0x134: {  	[tilespmem:v60+s17+$0x0] =	vst.idx.msk vm0, v48  }
0x135: {  	v48 =	vld.idx.msk [tilespmem:v61+s16+$0x0], vm1  }
0x136: {  	v62 =	vor.u32 v37, v53  }
0x137: {  	v63 =	vor.u32 $0x13, v52;
	_ =	sdelay $0x2  }
0x138: {  	v48 =	vnsel vm1, $0x0, v48  }
0x139: {  	[tilespmem:v62+s17+$0x0] =	vst.idx.msk vm0, v48  }
0x13a: {  	v48 =	vld.idx.msk [tilespmem:v63+s16+$0x0], vm1  }
0x13b: {  	v54 =	vor.u32 v38, v53  }
0x13c: {  	v55 =	vor.u32 $0x14, v52;
	_ =	sdelay $0x2  }
0x13d: {  	v48 =	vnsel vm1, $0x0, v48  }
0x13e: {  	[tilespmem:v54+s17+$0x0] =	vst.idx.msk vm0, v48  }
0x13f: {  	v48 =	vld.idx.msk [tilespmem:v55+s16+$0x0], vm1  }
0x140: {  	v56 =	vor.u32 v39, v53  }
0x141: {  	v57 =	vor.u32 $0x15, v52;
	_ =	sdelay $0x2  }
0x142: {  	v48 =	vnsel vm1, $0x0, v48  }
0x143: {  	[tilespmem:v56+s17+$0x0] =	vst.idx.msk vm0, v48  }
0x144: {  	v48 =	vld.idx.msk [tilespmem:v57+s16+$0x0], vm1  }
0x145: {  	v58 =	vor.u32 v40, v53  }
0x146: {  	v59 =	vor.u32 $0x16, v52;
	_ =	sdelay $0x2  }
0x147: {  	v48 =	vnsel vm1, $0x0, v48  }
0x148: {  	[tilespmem:v58+s17+$0x0] =	vst.idx.msk vm0, v48  }
0x149: {  	v48 =	vld.idx.msk [tilespmem:v59+s16+$0x0], vm1  }
0x14a: {  	v60 =	vor.u32 v41, v53  }
0x14b: {  	v61 =	vor.u32 $0x17, v52;
	_ =	sdelay $0x2  }
0x14c: {  	v48 =	vnsel vm1, $0x0, v48  }
0x14d: {  	[tilespmem:v60+s17+$0x0] =	vst.idx.msk vm0, v48  }
0x14e: {  	v48 =	vld.idx.msk [tilespmem:v61+s16+$0x0], vm1  }
0x14f: {  	v62 =	vor.u32 v42, v53  }
0x150: {  	v63 =	vor.u32 $0x18, v52;
	_ =	sdelay $0x2  }
0x151: {  	v48 =	vnsel vm1, $0x0, v48  }
0x152: {  	[tilespmem:v62+s17+$0x0] =	vst.idx.msk vm0, v48  }
0x153: {  	v48 =	vld.idx.msk [tilespmem:v63+s16+$0x0], vm1  }
0x154: {  	v54 =	vor.u32 v43, v53  }
0x155: {  	v55 =	vor.u32 $0x19, v52;
	_ =	sdelay $0x2  }
0x156: {  	v48 =	vnsel vm1, $0x0, v48  }
0x157: {  	[tilespmem:v54+s17+$0x0] =	vst.idx.msk vm0, v48  }
0x158: {  	v48 =	vld.idx.msk [tilespmem:v55+s16+$0x0], vm1  }
0x159: {  	v56 =	vor.u32 v44, v53  }
0x15a: {  	v57 =	vor.u32 $0x1A, v52;
	_ =	sdelay $0x2  }
0x15b: {  	v48 =	vnsel vm1, $0x0, v48  }
0x15c: {  	[tilespmem:v56+s17+$0x0] =	vst.idx.msk vm0, v48  }
0x15d: {  	v48 =	vld.idx.msk [tilespmem:v57+s16+$0x0], vm1  }
0x15e: {  	v58 =	vor.u32 v45, v53  }
0x15f: {  	v59 =	vor.u32 $0x1B, v52;
	_ =	sdelay $0x2  }
0x160: {  	v48 =	vnsel vm1, $0x0, v48  }
0x161: {  	[tilespmem:v58+s17+$0x0] =	vst.idx.msk vm0, v48  }
0x162: {  	v48 =	vor.u32 $0x1B, v17;
	v49 =	vld.idx.msk [tilespmem:v59+s16+$0x0], vm1  }
0x163: {  	v60 =	vor.u32 v48, v53  }
0x164: {  	v51 =	vor.u32 $0x1C, v52;
	_ =	sdelay $0x2  }
0x165: {  	v49 =	vnsel vm1, $0x0, v49  }
0x166: {  	[tilespmem:v60+s17+$0x0] =	vst.idx.msk vm0, v49  }
0x167: {  	v49 =	vor.u32 $0x1C, v17;
	v50 =	vld.idx.msk [tilespmem:v51+s16+$0x0], vm1  }
0x168: {  	v61 =	vor.u32 v49, v53  }
0x169: {  	v54 =	vor.u32 $0x1D, v52;
	_ =	sdelay $0x2  }
0x16a: {  	v50 =	vnsel vm1, $0x0, v50  }
0x16b: {  	[tilespmem:v61+s17+$0x0] =	vst.idx.msk vm0, v50  }
0x16c: {  	v50 =	vor.u32 $0x1D, v17;
	v51 =	vld.idx.msk [tilespmem:v54+s16+$0x0], vm1  }
0x16d: {  	v62 =	vor.u32 v50, v53  }
0x16e: {  	v55 =	vor.u32 $0x1E, v52;
	_ =	sdelay $0x2  }
0x16f: {  	v51 =	vnsel vm1, $0x0, v51  }
0x170: {  	[tilespmem:v62+s17+$0x0] =	vst.idx.msk vm0, v51  }
0x171: {  	v51 =	vor.u32 $0x1E, v17;
	v54 =	vld.idx.msk [tilespmem:v55+s16+$0x0], vm1  }
0x172: {  	v63 =	vor.u32 v51, v53  }
0x173: {  	v52 =	vor.u32 $0x1F, v52;
	_ =	sdelay $0x2  }
0x174: {  	v54 =	vnsel vm1, $0x0, v54  }
0x175: {  	[tilespmem:v63+s17+$0x0] =	vst.idx.msk vm0, v54  }
0x176: {  	v54 =	vld.idx.msk [tilespmem:v52+s16+$0x0], vm1  }
0x177: {  	v52 =	vor.u32 $0x1F, v17  }
0x178: {  	v53 =	vor.u32 v52, v53;
	_ =	sdelay $0x2  }
0x179: {  	s28 =	simm.s32 $0x10;
	v54 =	vnsel vm1, $0x0, v54  }
.LBB2_9:
0x17a: {  	p1 =	sne.s32 s28, $0x7C0  }
0x17b: {  	[tilespmem:v53+s17+$0x0] =	vst.idx.msk vm0, v54;
	s26 =	sadd.s32 $0x10, s26;
	s29 =	smov.u32 s28;
	s28 =	sadd.s32 $0x10, s28  }
0x17c: {  	v53 =	vld [tilespmem:s26+$0x0];
	_ =	sdelay $0x4  }
0x17d: {  	v54 =	vadd.s32 $0xFFFFFFFF, v53  }
0x17e: {  	vm0 =	vgt.s32 v54, $0x0  }
0x17f: {  	vm1 =	vgt.s32 v53, $0x0;
	v53 =	vnsel vm0, $0x0, v54  }
0x180: {  	vm0 =	vmor vm15, vm1;
	v53 =	vshll.u32 v53, $0x5;
	_ =	sdelay $0x2  }
0x181: {  	v54 =	vmov s29  }
0x182: {  	v55 =	vshll.u32 v54, $0x5  }
0x183: {  	vm2 =	vlt.u32 v54, $0x7D0;
	v54 =	vor.u32 v19, v55;
	v56 =	vld.idx.msk [tilespmem:v53+s16+$0x0], vm1  }
0x184: {  	vm0 =	vmand vm2, vm0;
	v54 =	vand.u32 $0xFF00, v54  }
0x185: {  	v55 =	vor.u32 v17, v54  }
0x186: {  	v57 =	vor.u32 $0x1, v53;
	_ =	sdelay $0x2  }
0x187: {  	v56 =	vnsel vm1, $0x0, v56  }
0x188: {  	[tilespmem:v55+s17+$0x0] =	vst.idx.msk vm0, v56  }
0x189: {  	v55 =	vld.idx.msk [tilespmem:v57+s16+$0x0], vm1;
	_ =	sdelay $0x1  }
0x18a: {  	v56 =	vor.u32 v20, v54  }
0x18b: {  	v57 =	vor.u32 $0x2, v53;
	_ =	sdelay $0x2  }
0x18c: {  	v55 =	vnsel vm1, $0x0, v55  }
0x18d: {  	[tilespmem:v56+s17+$0x0] =	vst.idx.msk vm0, v55  }
0x18e: {  	v55 =	vld.idx.msk [tilespmem:v57+s16+$0x0], vm1;
	_ =	sdelay $0x1  }
0x18f: {  	v56 =	vor.u32 v21, v54  }
0x190: {  	v57 =	vor.u32 $0x3, v53;
	_ =	sdelay $0x2  }
0x191: {  	v55 =	vnsel vm1, $0x0, v55  }
0x192: {  	[tilespmem:v56+s17+$0x0] =	vst.idx.msk vm0, v55  }
0x193: {  	v55 =	vld.idx.msk [tilespmem:v57+s16+$0x0], vm1;
	_ =	sdelay $0x1  }
0x194: {  	v56 =	vor.u32 v22, v54  }
0x195: {  	v57 =	vor.u32 $0x4, v53;
	_ =	sdelay $0x2  }
0x196: {  	v55 =	vnsel vm1, $0x0, v55  }
0x197: {  	[tilespmem:v56+s17+$0x0] =	vst.idx.msk vm0, v55  }
0x198: {  	v55 =	vld.idx.msk [tilespmem:v57+s16+$0x0], vm1;
	_ =	sdelay $0x1  }
0x199: {  	v56 =	vor.u32 v23, v54  }
0x19a: {  	v57 =	vor.u32 $0x5, v53;
	_ =	sdelay $0x2  }
0x19b: {  	v55 =	vnsel vm1, $0x0, v55  }
0x19c: {  	[tilespmem:v56+s17+$0x0] =	vst.idx.msk vm0, v55  }
0x19d: {  	v55 =	vld.idx.msk [tilespmem:v57+s16+$0x0], vm1;
	_ =	sdelay $0x1  }
0x19e: {  	v56 =	vor.u32 v24, v54  }
0x19f: {  	v57 =	vor.u32 $0x6, v53;
	_ =	sdelay $0x2  }
0x1a0: {  	v55 =	vnsel vm1, $0x0, v55  }
0x1a1: {  	[tilespmem:v56+s17+$0x0] =	vst.idx.msk vm0, v55  }
0x1a2: {  	v55 =	vld.idx.msk [tilespmem:v57+s16+$0x0], vm1;
	_ =	sdelay $0x1  }
0x1a3: {  	v56 =	vor.u32 v25, v54  }
0x1a4: {  	v57 =	vor.u32 $0x7, v53;
	_ =	sdelay $0x2  }
0x1a5: {  	v55 =	vnsel vm1, $0x0, v55  }
0x1a6: {  	[tilespmem:v56+s17+$0x0] =	vst.idx.msk vm0, v55  }
0x1a7: {  	v55 =	vld.idx.msk [tilespmem:v57+s16+$0x0], vm1;
	_ =	sdelay $0x1  }
0x1a8: {  	v56 =	vor.u32 v26, v54  }
0x1a9: {  	v57 =	vor.u32 $0x8, v53;
	_ =	sdelay $0x2  }
0x1aa: {  	v55 =	vnsel vm1, $0x0, v55  }
0x1ab: {  	[tilespmem:v56+s17+$0x0] =	vst.idx.msk vm0, v55  }
0x1ac: {  	v55 =	vld.idx.msk [tilespmem:v57+s16+$0x0], vm1;
	_ =	sdelay $0x1  }
0x1ad: {  	v56 =	vor.u32 v27, v54  }
0x1ae: {  	v57 =	vor.u32 $0x9, v53;
	_ =	sdelay $0x2  }
0x1af: {  	v55 =	vnsel vm1, $0x0, v55  }
0x1b0: {  	[tilespmem:v56+s17+$0x0] =	vst.idx.msk vm0, v55  }
0x1b1: {  	v55 =	vld.idx.msk [tilespmem:v57+s16+$0x0], vm1;
	_ =	sdelay $0x1  }
0x1b2: {  	v56 =	vor.u32 v28, v54  }
0x1b3: {  	v57 =	vor.u32 $0xA, v53;
	_ =	sdelay $0x2  }
0x1b4: {  	v55 =	vnsel vm1, $0x0, v55  }
0x1b5: {  	[tilespmem:v56+s17+$0x0] =	vst.idx.msk vm0, v55  }
0x1b6: {  	v55 =	vld.idx.msk [tilespmem:v57+s16+$0x0], vm1;
	_ =	sdelay $0x1  }
0x1b7: {  	v56 =	vor.u32 v29, v54  }
0x1b8: {  	v57 =	vor.u32 $0xB, v53;
	_ =	sdelay $0x2  }
0x1b9: {  	v55 =	vnsel vm1, $0x0, v55  }
0x1ba: {  	[tilespmem:v56+s17+$0x0] =	vst.idx.msk vm0, v55  }
0x1bb: {  	v55 =	vld.idx.msk [tilespmem:v57+s16+$0x0], vm1;
	_ =	sdelay $0x1  }
0x1bc: {  	v56 =	vor.u32 v30, v54  }
0x1bd: {  	v57 =	vor.u32 $0xC, v53;
	_ =	sdelay $0x2  }
0x1be: {  	v55 =	vnsel vm1, $0x0, v55  }
0x1bf: {  	[tilespmem:v56+s17+$0x0] =	vst.idx.msk vm0, v55  }
0x1c0: {  	v55 =	vld.idx.msk [tilespmem:v57+s16+$0x0], vm1;
	_ =	sdelay $0x1  }
0x1c1: {  	v56 =	vor.u32 v31, v54  }
0x1c2: {  	v57 =	vor.u32 $0xD, v53;
	_ =	sdelay $0x2  }
0x1c3: {  	v55 =	vnsel vm1, $0x0, v55  }
0x1c4: {  	[tilespmem:v56+s17+$0x0] =	vst.idx.msk vm0, v55  }
0x1c5: {  	v55 =	vld.idx.msk [tilespmem:v57+s16+$0x0], vm1;
	_ =	sdelay $0x1  }
0x1c6: {  	v56 =	vor.u32 v32, v54  }
0x1c7: {  	v57 =	vor.u32 $0xE, v53;
	_ =	sdelay $0x2  }
0x1c8: {  	v55 =	vnsel vm1, $0x0, v55  }
0x1c9: {  	[tilespmem:v56+s17+$0x0] =	vst.idx.msk vm0, v55  }
0x1ca: {  	v55 =	vld.idx.msk [tilespmem:v57+s16+$0x0], vm1;
	_ =	sdelay $0x1  }
0x1cb: {  	v56 =	vor.u32 v33, v54  }
0x1cc: {  	v57 =	vor.u32 $0xF, v53;
	_ =	sdelay $0x2  }
0x1cd: {  	v55 =	vnsel vm1, $0x0, v55  }
0x1ce: {  	[tilespmem:v56+s17+$0x0] =	vst.idx.msk vm0, v55  }
0x1cf: {  	v55 =	vld.idx.msk [tilespmem:v57+s16+$0x0], vm1;
	_ =	sdelay $0x1  }
0x1d0: {  	v56 =	vor.u32 v34, v54  }
0x1d1: {  	v57 =	vor.u32 $0x10, v53;
	_ =	sdelay $0x2  }
0x1d2: {  	v55 =	vnsel vm1, $0x0, v55  }
0x1d3: {  	[tilespmem:v56+s17+$0x0] =	vst.idx.msk vm0, v55  }
0x1d4: {  	v55 =	vld.idx.msk [tilespmem:v57+s16+$0x0], vm1;
	_ =	sdelay $0x1  }
0x1d5: {  	v56 =	vor.u32 v35, v54  }
0x1d6: {  	v57 =	vor.u32 $0x11, v53;
	_ =	sdelay $0x2  }
0x1d7: {  	v55 =	vnsel vm1, $0x0, v55  }
0x1d8: {  	[tilespmem:v56+s17+$0x0] =	vst.idx.msk vm0, v55  }
0x1d9: {  	v55 =	vld.idx.msk [tilespmem:v57+s16+$0x0], vm1;
	_ =	sdelay $0x1  }
0x1da: {  	v56 =	vor.u32 v36, v54  }
0x1db: {  	v57 =	vor.u32 $0x12, v53;
	_ =	sdelay $0x2  }
0x1dc: {  	v55 =	vnsel vm1, $0x0, v55  }
0x1dd: {  	[tilespmem:v56+s17+$0x0] =	vst.idx.msk vm0, v55  }
0x1de: {  	v55 =	vld.idx.msk [tilespmem:v57+s16+$0x0], vm1;
	_ =	sdelay $0x1  }
0x1df: {  	v56 =	vor.u32 v37, v54  }
0x1e0: {  	v57 =	vor.u32 $0x13, v53;
	_ =	sdelay $0x2  }
0x1e1: {  	v55 =	vnsel vm1, $0x0, v55  }
0x1e2: {  	[tilespmem:v56+s17+$0x0] =	vst.idx.msk vm0, v55  }
0x1e3: {  	v55 =	vld.idx.msk [tilespmem:v57+s16+$0x0], vm1;
	_ =	sdelay $0x1  }
0x1e4: {  	v56 =	vor.u32 v38, v54  }
0x1e5: {  	v57 =	vor.u32 $0x14, v53;
	_ =	sdelay $0x2  }
0x1e6: {  	v55 =	vnsel vm1, $0x0, v55  }
0x1e7: {  	[tilespmem:v56+s17+$0x0] =	vst.idx.msk vm0, v55  }
0x1e8: {  	v55 =	vld.idx.msk [tilespmem:v57+s16+$0x0], vm1;
	_ =	sdelay $0x1  }
0x1e9: {  	v56 =	vor.u32 v39, v54  }
0x1ea: {  	v57 =	vor.u32 $0x15, v53;
	_ =	sdelay $0x2  }
0x1eb: {  	v55 =	vnsel vm1, $0x0, v55  }
0x1ec: {  	[tilespmem:v56+s17+$0x0] =	vst.idx.msk vm0, v55  }
0x1ed: {  	v55 =	vld.idx.msk [tilespmem:v57+s16+$0x0], vm1;
	_ =	sdelay $0x1  }
0x1ee: {  	v56 =	vor.u32 v40, v54  }
0x1ef: {  	v57 =	vor.u32 $0x16, v53;
	_ =	sdelay $0x2  }
0x1f0: {  	v55 =	vnsel vm1, $0x0, v55  }
0x1f1: {  	[tilespmem:v56+s17+$0x0] =	vst.idx.msk vm0, v55  }
0x1f2: {  	v55 =	vld.idx.msk [tilespmem:v57+s16+$0x0], vm1;
	_ =	sdelay $0x1  }
0x1f3: {  	v56 =	vor.u32 v41, v54  }
0x1f4: {  	v57 =	vor.u32 $0x17, v53;
	_ =	sdelay $0x2  }
0x1f5: {  	v55 =	vnsel vm1, $0x0, v55  }
0x1f6: {  	[tilespmem:v56+s17+$0x0] =	vst.idx.msk vm0, v55  }
0x1f7: {  	v55 =	vld.idx.msk [tilespmem:v57+s16+$0x0], vm1;
	_ =	sdelay $0x1  }
0x1f8: {  	v56 =	vor.u32 v42, v54  }
0x1f9: {  	v57 =	vor.u32 $0x18, v53;
	_ =	sdelay $0x2  }
0x1fa: {  	v55 =	vnsel vm1, $0x0, v55  }
0x1fb: {  	[tilespmem:v56+s17+$0x0] =	vst.idx.msk vm0, v55  }
0x1fc: {  	v55 =	vld.idx.msk [tilespmem:v57+s16+$0x0], vm1;
	_ =	sdelay $0x1  }
0x1fd: {  	v56 =	vor.u32 v43, v54  }
0x1fe: {  	v57 =	vor.u32 $0x19, v53;
	_ =	sdelay $0x2  }
0x1ff: {  	v55 =	vnsel vm1, $0x0, v55  }
0x200: {  	[tilespmem:v56+s17+$0x0] =	vst.idx.msk vm0, v55  }
0x201: {  	v55 =	vld.idx.msk [tilespmem:v57+s16+$0x0], vm1;
	_ =	sdelay $0x1  }
0x202: {  	v56 =	vor.u32 v44, v54  }
0x203: {  	v57 =	vor.u32 $0x1A, v53;
	_ =	sdelay $0x2  }
0x204: {  	v55 =	vnsel vm1, $0x0, v55  }
0x205: {  	[tilespmem:v56+s17+$0x0] =	vst.idx.msk vm0, v55  }
0x206: {  	v55 =	vld.idx.msk [tilespmem:v57+s16+$0x0], vm1;
	_ =	sdelay $0x1  }
0x207: {  	v56 =	vor.u32 v45, v54  }
0x208: {  	v57 =	vor.u32 $0x1B, v53;
	_ =	sdelay $0x2  }
0x209: {  	v55 =	vnsel vm1, $0x0, v55  }
0x20a: {  	[tilespmem:v56+s17+$0x0] =	vst.idx.msk vm0, v55  }
0x20b: {  	v55 =	vld.idx.msk [tilespmem:v57+s16+$0x0], vm1;
	_ =	sdelay $0x1  }
0x20c: {  	v56 =	vor.u32 v48, v54  }
0x20d: {  	v57 =	vor.u32 $0x1C, v53;
	_ =	sdelay $0x2  }
0x20e: {  	v55 =	vnsel vm1, $0x0, v55  }
0x20f: {  	[tilespmem:v56+s17+$0x0] =	vst.idx.msk vm0, v55  }
0x210: {  	v55 =	vld.idx.msk [tilespmem:v57+s16+$0x0], vm1;
	_ =	sdelay $0x1  }
0x211: {  	v56 =	vor.u32 v49, v54  }
0x212: {  	v57 =	vor.u32 $0x1D, v53;
	_ =	sdelay $0x2  }
0x213: {  	v55 =	vnsel vm1, $0x0, v55  }
0x214: {  	[tilespmem:v56+s17+$0x0] =	vst.idx.msk vm0, v55  }
0x215: {  	v55 =	vld.idx.msk [tilespmem:v57+s16+$0x0], vm1;
	_ =	sdelay $0x1  }
0x216: {  	v56 =	vor.u32 v50, v54  }
0x217: {  	v57 =	vor.u32 $0x1E, v53;
	_ =	sdelay $0x2  }
0x218: {  	v55 =	vnsel vm1, $0x0, v55  }
0x219: {  	[tilespmem:v56+s17+$0x0] =	vst.idx.msk vm0, v55  }
0x21a: {  	v55 =	vld.idx.msk [tilespmem:v57+s16+$0x0], vm1;
	_ =	sdelay $0x1  }
0x21b: {  	v56 =	vor.u32 v51, v54  }
0x21c: {  	v53 =	vor.u32 $0x1F, v53;
	_ =	sdelay $0x2  }
0x21d: {  	v55 =	vnsel vm1, $0x0, v55  }
0x21e: {  	[tilespmem:v56+s17+$0x0] =	vst.idx.msk vm0, v55  }
0x21f: {  	v55 =	vld.idx.msk [tilespmem:v53+s16+$0x0], vm1;
	_ =	sdelay $0x1  }
.Ltmp7:
0x220: {  	v53 =	vor.u32 v52, v54;
	(pc) =	sbr.rel @p1 .LBB2_9-.Ltmp7, $2  }
0x221: {  	_ =	sdelay $0x2  }
0x222: {  	v54 =	vnsel vm1, $0x0, v55  }
0x223: {  	s25 =	sadd.s32 $0x1, s25  }
0x224: {  	v48 =	vld [tilespmem:$0x1FFC0];
	p1 =	sne.s32 s25, s23  }
.Ltmp8:
0x225: {  	_ = 	snop;
	(pc) =	sbr.rel @p1 .LBB2_4-.Ltmp8, $2  }
0x226: {  	_ =	sdelay $0x2  }
0x227: {  	[tilespmem:v53+s17+$0x0] =	vst.idx.msk vm0, v54;
	vm13 =	vnez.u8 v48  }
.Ltmp9:
0x228: {  	(pc) =	sbr.rel .LBB2_12-.Ltmp9, $3  }
0x229: {  	s21 =	smul.u32 $0x1F40, s21;
	_ =	sdelay $0x1  }
0x22a: {  	s21 =	sadd.s32 s8, s21  }
0x22b: {  	[hbm4b:s21+s4] =	stream.linear.scatter [tilespmem:s17], [sflag:$0x2], $0xFA00, $0x38;
	[tilespmem:$0x19170] =	vst v63  }
.LBB2_14:
0x22c: {  	_ =	sfence.sel $0x180000  }
0x22d: {  	[bflag:$0x0] =	sbarrier.arrive $0xFFFF  }
0x22e: {  	p0 =	sne.s32 s6, $0x0;
	_ =	strace $0x90000047  }
0x22f: {  	s0 =	sadd.s32 @!p0 $0x100000, s2;
	[bflag:$0x2] =	sbarrier.arrive $0xFFFF  }
0x230: {  	[sflag:s0] =	ssyncadd.tile.s32 @!p0 $0x1;
	_ =	shalt  }
.Lfunc_end2:
_tile_overlayer_lowered:
.L_overlay_start_2:
0x231: {  	(tag) =	ssettag $0x2  }
0x232: {  	s0 =	rddreg [dreg:$0x0];
	s2 =	stileid.u32  }
0x233: {  	s1 =	rddreg [dreg:$0x1];
	p0 =	sne.s32 s2, $0x0  }
0x234: {  	s3 =	rddreg [dreg:$0x2];
	[bflag:$0x3] =	sbarrier.arrive $0xFFFF;
	s2 =	simm.s32 @!p0 $0x1C03  }
0x235: {  	[timem:s3], [sflag:s2] =	dma.local @!p0 [hbm:s0], s1  }
0x236: {  	s0 =	simm.s32 @!p0 $0x3  }
0x237: {  	_ =	swait.ge @!p0 [sflag:s0], s1  }
0x238: {  	s1 =	ssub.s32 @!p0 $0x0, s1;
	[sflag:s0] =	ssyncset.done @!p0 $0x0  }
0x239: {  	[sflag:s0] =	ssyncadd.s32 @!p0 s1  }
0x23a: {  	[bflag:$0x3] =	sbarrier.arrive $0xFFFF  }
0x23b: {  	_ =	shalt  }

</sc_bundles>
